<compile_context>
chip_gen: v7x
topology: tpu7x:2x2x1
jax: 0.10.2.dev20260603
libtpu: 0.0.44.dev20260713+nightly
codegen_flags: <defaults>
</compile_context>

<pallas_src>
import functools

import jax
import jax.numpy as jnp
from jax import lax
from jax.experimental import pallas as pl
from jax.experimental.pallas import tpu as pltpu
from jax.experimental.pallas import tpu_sc as plsc

F32 = jnp.float32
EPS = 1e-5


def _dot(a, b, dims):
    return lax.dot_general(a, b, (dims, ((), ())), preferred_element_type=F32)



def _s1_body(key_ref, query_ref, posr_ref, vw1, vb1, vw2, vb2, vws, vbs, wk,
             bk, wq, bq, wv, bv, ident_o, tab_o, qf_o, vf_o):
    k2 = key_ref[0]
    q2 = query_ref[0]
    x = jnp.concatenate([k2, q2], axis=0)
    shortcut = _dot(vws[...], x, ((1,), (0,))) + vbs[...]
    h = jax.nn.relu(_dot(vw1[...], x, ((1,), (0,))) + vb1[...])
    value = _dot(vw2[...], h, ((1,), (0,))) + vb2[...] + shortcut
    ident_o[0] = value
    kf = _dot(k2, wk[...], ((0,), (1,))) + bk[...]
    nb = kf.shape[0]
    tab_o[...] = jnp.concatenate(
        [kf, posr_ref[...], jnp.zeros((nb, 48), F32)], axis=1)
    qf_o[...] = _dot(q2, wq[...], ((0,), (1,))) + bq[...]
    vf_o[...] = _dot(value, wv[...], ((0,), (1,))) + bv[...]



def _s2_body(posT_ref, prow_ref, idx_o, *, N, RB, K):
    pall = posT_ref[0]
    prow = prow_ref[...]
    s2c = jnp.sum(pall * pall, axis=0, keepdims=True)
    s2r = jnp.sum(prow * prow, axis=1, keepdims=True)
    d = s2r + s2c - 2.0 * _dot(prow, pall, ((1,), (0,)))
    base = pl.program_id(0) * N
    lane = lax.broadcasted_iota(jnp.int32, (RB, N), 1)
    ibits = lax.bitcast_convert_type(d, jnp.int32)
    keys = lax.bitcast_convert_type((ibits & ~0x7FF) | lane, F32)
    kcol = lax.broadcasted_iota(jnp.int32, (RB, K), 1)
    out = jnp.zeros((RB, K), jnp.int32)
    for j in range(K):
        m = jnp.min(keys, axis=1, keepdims=True)
        cj = lax.bitcast_convert_type(m, jnp.int32) & 0x7FF
        out = jnp.where(kcol == j, cj + base, out)
        keys = jnp.where(keys == m, jnp.inf, keys)
    idx_o[...] = out



def _sc_gather(tab, gidx):
    rows = gidx.shape[0]
    dk = tab.shape[1]
    info = plsc.get_sparse_core_info()
    nw = info.num_cores * info.num_subcores
    per_w = rows // nw
    ch = 256
    nch = per_w // ch
    mesh = plsc.VectorSubcoreMesh(core_axis_name="c", subcore_axis_name="s")

    @functools.partial(
        pl.kernel, mesh=mesh,
        out_type=jax.ShapeDtypeStruct((rows, dk), F32),
        scratch_types=[
            pltpu.VMEM((ch,), jnp.int32),
            pltpu.VMEM((ch,), jnp.int32),
            pltpu.VMEM((ch, dk), F32),
            pltpu.VMEM((ch, dk), F32),
            pltpu.SemaphoreType.DMA,
            pltpu.SemaphoreType.DMA,
        ],
    )
    def k(tab_h, idx_h, out_h, i0, i1, r0, r1, s0, s1):
        wid = lax.axis_index("s") * info.num_cores + lax.axis_index("c")
        base = wid * per_w
        ib = (i0, i1)
        rb = (r0, r1)
        sb = (s0, s1)
        pltpu.sync_copy(idx_h.at[pl.ds(base, ch)], i0)
        h = [None] * nch
        h[0] = pltpu.async_copy(tab_h.at[i0], r0, s0)
        for i in range(nch):
            p = i % 2
            q = (i + 1) % 2
            if i + 1 < nch:
                pltpu.sync_copy(idx_h.at[pl.ds(base + (i + 1) * ch, ch)],
                                ib[q])
                h[i + 1] = pltpu.async_copy(tab_h.at[ib[q]], rb[q], sb[q])
            h[i].wait()
            pltpu.sync_copy(rb[p], out_h.at[pl.ds(base + i * ch, ch)])

    return k(tab, gidx)



def _sa_body(g_ref, pi_ref, sum_o, gram_o, sacc, gacc, *, steps):
    i = pl.program_id(0)

    @pl.when(i == 0)
    def _():
        sacc[...] = jnp.zeros_like(sacc)
        gacc[...] = jnp.zeros_like(gacc)

    nbk, n, _ = g_ref.shape
    pj = g_ref[...][:, :, 64:80].reshape(nbk * n, 16)
    pi = jnp.broadcast_to(pi_ref[...][None], (nbk, n, 16)).reshape(nbk * n, 16)
    p = pi - pj
    sacc[...] += jnp.sum(p, axis=0, keepdims=True)
    gacc[...] += _dot(p, p, ((0,), (0,)))

    @pl.when(i == steps - 1)
    def _():
        sum_o[...] = sacc[...]
        gram_o[...] = gacc[...]



def _stats1(sumP, gramP, pw1p, pw1pT, pb1, pg, pbe, NS):
    mp = sumP * (1.0 / NS)
    covP = gramP * (1.0 / NS) - _dot(mp, mp, ((0,), (0,)))
    mean1 = _dot(mp, pw1p, ((1,), (1,))) + pb1
    q = _dot(covP, pw1p, ((1,), (1,)))
    var1 = jnp.sum(q * pw1pT, axis=0, keepdims=True)
    sc1 = pg * lax.rsqrt(var1 + EPS)
    return mean1, sc1


def _pe_and_u(p, kg, qe, mean1, sc1, pbe, pw1pT, pw2T, pb2):
    t1 = _dot(p, pw1pT, ((1,), (0,)))
    h1 = jax.nn.relu((t1 - mean1) * sc1 + pbe)
    pe = _dot(h1, pw2T, ((1,), (0,))) + pb2
    u = qe - kg + pe
    return pe, u


def _sb_body(g_ref, pi_ref, qf_ref, sumP, gramP,
             pw1p, pw1pT, pb1, pg, pbe, pw2T, pb2, aw1, aw1T, ab1, ag, abe,
             m1_o, s1_o, m2_o, s2_o, sacc, gacc, *, steps, NS):
    i = pl.program_id(0)

    @pl.when(i == 0)
    def _():
        sacc[...] = jnp.zeros_like(sacc)
        gacc[...] = jnp.zeros_like(gacc)

    mean1, sc1 = _stats1(sumP[...], gramP[...], pw1p[...], pw1pT[...],
                         pb1[...], pg[...], pbe[...], NS)
    nbk, n, _ = g_ref.shape
    g = g_ref[...]
    pj = g[:, :, 64:80].reshape(nbk * n, 16)
    kg = g[:, :, 0:64].reshape(nbk * n, 64)
    pi = jnp.broadcast_to(pi_ref[...][None], (nbk, n, 16)).reshape(nbk * n, 16)
    qe = jnp.broadcast_to(qf_ref[...][None], (nbk, n, 64)).reshape(nbk * n, 64)
    _, u = _pe_and_u(pi - pj, kg, qe, mean1, sc1, pbe[...],
                     pw1pT[...], pw2T[...], pb2[...])
    sacc[...] += jnp.sum(u, axis=0, keepdims=True)
    gacc[...] += _dot(u, u, ((0,), (0,)))

    @pl.when(i == 0)
    def _():
        m1_o[...] = mean1
        s1_o[...] = sc1

    @pl.when(i == steps - 1)
    def _():
        mu = sacc[...] * (1.0 / NS)
        covU = gacc[...] * (1.0 / NS) - _dot(mu, mu, ((0,), (0,)))
        mean2 = _dot(mu, aw1[...], ((1,), (1,))) + ab1[...]
        q2 = _dot(covU, aw1[...], ((1,), (1,)))
        var2 = jnp.sum(q2 * aw1T[...], axis=0, keepdims=True)
        m2_o[...] = mean2
        s2_o[...] = ag[...] * lax.rsqrt(var2 + EPS)



def _sc_body(g_ref, pi_ref, qf_ref, vf_ref, id_ref,
             m1, s1, m2, s2,
             pw1pT, pbe, pw2T, pb2, aw1T, ab1, abe, aw2T, ab2, we, be,
             y_o, *, P, K):
    D = qf_ref.shape[1]
    pi = pi_ref[...]
    g = g_ref[...]
    p = (jnp.broadcast_to(pi[None], (K, P, 16)) - g[:, :, 64:80]
         ).reshape(K * P, 16)
    qe = jnp.broadcast_to(qf_ref[...][None], (K, P, D)).reshape(K * P, D)
    kg = g[:, :, 0:64].reshape(K * P, D)
    pe, u = _pe_and_u(p, kg, qe, m1[...], s1[...], pbe[...],
                      pw1pT[...], pw2T[...], pb2[...])
    bf = jnp.bfloat16
    t2 = _dot(u.astype(bf), aw1T[...].astype(bf), ((1,), (0,))) + ab1[...]
    h2 = jax.nn.relu((t2 - m2[...]) * s2[...] + abe[...])
    t3 = _dot(h2.astype(bf), aw2T[...].astype(bf), ((1,), (0,))) + ab2[...]
    t33 = t3.reshape(K, P, D)
    mx = jnp.max(t33, axis=0)
    ex = jnp.exp(t33 - mx[None])
    den = jnp.sum(ex, axis=0)
    attn = ex / den[None]
    v2 = jnp.broadcast_to(vf_ref[...][None], (K, P, D)) + pe.reshape(K, P, D)
    agg = jnp.sum(attn * v2, axis=0)
    yT = _dot(we[...], agg, ((1,), (1,))) + be[...] + id_ref[0]
    y_o[0] = yT



def kernel(pos, key, query, v_w1, v_b1, v_w2, v_b2, v_ws, v_bs, wk, bk, wq, bq,
           wv, bv, pw1, pb1, pg, pbe, pw2, pb2, aw1, ab1, ag, abe, aw2, ab2,
           we, be):
    B, C, N = key.shape
    D = wk.shape[0]
    K = 16
    NS = float(B * N * K)

    pos_f = jnp.transpose(pos, (0, 2, 1))
    tab_pos = jnp.pad(pos_f, ((0, 0), (0, 0), (0, 13))).reshape(B * N, 16)
    posT = jnp.pad(pos, ((0, 0), (0, 13), (0, 0)))
    pw1p = jnp.pad(pw1, ((0, 0), (0, 13)))
    row = lambda v: v.reshape(1, -1)
    col = lambda v: v.reshape(-1, 1)

    NB = 2048
    NJ = N // NB
    s1_weights = (v_w1, col(v_b1), v_w2, col(v_b2), v_ws, col(v_bs),
                  wk, row(bk), wq, row(bq), wv, row(bv))

    def wspec(w):
        return pl.BlockSpec(w.shape, lambda *a, _r=len(w.shape): (0,) * _r)

    s1 = pl.pallas_call(
        _s1_body,
        grid=(B, NJ),
        in_specs=[
            pl.BlockSpec((1, C, NB), lambda b, j: (b, 0, j)),
            pl.BlockSpec((1, C, NB), lambda b, j: (b, 0, j)),
            pl.BlockSpec((NB, 16), lambda b, j: (b * NJ + j, 0)),
        ] + [wspec(w) for w in s1_weights],
        out_specs=[
            pl.BlockSpec((1, C, NB), lambda b, j: (b, 0, j)),
            pl.BlockSpec((NB, C), lambda b, j: (b * NJ + j, 0)),
            pl.BlockSpec((NB, D), lambda b, j: (b * NJ + j, 0)),
            pl.BlockSpec((NB, D), lambda b, j: (b * NJ + j, 0)),
        ],
        out_shape=[
            jax.ShapeDtypeStruct((B, C, N), F32),
            jax.ShapeDtypeStruct((B * N, C), F32),
            jax.ShapeDtypeStruct((B * N, D), F32),
            jax.ShapeDtypeStruct((B * N, D), F32),
        ],
    )(key, query, tab_pos, *s1_weights)
    ident, tab, qf_rows, vf_rows = s1

    RB = 1024
    NJ2 = N // RB
    idx_g = pl.pallas_call(
        functools.partial(_s2_body, N=N, RB=RB, K=K),
        grid=(B, NJ2),
        in_specs=[
            pl.BlockSpec((1, 16, N), lambda b, j: (b, 0, 0)),
            pl.BlockSpec((RB, 16), lambda b, j: (b * NJ2 + j, 0)),
        ],
        out_specs=pl.BlockSpec((RB, K), lambda b, j: (b * NJ2 + j, 0)),
        out_shape=jax.ShapeDtypeStruct((B * N, K), jnp.int32),
    )(posT, tab_pos)

    idx_t = idx_g.reshape(B, N, K).transpose(0, 2, 1).reshape(-1)
    g = _sc_gather(tab, idx_t).reshape(B * K, N, C)

    P = 512
    NJ3 = N // P
    GBK = 8
    steps = (B * K) // GBK
    sumP, gramP = pl.pallas_call(
        functools.partial(_sa_body, steps=steps),
        grid=(steps,),
        in_specs=[
            pl.BlockSpec((GBK, N, C), lambda i: (i, 0, 0)),
            pl.BlockSpec((N, 16), lambda i: (i * GBK // K, 0)),
        ],
        out_specs=[
            pl.BlockSpec((1, 16), lambda i: (0, 0)),
            pl.BlockSpec((16, 16), lambda i: (0, 0)),
        ],
        out_shape=[
            jax.ShapeDtypeStruct((1, 16), F32),
            jax.ShapeDtypeStruct((16, 16), F32),
        ],
        scratch_shapes=[
            pltpu.VMEM((1, 16), F32),
            pltpu.VMEM((16, 16), F32),
        ],
    )(g, tab_pos)

    sb_w = (sumP, gramP, pw1p, pw1p.T, row(pb1), row(pg), row(pbe), pw2.T,
            row(pb2), aw1, aw1.T, row(ab1), row(ag), row(abe))
    m1, s1v, m2, s2v = pl.pallas_call(
        functools.partial(_sb_body, steps=steps, NS=NS),
        grid=(steps,),
        in_specs=[
            pl.BlockSpec((GBK, N, C), lambda i: (i, 0, 0)),
            pl.BlockSpec((N, 16), lambda i: (i * GBK // K, 0)),
            pl.BlockSpec((N, D), lambda i: (i * GBK // K, 0)),
        ] + [wspec(w) for w in sb_w],
        out_specs=[pl.BlockSpec((1, D), lambda i: (0, 0)),
                   pl.BlockSpec((1, D), lambda i: (0, 0)),
                   pl.BlockSpec((1, 4 * D), lambda i: (0, 0)),
                   pl.BlockSpec((1, 4 * D), lambda i: (0, 0))],
        out_shape=[
            jax.ShapeDtypeStruct((1, D), F32),
            jax.ShapeDtypeStruct((1, D), F32),
            jax.ShapeDtypeStruct((1, 4 * D), F32),
            jax.ShapeDtypeStruct((1, 4 * D), F32),
        ],
        scratch_shapes=[
            pltpu.VMEM((1, D), F32),
            pltpu.VMEM((D, D), F32),
        ],
    )(g, tab_pos, qf_rows, *sb_w)

    steps_c = B * NJ3
    sc_w = (m1, s1v, m2, s2v, pw1p.T, row(pbe), pw2.T, row(pb2), aw1.T,
            row(ab1), row(abe), aw2.T, row(ab2), we, col(be))
    y = pl.pallas_call(
        functools.partial(_sc_body, P=P, K=K),
        grid=(steps_c,),
        in_specs=[
            pl.BlockSpec((K, P, C), lambda i: (i // NJ3, i % NJ3, 0)),
            pl.BlockSpec((P, 16), lambda i: (i, 0)),
            pl.BlockSpec((P, D), lambda i: (i, 0)),
            pl.BlockSpec((P, D), lambda i: (i, 0)),
            pl.BlockSpec((1, C, P), lambda i: (i // NJ3, 0, i % NJ3)),
        ] + [wspec(w) for w in sc_w],
        out_specs=pl.BlockSpec((1, C, P), lambda i: (i // NJ3, 0, i % NJ3)),
        out_shape=jax.ShapeDtypeStruct((B, C, N), F32),
    )(g, tab_pos, qf_rows, vf_rows, ident, *sc_w)

    return y

# --- scband reference (transcript-rebuilt; emitter-appended) ---
"""Pipeline reference for scband-skip-transformer-22892175688351 (READ-ONLY COPY).

The authoritative reference and input builder live on the scoring server;
editing this copy changes nothing except your own understanding.
"""

import jax, jax.numpy as jnp
import numpy as np


def conv1d(x, w, b):
    # x: (B, C, N), w: (O, C), b: (O,)
    return jnp.einsum('bcn,oc->bon', x, w) + b[None, :, None]


def conv2d(x, w, b):
    # x: (B, C, N, K), w: (O, C), b: (O,)
    return jnp.einsum('bcnk,oc->bonk', x, w) + b[None, :, None, None]


def bn2d(x, g, be, eps=1e-5):
    m = jnp.mean(x, axis=(0, 2, 3), keepdims=True)
    v = jnp.var(x, axis=(0, 2, 3), keepdims=True)
    return (x - m) / jnp.sqrt(v + eps) * g[None, :, None, None] + be[None, :, None, None]


def group(feat, idx):
    # feat: (B, C, N), idx: (B, N, K) -> (B, C, N, K)
    return jax.vmap(lambda f, i: f[:, i])(feat, idx)


def setup_inputs() -> dict:
    key0 = jax.random.key(0)
    ks = jax.random.split(key0, 20)
    B, N, C, D = 8, 2048, 128, 64

    def rn(k, shape, s=0.02):
        return jax.random.normal(k, shape, dtype=jnp.float32) * s

    inp = {
        'pos': jax.random.normal(ks[0], (B, 3, N), dtype=jnp.float32),
        'key': jax.random.normal(ks[1], (B, C, N), dtype=jnp.float32),
        'query': jax.random.normal(ks[2], (B, C, N), dtype=jnp.float32),
        'v_w1': rn(ks[3], (C, 2 * C)), 'v_b1': jnp.zeros((C,), jnp.float32),
        'v_w2': rn(ks[4], (C, C)), 'v_b2': jnp.zeros((C,), jnp.float32),
        'v_ws': rn(ks[5], (C, 2 * C)), 'v_bs': jnp.zeros((C,), jnp.float32),
        'wk': rn(ks[6], (D, C)), 'bk': jnp.zeros((D,), jnp.float32),
        'wq': rn(ks[7], (D, C)), 'bq': jnp.zeros((D,), jnp.float32),
        'wv': rn(ks[8], (D, C)), 'bv': jnp.zeros((D,), jnp.float32),
        'pw1': rn(ks[9], (64, 3)), 'pb1': jnp.zeros((64,), jnp.float32),
        'pg': jnp.ones((64,), jnp.float32), 'pbe': jnp.zeros((64,), jnp.float32),
        'pw2': rn(ks[10], (D, 64)), 'pb2': jnp.zeros((D,), jnp.float32),
        'aw1': rn(ks[11], (4 * D, D)), 'ab1': jnp.zeros((4 * D,), jnp.float32),
        'ag': jnp.ones((4 * D,), jnp.float32), 'abe': jnp.zeros((4 * D,), jnp.float32),
        'aw2': rn(ks[12], (D, 4 * D)), 'ab2': jnp.zeros((D,), jnp.float32),
        'we': rn(ks[13], (C, D)), 'be': jnp.zeros((C,), jnp.float32),
    }
    return inp


def reference(pos, key, query, v_w1, v_b1, v_w2, v_b2, v_ws, v_bs, wk, bk, wq, bq, wv, bv,
              pw1, pb1, pg, pbe, pw2, pb2, aw1, ab1, ag, abe, aw2, ab2, we, be):
    n_knn = 16
    # mlp_v (MLP_Res)
    x = jnp.concatenate([key, query], axis=1)
    shortcut = conv1d(x, v_ws, v_bs)
    value = conv1d(jax.nn.relu(conv1d(x, v_w1, v_b1)), v_w2, v_b2) + shortcut
    identity = value
    kf = conv1d(key, wk, bk)
    qf = conv1d(query, wq, bq)
    vf = conv1d(value, wv, bv)
    # kNN via squared distance + argsort (include_self=True)
    pos_f = jnp.transpose(pos, (0, 2, 1))
    dist = -2.0 * jnp.matmul(pos_f, jnp.transpose(pos_f, (0, 2, 1)))
    s2 = jnp.sum(pos_f ** 2, axis=-1)
    dist = dist + s2[:, :, None] + s2[:, None, :]
    idx = jnp.argsort(dist, axis=-1)[:, :, :n_knn]
    kg = group(kf, idx)
    qk_rel = qf[:, :, :, None] - kg
    pos_rel = pos[:, :, :, None] - group(pos, idx)
    pe = conv2d(jax.nn.relu(bn2d(conv2d(pos_rel, pw1, pb1), pg, pbe)), pw2, pb2)
    attn = conv2d(jax.nn.relu(bn2d(conv2d(qk_rel + pe, aw1, ab1), ag, abe)), aw2, ab2)
    attn = jax.nn.softmax(attn, axis=-1)
    v2 = vf[:, :, :, None] + pe
    agg = jnp.sum(attn * v2, axis=-1)
    y = conv1d(agg, we, be)
    return y + identity

if __name__ == "__main__":
    import jax
    _d = setup_inputs()
    print(jax.jit(kernel)(*tuple(_d.values())))

</pallas_src>

<mosaic_0001>
#map = affine_map<(d0, d1) -> (0, 0)>
#map1 = affine_map<(d0, d1) -> (0)>
module attributes {stable_mosaic.version = 14 : i64} {
  func.func @k(%arg0: i32, %arg1: i32, %arg2: memref<16384x128xf32, #tpu.memory_space<hbm>>, %arg3: memref<262144xi32, #tpu.memory_space<hbm>>, %arg4: memref<262144x128xf32, #tpu.memory_space<hbm>>, %arg5: memref<256xi32, #tpu.memory_space<vmem>>, %arg6: memref<256xi32, #tpu.memory_space<vmem>>, %arg7: memref<256x128xf32, #tpu.memory_space<vmem>>, %arg8: memref<256x128xf32, #tpu.memory_space<vmem>>, %arg9: memref<!tpu.dma_semaphore, #tpu.memory_space<semaphore_mem>>, %arg10: memref<!tpu.dma_semaphore, #tpu.memory_space<semaphore_mem>>) attributes {dimension_semantics = [#tpu.dimension_semantics<core_parallel>, #tpu.dimension_semantics<subcore_parallel>], iteration_bounds = array<i64: 2, 16>, scalar_prefetch = 0 : i64, scratch_operands = 6 : i64, tpu.core_type = #tpu.core_type<sc_vector_subcore>, window_params = [{transform_indices = #map}, {transform_indices = #map1}, {transform_indices = #map}]} {
    %mul3A = arith.constant 2 : i32
    %mul3A_0 = arith.muli %arg1, %mul3A : i32
    %add3A = arith.addi %mul3A_0, %arg0 : i32
    %mul3A_1 = arith.constant 8192 : i32
    %mul3A_2 = arith.muli %add3A, %mul3A_1 : i32
    "tpu.region"() ({
      %run_scoped3A = tpu.sem_alloc : memref<!tpu.dma_semaphore, #tpu.memory_space<semaphore_mem>>
      %dma_start3A_319 = tpu.memref_slice %arg3[%mul3A_2] : memref<262144xi32, #tpu.memory_space<hbm>> -> memref<256xi32, #tpu.memory_space<hbm>>
      %dma_start3A_320 = tpu.memref_slice %arg3[%mul3A_2] : memref<262144xi32, #tpu.memory_space<hbm>> -> memref<256xi32, #tpu.memory_space<hbm>>
      tpu.enqueue_dma source(%dma_start3A_320 : memref<256xi32, #tpu.memory_space<hbm>>) target(%arg5 : memref<256xi32, #tpu.memory_space<vmem>>) target_semaphore(%run_scoped3A : memref<!tpu.dma_semaphore, #tpu.memory_space<semaphore_mem>>)
      %dma_wait3A_321 = tpu.memref_slice %arg3[%mul3A_2] : memref<262144xi32, #tpu.memory_space<hbm>> -> memref<256xi32, #tpu.memory_space<hbm>>
      %dma_wait3A_322 = tpu.memref_slice %arg3[%mul3A_2] : memref<262144xi32, #tpu.memory_space<hbm>> -> memref<256xi32, #tpu.memory_space<hbm>>
      tpu.wait_dma2 semaphore(%run_scoped3A : memref<!tpu.dma_semaphore, #tpu.memory_space<semaphore_mem>>) src(%dma_wait3A_322 : memref<256xi32, #tpu.memory_space<hbm>>) dst(%arg5 : memref<256xi32, #tpu.memory_space<vmem>>)
      tpu.yield
    }) : () -> ()
    %dma_start3A = arith.constant 0 : i32
    %dma_start3A_3 = arith.constant 0 : i32
    %dma_start3A_4 = tpu.memref_slice %arg2[%dma_start3A, %dma_start3A_3] : memref<16384x128xf32, #tpu.memory_space<hbm>> -> memref<16384x128xf32, #tpu.memory_space<hbm>>
    tpu.enqueue_indirect_dma source(%dma_start3A_4 : memref<16384x128xf32, #tpu.memory_space<hbm>>) target(%arg7 : memref<256x128xf32, #tpu.memory_space<vmem>>) offsets(%arg5 : memref<256xi32, #tpu.memory_space<vmem>>) semaphore(%arg9 : memref<!tpu.dma_semaphore, #tpu.memory_space<semaphore_mem>>)
    %add3A_5 = arith.constant 256 : i32
    %add3A_6 = arith.addi %mul3A_2, %add3A_5 : i32
    "tpu.region"() ({
      %run_scoped3A = tpu.sem_alloc : memref<!tpu.dma_semaphore, #tpu.memory_space<semaphore_mem>>
      %dma_start3A_319 = tpu.memref_slice %arg3[%add3A_6] : memref<262144xi32, #tpu.memory_space<hbm>> -> memref<256xi32, #tpu.memory_space<hbm>>
      %dma_start3A_320 = tpu.memref_slice %arg3[%add3A_6] : memref<262144xi32, #tpu.memory_space<hbm>> -> memref<256xi32, #tpu.memory_space<hbm>>
      tpu.enqueue_dma source(%dma_start3A_320 : memref<256xi32, #tpu.memory_space<hbm>>) target(%arg6 : memref<256xi32, #tpu.memory_space<vmem>>) target_semaphore(%run_scoped3A : memref<!tpu.dma_semaphore, #tpu.memory_space<semaphore_mem>>)
      %dma_wait3A_321 = tpu.memref_slice %arg3[%add3A_6] : memref<262144xi32, #tpu.memory_space<hbm>> -> memref<256xi32, #tpu.memory_space<hbm>>
      %dma_wait3A_322 = tpu.memref_slice %arg3[%add3A_6] : memref<262144xi32, #tpu.memory_space<hbm>> -> memref<256xi32, #tpu.memory_space<hbm>>
      tpu.wait_dma2 semaphore(%run_scoped3A : memref<!tpu.dma_semaphore, #tpu.memory_space<semaphore_mem>>) src(%dma_wait3A_322 : memref<256xi32, #tpu.memory_space<hbm>>) dst(%arg6 : memref<256xi32, #tpu.memory_space<vmem>>)
      tpu.yield
    }) : () -> ()
    %dma_start3A_7 = arith.constant 0 : i32
    %dma_start3A_8 = arith.constant 0 : i32
    %dma_start3A_9 = tpu.memref_slice %arg2[%dma_start3A_7, %dma_start3A_8] : memref<16384x128xf32, #tpu.memory_space<hbm>> -> memref<16384x128xf32, #tpu.memory_space<hbm>>
    tpu.enqueue_indirect_dma source(%dma_start3A_9 : memref<16384x128xf32, #tpu.memory_space<hbm>>) target(%arg8 : memref<256x128xf32, #tpu.memory_space<vmem>>) offsets(%arg6 : memref<256xi32, #tpu.memory_space<vmem>>) semaphore(%arg10 : memref<!tpu.dma_semaphore, #tpu.memory_space<semaphore_mem>>)
    %dma_wait3A = arith.constant 0 : i32
    %dma_wait3A_10 = arith.constant 0 : i32
    %dma_wait3A_11 = tpu.memref_slice %arg2[%dma_wait3A, %dma_wait3A_10] : memref<16384x128xf32, #tpu.memory_space<hbm>> -> memref<16384x128xf32, #tpu.memory_space<hbm>>
    tpu.wait_indirect_dma semaphore(%arg9 : memref<!tpu.dma_semaphore, #tpu.memory_space<semaphore_mem>>) src(%dma_wait3A_11 : memref<16384x128xf32, #tpu.memory_space<hbm>>) dst(%arg7 : memref<256x128xf32, #tpu.memory_space<vmem>>)
    %add3A_12 = arith.constant 0 : i32
    %add3A_13 = arith.addi %mul3A_2, %add3A_12 : i32
    "tpu.region"() ({
      %run_scoped3A = tpu.sem_alloc : memref<!tpu.dma_semaphore, #tpu.memory_space<semaphore_mem>>
      %dma_start3A_319 = arith.constant 0 : i32
      %dma_start3A_320 = tpu.memref_slice %arg4[%add3A_13, %dma_start3A_319] : memref<262144x128xf32, #tpu.memory_space<hbm>> -> memref<256x128xf32, #tpu.memory_space<hbm>>
      %dma_start3A_321 = arith.constant 0 : i32
      %dma_start3A_322 = tpu.memref_slice %arg4[%add3A_13, %dma_start3A_321] : memref<262144x128xf32, #tpu.memory_space<hbm>> -> memref<256x128xf32, #tpu.memory_space<hbm>>
      tpu.enqueue_dma source(%arg7 : memref<256x128xf32, #tpu.memory_space<vmem>>) target(%dma_start3A_322 : memref<256x128xf32, #tpu.memory_space<hbm>>) target_semaphore(%run_scoped3A : memref<!tpu.dma_semaphore, #tpu.memory_space<semaphore_mem>>)
      %dma_wait3A_323 = arith.constant 0 : i32
      %dma_wait3A_324 = tpu.memref_slice %arg4[%add3A_13, %dma_wait3A_323] : memref<262144x128xf32, #tpu.memory_space<hbm>> -> memref<256x128xf32, #tpu.memory_space<hbm>>
      %dma_wait3A_325 = arith.constant 0 : i32
      %dma_wait3A_326 = tpu.memref_slice %arg4[%add3A_13, %dma_wait3A_325] : memref<262144x128xf32, #tpu.memory_space<hbm>> -> memref<256x128xf32, #tpu.memory_space<hbm>>
      tpu.wait_dma2 semaphore(%run_scoped3A : memref<!tpu.dma_semaphore, #tpu.memory_space<semaphore_mem>>) src(%arg7 : memref<256x128xf32, #tpu.memory_space<vmem>>) dst(%dma_wait3A_326 : memref<256x128xf32, #tpu.memory_space<hbm>>)
      tpu.yield
    }) : () -> ()
    %add3A_14 = arith.constant 512 : i32
    %add3A_15 = arith.addi %mul3A_2, %add3A_14 : i32
    "tpu.region"() ({
      %run_scoped3A = tpu.sem_alloc : memref<!tpu.dma_semaphore, #tpu.memory_space<semaphore_mem>>
      %dma_start3A_319 = tpu.memref_slice %arg3[%add3A_15] : memref<262144xi32, #tpu.memory_space<hbm>> -> memref<256xi32, #tpu.memory_space<hbm>>
      %dma_start3A_320 = tpu.memref_slice %arg3[%add3A_15] : memref<262144xi32, #tpu.memory_space<hbm>> -> memref<256xi32, #tpu.memory_space<hbm>>
      tpu.enqueue_dma source(%dma_start3A_320 : memref<256xi32, #tpu.memory_space<hbm>>) target(%arg5 : memref<256xi32, #tpu.memory_space<vmem>>) target_semaphore(%run_scoped3A : memref<!tpu.dma_semaphore, #tpu.memory_space<semaphore_mem>>)
      %dma_wait3A_321 = tpu.memref_slice %arg3[%add3A_15] : memref<262144xi32, #tpu.memory_space<hbm>> -> memref<256xi32, #tpu.memory_space<hbm>>
      %dma_wait3A_322 = tpu.memref_slice %arg3[%add3A_15] : memref<262144xi32, #tpu.memory_space<hbm>> -> memref<256xi32, #tpu.memory_space<hbm>>
      tpu.wait_dma2 semaphore(%run_scoped3A : memref<!tpu.dma_semaphore, #tpu.memory_space<semaphore_mem>>) src(%dma_wait3A_322 : memref<256xi32, #tpu.memory_space<hbm>>) dst(%arg5 : memref<256xi32, #tpu.memory_space<vmem>>)
      tpu.yield
    }) : () -> ()
    %dma_start3A_16 = arith.constant 0 : i32
    %dma_start3A_17 = arith.constant 0 : i32
    %dma_start3A_18 = tpu.memref_slice %arg2[%dma_start3A_16, %dma_start3A_17] : memref<16384x128xf32, #tpu.memory_space<hbm>> -> memref<16384x128xf32, #tpu.memory_space<hbm>>
    tpu.enqueue_indirect_dma source(%dma_start3A_18 : memref<16384x128xf32, #tpu.memory_space<hbm>>) target(%arg7 : memref<256x128xf32, #tpu.memory_space<vmem>>) offsets(%arg5 : memref<256xi32, #tpu.memory_space<vmem>>) semaphore(%arg9 : memref<!tpu.dma_semaphore, #tpu.memory_space<semaphore_mem>>)
    %dma_wait3A_19 = arith.constant 0 : i32
    %dma_wait3A_20 = arith.constant 0 : i32
    %dma_wait3A_21 = tpu.memref_slice %arg2[%dma_wait3A_19, %dma_wait3A_20] : memref<16384x128xf32, #tpu.memory_space<hbm>> -> memref<16384x128xf32, #tpu.memory_space<hbm>>
    tpu.wait_indirect_dma semaphore(%arg10 : memref<!tpu.dma_semaphore, #tpu.memory_space<semaphore_mem>>) src(%dma_wait3A_21 : memref<16384x128xf32, #tpu.memory_space<hbm>>) dst(%arg8 : memref<256x128xf32, #tpu.memory_space<vmem>>)
    %add3A_22 = arith.constant 256 : i32
    %add3A_23 = arith.addi %mul3A_2, %add3A_22 : i32
    "tpu.region"() ({
      %run_scoped3A = tpu.sem_alloc : memref<!tpu.dma_semaphore, #tpu.memory_space<semaphore_mem>>
      %dma_start3A_319 = arith.constant 0 : i32
      %dma_start3A_320 = tpu.memref_slice %arg4[%add3A_23, %dma_start3A_319] : memref<262144x128xf32, #tpu.memory_space<hbm>> -> memref<256x128xf32, #tpu.memory_space<hbm>>
      %dma_start3A_321 = arith.constant 0 : i32
      %dma_start3A_322 = tpu.memref_slice %arg4[%add3A_23, %dma_start3A_321] : memref<262144x128xf32, #tpu.memory_space<hbm>> -> memref<256x128xf32, #tpu.memory_space<hbm>>
      tpu.enqueue_dma source(%arg8 : memref<256x128xf32, #tpu.memory_space<vmem>>) target(%dma_start3A_322 : memref<256x128xf32, #tpu.memory_space<hbm>>) target_semaphore(%run_scoped3A : memref<!tpu.dma_semaphore, #tpu.memory_space<semaphore_mem>>)
      %dma_wait3A_323 = arith.constant 0 : i32
      %dma_wait3A_324 = tpu.memref_slice %arg4[%add3A_23, %dma_wait3A_323] : memref<262144x128xf32, #tpu.memory_space<hbm>> -> memref<256x128xf32, #tpu.memory_space<hbm>>
      %dma_wait3A_325 = arith.constant 0 : i32
      %dma_wait3A_326 = tpu.memref_slice %arg4[%add3A_23, %dma_wait3A_325] : memref<262144x128xf32, #tpu.memory_space<hbm>> -> memref<256x128xf32, #tpu.memory_space<hbm>>
      tpu.wait_dma2 semaphore(%run_scoped3A : memref<!tpu.dma_semaphore, #tpu.memory_space<semaphore_mem>>) src(%arg8 : memref<256x128xf32, #tpu.memory_space<vmem>>) dst(%dma_wait3A_326 : memref<256x128xf32, #tpu.memory_space<hbm>>)
      tpu.yield
    }) : () -> ()
    %add3A_24 = arith.constant 768 : i32
    %add3A_25 = arith.addi %mul3A_2, %add3A_24 : i32
    "tpu.region"() ({
      %run_scoped3A = tpu.sem_alloc : memref<!tpu.dma_semaphore, #tpu.memory_space<semaphore_mem>>
      %dma_start3A_319 = tpu.memref_slice %arg3[%add3A_25] : memref<262144xi32, #tpu.memory_space<hbm>> -> memref<256xi32, #tpu.memory_space<hbm>>
      %dma_start3A_320 = tpu.memref_slice %arg3[%add3A_25] : memref<262144xi32, #tpu.memory_space<hbm>> -> memref<256xi32, #tpu.memory_space<hbm>>
      tpu.enqueue_dma source(%dma_start3A_320 : memref<256xi32, #tpu.memory_space<hbm>>) target(%arg6 : memref<256xi32, #tpu.memory_space<vmem>>) target_semaphore(%run_scoped3A : memref<!tpu.dma_semaphore, #tpu.memory_space<semaphore_mem>>)
      %dma_wait3A_321 = tpu.memref_slice %arg3[%add3A_25] : memref<262144xi32, #tpu.memory_space<hbm>> -> memref<256xi32, #tpu.memory_space<hbm>>
      %dma_wait3A_322 = tpu.memref_slice %arg3[%add3A_25] : memref<262144xi32, #tpu.memory_space<hbm>> -> memref<256xi32, #tpu.memory_space<hbm>>
      tpu.wait_dma2 semaphore(%run_scoped3A : memref<!tpu.dma_semaphore, #tpu.memory_space<semaphore_mem>>) src(%dma_wait3A_322 : memref<256xi32, #tpu.memory_space<hbm>>) dst(%arg6 : memref<256xi32, #tpu.memory_space<vmem>>)
      tpu.yield
    }) : () -> ()
    %dma_start3A_26 = arith.constant 0 : i32
    %dma_start3A_27 = arith.constant 0 : i32
    %dma_start3A_28 = tpu.memref_slice %arg2[%dma_start3A_26, %dma_start3A_27] : memref<16384x128xf32, #tpu.memory_space<hbm>> -> memref<16384x128xf32, #tpu.memory_space<hbm>>
    tpu.enqueue_indirect_dma source(%dma_start3A_28 : memref<16384x128xf32, #tpu.memory_space<hbm>>) target(%arg8 : memref<256x128xf32, #tpu.memory_space<vmem>>) offsets(%arg6 : memref<256xi32, #tpu.memory_space<vmem>>) semaphore(%arg10 : memref<!tpu.dma_semaphore, #tpu.memory_space<semaphore_mem>>)
    %dma_wait3A_29 = arith.constant 0 : i32
    %dma_wait3A_30 = arith.constant 0 : i32
    %dma_wait3A_31 = tpu.memref_slice %arg2[%dma_wait3A_29, %dma_wait3A_30] : memref<16384x128xf32, #tpu.memory_space<hbm>> -> memref<16384x128xf32, #tpu.memory_space<hbm>>
    tpu.wait_indirect_dma semaphore(%arg9 : memref<!tpu.dma_semaphore, #tpu.memory_space<semaphore_mem>>) src(%dma_wait3A_31 : memref<16384x128xf32, #tpu.memory_space<hbm>>) dst(%arg7 : memref<256x128xf32, #tpu.memory_space<vmem>>)
    %add3A_32 = arith.constant 512 : i32
    %add3A_33 = arith.addi %mul3A_2, %add3A_32 : i32
    "tpu.region"() ({
      %run_scoped3A = tpu.sem_alloc : memref<!tpu.dma_semaphore, #tpu.memory_space<semaphore_mem>>
      %dma_start3A_319 = arith.constant 0 : i32
      %dma_start3A_320 = tpu.memref_slice %arg4[%add3A_33, %dma_start3A_319] : memref<262144x128xf32, #tpu.memory_space<hbm>> -> memref<256x128xf32, #tpu.memory_space<hbm>>
      %dma_start3A_321 = arith.constant 0 : i32
      %dma_start3A_322 = tpu.memref_slice %arg4[%add3A_33, %dma_start3A_321] : memref<262144x128xf32, #tpu.memory_space<hbm>> -> memref<256x128xf32, #tpu.memory_space<hbm>>
      tpu.enqueue_dma source(%arg7 : memref<256x128xf32, #tpu.memory_space<vmem>>) target(%dma_start3A_322 : memref<256x128xf32, #tpu.memory_space<hbm>>) target_semaphore(%run_scoped3A : memref<!tpu.dma_semaphore, #tpu.memory_space<semaphore_mem>>)
      %dma_wait3A_323 = arith.constant 0 : i32
      %dma_wait3A_324 = tpu.memref_slice %arg4[%add3A_33, %dma_wait3A_323] : memref<262144x128xf32, #tpu.memory_space<hbm>> -> memref<256x128xf32, #tpu.memory_space<hbm>>
      %dma_wait3A_325 = arith.constant 0 : i32
      %dma_wait3A_326 = tpu.memref_slice %arg4[%add3A_33, %dma_wait3A_325] : memref<262144x128xf32, #tpu.memory_space<hbm>> -> memref<256x128xf32, #tpu.memory_space<hbm>>
      tpu.wait_dma2 semaphore(%run_scoped3A : memref<!tpu.dma_semaphore, #tpu.memory_space<semaphore_mem>>) src(%arg7 : memref<256x128xf32, #tpu.memory_space<vmem>>) dst(%dma_wait3A_326 : memref<256x128xf32, #tpu.memory_space<hbm>>)
      tpu.yield
    }) : () -> ()
    %add3A_34 = arith.constant 1024 : i32
    %add3A_35 = arith.addi %mul3A_2, %add3A_34 : i32
    "tpu.region"() ({
      %run_scoped3A = tpu.sem_alloc : memref<!tpu.dma_semaphore, #tpu.memory_space<semaphore_mem>>
      %dma_start3A_319 = tpu.memref_slice %arg3[%add3A_35] : memref<262144xi32, #tpu.memory_space<hbm>> -> memref<256xi32, #tpu.memory_space<hbm>>
      %dma_start3A_320 = tpu.memref_slice %arg3[%add3A_35] : memref<262144xi32, #tpu.memory_space<hbm>> -> memref<256xi32, #tpu.memory_space<hbm>>
      tpu.enqueue_dma source(%dma_start3A_320 : memref<256xi32, #tpu.memory_space<hbm>>) target(%arg5 : memref<256xi32, #tpu.memory_space<vmem>>) target_semaphore(%run_scoped3A : memref<!tpu.dma_semaphore, #tpu.memory_space<semaphore_mem>>)
      %dma_wait3A_321 = tpu.memref_slice %arg3[%add3A_35] : memref<262144xi32, #tpu.memory_space<hbm>> -> memref<256xi32, #tpu.memory_space<hbm>>
      %dma_wait3A_322 = tpu.memref_slice %arg3[%add3A_35] : memref<262144xi32, #tpu.memory_space<hbm>> -> memref<256xi32, #tpu.memory_space<hbm>>
      tpu.wait_dma2 semaphore(%run_scoped3A : memref<!tpu.dma_semaphore, #tpu.memory_space<semaphore_mem>>) src(%dma_wait3A_322 : memref<256xi32, #tpu.memory_space<hbm>>) dst(%arg5 : memref<256xi32, #tpu.memory_space<vmem>>)
      tpu.yield
    }) : () -> ()
    %dma_start3A_36 = arith.constant 0 : i32
    %dma_start3A_37 = arith.constant 0 : i32
    %dma_start3A_38 = tpu.memref_slice %arg2[%dma_start3A_36, %dma_start3A_37] : memref<16384x128xf32, #tpu.memory_space<hbm>> -> memref<16384x128xf32, #tpu.memory_space<hbm>>
    tpu.enqueue_indirect_dma source(%dma_start3A_38 : memref<16384x128xf32, #tpu.memory_space<hbm>>) target(%arg7 : memref<256x128xf32, #tpu.memory_space<vmem>>) offsets(%arg5 : memref<256xi32, #tpu.memory_space<vmem>>) semaphore(%arg9 : memref<!tpu.dma_semaphore, #tpu.memory_space<semaphore_mem>>)
    %dma_wait3A_39 = arith.constant 0 : i32
    %dma_wait3A_40 = arith.constant 0 : i32
    %dma_wait3A_41 = tpu.memref_slice %arg2[%dma_wait3A_39, %dma_wait3A_40] : memref<16384x128xf32, #tpu.memory_space<hbm>> -> memref<16384x128xf32, #tpu.memory_space<hbm>>
    tpu.wait_indirect_dma semaphore(%arg10 : memref<!tpu.dma_semaphore, #tpu.memory_space<semaphore_mem>>) src(%dma_wait3A_41 : memref<16384x128xf32, #tpu.memory_space<hbm>>) dst(%arg8 : memref<256x128xf32, #tpu.memory_space<vmem>>)
    %add3A_42 = arith.constant 768 : i32
    %add3A_43 = arith.addi %mul3A_2, %add3A_42 : i32
    "tpu.region"() ({
      %run_scoped3A = tpu.sem_alloc : memref<!tpu.dma_semaphore, #tpu.memory_space<semaphore_mem>>
      %dma_start3A_319 = arith.constant 0 : i32
      %dma_start3A_320 = tpu.memref_slice %arg4[%add3A_43, %dma_start3A_319] : memref<262144x128xf32, #tpu.memory_space<hbm>> -> memref<256x128xf32, #tpu.memory_space<hbm>>
      %dma_start3A_321 = arith.constant 0 : i32
      %dma_start3A_322 = tpu.memref_slice %arg4[%add3A_43, %dma_start3A_321] : memref<262144x128xf32, #tpu.memory_space<hbm>> -> memref<256x128xf32, #tpu.memory_space<hbm>>
      tpu.enqueue_dma source(%arg8 : memref<256x128xf32, #tpu.memory_space<vmem>>) target(%dma_start3A_322 : memref<256x128xf32, #tpu.memory_space<hbm>>) target_semaphore(%run_scoped3A : memref<!tpu.dma_semaphore, #tpu.memory_space<semaphore_mem>>)
      %dma_wait3A_323 = arith.constant 0 : i32
      %dma_wait3A_324 = tpu.memref_slice %arg4[%add3A_43, %dma_wait3A_323] : memref<262144x128xf32, #tpu.memory_space<hbm>> -> memref<256x128xf32, #tpu.memory_space<hbm>>
      %dma_wait3A_325 = arith.constant 0 : i32
      %dma_wait3A_326 = tpu.memref_slice %arg4[%add3A_43, %dma_wait3A_325] : memref<262144x128xf32, #tpu.memory_space<hbm>> -> memref<256x128xf32, #tpu.memory_space<hbm>>
      tpu.wait_dma2 semaphore(%run_scoped3A : memref<!tpu.dma_semaphore, #tpu.memory_space<semaphore_mem>>) src(%arg8 : memref<256x128xf32, #tpu.memory_space<vmem>>) dst(%dma_wait3A_326 : memref<256x128xf32, #tpu.memory_space<hbm>>)
      tpu.yield
    }) : () -> ()
    %add3A_44 = arith.constant 1280 : i32
    %add3A_45 = arith.addi %mul3A_2, %add3A_44 : i32
    "tpu.region"() ({
      %run_scoped3A = tpu.sem_alloc : memref<!tpu.dma_semaphore, #tpu.memory_space<semaphore_mem>>
      %dma_start3A_319 = tpu.memref_slice %arg3[%add3A_45] : memref<262144xi32, #tpu.memory_space<hbm>> -> memref<256xi32, #tpu.memory_space<hbm>>
      %dma_start3A_320 = tpu.memref_slice %arg3[%add3A_45] : memref<262144xi32, #tpu.memory_space<hbm>> -> memref<256xi32, #tpu.memory_space<hbm>>
      tpu.enqueue_dma source(%dma_start3A_320 : memref<256xi32, #tpu.memory_space<hbm>>) target(%arg6 : memref<256xi32, #tpu.memory_space<vmem>>) target_semaphore(%run_scoped3A : memref<!tpu.dma_semaphore, #tpu.memory_space<semaphore_mem>>)
      %dma_wait3A_321 = tpu.memref_slice %arg3[%add3A_45] : memref<262144xi32, #tpu.memory_space<hbm>> -> memref<256xi32, #tpu.memory_space<hbm>>
      %dma_wait3A_322 = tpu.memref_slice %arg3[%add3A_45] : memref<262144xi32, #tpu.memory_space<hbm>> -> memref<256xi32, #tpu.memory_space<hbm>>
      tpu.wait_dma2 semaphore(%run_scoped3A : memref<!tpu.dma_semaphore, #tpu.memory_space<semaphore_mem>>) src(%dma_wait3A_322 : memref<256xi32, #tpu.memory_space<hbm>>) dst(%arg6 : memref<256xi32, #tpu.memory_space<vmem>>)
      tpu.yield
    }) : () -> ()
    %dma_start3A_46 = arith.constant 0 : i32
    %dma_start3A_47 = arith.constant 0 : i32
    %dma_start3A_48 = tpu.memref_slice %arg2[%dma_start3A_46, %dma_start3A_47] : memref<16384x128xf32, #tpu.memory_space<hbm>> -> memref<16384x128xf32, #tpu.memory_space<hbm>>
    tpu.enqueue_indirect_dma source(%dma_start3A_48 : memref<16384x128xf32, #tpu.memory_space<hbm>>) target(%arg8 : memref<256x128xf32, #tpu.memory_space<vmem>>) offsets(%arg6 : memref<256xi32, #tpu.memory_space<vmem>>) semaphore(%arg10 : memref<!tpu.dma_semaphore, #tpu.memory_space<semaphore_mem>>)
    %dma_wait3A_49 = arith.constant 0 : i32
    %dma_wait3A_50 = arith.constant 0 : i32
    %dma_wait3A_51 = tpu.memref_slice %arg2[%dma_wait3A_49, %dma_wait3A_50] : memref<16384x128xf32, #tpu.memory_space<hbm>> -> memref<16384x128xf32, #tpu.memory_space<hbm>>
    tpu.wait_indirect_dma semaphore(%arg9 : memref<!tpu.dma_semaphore, #tpu.memory_space<semaphore_mem>>) src(%dma_wait3A_51 : memref<16384x128xf32, #tpu.memory_space<hbm>>) dst(%arg7 : memref<256x128xf32, #tpu.memory_space<vmem>>)
    %add3A_52 = arith.constant 1024 : i32
    %add3A_53 = arith.addi %mul3A_2, %add3A_52 : i32
    "tpu.region"() ({
      %run_scoped3A = tpu.sem_alloc : memref<!tpu.dma_semaphore, #tpu.memory_space<semaphore_mem>>
      %dma_start3A_319 = arith.constant 0 : i32
      %dma_start3A_320 = tpu.memref_slice %arg4[%add3A_53, %dma_start3A_319] : memref<262144x128xf32, #tpu.memory_space<hbm>> -> memref<256x128xf32, #tpu.memory_space<hbm>>
      %dma_start3A_321 = arith.constant 0 : i32
      %dma_start3A_322 = tpu.memref_slice %arg4[%add3A_53, %dma_start3A_321] : memref<262144x128xf32, #tpu.memory_space<hbm>> -> memref<256x128xf32, #tpu.memory_space<hbm>>
      tpu.enqueue_dma source(%arg7 : memref<256x128xf32, #tpu.memory_space<vmem>>) target(%dma_start3A_322 : memref<256x128xf32, #tpu.memory_space<hbm>>) target_semaphore(%run_scoped3A : memref<!tpu.dma_semaphore, #tpu.memory_space<semaphore_mem>>)
      %dma_wait3A_323 = arith.constant 0 : i32
      %dma_wait3A_324 = tpu.memref_slice %arg4[%add3A_53, %dma_wait3A_323] : memref<262144x128xf32, #tpu.memory_space<hbm>> -> memref<256x128xf32, #tpu.memory_space<hbm>>
      %dma_wait3A_325 = arith.constant 0 : i32
      %dma_wait3A_326 = tpu.memref_slice %arg4[%add3A_53, %dma_wait3A_325] : memref<262144x128xf32, #tpu.memory_space<hbm>> -> memref<256x128xf32, #tpu.memory_space<hbm>>
      tpu.wait_dma2 semaphore(%run_scoped3A : memref<!tpu.dma_semaphore, #tpu.memory_space<semaphore_mem>>) src(%arg7 : memref<256x128xf32, #tpu.memory_space<vmem>>) dst(%dma_wait3A_326 : memref<256x128xf32, #tpu.memory_space<hbm>>)
      tpu.yield
    }) : () -> ()
    %add3A_54 = arith.constant 1536 : i32
    %add3A_55 = arith.addi %mul3A_2, %add3A_54 : i32
    "tpu.region"() ({
      %run_scoped3A = tpu.sem_alloc : memref<!tpu.dma_semaphore, #tpu.memory_space<semaphore_mem>>
      %dma_start3A_319 = tpu.memref_slice %arg3[%add3A_55] : memref<262144xi32, #tpu.memory_space<hbm>> -> memref<256xi32, #tpu.memory_space<hbm>>
      %dma_start3A_320 = tpu.memref_slice %arg3[%add3A_55] : memref<262144xi32, #tpu.memory_space<hbm>> -> memref<256xi32, #tpu.memory_space<hbm>>
      tpu.enqueue_dma source(%dma_start3A_320 : memref<256xi32, #tpu.memory_space<hbm>>) target(%arg5 : memref<256xi32, #tpu.memory_space<vmem>>) target_semaphore(%run_scoped3A : memref<!tpu.dma_semaphore, #tpu.memory_space<semaphore_mem>>)
      %dma_wait3A_321 = tpu.memref_slice %arg3[%add3A_55] : memref<262144xi32, #tpu.memory_space<hbm>> -> memref<256xi32, #tpu.memory_space<hbm>>
      %dma_wait3A_322 = tpu.memref_slice %arg3[%add3A_55] : memref<262144xi32, #tpu.memory_space<hbm>> -> memref<256xi32, #tpu.memory_space<hbm>>
      tpu.wait_dma2 semaphore(%run_scoped3A : memref<!tpu.dma_semaphore, #tpu.memory_space<semaphore_mem>>) src(%dma_wait3A_322 : memref<256xi32, #tpu.memory_space<hbm>>) dst(%arg5 : memref<256xi32, #tpu.memory_space<vmem>>)
      tpu.yield
    }) : () -> ()
    %dma_start3A_56 = arith.constant 0 : i32
    %dma_start3A_57 = arith.constant 0 : i32
    %dma_start3A_58 = tpu.memref_slice %arg2[%dma_start3A_56, %dma_start3A_57] : memref<16384x128xf32, #tpu.memory_space<hbm>> -> memref<16384x128xf32, #tpu.memory_space<hbm>>
    tpu.enqueue_indirect_dma source(%dma_start3A_58 : memref<16384x128xf32, #tpu.memory_space<hbm>>) target(%arg7 : memref<256x128xf32, #tpu.memory_space<vmem>>) offsets(%arg5 : memref<256xi32, #tpu.memory_space<vmem>>) semaphore(%arg9 : memref<!tpu.dma_semaphore, #tpu.memory_space<semaphore_mem>>)
    %dma_wait3A_59 = arith.constant 0 : i32
    %dma_wait3A_60 = arith.constant 0 : i32
    %dma_wait3A_61 = tpu.memref_slice %arg2[%dma_wait3A_59, %dma_wait3A_60] : memref<16384x128xf32, #tpu.memory_space<hbm>> -> memref<16384x128xf32, #tpu.memory_space<hbm>>
    tpu.wait_indirect_dma semaphore(%arg10 : memref<!tpu.dma_semaphore, #tpu.memory_space<semaphore_mem>>) src(%dma_wait3A_61 : memref<16384x128xf32, #tpu.memory_space<hbm>>) dst(%arg8 : memref<256x128xf32, #tpu.memory_space<vmem>>)
    %add3A_62 = arith.constant 1280 : i32
    %add3A_63 = arith.addi %mul3A_2, %add3A_62 : i32
    "tpu.region"() ({
      %run_scoped3A = tpu.sem_alloc : memref<!tpu.dma_semaphore, #tpu.memory_space<semaphore_mem>>
      %dma_start3A_319 = arith.constant 0 : i32
      %dma_start3A_320 = tpu.memref_slice %arg4[%add3A_63, %dma_start3A_319] : memref<262144x128xf32, #tpu.memory_space<hbm>> -> memref<256x128xf32, #tpu.memory_space<hbm>>
      %dma_start3A_321 = arith.constant 0 : i32
      %dma_start3A_322 = tpu.memref_slice %arg4[%add3A_63, %dma_start3A_321] : memref<262144x128xf32, #tpu.memory_space<hbm>> -> memref<256x128xf32, #tpu.memory_space<hbm>>
      tpu.enqueue_dma source(%arg8 : memref<256x128xf32, #tpu.memory_space<vmem>>) target(%dma_start3A_322 : memref<256x128xf32, #tpu.memory_space<hbm>>) target_semaphore(%run_scoped3A : memref<!tpu.dma_semaphore, #tpu.memory_space<semaphore_mem>>)
      %dma_wait3A_323 = arith.constant 0 : i32
      %dma_wait3A_324 = tpu.memref_slice %arg4[%add3A_63, %dma_wait3A_323] : memref<262144x128xf32, #tpu.memory_space<hbm>> -> memref<256x128xf32, #tpu.memory_space<hbm>>
      %dma_wait3A_325 = arith.constant 0 : i32
      %dma_wait3A_326 = tpu.memref_slice %arg4[%add3A_63, %dma_wait3A_325] : memref<262144x128xf32, #tpu.memory_space<hbm>> -> memref<256x128xf32, #tpu.memory_space<hbm>>
      tpu.wait_dma2 semaphore(%run_scoped3A : memref<!tpu.dma_semaphore, #tpu.memory_space<semaphore_mem>>) src(%arg8 : memref<256x128xf32, #tpu.memory_space<vmem>>) dst(%dma_wait3A_326 : memref<256x128xf32, #tpu.memory_space<hbm>>)
      tpu.yield
    }) : () -> ()
    %add3A_64 = arith.constant 1792 : i32
    %add3A_65 = arith.addi %mul3A_2, %add3A_64 : i32
    "tpu.region"() ({
      %run_scoped3A = tpu.sem_alloc : memref<!tpu.dma_semaphore, #tpu.memory_space<semaphore_mem>>
      %dma_start3A_319 = tpu.memref_slice %arg3[%add3A_65] : memref<262144xi32, #tpu.memory_space<hbm>> -> memref<256xi32, #tpu.memory_space<hbm>>
      %dma_start3A_320 = tpu.memref_slice %arg3[%add3A_65] : memref<262144xi32, #tpu.memory_space<hbm>> -> memref<256xi32, #tpu.memory_space<hbm>>
      tpu.enqueue_dma source(%dma_start3A_320 : memref<256xi32, #tpu.memory_space<hbm>>) target(%arg6 : memref<256xi32, #tpu.memory_space<vmem>>) target_semaphore(%run_scoped3A : memref<!tpu.dma_semaphore, #tpu.memory_space<semaphore_mem>>)
      %dma_wait3A_321 = tpu.memref_slice %arg3[%add3A_65] : memref<262144xi32, #tpu.memory_space<hbm>> -> memref<256xi32, #tpu.memory_space<hbm>>
      %dma_wait3A_322 = tpu.memref_slice %arg3[%add3A_65] : memref<262144xi32, #tpu.memory_space<hbm>> -> memref<256xi32, #tpu.memory_space<hbm>>
      tpu.wait_dma2 semaphore(%run_scoped3A : memref<!tpu.dma_semaphore, #tpu.memory_space<semaphore_mem>>) src(%dma_wait3A_322 : memref<256xi32, #tpu.memory_space<hbm>>) dst(%arg6 : memref<256xi32, #tpu.memory_space<vmem>>)
      tpu.yield
    }) : () -> ()
    %dma_start3A_66 = arith.constant 0 : i32
    %dma_start3A_67 = arith.constant 0 : i32
    %dma_start3A_68 = tpu.memref_slice %arg2[%dma_start3A_66, %dma_start3A_67] : memref<16384x128xf32, #tpu.memory_space<hbm>> -> memref<16384x128xf32, #tpu.memory_space<hbm>>
    tpu.enqueue_indirect_dma source(%dma_start3A_68 : memref<16384x128xf32, #tpu.memory_space<hbm>>) target(%arg8 : memref<256x128xf32, #tpu.memory_space<vmem>>) offsets(%arg6 : memref<256xi32, #tpu.memory_space<vmem>>) semaphore(%arg10 : memref<!tpu.dma_semaphore, #tpu.memory_space<semaphore_mem>>)
    %dma_wait3A_69 = arith.constant 0 : i32
    %dma_wait3A_70 = arith.constant 0 : i32
    %dma_wait3A_71 = tpu.memref_slice %arg2[%dma_wait3A_69, %dma_wait3A_70] : memref<16384x128xf32, #tpu.memory_space<hbm>> -> memref<16384x128xf32, #tpu.memory_space<hbm>>
    tpu.wait_indirect_dma semaphore(%arg9 : memref<!tpu.dma_semaphore, #tpu.memory_space<semaphore_mem>>) src(%dma_wait3A_71 : memref<16384x128xf32, #tpu.memory_space<hbm>>) dst(%arg7 : memref<256x128xf32, #tpu.memory_space<vmem>>)
    %add3A_72 = arith.constant 1536 : i32
    %add3A_73 = arith.addi %mul3A_2, %add3A_72 : i32
    "tpu.region"() ({
      %run_scoped3A = tpu.sem_alloc : memref<!tpu.dma_semaphore, #tpu.memory_space<semaphore_mem>>
      %dma_start3A_319 = arith.constant 0 : i32
      %dma_start3A_320 = tpu.memref_slice %arg4[%add3A_73, %dma_start3A_319] : memref<262144x128xf32, #tpu.memory_space<hbm>> -> memref<256x128xf32, #tpu.memory_space<hbm>>
      %dma_start3A_321 = arith.constant 0 : i32
      %dma_start3A_322 = tpu.memref_slice %arg4[%add3A_73, %dma_start3A_321] : memref<262144x128xf32, #tpu.memory_space<hbm>> -> memref<256x128xf32, #tpu.memory_space<hbm>>
      tpu.enqueue_dma source(%arg7 : memref<256x128xf32, #tpu.memory_space<vmem>>) target(%dma_start3A_322 : memref<256x128xf32, #tpu.memory_space<hbm>>) target_semaphore(%run_scoped3A : memref<!tpu.dma_semaphore, #tpu.memory_space<semaphore_mem>>)
      %dma_wait3A_323 = arith.constant 0 : i32
      %dma_wait3A_324 = tpu.memref_slice %arg4[%add3A_73, %dma_wait3A_323] : memref<262144x128xf32, #tpu.memory_space<hbm>> -> memref<256x128xf32, #tpu.memory_space<hbm>>
      %dma_wait3A_325 = arith.constant 0 : i32
      %dma_wait3A_326 = tpu.memref_slice %arg4[%add3A_73, %dma_wait3A_325] : memref<262144x128xf32, #tpu.memory_space<hbm>> -> memref<256x128xf32, #tpu.memory_space<hbm>>
      tpu.wait_dma2 semaphore(%run_scoped3A : memref<!tpu.dma_semaphore, #tpu.memory_space<semaphore_mem>>) src(%arg7 : memref<256x128xf32, #tpu.memory_space<vmem>>) dst(%dma_wait3A_326 : memref<256x128xf32, #tpu.memory_space<hbm>>)
      tpu.yield
    }) : () -> ()
    %add3A_74 = arith.constant 2048 : i32
    %add3A_75 = arith.addi %mul3A_2, %add3A_74 : i32
    "tpu.region"() ({
      %run_scoped3A = tpu.sem_alloc : memref<!tpu.dma_semaphore, #tpu.memory_space<semaphore_mem>>
      %dma_start3A_319 = tpu.memref_slice %arg3[%add3A_75] : memref<262144xi32, #tpu.memory_space<hbm>> -> memref<256xi32, #tpu.memory_space<hbm>>
      %dma_start3A_320 = tpu.memref_slice %arg3[%add3A_75] : memref<262144xi32, #tpu.memory_space<hbm>> -> memref<256xi32, #tpu.memory_space<hbm>>
      tpu.enqueue_dma source(%dma_start3A_320 : memref<256xi32, #tpu.memory_space<hbm>>) target(%arg5 : memref<256xi32, #tpu.memory_space<vmem>>) target_semaphore(%run_scoped3A : memref<!tpu.dma_semaphore, #tpu.memory_space<semaphore_mem>>)
      %dma_wait3A_321 = tpu.memref_slice %arg3[%add3A_75] : memref<262144xi32, #tpu.memory_space<hbm>> -> memref<256xi32, #tpu.memory_space<hbm>>
      %dma_wait3A_322 = tpu.memref_slice %arg3[%add3A_75] : memref<262144xi32, #tpu.memory_space<hbm>> -> memref<256xi32, #tpu.memory_space<hbm>>
      tpu.wait_dma2 semaphore(%run_scoped3A : memref<!tpu.dma_semaphore, #tpu.memory_space<semaphore_mem>>) src(%dma_wait3A_322 : memref<256xi32, #tpu.memory_space<hbm>>) dst(%arg5 : memref<256xi32, #tpu.memory_space<vmem>>)
      tpu.yield
    }) : () -> ()
    %dma_start3A_76 = arith.constant 0 : i32
    %dma_start3A_77 = arith.constant 0 : i32
    %dma_start3A_78 = tpu.memref_slice %arg2[%dma_start3A_76, %dma_start3A_77] : memref<16384x128xf32, #tpu.memory_space<hbm>> -> memref<16384x128xf32, #tpu.memory_space<hbm>>
    tpu.enqueue_indirect_dma source(%dma_start3A_78 : memref<16384x128xf32, #tpu.memory_space<hbm>>) target(%arg7 : memref<256x128xf32, #tpu.memory_space<vmem>>) offsets(%arg5 : memref<256xi32, #tpu.memory_space<vmem>>) semaphore(%arg9 : memref<!tpu.dma_semaphore, #tpu.memory_space<semaphore_mem>>)
    %dma_wait3A_79 = arith.constant 0 : i32
    %dma_wait3A_80 = arith.constant 0 : i32
    %dma_wait3A_81 = tpu.memref_slice %arg2[%dma_wait3A_79, %dma_wait3A_80] : memref<16384x128xf32, #tpu.memory_space<hbm>> -> memref<16384x128xf32, #tpu.memory_space<hbm>>
    tpu.wait_indirect_dma semaphore(%arg10 : memref<!tpu.dma_semaphore, #tpu.memory_space<semaphore_mem>>) src(%dma_wait3A_81 : memref<16384x128xf32, #tpu.memory_space<hbm>>) dst(%arg8 : memref<256x128xf32, #tpu.memory_space<vmem>>)
    %add3A_82 = arith.constant 1792 : i32
    %add3A_83 = arith.addi %mul3A_2, %add3A_82 : i32
    "tpu.region"() ({
      %run_scoped3A = tpu.sem_alloc : memref<!tpu.dma_semaphore, #tpu.memory_space<semaphore_mem>>
      %dma_start3A_319 = arith.constant 0 : i32
      %dma_start3A_320 = tpu.memref_slice %arg4[%add3A_83, %dma_start3A_319] : memref<262144x128xf32, #tpu.memory_space<hbm>> -> memref<256x128xf32, #tpu.memory_space<hbm>>
      %dma_start3A_321 = arith.constant 0 : i32
      %dma_start3A_322 = tpu.memref_slice %arg4[%add3A_83, %dma_start3A_321] : memref<262144x128xf32, #tpu.memory_space<hbm>> -> memref<256x128xf32, #tpu.memory_space<hbm>>
      tpu.enqueue_dma source(%arg8 : memref<256x128xf32, #tpu.memory_space<vmem>>) target(%dma_start3A_322 : memref<256x128xf32, #tpu.memory_space<hbm>>) target_semaphore(%run_scoped3A : memref<!tpu.dma_semaphore, #tpu.memory_space<semaphore_mem>>)
      %dma_wait3A_323 = arith.constant 0 : i32
      %dma_wait3A_324 = tpu.memref_slice %arg4[%add3A_83, %dma_wait3A_323] : memref<262144x128xf32, #tpu.memory_space<hbm>> -> memref<256x128xf32, #tpu.memory_space<hbm>>
      %dma_wait3A_325 = arith.constant 0 : i32
      %dma_wait3A_326 = tpu.memref_slice %arg4[%add3A_83, %dma_wait3A_325] : memref<262144x128xf32, #tpu.memory_space<hbm>> -> memref<256x128xf32, #tpu.memory_space<hbm>>
      tpu.wait_dma2 semaphore(%run_scoped3A : memref<!tpu.dma_semaphore, #tpu.memory_space<semaphore_mem>>) src(%arg8 : memref<256x128xf32, #tpu.memory_space<vmem>>) dst(%dma_wait3A_326 : memref<256x128xf32, #tpu.memory_space<hbm>>)
      tpu.yield
    }) : () -> ()
    %add3A_84 = arith.constant 2304 : i32
    %add3A_85 = arith.addi %mul3A_2, %add3A_84 : i32
    "tpu.region"() ({
      %run_scoped3A = tpu.sem_alloc : memref<!tpu.dma_semaphore, #tpu.memory_space<semaphore_mem>>
      %dma_start3A_319 = tpu.memref_slice %arg3[%add3A_85] : memref<262144xi32, #tpu.memory_space<hbm>> -> memref<256xi32, #tpu.memory_space<hbm>>
      %dma_start3A_320 = tpu.memref_slice %arg3[%add3A_85] : memref<262144xi32, #tpu.memory_space<hbm>> -> memref<256xi32, #tpu.memory_space<hbm>>
      tpu.enqueue_dma source(%dma_start3A_320 : memref<256xi32, #tpu.memory_space<hbm>>) target(%arg6 : memref<256xi32, #tpu.memory_space<vmem>>) target_semaphore(%run_scoped3A : memref<!tpu.dma_semaphore, #tpu.memory_space<semaphore_mem>>)
      %dma_wait3A_321 = tpu.memref_slice %arg3[%add3A_85] : memref<262144xi32, #tpu.memory_space<hbm>> -> memref<256xi32, #tpu.memory_space<hbm>>
      %dma_wait3A_322 = tpu.memref_slice %arg3[%add3A_85] : memref<262144xi32, #tpu.memory_space<hbm>> -> memref<256xi32, #tpu.memory_space<hbm>>
      tpu.wait_dma2 semaphore(%run_scoped3A : memref<!tpu.dma_semaphore, #tpu.memory_space<semaphore_mem>>) src(%dma_wait3A_322 : memref<256xi32, #tpu.memory_space<hbm>>) dst(%arg6 : memref<256xi32, #tpu.memory_space<vmem>>)
      tpu.yield
    }) : () -> ()
    %dma_start3A_86 = arith.constant 0 : i32
    %dma_start3A_87 = arith.constant 0 : i32
    %dma_start3A_88 = tpu.memref_slice %arg2[%dma_start3A_86, %dma_start3A_87] : memref<16384x128xf32, #tpu.memory_space<hbm>> -> memref<16384x128xf32, #tpu.memory_space<hbm>>
    tpu.enqueue_indirect_dma source(%dma_start3A_88 : memref<16384x128xf32, #tpu.memory_space<hbm>>) target(%arg8 : memref<256x128xf32, #tpu.memory_space<vmem>>) offsets(%arg6 : memref<256xi32, #tpu.memory_space<vmem>>) semaphore(%arg10 : memref<!tpu.dma_semaphore, #tpu.memory_space<semaphore_mem>>)
    %dma_wait3A_89 = arith.constant 0 : i32
    %dma_wait3A_90 = arith.constant 0 : i32
    %dma_wait3A_91 = tpu.memref_slice %arg2[%dma_wait3A_89, %dma_wait3A_90] : memref<16384x128xf32, #tpu.memory_space<hbm>> -> memref<16384x128xf32, #tpu.memory_space<hbm>>
    tpu.wait_indirect_dma semaphore(%arg9 : memref<!tpu.dma_semaphore, #tpu.memory_space<semaphore_mem>>) src(%dma_wait3A_91 : memref<16384x128xf32, #tpu.memory_space<hbm>>) dst(%arg7 : memref<256x128xf32, #tpu.memory_space<vmem>>)
    %add3A_92 = arith.constant 2048 : i32
    %add3A_93 = arith.addi %mul3A_2, %add3A_92 : i32
    "tpu.region"() ({
      %run_scoped3A = tpu.sem_alloc : memref<!tpu.dma_semaphore, #tpu.memory_space<semaphore_mem>>
      %dma_start3A_319 = arith.constant 0 : i32
      %dma_start3A_320 = tpu.memref_slice %arg4[%add3A_93, %dma_start3A_319] : memref<262144x128xf32, #tpu.memory_space<hbm>> -> memref<256x128xf32, #tpu.memory_space<hbm>>
      %dma_start3A_321 = arith.constant 0 : i32
      %dma_start3A_322 = tpu.memref_slice %arg4[%add3A_93, %dma_start3A_321] : memref<262144x128xf32, #tpu.memory_space<hbm>> -> memref<256x128xf32, #tpu.memory_space<hbm>>
      tpu.enqueue_dma source(%arg7 : memref<256x128xf32, #tpu.memory_space<vmem>>) target(%dma_start3A_322 : memref<256x128xf32, #tpu.memory_space<hbm>>) target_semaphore(%run_scoped3A : memref<!tpu.dma_semaphore, #tpu.memory_space<semaphore_mem>>)
      %dma_wait3A_323 = arith.constant 0 : i32
      %dma_wait3A_324 = tpu.memref_slice %arg4[%add3A_93, %dma_wait3A_323] : memref<262144x128xf32, #tpu.memory_space<hbm>> -> memref<256x128xf32, #tpu.memory_space<hbm>>
      %dma_wait3A_325 = arith.constant 0 : i32
      %dma_wait3A_326 = tpu.memref_slice %arg4[%add3A_93, %dma_wait3A_325] : memref<262144x128xf32, #tpu.memory_space<hbm>> -> memref<256x128xf32, #tpu.memory_space<hbm>>
      tpu.wait_dma2 semaphore(%run_scoped3A : memref<!tpu.dma_semaphore, #tpu.memory_space<semaphore_mem>>) src(%arg7 : memref<256x128xf32, #tpu.memory_space<vmem>>) dst(%dma_wait3A_326 : memref<256x128xf32, #tpu.memory_space<hbm>>)
      tpu.yield
    }) : () -> ()
    %add3A_94 = arith.constant 2560 : i32
    %add3A_95 = arith.addi %mul3A_2, %add3A_94 : i32
    "tpu.region"() ({
      %run_scoped3A = tpu.sem_alloc : memref<!tpu.dma_semaphore, #tpu.memory_space<semaphore_mem>>
      %dma_start3A_319 = tpu.memref_slice %arg3[%add3A_95] : memref<262144xi32, #tpu.memory_space<hbm>> -> memref<256xi32, #tpu.memory_space<hbm>>
      %dma_start3A_320 = tpu.memref_slice %arg3[%add3A_95] : memref<262144xi32, #tpu.memory_space<hbm>> -> memref<256xi32, #tpu.memory_space<hbm>>
      tpu.enqueue_dma source(%dma_start3A_320 : memref<256xi32, #tpu.memory_space<hbm>>) target(%arg5 : memref<256xi32, #tpu.memory_space<vmem>>) target_semaphore(%run_scoped3A : memref<!tpu.dma_semaphore, #tpu.memory_space<semaphore_mem>>)
      %dma_wait3A_321 = tpu.memref_slice %arg3[%add3A_95] : memref<262144xi32, #tpu.memory_space<hbm>> -> memref<256xi32, #tpu.memory_space<hbm>>
      %dma_wait3A_322 = tpu.memref_slice %arg3[%add3A_95] : memref<262144xi32, #tpu.memory_space<hbm>> -> memref<256xi32, #tpu.memory_space<hbm>>
      tpu.wait_dma2 semaphore(%run_scoped3A : memref<!tpu.dma_semaphore, #tpu.memory_space<semaphore_mem>>) src(%dma_wait3A_322 : memref<256xi32, #tpu.memory_space<hbm>>) dst(%arg5 : memref<256xi32, #tpu.memory_space<vmem>>)
      tpu.yield
    }) : () -> ()
    %dma_start3A_96 = arith.constant 0 : i32
    %dma_start3A_97 = arith.constant 0 : i32
    %dma_start3A_98 = tpu.memref_slice %arg2[%dma_start3A_96, %dma_start3A_97] : memref<16384x128xf32, #tpu.memory_space<hbm>> -> memref<16384x128xf32, #tpu.memory_space<hbm>>
    tpu.enqueue_indirect_dma source(%dma_start3A_98 : memref<16384x128xf32, #tpu.memory_space<hbm>>) target(%arg7 : memref<256x128xf32, #tpu.memory_space<vmem>>) offsets(%arg5 : memref<256xi32, #tpu.memory_space<vmem>>) semaphore(%arg9 : memref<!tpu.dma_semaphore, #tpu.memory_space<semaphore_mem>>)
    %dma_wait3A_99 = arith.constant 0 : i32
    %dma_wait3A_100 = arith.constant 0 : i32
    %dma_wait3A_101 = tpu.memref_slice %arg2[%dma_wait3A_99, %dma_wait3A_100] : memref<16384x128xf32, #tpu.memory_space<hbm>> -> memref<16384x128xf32, #tpu.memory_space<hbm>>
    tpu.wait_indirect_dma semaphore(%arg10 : memref<!tpu.dma_semaphore, #tpu.memory_space<semaphore_mem>>) src(%dma_wait3A_101 : memref<16384x128xf32, #tpu.memory_space<hbm>>) dst(%arg8 : memref<256x128xf32, #tpu.memory_space<vmem>>)
    %add3A_102 = arith.constant 2304 : i32
    %add3A_103 = arith.addi %mul3A_2, %add3A_102 : i32
    "tpu.region"() ({
      %run_scoped3A = tpu.sem_alloc : memref<!tpu.dma_semaphore, #tpu.memory_space<semaphore_mem>>
      %dma_start3A_319 = arith.constant 0 : i32
      %dma_start3A_320 = tpu.memref_slice %arg4[%add3A_103, %dma_start3A_319] : memref<262144x128xf32, #tpu.memory_space<hbm>> -> memref<256x128xf32, #tpu.memory_space<hbm>>
      %dma_start3A_321 = arith.constant 0 : i32
      %dma_start3A_322 = tpu.memref_slice %arg4[%add3A_103, %dma_start3A_321] : memref<262144x128xf32, #tpu.memory_space<hbm>> -> memref<256x128xf32, #tpu.memory_space<hbm>>
      tpu.enqueue_dma source(%arg8 : memref<256x128xf32, #tpu.memory_space<vmem>>) target(%dma_start3A_322 : memref<256x128xf32, #tpu.memory_space<hbm>>) target_semaphore(%run_scoped3A : memref<!tpu.dma_semaphore, #tpu.memory_space<semaphore_mem>>)
      %dma_wait3A_323 = arith.constant 0 : i32
      %dma_wait3A_324 = tpu.memref_slice %arg4[%add3A_103, %dma_wait3A_323] : memref<262144x128xf32, #tpu.memory_space<hbm>> -> memref<256x128xf32, #tpu.memory_space<hbm>>
      %dma_wait3A_325 = arith.constant 0 : i32
      %dma_wait3A_326 = tpu.memref_slice %arg4[%add3A_103, %dma_wait3A_325] : memref<262144x128xf32, #tpu.memory_space<hbm>> -> memref<256x128xf32, #tpu.memory_space<hbm>>
      tpu.wait_dma2 semaphore(%run_scoped3A : memref<!tpu.dma_semaphore, #tpu.memory_space<semaphore_mem>>) src(%arg8 : memref<256x128xf32, #tpu.memory_space<vmem>>) dst(%dma_wait3A_326 : memref<256x128xf32, #tpu.memory_space<hbm>>)
      tpu.yield
    }) : () -> ()
    %add3A_104 = arith.constant 2816 : i32
    %add3A_105 = arith.addi %mul3A_2, %add3A_104 : i32
    "tpu.region"() ({
      %run_scoped3A = tpu.sem_alloc : memref<!tpu.dma_semaphore, #tpu.memory_space<semaphore_mem>>
      %dma_start3A_319 = tpu.memref_slice %arg3[%add3A_105] : memref<262144xi32, #tpu.memory_space<hbm>> -> memref<256xi32, #tpu.memory_space<hbm>>
      %dma_start3A_320 = tpu.memref_slice %arg3[%add3A_105] : memref<262144xi32, #tpu.memory_space<hbm>> -> memref<256xi32, #tpu.memory_space<hbm>>
      tpu.enqueue_dma source(%dma_start3A_320 : memref<256xi32, #tpu.memory_space<hbm>>) target(%arg6 : memref<256xi32, #tpu.memory_space<vmem>>) target_semaphore(%run_scoped3A : memref<!tpu.dma_semaphore, #tpu.memory_space<semaphore_mem>>)
      %dma_wait3A_321 = tpu.memref_slice %arg3[%add3A_105] : memref<262144xi32, #tpu.memory_space<hbm>> -> memref<256xi32, #tpu.memory_space<hbm>>
      %dma_wait3A_322 = tpu.memref_slice %arg3[%add3A_105] : memref<262144xi32, #tpu.memory_space<hbm>> -> memref<256xi32, #tpu.memory_space<hbm>>
      tpu.wait_dma2 semaphore(%run_scoped3A : memref<!tpu.dma_semaphore, #tpu.memory_space<semaphore_mem>>) src(%dma_wait3A_322 : memref<256xi32, #tpu.memory_space<hbm>>) dst(%arg6 : memref<256xi32, #tpu.memory_space<vmem>>)
      tpu.yield
    }) : () -> ()
    %dma_start3A_106 = arith.constant 0 : i32
    %dma_start3A_107 = arith.constant 0 : i32
    %dma_start3A_108 = tpu.memref_slice %arg2[%dma_start3A_106, %dma_start3A_107] : memref<16384x128xf32, #tpu.memory_space<hbm>> -> memref<16384x128xf32, #tpu.memory_space<hbm>>
    tpu.enqueue_indirect_dma source(%dma_start3A_108 : memref<16384x128xf32, #tpu.memory_space<hbm>>) target(%arg8 : memref<256x128xf32, #tpu.memory_space<vmem>>) offsets(%arg6 : memref<256xi32, #tpu.memory_space<vmem>>) semaphore(%arg10 : memref<!tpu.dma_semaphore, #tpu.memory_space<semaphore_mem>>)
    %dma_wait3A_109 = arith.constant 0 : i32
    %dma_wait3A_110 = arith.constant 0 : i32
    %dma_wait3A_111 = tpu.memref_slice %arg2[%dma_wait3A_109, %dma_wait3A_110] : memref<16384x128xf32, #tpu.memory_space<hbm>> -> memref<16384x128xf32, #tpu.memory_space<hbm>>
    tpu.wait_indirect_dma semaphore(%arg9 : memref<!tpu.dma_semaphore, #tpu.memory_space<semaphore_mem>>) src(%dma_wait3A_111 : memref<16384x128xf32, #tpu.memory_space<hbm>>) dst(%arg7 : memref<256x128xf32, #tpu.memory_space<vmem>>)
    %add3A_112 = arith.constant 2560 : i32
    %add3A_113 = arith.addi %mul3A_2, %add3A_112 : i32
    "tpu.region"() ({
      %run_scoped3A = tpu.sem_alloc : memref<!tpu.dma_semaphore, #tpu.memory_space<semaphore_mem>>
      %dma_start3A_319 = arith.constant 0 : i32
      %dma_start3A_320 = tpu.memref_slice %arg4[%add3A_113, %dma_start3A_319] : memref<262144x128xf32, #tpu.memory_space<hbm>> -> memref<256x128xf32, #tpu.memory_space<hbm>>
      %dma_start3A_321 = arith.constant 0 : i32
      %dma_start3A_322 = tpu.memref_slice %arg4[%add3A_113, %dma_start3A_321] : memref<262144x128xf32, #tpu.memory_space<hbm>> -> memref<256x128xf32, #tpu.memory_space<hbm>>
      tpu.enqueue_dma source(%arg7 : memref<256x128xf32, #tpu.memory_space<vmem>>) target(%dma_start3A_322 : memref<256x128xf32, #tpu.memory_space<hbm>>) target_semaphore(%run_scoped3A : memref<!tpu.dma_semaphore, #tpu.memory_space<semaphore_mem>>)
      %dma_wait3A_323 = arith.constant 0 : i32
      %dma_wait3A_324 = tpu.memref_slice %arg4[%add3A_113, %dma_wait3A_323] : memref<262144x128xf32, #tpu.memory_space<hbm>> -> memref<256x128xf32, #tpu.memory_space<hbm>>
      %dma_wait3A_325 = arith.constant 0 : i32
      %dma_wait3A_326 = tpu.memref_slice %arg4[%add3A_113, %dma_wait3A_325] : memref<262144x128xf32, #tpu.memory_space<hbm>> -> memref<256x128xf32, #tpu.memory_space<hbm>>
      tpu.wait_dma2 semaphore(%run_scoped3A : memref<!tpu.dma_semaphore, #tpu.memory_space<semaphore_mem>>) src(%arg7 : memref<256x128xf32, #tpu.memory_space<vmem>>) dst(%dma_wait3A_326 : memref<256x128xf32, #tpu.memory_space<hbm>>)
      tpu.yield
    }) : () -> ()
    %add3A_114 = arith.constant 3072 : i32
    %add3A_115 = arith.addi %mul3A_2, %add3A_114 : i32
    "tpu.region"() ({
      %run_scoped3A = tpu.sem_alloc : memref<!tpu.dma_semaphore, #tpu.memory_space<semaphore_mem>>
      %dma_start3A_319 = tpu.memref_slice %arg3[%add3A_115] : memref<262144xi32, #tpu.memory_space<hbm>> -> memref<256xi32, #tpu.memory_space<hbm>>
      %dma_start3A_320 = tpu.memref_slice %arg3[%add3A_115] : memref<262144xi32, #tpu.memory_space<hbm>> -> memref<256xi32, #tpu.memory_space<hbm>>
      tpu.enqueue_dma source(%dma_start3A_320 : memref<256xi32, #tpu.memory_space<hbm>>) target(%arg5 : memref<256xi32, #tpu.memory_space<vmem>>) target_semaphore(%run_scoped3A : memref<!tpu.dma_semaphore, #tpu.memory_space<semaphore_mem>>)
      %dma_wait3A_321 = tpu.memref_slice %arg3[%add3A_115] : memref<262144xi32, #tpu.memory_space<hbm>> -> memref<256xi32, #tpu.memory_space<hbm>>
      %dma_wait3A_322 = tpu.memref_slice %arg3[%add3A_115] : memref<262144xi32, #tpu.memory_space<hbm>> -> memref<256xi32, #tpu.memory_space<hbm>>
      tpu.wait_dma2 semaphore(%run_scoped3A : memref<!tpu.dma_semaphore, #tpu.memory_space<semaphore_mem>>) src(%dma_wait3A_322 : memref<256xi32, #tpu.memory_space<hbm>>) dst(%arg5 : memref<256xi32, #tpu.memory_space<vmem>>)
      tpu.yield
    }) : () -> ()
    %dma_start3A_116 = arith.constant 0 : i32
    %dma_start3A_117 = arith.constant 0 : i32
    %dma_start3A_118 = tpu.memref_slice %arg2[%dma_start3A_116, %dma_start3A_117] : memref<16384x128xf32, #tpu.memory_space<hbm>> -> memref<16384x128xf32, #tpu.memory_space<hbm>>
    tpu.enqueue_indirect_dma source(%dma_start3A_118 : memref<16384x128xf32, #tpu.memory_space<hbm>>) target(%arg7 : memref<256x128xf32, #tpu.memory_space<vmem>>) offsets(%arg5 : memref<256xi32, #tpu.memory_space<vmem>>) semaphore(%arg9 : memref<!tpu.dma_semaphore, #tpu.memory_space<semaphore_mem>>)
    %dma_wait3A_119 = arith.constant 0 : i32
    %dma_wait3A_120 = arith.constant 0 : i32
    %dma_wait3A_121 = tpu.memref_slice %arg2[%dma_wait3A_119, %dma_wait3A_120] : memref<16384x128xf32, #tpu.memory_space<hbm>> -> memref<16384x128xf32, #tpu.memory_space<hbm>>
    tpu.wait_indirect_dma semaphore(%arg10 : memref<!tpu.dma_semaphore, #tpu.memory_space<semaphore_mem>>) src(%dma_wait3A_121 : memref<16384x128xf32, #tpu.memory_space<hbm>>) dst(%arg8 : memref<256x128xf32, #tpu.memory_space<vmem>>)
    %add3A_122 = arith.constant 2816 : i32
    %add3A_123 = arith.addi %mul3A_2, %add3A_122 : i32
    "tpu.region"() ({
      %run_scoped3A = tpu.sem_alloc : memref<!tpu.dma_semaphore, #tpu.memory_space<semaphore_mem>>
      %dma_start3A_319 = arith.constant 0 : i32
      %dma_start3A_320 = tpu.memref_slice %arg4[%add3A_123, %dma_start3A_319] : memref<262144x128xf32, #tpu.memory_space<hbm>> -> memref<256x128xf32, #tpu.memory_space<hbm>>
      %dma_start3A_321 = arith.constant 0 : i32
      %dma_start3A_322 = tpu.memref_slice %arg4[%add3A_123, %dma_start3A_321] : memref<262144x128xf32, #tpu.memory_space<hbm>> -> memref<256x128xf32, #tpu.memory_space<hbm>>
      tpu.enqueue_dma source(%arg8 : memref<256x128xf32, #tpu.memory_space<vmem>>) target(%dma_start3A_322 : memref<256x128xf32, #tpu.memory_space<hbm>>) target_semaphore(%run_scoped3A : memref<!tpu.dma_semaphore, #tpu.memory_space<semaphore_mem>>)
      %dma_wait3A_323 = arith.constant 0 : i32
      %dma_wait3A_324 = tpu.memref_slice %arg4[%add3A_123, %dma_wait3A_323] : memref<262144x128xf32, #tpu.memory_space<hbm>> -> memref<256x128xf32, #tpu.memory_space<hbm>>
      %dma_wait3A_325 = arith.constant 0 : i32
      %dma_wait3A_326 = tpu.memref_slice %arg4[%add3A_123, %dma_wait3A_325] : memref<262144x128xf32, #tpu.memory_space<hbm>> -> memref<256x128xf32, #tpu.memory_space<hbm>>
      tpu.wait_dma2 semaphore(%run_scoped3A : memref<!tpu.dma_semaphore, #tpu.memory_space<semaphore_mem>>) src(%arg8 : memref<256x128xf32, #tpu.memory_space<vmem>>) dst(%dma_wait3A_326 : memref<256x128xf32, #tpu.memory_space<hbm>>)
      tpu.yield
    }) : () -> ()
    %add3A_124 = arith.constant 3328 : i32
    %add3A_125 = arith.addi %mul3A_2, %add3A_124 : i32
    "tpu.region"() ({
      %run_scoped3A = tpu.sem_alloc : memref<!tpu.dma_semaphore, #tpu.memory_space<semaphore_mem>>
      %dma_start3A_319 = tpu.memref_slice %arg3[%add3A_125] : memref<262144xi32, #tpu.memory_space<hbm>> -> memref<256xi32, #tpu.memory_space<hbm>>
      %dma_start3A_320 = tpu.memref_slice %arg3[%add3A_125] : memref<262144xi32, #tpu.memory_space<hbm>> -> memref<256xi32, #tpu.memory_space<hbm>>
      tpu.enqueue_dma source(%dma_start3A_320 : memref<256xi32, #tpu.memory_space<hbm>>) target(%arg6 : memref<256xi32, #tpu.memory_space<vmem>>) target_semaphore(%run_scoped3A : memref<!tpu.dma_semaphore, #tpu.memory_space<semaphore_mem>>)
      %dma_wait3A_321 = tpu.memref_slice %arg3[%add3A_125] : memref<262144xi32, #tpu.memory_space<hbm>> -> memref<256xi32, #tpu.memory_space<hbm>>
      %dma_wait3A_322 = tpu.memref_slice %arg3[%add3A_125] : memref<262144xi32, #tpu.memory_space<hbm>> -> memref<256xi32, #tpu.memory_space<hbm>>
      tpu.wait_dma2 semaphore(%run_scoped3A : memref<!tpu.dma_semaphore, #tpu.memory_space<semaphore_mem>>) src(%dma_wait3A_322 : memref<256xi32, #tpu.memory_space<hbm>>) dst(%arg6 : memref<256xi32, #tpu.memory_space<vmem>>)
      tpu.yield
    }) : () -> ()
    %dma_start3A_126 = arith.constant 0 : i32
    %dma_start3A_127 = arith.constant 0 : i32
    %dma_start3A_128 = tpu.memref_slice %arg2[%dma_start3A_126, %dma_start3A_127] : memref<16384x128xf32, #tpu.memory_space<hbm>> -> memref<16384x128xf32, #tpu.memory_space<hbm>>
    tpu.enqueue_indirect_dma source(%dma_start3A_128 : memref<16384x128xf32, #tpu.memory_space<hbm>>) target(%arg8 : memref<256x128xf32, #tpu.memory_space<vmem>>) offsets(%arg6 : memref<256xi32, #tpu.memory_space<vmem>>) semaphore(%arg10 : memref<!tpu.dma_semaphore, #tpu.memory_space<semaphore_mem>>)
    %dma_wait3A_129 = arith.constant 0 : i32
    %dma_wait3A_130 = arith.constant 0 : i32
    %dma_wait3A_131 = tpu.memref_slice %arg2[%dma_wait3A_129, %dma_wait3A_130] : memref<16384x128xf32, #tpu.memory_space<hbm>> -> memref<16384x128xf32, #tpu.memory_space<hbm>>
    tpu.wait_indirect_dma semaphore(%arg9 : memref<!tpu.dma_semaphore, #tpu.memory_space<semaphore_mem>>) src(%dma_wait3A_131 : memref<16384x128xf32, #tpu.memory_space<hbm>>) dst(%arg7 : memref<256x128xf32, #tpu.memory_space<vmem>>)
    %add3A_132 = arith.constant 3072 : i32
    %add3A_133 = arith.addi %mul3A_2, %add3A_132 : i32
    "tpu.region"() ({
      %run_scoped3A = tpu.sem_alloc : memref<!tpu.dma_semaphore, #tpu.memory_space<semaphore_mem>>
      %dma_start3A_319 = arith.constant 0 : i32
      %dma_start3A_320 = tpu.memref_slice %arg4[%add3A_133, %dma_start3A_319] : memref<262144x128xf32, #tpu.memory_space<hbm>> -> memref<256x128xf32, #tpu.memory_space<hbm>>
      %dma_start3A_321 = arith.constant 0 : i32
      %dma_start3A_322 = tpu.memref_slice %arg4[%add3A_133, %dma_start3A_321] : memref<262144x128xf32, #tpu.memory_space<hbm>> -> memref<256x128xf32, #tpu.memory_space<hbm>>
      tpu.enqueue_dma source(%arg7 : memref<256x128xf32, #tpu.memory_space<vmem>>) target(%dma_start3A_322 : memref<256x128xf32, #tpu.memory_space<hbm>>) target_semaphore(%run_scoped3A : memref<!tpu.dma_semaphore, #tpu.memory_space<semaphore_mem>>)
      %dma_wait3A_323 = arith.constant 0 : i32
      %dma_wait3A_324 = tpu.memref_slice %arg4[%add3A_133, %dma_wait3A_323] : memref<262144x128xf32, #tpu.memory_space<hbm>> -> memref<256x128xf32, #tpu.memory_space<hbm>>
      %dma_wait3A_325 = arith.constant 0 : i32
      %dma_wait3A_326 = tpu.memref_slice %arg4[%add3A_133, %dma_wait3A_325] : memref<262144x128xf32, #tpu.memory_space<hbm>> -> memref<256x128xf32, #tpu.memory_space<hbm>>
      tpu.wait_dma2 semaphore(%run_scoped3A : memref<!tpu.dma_semaphore, #tpu.memory_space<semaphore_mem>>) src(%arg7 : memref<256x128xf32, #tpu.memory_space<vmem>>) dst(%dma_wait3A_326 : memref<256x128xf32, #tpu.memory_space<hbm>>)
      tpu.yield
    }) : () -> ()
    %add3A_134 = arith.constant 3584 : i32
    %add3A_135 = arith.addi %mul3A_2, %add3A_134 : i32
    "tpu.region"() ({
      %run_scoped3A = tpu.sem_alloc : memref<!tpu.dma_semaphore, #tpu.memory_space<semaphore_mem>>
      %dma_start3A_319 = tpu.memref_slice %arg3[%add3A_135] : memref<262144xi32, #tpu.memory_space<hbm>> -> memref<256xi32, #tpu.memory_space<hbm>>
      %dma_start3A_320 = tpu.memref_slice %arg3[%add3A_135] : memref<262144xi32, #tpu.memory_space<hbm>> -> memref<256xi32, #tpu.memory_space<hbm>>
      tpu.enqueue_dma source(%dma_start3A_320 : memref<256xi32, #tpu.memory_space<hbm>>) target(%arg5 : memref<256xi32, #tpu.memory_space<vmem>>) target_semaphore(%run_scoped3A : memref<!tpu.dma_semaphore, #tpu.memory_space<semaphore_mem>>)
      %dma_wait3A_321 = tpu.memref_slice %arg3[%add3A_135] : memref<262144xi32, #tpu.memory_space<hbm>> -> memref<256xi32, #tpu.memory_space<hbm>>
      %dma_wait3A_322 = tpu.memref_slice %arg3[%add3A_135] : memref<262144xi32, #tpu.memory_space<hbm>> -> memref<256xi32, #tpu.memory_space<hbm>>
      tpu.wait_dma2 semaphore(%run_scoped3A : memref<!tpu.dma_semaphore, #tpu.memory_space<semaphore_mem>>) src(%dma_wait3A_322 : memref<256xi32, #tpu.memory_space<hbm>>) dst(%arg5 : memref<256xi32, #tpu.memory_space<vmem>>)
      tpu.yield
    }) : () -> ()
    %dma_start3A_136 = arith.constant 0 : i32
    %dma_start3A_137 = arith.constant 0 : i32
    %dma_start3A_138 = tpu.memref_slice %arg2[%dma_start3A_136, %dma_start3A_137] : memref<16384x128xf32, #tpu.memory_space<hbm>> -> memref<16384x128xf32, #tpu.memory_space<hbm>>
    tpu.enqueue_indirect_dma source(%dma_start3A_138 : memref<16384x128xf32, #tpu.memory_space<hbm>>) target(%arg7 : memref<256x128xf32, #tpu.memory_space<vmem>>) offsets(%arg5 : memref<256xi32, #tpu.memory_space<vmem>>) semaphore(%arg9 : memref<!tpu.dma_semaphore, #tpu.memory_space<semaphore_mem>>)
    %dma_wait3A_139 = arith.constant 0 : i32
    %dma_wait3A_140 = arith.constant 0 : i32
    %dma_wait3A_141 = tpu.memref_slice %arg2[%dma_wait3A_139, %dma_wait3A_140] : memref<16384x128xf32, #tpu.memory_space<hbm>> -> memref<16384x128xf32, #tpu.memory_space<hbm>>
    tpu.wait_indirect_dma semaphore(%arg10 : memref<!tpu.dma_semaphore, #tpu.memory_space<semaphore_mem>>) src(%dma_wait3A_141 : memref<16384x128xf32, #tpu.memory_space<hbm>>) dst(%arg8 : memref<256x128xf32, #tpu.memory_space<vmem>>)
    %add3A_142 = arith.constant 3328 : i32
    %add3A_143 = arith.addi %mul3A_2, %add3A_142 : i32
    "tpu.region"() ({
      %run_scoped3A = tpu.sem_alloc : memref<!tpu.dma_semaphore, #tpu.memory_space<semaphore_mem>>
      %dma_start3A_319 = arith.constant 0 : i32
      %dma_start3A_320 = tpu.memref_slice %arg4[%add3A_143, %dma_start3A_319] : memref<262144x128xf32, #tpu.memory_space<hbm>> -> memref<256x128xf32, #tpu.memory_space<hbm>>
      %dma_start3A_321 = arith.constant 0 : i32
      %dma_start3A_322 = tpu.memref_slice %arg4[%add3A_143, %dma_start3A_321] : memref<262144x128xf32, #tpu.memory_space<hbm>> -> memref<256x128xf32, #tpu.memory_space<hbm>>
      tpu.enqueue_dma source(%arg8 : memref<256x128xf32, #tpu.memory_space<vmem>>) target(%dma_start3A_322 : memref<256x128xf32, #tpu.memory_space<hbm>>) target_semaphore(%run_scoped3A : memref<!tpu.dma_semaphore, #tpu.memory_space<semaphore_mem>>)
      %dma_wait3A_323 = arith.constant 0 : i32
      %dma_wait3A_324 = tpu.memref_slice %arg4[%add3A_143, %dma_wait3A_323] : memref<262144x128xf32, #tpu.memory_space<hbm>> -> memref<256x128xf32, #tpu.memory_space<hbm>>
      %dma_wait3A_325 = arith.constant 0 : i32
      %dma_wait3A_326 = tpu.memref_slice %arg4[%add3A_143, %dma_wait3A_325] : memref<262144x128xf32, #tpu.memory_space<hbm>> -> memref<256x128xf32, #tpu.memory_space<hbm>>
      tpu.wait_dma2 semaphore(%run_scoped3A : memref<!tpu.dma_semaphore, #tpu.memory_space<semaphore_mem>>) src(%arg8 : memref<256x128xf32, #tpu.memory_space<vmem>>) dst(%dma_wait3A_326 : memref<256x128xf32, #tpu.memory_space<hbm>>)
      tpu.yield
    }) : () -> ()
    %add3A_144 = arith.constant 3840 : i32
    %add3A_145 = arith.addi %mul3A_2, %add3A_144 : i32
    "tpu.region"() ({
      %run_scoped3A = tpu.sem_alloc : memref<!tpu.dma_semaphore, #tpu.memory_space<semaphore_mem>>
      %dma_start3A_319 = tpu.memref_slice %arg3[%add3A_145] : memref<262144xi32, #tpu.memory_space<hbm>> -> memref<256xi32, #tpu.memory_space<hbm>>
      %dma_start3A_320 = tpu.memref_slice %arg3[%add3A_145] : memref<262144xi32, #tpu.memory_space<hbm>> -> memref<256xi32, #tpu.memory_space<hbm>>
      tpu.enqueue_dma source(%dma_start3A_320 : memref<256xi32, #tpu.memory_space<hbm>>) target(%arg6 : memref<256xi32, #tpu.memory_space<vmem>>) target_semaphore(%run_scoped3A : memref<!tpu.dma_semaphore, #tpu.memory_space<semaphore_mem>>)
      %dma_wait3A_321 = tpu.memref_slice %arg3[%add3A_145] : memref<262144xi32, #tpu.memory_space<hbm>> -> memref<256xi32, #tpu.memory_space<hbm>>
      %dma_wait3A_322 = tpu.memref_slice %arg3[%add3A_145] : memref<262144xi32, #tpu.memory_space<hbm>> -> memref<256xi32, #tpu.memory_space<hbm>>
      tpu.wait_dma2 semaphore(%run_scoped3A : memref<!tpu.dma_semaphore, #tpu.memory_space<semaphore_mem>>) src(%dma_wait3A_322 : memref<256xi32, #tpu.memory_space<hbm>>) dst(%arg6 : memref<256xi32, #tpu.memory_space<vmem>>)
      tpu.yield
    }) : () -> ()
    %dma_start3A_146 = arith.constant 0 : i32
    %dma_start3A_147 = arith.constant 0 : i32
    %dma_start3A_148 = tpu.memref_slice %arg2[%dma_start3A_146, %dma_start3A_147] : memref<16384x128xf32, #tpu.memory_space<hbm>> -> memref<16384x128xf32, #tpu.memory_space<hbm>>
    tpu.enqueue_indirect_dma source(%dma_start3A_148 : memref<16384x128xf32, #tpu.memory_space<hbm>>) target(%arg8 : memref<256x128xf32, #tpu.memory_space<vmem>>) offsets(%arg6 : memref<256xi32, #tpu.memory_space<vmem>>) semaphore(%arg10 : memref<!tpu.dma_semaphore, #tpu.memory_space<semaphore_mem>>)
    %dma_wait3A_149 = arith.constant 0 : i32
    %dma_wait3A_150 = arith.constant 0 : i32
    %dma_wait3A_151 = tpu.memref_slice %arg2[%dma_wait3A_149, %dma_wait3A_150] : memref<16384x128xf32, #tpu.memory_space<hbm>> -> memref<16384x128xf32, #tpu.memory_space<hbm>>
    tpu.wait_indirect_dma semaphore(%arg9 : memref<!tpu.dma_semaphore, #tpu.memory_space<semaphore_mem>>) src(%dma_wait3A_151 : memref<16384x128xf32, #tpu.memory_space<hbm>>) dst(%arg7 : memref<256x128xf32, #tpu.memory_space<vmem>>)
    %add3A_152 = arith.constant 3584 : i32
    %add3A_153 = arith.addi %mul3A_2, %add3A_152 : i32
    "tpu.region"() ({
      %run_scoped3A = tpu.sem_alloc : memref<!tpu.dma_semaphore, #tpu.memory_space<semaphore_mem>>
      %dma_start3A_319 = arith.constant 0 : i32
      %dma_start3A_320 = tpu.memref_slice %arg4[%add3A_153, %dma_start3A_319] : memref<262144x128xf32, #tpu.memory_space<hbm>> -> memref<256x128xf32, #tpu.memory_space<hbm>>
      %dma_start3A_321 = arith.constant 0 : i32
      %dma_start3A_322 = tpu.memref_slice %arg4[%add3A_153, %dma_start3A_321] : memref<262144x128xf32, #tpu.memory_space<hbm>> -> memref<256x128xf32, #tpu.memory_space<hbm>>
      tpu.enqueue_dma source(%arg7 : memref<256x128xf32, #tpu.memory_space<vmem>>) target(%dma_start3A_322 : memref<256x128xf32, #tpu.memory_space<hbm>>) target_semaphore(%run_scoped3A : memref<!tpu.dma_semaphore, #tpu.memory_space<semaphore_mem>>)
      %dma_wait3A_323 = arith.constant 0 : i32
      %dma_wait3A_324 = tpu.memref_slice %arg4[%add3A_153, %dma_wait3A_323] : memref<262144x128xf32, #tpu.memory_space<hbm>> -> memref<256x128xf32, #tpu.memory_space<hbm>>
      %dma_wait3A_325 = arith.constant 0 : i32
      %dma_wait3A_326 = tpu.memref_slice %arg4[%add3A_153, %dma_wait3A_325] : memref<262144x128xf32, #tpu.memory_space<hbm>> -> memref<256x128xf32, #tpu.memory_space<hbm>>
      tpu.wait_dma2 semaphore(%run_scoped3A : memref<!tpu.dma_semaphore, #tpu.memory_space<semaphore_mem>>) src(%arg7 : memref<256x128xf32, #tpu.memory_space<vmem>>) dst(%dma_wait3A_326 : memref<256x128xf32, #tpu.memory_space<hbm>>)
      tpu.yield
    }) : () -> ()
    %add3A_154 = arith.constant 4096 : i32
    %add3A_155 = arith.addi %mul3A_2, %add3A_154 : i32
    "tpu.region"() ({
      %run_scoped3A = tpu.sem_alloc : memref<!tpu.dma_semaphore, #tpu.memory_space<semaphore_mem>>
      %dma_start3A_319 = tpu.memref_slice %arg3[%add3A_155] : memref<262144xi32, #tpu.memory_space<hbm>> -> memref<256xi32, #tpu.memory_space<hbm>>
      %dma_start3A_320 = tpu.memref_slice %arg3[%add3A_155] : memref<262144xi32, #tpu.memory_space<hbm>> -> memref<256xi32, #tpu.memory_space<hbm>>
      tpu.enqueue_dma source(%dma_start3A_320 : memref<256xi32, #tpu.memory_space<hbm>>) target(%arg5 : memref<256xi32, #tpu.memory_space<vmem>>) target_semaphore(%run_scoped3A : memref<!tpu.dma_semaphore, #tpu.memory_space<semaphore_mem>>)
      %dma_wait3A_321 = tpu.memref_slice %arg3[%add3A_155] : memref<262144xi32, #tpu.memory_space<hbm>> -> memref<256xi32, #tpu.memory_space<hbm>>
      %dma_wait3A_322 = tpu.memref_slice %arg3[%add3A_155] : memref<262144xi32, #tpu.memory_space<hbm>> -> memref<256xi32, #tpu.memory_space<hbm>>
      tpu.wait_dma2 semaphore(%run_scoped3A : memref<!tpu.dma_semaphore, #tpu.memory_space<semaphore_mem>>) src(%dma_wait3A_322 : memref<256xi32, #tpu.memory_space<hbm>>) dst(%arg5 : memref<256xi32, #tpu.memory_space<vmem>>)
      tpu.yield
    }) : () -> ()
    %dma_start3A_156 = arith.constant 0 : i32
    %dma_start3A_157 = arith.constant 0 : i32
    %dma_start3A_158 = tpu.memref_slice %arg2[%dma_start3A_156, %dma_start3A_157] : memref<16384x128xf32, #tpu.memory_space<hbm>> -> memref<16384x128xf32, #tpu.memory_space<hbm>>
    tpu.enqueue_indirect_dma source(%dma_start3A_158 : memref<16384x128xf32, #tpu.memory_space<hbm>>) target(%arg7 : memref<256x128xf32, #tpu.memory_space<vmem>>) offsets(%arg5 : memref<256xi32, #tpu.memory_space<vmem>>) semaphore(%arg9 : memref<!tpu.dma_semaphore, #tpu.memory_space<semaphore_mem>>)
    %dma_wait3A_159 = arith.constant 0 : i32
    %dma_wait3A_160 = arith.constant 0 : i32
    %dma_wait3A_161 = tpu.memref_slice %arg2[%dma_wait3A_159, %dma_wait3A_160] : memref<16384x128xf32, #tpu.memory_space<hbm>> -> memref<16384x128xf32, #tpu.memory_space<hbm>>
    tpu.wait_indirect_dma semaphore(%arg10 : memref<!tpu.dma_semaphore, #tpu.memory_space<semaphore_mem>>) src(%dma_wait3A_161 : memref<16384x128xf32, #tpu.memory_space<hbm>>) dst(%arg8 : memref<256x128xf32, #tpu.memory_space<vmem>>)
    %add3A_162 = arith.constant 3840 : i32
    %add3A_163 = arith.addi %mul3A_2, %add3A_162 : i32
    "tpu.region"() ({
      %run_scoped3A = tpu.sem_alloc : memref<!tpu.dma_semaphore, #tpu.memory_space<semaphore_mem>>
      %dma_start3A_319 = arith.constant 0 : i32
      %dma_start3A_320 = tpu.memref_slice %arg4[%add3A_163, %dma_start3A_319] : memref<262144x128xf32, #tpu.memory_space<hbm>> -> memref<256x128xf32, #tpu.memory_space<hbm>>
      %dma_start3A_321 = arith.constant 0 : i32
      %dma_start3A_322 = tpu.memref_slice %arg4[%add3A_163, %dma_start3A_321] : memref<262144x128xf32, #tpu.memory_space<hbm>> -> memref<256x128xf32, #tpu.memory_space<hbm>>
      tpu.enqueue_dma source(%arg8 : memref<256x128xf32, #tpu.memory_space<vmem>>) target(%dma_start3A_322 : memref<256x128xf32, #tpu.memory_space<hbm>>) target_semaphore(%run_scoped3A : memref<!tpu.dma_semaphore, #tpu.memory_space<semaphore_mem>>)
      %dma_wait3A_323 = arith.constant 0 : i32
      %dma_wait3A_324 = tpu.memref_slice %arg4[%add3A_163, %dma_wait3A_323] : memref<262144x128xf32, #tpu.memory_space<hbm>> -> memref<256x128xf32, #tpu.memory_space<hbm>>
      %dma_wait3A_325 = arith.constant 0 : i32
      %dma_wait3A_326 = tpu.memref_slice %arg4[%add3A_163, %dma_wait3A_325] : memref<262144x128xf32, #tpu.memory_space<hbm>> -> memref<256x128xf32, #tpu.memory_space<hbm>>
      tpu.wait_dma2 semaphore(%run_scoped3A : memref<!tpu.dma_semaphore, #tpu.memory_space<semaphore_mem>>) src(%arg8 : memref<256x128xf32, #tpu.memory_space<vmem>>) dst(%dma_wait3A_326 : memref<256x128xf32, #tpu.memory_space<hbm>>)
      tpu.yield
    }) : () -> ()
    %add3A_164 = arith.constant 4352 : i32
    %add3A_165 = arith.addi %mul3A_2, %add3A_164 : i32
    "tpu.region"() ({
      %run_scoped3A = tpu.sem_alloc : memref<!tpu.dma_semaphore, #tpu.memory_space<semaphore_mem>>
      %dma_start3A_319 = tpu.memref_slice %arg3[%add3A_165] : memref<262144xi32, #tpu.memory_space<hbm>> -> memref<256xi32, #tpu.memory_space<hbm>>
      %dma_start3A_320 = tpu.memref_slice %arg3[%add3A_165] : memref<262144xi32, #tpu.memory_space<hbm>> -> memref<256xi32, #tpu.memory_space<hbm>>
      tpu.enqueue_dma source(%dma_start3A_320 : memref<256xi32, #tpu.memory_space<hbm>>) target(%arg6 : memref<256xi32, #tpu.memory_space<vmem>>) target_semaphore(%run_scoped3A : memref<!tpu.dma_semaphore, #tpu.memory_space<semaphore_mem>>)
      %dma_wait3A_321 = tpu.memref_slice %arg3[%add3A_165] : memref<262144xi32, #tpu.memory_space<hbm>> -> memref<256xi32, #tpu.memory_space<hbm>>
      %dma_wait3A_322 = tpu.memref_slice %arg3[%add3A_165] : memref<262144xi32, #tpu.memory_space<hbm>> -> memref<256xi32, #tpu.memory_space<hbm>>
      tpu.wait_dma2 semaphore(%run_scoped3A : memref<!tpu.dma_semaphore, #tpu.memory_space<semaphore_mem>>) src(%dma_wait3A_322 : memref<256xi32, #tpu.memory_space<hbm>>) dst(%arg6 : memref<256xi32, #tpu.memory_space<vmem>>)
      tpu.yield
    }) : () -> ()
    %dma_start3A_166 = arith.constant 0 : i32
    %dma_start3A_167 = arith.constant 0 : i32
    %dma_start3A_168 = tpu.memref_slice %arg2[%dma_start3A_166, %dma_start3A_167] : memref<16384x128xf32, #tpu.memory_space<hbm>> -> memref<16384x128xf32, #tpu.memory_space<hbm>>
    tpu.enqueue_indirect_dma source(%dma_start3A_168 : memref<16384x128xf32, #tpu.memory_space<hbm>>) target(%arg8 : memref<256x128xf32, #tpu.memory_space<vmem>>) offsets(%arg6 : memref<256xi32, #tpu.memory_space<vmem>>) semaphore(%arg10 : memref<!tpu.dma_semaphore, #tpu.memory_space<semaphore_mem>>)
    %dma_wait3A_169 = arith.constant 0 : i32
    %dma_wait3A_170 = arith.constant 0 : i32
    %dma_wait3A_171 = tpu.memref_slice %arg2[%dma_wait3A_169, %dma_wait3A_170] : memref<16384x128xf32, #tpu.memory_space<hbm>> -> memref<16384x128xf32, #tpu.memory_space<hbm>>
    tpu.wait_indirect_dma semaphore(%arg9 : memref<!tpu.dma_semaphore, #tpu.memory_space<semaphore_mem>>) src(%dma_wait3A_171 : memref<16384x128xf32, #tpu.memory_space<hbm>>) dst(%arg7 : memref<256x128xf32, #tpu.memory_space<vmem>>)
    %add3A_172 = arith.constant 4096 : i32
    %add3A_173 = arith.addi %mul3A_2, %add3A_172 : i32
    "tpu.region"() ({
      %run_scoped3A = tpu.sem_alloc : memref<!tpu.dma_semaphore, #tpu.memory_space<semaphore_mem>>
      %dma_start3A_319 = arith.constant 0 : i32
      %dma_start3A_320 = tpu.memref_slice %arg4[%add3A_173, %dma_start3A_319] : memref<262144x128xf32, #tpu.memory_space<hbm>> -> memref<256x128xf32, #tpu.memory_space<hbm>>
      %dma_start3A_321 = arith.constant 0 : i32
      %dma_start3A_322 = tpu.memref_slice %arg4[%add3A_173, %dma_start3A_321] : memref<262144x128xf32, #tpu.memory_space<hbm>> -> memref<256x128xf32, #tpu.memory_space<hbm>>
      tpu.enqueue_dma source(%arg7 : memref<256x128xf32, #tpu.memory_space<vmem>>) target(%dma_start3A_322 : memref<256x128xf32, #tpu.memory_space<hbm>>) target_semaphore(%run_scoped3A : memref<!tpu.dma_semaphore, #tpu.memory_space<semaphore_mem>>)
      %dma_wait3A_323 = arith.constant 0 : i32
      %dma_wait3A_324 = tpu.memref_slice %arg4[%add3A_173, %dma_wait3A_323] : memref<262144x128xf32, #tpu.memory_space<hbm>> -> memref<256x128xf32, #tpu.memory_space<hbm>>
      %dma_wait3A_325 = arith.constant 0 : i32
      %dma_wait3A_326 = tpu.memref_slice %arg4[%add3A_173, %dma_wait3A_325] : memref<262144x128xf32, #tpu.memory_space<hbm>> -> memref<256x128xf32, #tpu.memory_space<hbm>>
      tpu.wait_dma2 semaphore(%run_scoped3A : memref<!tpu.dma_semaphore, #tpu.memory_space<semaphore_mem>>) src(%arg7 : memref<256x128xf32, #tpu.memory_space<vmem>>) dst(%dma_wait3A_326 : memref<256x128xf32, #tpu.memory_space<hbm>>)
      tpu.yield
    }) : () -> ()
    %add3A_174 = arith.constant 4608 : i32
    %add3A_175 = arith.addi %mul3A_2, %add3A_174 : i32
    "tpu.region"() ({
      %run_scoped3A = tpu.sem_alloc : memref<!tpu.dma_semaphore, #tpu.memory_space<semaphore_mem>>
      %dma_start3A_319 = tpu.memref_slice %arg3[%add3A_175] : memref<262144xi32, #tpu.memory_space<hbm>> -> memref<256xi32, #tpu.memory_space<hbm>>
      %dma_start3A_320 = tpu.memref_slice %arg3[%add3A_175] : memref<262144xi32, #tpu.memory_space<hbm>> -> memref<256xi32, #tpu.memory_space<hbm>>
      tpu.enqueue_dma source(%dma_start3A_320 : memref<256xi32, #tpu.memory_space<hbm>>) target(%arg5 : memref<256xi32, #tpu.memory_space<vmem>>) target_semaphore(%run_scoped3A : memref<!tpu.dma_semaphore, #tpu.memory_space<semaphore_mem>>)
      %dma_wait3A_321 = tpu.memref_slice %arg3[%add3A_175] : memref<262144xi32, #tpu.memory_space<hbm>> -> memref<256xi32, #tpu.memory_space<hbm>>
      %dma_wait3A_322 = tpu.memref_slice %arg3[%add3A_175] : memref<262144xi32, #tpu.memory_space<hbm>> -> memref<256xi32, #tpu.memory_space<hbm>>
      tpu.wait_dma2 semaphore(%run_scoped3A : memref<!tpu.dma_semaphore, #tpu.memory_space<semaphore_mem>>) src(%dma_wait3A_322 : memref<256xi32, #tpu.memory_space<hbm>>) dst(%arg5 : memref<256xi32, #tpu.memory_space<vmem>>)
      tpu.yield
    }) : () -> ()
    %dma_start3A_176 = arith.constant 0 : i32
    %dma_start3A_177 = arith.constant 0 : i32
    %dma_start3A_178 = tpu.memref_slice %arg2[%dma_start3A_176, %dma_start3A_177] : memref<16384x128xf32, #tpu.memory_space<hbm>> -> memref<16384x128xf32, #tpu.memory_space<hbm>>
    tpu.enqueue_indirect_dma source(%dma_start3A_178 : memref<16384x128xf32, #tpu.memory_space<hbm>>) target(%arg7 : memref<256x128xf32, #tpu.memory_space<vmem>>) offsets(%arg5 : memref<256xi32, #tpu.memory_space<vmem>>) semaphore(%arg9 : memref<!tpu.dma_semaphore, #tpu.memory_space<semaphore_mem>>)
    %dma_wait3A_179 = arith.constant 0 : i32
    %dma_wait3A_180 = arith.constant 0 : i32
    %dma_wait3A_181 = tpu.memref_slice %arg2[%dma_wait3A_179, %dma_wait3A_180] : memref<16384x128xf32, #tpu.memory_space<hbm>> -> memref<16384x128xf32, #tpu.memory_space<hbm>>
    tpu.wait_indirect_dma semaphore(%arg10 : memref<!tpu.dma_semaphore, #tpu.memory_space<semaphore_mem>>) src(%dma_wait3A_181 : memref<16384x128xf32, #tpu.memory_space<hbm>>) dst(%arg8 : memref<256x128xf32, #tpu.memory_space<vmem>>)
    %add3A_182 = arith.constant 4352 : i32
    %add3A_183 = arith.addi %mul3A_2, %add3A_182 : i32
    "tpu.region"() ({
      %run_scoped3A = tpu.sem_alloc : memref<!tpu.dma_semaphore, #tpu.memory_space<semaphore_mem>>
      %dma_start3A_319 = arith.constant 0 : i32
      %dma_start3A_320 = tpu.memref_slice %arg4[%add3A_183, %dma_start3A_319] : memref<262144x128xf32, #tpu.memory_space<hbm>> -> memref<256x128xf32, #tpu.memory_space<hbm>>
      %dma_start3A_321 = arith.constant 0 : i32
      %dma_start3A_322 = tpu.memref_slice %arg4[%add3A_183, %dma_start3A_321] : memref<262144x128xf32, #tpu.memory_space<hbm>> -> memref<256x128xf32, #tpu.memory_space<hbm>>
      tpu.enqueue_dma source(%arg8 : memref<256x128xf32, #tpu.memory_space<vmem>>) target(%dma_start3A_322 : memref<256x128xf32, #tpu.memory_space<hbm>>) target_semaphore(%run_scoped3A : memref<!tpu.dma_semaphore, #tpu.memory_space<semaphore_mem>>)
      %dma_wait3A_323 = arith.constant 0 : i32
      %dma_wait3A_324 = tpu.memref_slice %arg4[%add3A_183, %dma_wait3A_323] : memref<262144x128xf32, #tpu.memory_space<hbm>> -> memref<256x128xf32, #tpu.memory_space<hbm>>
      %dma_wait3A_325 = arith.constant 0 : i32
      %dma_wait3A_326 = tpu.memref_slice %arg4[%add3A_183, %dma_wait3A_325] : memref<262144x128xf32, #tpu.memory_space<hbm>> -> memref<256x128xf32, #tpu.memory_space<hbm>>
      tpu.wait_dma2 semaphore(%run_scoped3A : memref<!tpu.dma_semaphore, #tpu.memory_space<semaphore_mem>>) src(%arg8 : memref<256x128xf32, #tpu.memory_space<vmem>>) dst(%dma_wait3A_326 : memref<256x128xf32, #tpu.memory_space<hbm>>)
      tpu.yield
    }) : () -> ()
    %add3A_184 = arith.constant 4864 : i32
    %add3A_185 = arith.addi %mul3A_2, %add3A_184 : i32
    "tpu.region"() ({
      %run_scoped3A = tpu.sem_alloc : memref<!tpu.dma_semaphore, #tpu.memory_space<semaphore_mem>>
      %dma_start3A_319 = tpu.memref_slice %arg3[%add3A_185] : memref<262144xi32, #tpu.memory_space<hbm>> -> memref<256xi32, #tpu.memory_space<hbm>>
      %dma_start3A_320 = tpu.memref_slice %arg3[%add3A_185] : memref<262144xi32, #tpu.memory_space<hbm>> -> memref<256xi32, #tpu.memory_space<hbm>>
      tpu.enqueue_dma source(%dma_start3A_320 : memref<256xi32, #tpu.memory_space<hbm>>) target(%arg6 : memref<256xi32, #tpu.memory_space<vmem>>) target_semaphore(%run_scoped3A : memref<!tpu.dma_semaphore, #tpu.memory_space<semaphore_mem>>)
      %dma_wait3A_321 = tpu.memref_slice %arg3[%add3A_185] : memref<262144xi32, #tpu.memory_space<hbm>> -> memref<256xi32, #tpu.memory_space<hbm>>
      %dma_wait3A_322 = tpu.memref_slice %arg3[%add3A_185] : memref<262144xi32, #tpu.memory_space<hbm>> -> memref<256xi32, #tpu.memory_space<hbm>>
      tpu.wait_dma2 semaphore(%run_scoped3A : memref<!tpu.dma_semaphore, #tpu.memory_space<semaphore_mem>>) src(%dma_wait3A_322 : memref<256xi32, #tpu.memory_space<hbm>>) dst(%arg6 : memref<256xi32, #tpu.memory_space<vmem>>)
      tpu.yield
    }) : () -> ()
    %dma_start3A_186 = arith.constant 0 : i32
    %dma_start3A_187 = arith.constant 0 : i32
    %dma_start3A_188 = tpu.memref_slice %arg2[%dma_start3A_186, %dma_start3A_187] : memref<16384x128xf32, #tpu.memory_space<hbm>> -> memref<16384x128xf32, #tpu.memory_space<hbm>>
    tpu.enqueue_indirect_dma source(%dma_start3A_188 : memref<16384x128xf32, #tpu.memory_space<hbm>>) target(%arg8 : memref<256x128xf32, #tpu.memory_space<vmem>>) offsets(%arg6 : memref<256xi32, #tpu.memory_space<vmem>>) semaphore(%arg10 : memref<!tpu.dma_semaphore, #tpu.memory_space<semaphore_mem>>)
    %dma_wait3A_189 = arith.constant 0 : i32
    %dma_wait3A_190 = arith.constant 0 : i32
    %dma_wait3A_191 = tpu.memref_slice %arg2[%dma_wait3A_189, %dma_wait3A_190] : memref<16384x128xf32, #tpu.memory_space<hbm>> -> memref<16384x128xf32, #tpu.memory_space<hbm>>
    tpu.wait_indirect_dma semaphore(%arg9 : memref<!tpu.dma_semaphore, #tpu.memory_space<semaphore_mem>>) src(%dma_wait3A_191 : memref<16384x128xf32, #tpu.memory_space<hbm>>) dst(%arg7 : memref<256x128xf32, #tpu.memory_space<vmem>>)
    %add3A_192 = arith.constant 4608 : i32
    %add3A_193 = arith.addi %mul3A_2, %add3A_192 : i32
    "tpu.region"() ({
      %run_scoped3A = tpu.sem_alloc : memref<!tpu.dma_semaphore, #tpu.memory_space<semaphore_mem>>
      %dma_start3A_319 = arith.constant 0 : i32
      %dma_start3A_320 = tpu.memref_slice %arg4[%add3A_193, %dma_start3A_319] : memref<262144x128xf32, #tpu.memory_space<hbm>> -> memref<256x128xf32, #tpu.memory_space<hbm>>
      %dma_start3A_321 = arith.constant 0 : i32
      %dma_start3A_322 = tpu.memref_slice %arg4[%add3A_193, %dma_start3A_321] : memref<262144x128xf32, #tpu.memory_space<hbm>> -> memref<256x128xf32, #tpu.memory_space<hbm>>
      tpu.enqueue_dma source(%arg7 : memref<256x128xf32, #tpu.memory_space<vmem>>) target(%dma_start3A_322 : memref<256x128xf32, #tpu.memory_space<hbm>>) target_semaphore(%run_scoped3A : memref<!tpu.dma_semaphore, #tpu.memory_space<semaphore_mem>>)
      %dma_wait3A_323 = arith.constant 0 : i32
      %dma_wait3A_324 = tpu.memref_slice %arg4[%add3A_193, %dma_wait3A_323] : memref<262144x128xf32, #tpu.memory_space<hbm>> -> memref<256x128xf32, #tpu.memory_space<hbm>>
      %dma_wait3A_325 = arith.constant 0 : i32
      %dma_wait3A_326 = tpu.memref_slice %arg4[%add3A_193, %dma_wait3A_325] : memref<262144x128xf32, #tpu.memory_space<hbm>> -> memref<256x128xf32, #tpu.memory_space<hbm>>
      tpu.wait_dma2 semaphore(%run_scoped3A : memref<!tpu.dma_semaphore, #tpu.memory_space<semaphore_mem>>) src(%arg7 : memref<256x128xf32, #tpu.memory_space<vmem>>) dst(%dma_wait3A_326 : memref<256x128xf32, #tpu.memory_space<hbm>>)
      tpu.yield
    }) : () -> ()
    %add3A_194 = arith.constant 5120 : i32
    %add3A_195 = arith.addi %mul3A_2, %add3A_194 : i32
    "tpu.region"() ({
      %run_scoped3A = tpu.sem_alloc : memref<!tpu.dma_semaphore, #tpu.memory_space<semaphore_mem>>
      %dma_start3A_319 = tpu.memref_slice %arg3[%add3A_195] : memref<262144xi32, #tpu.memory_space<hbm>> -> memref<256xi32, #tpu.memory_space<hbm>>
      %dma_start3A_320 = tpu.memref_slice %arg3[%add3A_195] : memref<262144xi32, #tpu.memory_space<hbm>> -> memref<256xi32, #tpu.memory_space<hbm>>
      tpu.enqueue_dma source(%dma_start3A_320 : memref<256xi32, #tpu.memory_space<hbm>>) target(%arg5 : memref<256xi32, #tpu.memory_space<vmem>>) target_semaphore(%run_scoped3A : memref<!tpu.dma_semaphore, #tpu.memory_space<semaphore_mem>>)
      %dma_wait3A_321 = tpu.memref_slice %arg3[%add3A_195] : memref<262144xi32, #tpu.memory_space<hbm>> -> memref<256xi32, #tpu.memory_space<hbm>>
      %dma_wait3A_322 = tpu.memref_slice %arg3[%add3A_195] : memref<262144xi32, #tpu.memory_space<hbm>> -> memref<256xi32, #tpu.memory_space<hbm>>
      tpu.wait_dma2 semaphore(%run_scoped3A : memref<!tpu.dma_semaphore, #tpu.memory_space<semaphore_mem>>) src(%dma_wait3A_322 : memref<256xi32, #tpu.memory_space<hbm>>) dst(%arg5 : memref<256xi32, #tpu.memory_space<vmem>>)
      tpu.yield
    }) : () -> ()
    %dma_start3A_196 = arith.constant 0 : i32
    %dma_start3A_197 = arith.constant 0 : i32
    %dma_start3A_198 = tpu.memref_slice %arg2[%dma_start3A_196, %dma_start3A_197] : memref<16384x128xf32, #tpu.memory_space<hbm>> -> memref<16384x128xf32, #tpu.memory_space<hbm>>
    tpu.enqueue_indirect_dma source(%dma_start3A_198 : memref<16384x128xf32, #tpu.memory_space<hbm>>) target(%arg7 : memref<256x128xf32, #tpu.memory_space<vmem>>) offsets(%arg5 : memref<256xi32, #tpu.memory_space<vmem>>) semaphore(%arg9 : memref<!tpu.dma_semaphore, #tpu.memory_space<semaphore_mem>>)
    %dma_wait3A_199 = arith.constant 0 : i32
    %dma_wait3A_200 = arith.constant 0 : i32
    %dma_wait3A_201 = tpu.memref_slice %arg2[%dma_wait3A_199, %dma_wait3A_200] : memref<16384x128xf32, #tpu.memory_space<hbm>> -> memref<16384x128xf32, #tpu.memory_space<hbm>>
    tpu.wait_indirect_dma semaphore(%arg10 : memref<!tpu.dma_semaphore, #tpu.memory_space<semaphore_mem>>) src(%dma_wait3A_201 : memref<16384x128xf32, #tpu.memory_space<hbm>>) dst(%arg8 : memref<256x128xf32, #tpu.memory_space<vmem>>)
    %add3A_202 = arith.constant 4864 : i32
    %add3A_203 = arith.addi %mul3A_2, %add3A_202 : i32
    "tpu.region"() ({
      %run_scoped3A = tpu.sem_alloc : memref<!tpu.dma_semaphore, #tpu.memory_space<semaphore_mem>>
      %dma_start3A_319 = arith.constant 0 : i32
      %dma_start3A_320 = tpu.memref_slice %arg4[%add3A_203, %dma_start3A_319] : memref<262144x128xf32, #tpu.memory_space<hbm>> -> memref<256x128xf32, #tpu.memory_space<hbm>>
      %dma_start3A_321 = arith.constant 0 : i32
      %dma_start3A_322 = tpu.memref_slice %arg4[%add3A_203, %dma_start3A_321] : memref<262144x128xf32, #tpu.memory_space<hbm>> -> memref<256x128xf32, #tpu.memory_space<hbm>>
      tpu.enqueue_dma source(%arg8 : memref<256x128xf32, #tpu.memory_space<vmem>>) target(%dma_start3A_322 : memref<256x128xf32, #tpu.memory_space<hbm>>) target_semaphore(%run_scoped3A : memref<!tpu.dma_semaphore, #tpu.memory_space<semaphore_mem>>)
      %dma_wait3A_323 = arith.constant 0 : i32
      %dma_wait3A_324 = tpu.memref_slice %arg4[%add3A_203, %dma_wait3A_323] : memref<262144x128xf32, #tpu.memory_space<hbm>> -> memref<256x128xf32, #tpu.memory_space<hbm>>
      %dma_wait3A_325 = arith.constant 0 : i32
      %dma_wait3A_326 = tpu.memref_slice %arg4[%add3A_203, %dma_wait3A_325] : memref<262144x128xf32, #tpu.memory_space<hbm>> -> memref<256x128xf32, #tpu.memory_space<hbm>>
      tpu.wait_dma2 semaphore(%run_scoped3A : memref<!tpu.dma_semaphore, #tpu.memory_space<semaphore_mem>>) src(%arg8 : memref<256x128xf32, #tpu.memory_space<vmem>>) dst(%dma_wait3A_326 : memref<256x128xf32, #tpu.memory_space<hbm>>)
      tpu.yield
    }) : () -> ()
    %add3A_204 = arith.constant 5376 : i32
    %add3A_205 = arith.addi %mul3A_2, %add3A_204 : i32
    "tpu.region"() ({
      %run_scoped3A = tpu.sem_alloc : memref<!tpu.dma_semaphore, #tpu.memory_space<semaphore_mem>>
      %dma_start3A_319 = tpu.memref_slice %arg3[%add3A_205] : memref<262144xi32, #tpu.memory_space<hbm>> -> memref<256xi32, #tpu.memory_space<hbm>>
      %dma_start3A_320 = tpu.memref_slice %arg3[%add3A_205] : memref<262144xi32, #tpu.memory_space<hbm>> -> memref<256xi32, #tpu.memory_space<hbm>>
      tpu.enqueue_dma source(%dma_start3A_320 : memref<256xi32, #tpu.memory_space<hbm>>) target(%arg6 : memref<256xi32, #tpu.memory_space<vmem>>) target_semaphore(%run_scoped3A : memref<!tpu.dma_semaphore, #tpu.memory_space<semaphore_mem>>)
      %dma_wait3A_321 = tpu.memref_slice %arg3[%add3A_205] : memref<262144xi32, #tpu.memory_space<hbm>> -> memref<256xi32, #tpu.memory_space<hbm>>
      %dma_wait3A_322 = tpu.memref_slice %arg3[%add3A_205] : memref<262144xi32, #tpu.memory_space<hbm>> -> memref<256xi32, #tpu.memory_space<hbm>>
      tpu.wait_dma2 semaphore(%run_scoped3A : memref<!tpu.dma_semaphore, #tpu.memory_space<semaphore_mem>>) src(%dma_wait3A_322 : memref<256xi32, #tpu.memory_space<hbm>>) dst(%arg6 : memref<256xi32, #tpu.memory_space<vmem>>)
      tpu.yield
    }) : () -> ()
    %dma_start3A_206 = arith.constant 0 : i32
    %dma_start3A_207 = arith.constant 0 : i32
    %dma_start3A_208 = tpu.memref_slice %arg2[%dma_start3A_206, %dma_start3A_207] : memref<16384x128xf32, #tpu.memory_space<hbm>> -> memref<16384x128xf32, #tpu.memory_space<hbm>>
    tpu.enqueue_indirect_dma source(%dma_start3A_208 : memref<16384x128xf32, #tpu.memory_space<hbm>>) target(%arg8 : memref<256x128xf32, #tpu.memory_space<vmem>>) offsets(%arg6 : memref<256xi32, #tpu.memory_space<vmem>>) semaphore(%arg10 : memref<!tpu.dma_semaphore, #tpu.memory_space<semaphore_mem>>)
    %dma_wait3A_209 = arith.constant 0 : i32
    %dma_wait3A_210 = arith.constant 0 : i32
    %dma_wait3A_211 = tpu.memref_slice %arg2[%dma_wait3A_209, %dma_wait3A_210] : memref<16384x128xf32, #tpu.memory_space<hbm>> -> memref<16384x128xf32, #tpu.memory_space<hbm>>
    tpu.wait_indirect_dma semaphore(%arg9 : memref<!tpu.dma_semaphore, #tpu.memory_space<semaphore_mem>>) src(%dma_wait3A_211 : memref<16384x128xf32, #tpu.memory_space<hbm>>) dst(%arg7 : memref<256x128xf32, #tpu.memory_space<vmem>>)
    %add3A_212 = arith.constant 5120 : i32
    %add3A_213 = arith.addi %mul3A_2, %add3A_212 : i32
    "tpu.region"() ({
      %run_scoped3A = tpu.sem_alloc : memref<!tpu.dma_semaphore, #tpu.memory_space<semaphore_mem>>
      %dma_start3A_319 = arith.constant 0 : i32
      %dma_start3A_320 = tpu.memref_slice %arg4[%add3A_213, %dma_start3A_319] : memref<262144x128xf32, #tpu.memory_space<hbm>> -> memref<256x128xf32, #tpu.memory_space<hbm>>
      %dma_start3A_321 = arith.constant 0 : i32
      %dma_start3A_322 = tpu.memref_slice %arg4[%add3A_213, %dma_start3A_321] : memref<262144x128xf32, #tpu.memory_space<hbm>> -> memref<256x128xf32, #tpu.memory_space<hbm>>
      tpu.enqueue_dma source(%arg7 : memref<256x128xf32, #tpu.memory_space<vmem>>) target(%dma_start3A_322 : memref<256x128xf32, #tpu.memory_space<hbm>>) target_semaphore(%run_scoped3A : memref<!tpu.dma_semaphore, #tpu.memory_space<semaphore_mem>>)
      %dma_wait3A_323 = arith.constant 0 : i32
      %dma_wait3A_324 = tpu.memref_slice %arg4[%add3A_213, %dma_wait3A_323] : memref<262144x128xf32, #tpu.memory_space<hbm>> -> memref<256x128xf32, #tpu.memory_space<hbm>>
      %dma_wait3A_325 = arith.constant 0 : i32
      %dma_wait3A_326 = tpu.memref_slice %arg4[%add3A_213, %dma_wait3A_325] : memref<262144x128xf32, #tpu.memory_space<hbm>> -> memref<256x128xf32, #tpu.memory_space<hbm>>
      tpu.wait_dma2 semaphore(%run_scoped3A : memref<!tpu.dma_semaphore, #tpu.memory_space<semaphore_mem>>) src(%arg7 : memref<256x128xf32, #tpu.memory_space<vmem>>) dst(%dma_wait3A_326 : memref<256x128xf32, #tpu.memory_space<hbm>>)
      tpu.yield
    }) : () -> ()
    %add3A_214 = arith.constant 5632 : i32
    %add3A_215 = arith.addi %mul3A_2, %add3A_214 : i32
    "tpu.region"() ({
      %run_scoped3A = tpu.sem_alloc : memref<!tpu.dma_semaphore, #tpu.memory_space<semaphore_mem>>
      %dma_start3A_319 = tpu.memref_slice %arg3[%add3A_215] : memref<262144xi32, #tpu.memory_space<hbm>> -> memref<256xi32, #tpu.memory_space<hbm>>
      %dma_start3A_320 = tpu.memref_slice %arg3[%add3A_215] : memref<262144xi32, #tpu.memory_space<hbm>> -> memref<256xi32, #tpu.memory_space<hbm>>
      tpu.enqueue_dma source(%dma_start3A_320 : memref<256xi32, #tpu.memory_space<hbm>>) target(%arg5 : memref<256xi32, #tpu.memory_space<vmem>>) target_semaphore(%run_scoped3A : memref<!tpu.dma_semaphore, #tpu.memory_space<semaphore_mem>>)
      %dma_wait3A_321 = tpu.memref_slice %arg3[%add3A_215] : memref<262144xi32, #tpu.memory_space<hbm>> -> memref<256xi32, #tpu.memory_space<hbm>>
      %dma_wait3A_322 = tpu.memref_slice %arg3[%add3A_215] : memref<262144xi32, #tpu.memory_space<hbm>> -> memref<256xi32, #tpu.memory_space<hbm>>
      tpu.wait_dma2 semaphore(%run_scoped3A : memref<!tpu.dma_semaphore, #tpu.memory_space<semaphore_mem>>) src(%dma_wait3A_322 : memref<256xi32, #tpu.memory_space<hbm>>) dst(%arg5 : memref<256xi32, #tpu.memory_space<vmem>>)
      tpu.yield
    }) : () -> ()
    %dma_start3A_216 = arith.constant 0 : i32
    %dma_start3A_217 = arith.constant 0 : i32
    %dma_start3A_218 = tpu.memref_slice %arg2[%dma_start3A_216, %dma_start3A_217] : memref<16384x128xf32, #tpu.memory_space<hbm>> -> memref<16384x128xf32, #tpu.memory_space<hbm>>
    tpu.enqueue_indirect_dma source(%dma_start3A_218 : memref<16384x128xf32, #tpu.memory_space<hbm>>) target(%arg7 : memref<256x128xf32, #tpu.memory_space<vmem>>) offsets(%arg5 : memref<256xi32, #tpu.memory_space<vmem>>) semaphore(%arg9 : memref<!tpu.dma_semaphore, #tpu.memory_space<semaphore_mem>>)
    %dma_wait3A_219 = arith.constant 0 : i32
    %dma_wait3A_220 = arith.constant 0 : i32
    %dma_wait3A_221 = tpu.memref_slice %arg2[%dma_wait3A_219, %dma_wait3A_220] : memref<16384x128xf32, #tpu.memory_space<hbm>> -> memref<16384x128xf32, #tpu.memory_space<hbm>>
    tpu.wait_indirect_dma semaphore(%arg10 : memref<!tpu.dma_semaphore, #tpu.memory_space<semaphore_mem>>) src(%dma_wait3A_221 : memref<16384x128xf32, #tpu.memory_space<hbm>>) dst(%arg8 : memref<256x128xf32, #tpu.memory_space<vmem>>)
    %add3A_222 = arith.constant 5376 : i32
    %add3A_223 = arith.addi %mul3A_2, %add3A_222 : i32
    "tpu.region"() ({
      %run_scoped3A = tpu.sem_alloc : memref<!tpu.dma_semaphore, #tpu.memory_space<semaphore_mem>>
      %dma_start3A_319 = arith.constant 0 : i32
      %dma_start3A_320 = tpu.memref_slice %arg4[%add3A_223, %dma_start3A_319] : memref<262144x128xf32, #tpu.memory_space<hbm>> -> memref<256x128xf32, #tpu.memory_space<hbm>>
      %dma_start3A_321 = arith.constant 0 : i32
      %dma_start3A_322 = tpu.memref_slice %arg4[%add3A_223, %dma_start3A_321] : memref<262144x128xf32, #tpu.memory_space<hbm>> -> memref<256x128xf32, #tpu.memory_space<hbm>>
      tpu.enqueue_dma source(%arg8 : memref<256x128xf32, #tpu.memory_space<vmem>>) target(%dma_start3A_322 : memref<256x128xf32, #tpu.memory_space<hbm>>) target_semaphore(%run_scoped3A : memref<!tpu.dma_semaphore, #tpu.memory_space<semaphore_mem>>)
      %dma_wait3A_323 = arith.constant 0 : i32
      %dma_wait3A_324 = tpu.memref_slice %arg4[%add3A_223, %dma_wait3A_323] : memref<262144x128xf32, #tpu.memory_space<hbm>> -> memref<256x128xf32, #tpu.memory_space<hbm>>
      %dma_wait3A_325 = arith.constant 0 : i32
      %dma_wait3A_326 = tpu.memref_slice %arg4[%add3A_223, %dma_wait3A_325] : memref<262144x128xf32, #tpu.memory_space<hbm>> -> memref<256x128xf32, #tpu.memory_space<hbm>>
      tpu.wait_dma2 semaphore(%run_scoped3A : memref<!tpu.dma_semaphore, #tpu.memory_space<semaphore_mem>>) src(%arg8 : memref<256x128xf32, #tpu.memory_space<vmem>>) dst(%dma_wait3A_326 : memref<256x128xf32, #tpu.memory_space<hbm>>)
      tpu.yield
    }) : () -> ()
    %add3A_224 = arith.constant 5888 : i32
    %add3A_225 = arith.addi %mul3A_2, %add3A_224 : i32
    "tpu.region"() ({
      %run_scoped3A = tpu.sem_alloc : memref<!tpu.dma_semaphore, #tpu.memory_space<semaphore_mem>>
      %dma_start3A_319 = tpu.memref_slice %arg3[%add3A_225] : memref<262144xi32, #tpu.memory_space<hbm>> -> memref<256xi32, #tpu.memory_space<hbm>>
      %dma_start3A_320 = tpu.memref_slice %arg3[%add3A_225] : memref<262144xi32, #tpu.memory_space<hbm>> -> memref<256xi32, #tpu.memory_space<hbm>>
      tpu.enqueue_dma source(%dma_start3A_320 : memref<256xi32, #tpu.memory_space<hbm>>) target(%arg6 : memref<256xi32, #tpu.memory_space<vmem>>) target_semaphore(%run_scoped3A : memref<!tpu.dma_semaphore, #tpu.memory_space<semaphore_mem>>)
      %dma_wait3A_321 = tpu.memref_slice %arg3[%add3A_225] : memref<262144xi32, #tpu.memory_space<hbm>> -> memref<256xi32, #tpu.memory_space<hbm>>
      %dma_wait3A_322 = tpu.memref_slice %arg3[%add3A_225] : memref<262144xi32, #tpu.memory_space<hbm>> -> memref<256xi32, #tpu.memory_space<hbm>>
      tpu.wait_dma2 semaphore(%run_scoped3A : memref<!tpu.dma_semaphore, #tpu.memory_space<semaphore_mem>>) src(%dma_wait3A_322 : memref<256xi32, #tpu.memory_space<hbm>>) dst(%arg6 : memref<256xi32, #tpu.memory_space<vmem>>)
      tpu.yield
    }) : () -> ()
    %dma_start3A_226 = arith.constant 0 : i32
    %dma_start3A_227 = arith.constant 0 : i32
    %dma_start3A_228 = tpu.memref_slice %arg2[%dma_start3A_226, %dma_start3A_227] : memref<16384x128xf32, #tpu.memory_space<hbm>> -> memref<16384x128xf32, #tpu.memory_space<hbm>>
    tpu.enqueue_indirect_dma source(%dma_start3A_228 : memref<16384x128xf32, #tpu.memory_space<hbm>>) target(%arg8 : memref<256x128xf32, #tpu.memory_space<vmem>>) offsets(%arg6 : memref<256xi32, #tpu.memory_space<vmem>>) semaphore(%arg10 : memref<!tpu.dma_semaphore, #tpu.memory_space<semaphore_mem>>)
    %dma_wait3A_229 = arith.constant 0 : i32
    %dma_wait3A_230 = arith.constant 0 : i32
    %dma_wait3A_231 = tpu.memref_slice %arg2[%dma_wait3A_229, %dma_wait3A_230] : memref<16384x128xf32, #tpu.memory_space<hbm>> -> memref<16384x128xf32, #tpu.memory_space<hbm>>
    tpu.wait_indirect_dma semaphore(%arg9 : memref<!tpu.dma_semaphore, #tpu.memory_space<semaphore_mem>>) src(%dma_wait3A_231 : memref<16384x128xf32, #tpu.memory_space<hbm>>) dst(%arg7 : memref<256x128xf32, #tpu.memory_space<vmem>>)
    %add3A_232 = arith.constant 5632 : i32
    %add3A_233 = arith.addi %mul3A_2, %add3A_232 : i32
    "tpu.region"() ({
      %run_scoped3A = tpu.sem_alloc : memref<!tpu.dma_semaphore, #tpu.memory_space<semaphore_mem>>
      %dma_start3A_319 = arith.constant 0 : i32
      %dma_start3A_320 = tpu.memref_slice %arg4[%add3A_233, %dma_start3A_319] : memref<262144x128xf32, #tpu.memory_space<hbm>> -> memref<256x128xf32, #tpu.memory_space<hbm>>
      %dma_start3A_321 = arith.constant 0 : i32
      %dma_start3A_322 = tpu.memref_slice %arg4[%add3A_233, %dma_start3A_321] : memref<262144x128xf32, #tpu.memory_space<hbm>> -> memref<256x128xf32, #tpu.memory_space<hbm>>
      tpu.enqueue_dma source(%arg7 : memref<256x128xf32, #tpu.memory_space<vmem>>) target(%dma_start3A_322 : memref<256x128xf32, #tpu.memory_space<hbm>>) target_semaphore(%run_scoped3A : memref<!tpu.dma_semaphore, #tpu.memory_space<semaphore_mem>>)
      %dma_wait3A_323 = arith.constant 0 : i32
      %dma_wait3A_324 = tpu.memref_slice %arg4[%add3A_233, %dma_wait3A_323] : memref<262144x128xf32, #tpu.memory_space<hbm>> -> memref<256x128xf32, #tpu.memory_space<hbm>>
      %dma_wait3A_325 = arith.constant 0 : i32
      %dma_wait3A_326 = tpu.memref_slice %arg4[%add3A_233, %dma_wait3A_325] : memref<262144x128xf32, #tpu.memory_space<hbm>> -> memref<256x128xf32, #tpu.memory_space<hbm>>
      tpu.wait_dma2 semaphore(%run_scoped3A : memref<!tpu.dma_semaphore, #tpu.memory_space<semaphore_mem>>) src(%arg7 : memref<256x128xf32, #tpu.memory_space<vmem>>) dst(%dma_wait3A_326 : memref<256x128xf32, #tpu.memory_space<hbm>>)
      tpu.yield
    }) : () -> ()
    %add3A_234 = arith.constant 6144 : i32
    %add3A_235 = arith.addi %mul3A_2, %add3A_234 : i32
    "tpu.region"() ({
      %run_scoped3A = tpu.sem_alloc : memref<!tpu.dma_semaphore, #tpu.memory_space<semaphore_mem>>
      %dma_start3A_319 = tpu.memref_slice %arg3[%add3A_235] : memref<262144xi32, #tpu.memory_space<hbm>> -> memref<256xi32, #tpu.memory_space<hbm>>
      %dma_start3A_320 = tpu.memref_slice %arg3[%add3A_235] : memref<262144xi32, #tpu.memory_space<hbm>> -> memref<256xi32, #tpu.memory_space<hbm>>
      tpu.enqueue_dma source(%dma_start3A_320 : memref<256xi32, #tpu.memory_space<hbm>>) target(%arg5 : memref<256xi32, #tpu.memory_space<vmem>>) target_semaphore(%run_scoped3A : memref<!tpu.dma_semaphore, #tpu.memory_space<semaphore_mem>>)
      %dma_wait3A_321 = tpu.memref_slice %arg3[%add3A_235] : memref<262144xi32, #tpu.memory_space<hbm>> -> memref<256xi32, #tpu.memory_space<hbm>>
      %dma_wait3A_322 = tpu.memref_slice %arg3[%add3A_235] : memref<262144xi32, #tpu.memory_space<hbm>> -> memref<256xi32, #tpu.memory_space<hbm>>
      tpu.wait_dma2 semaphore(%run_scoped3A : memref<!tpu.dma_semaphore, #tpu.memory_space<semaphore_mem>>) src(%dma_wait3A_322 : memref<256xi32, #tpu.memory_space<hbm>>) dst(%arg5 : memref<256xi32, #tpu.memory_space<vmem>>)
      tpu.yield
    }) : () -> ()
    %dma_start3A_236 = arith.constant 0 : i32
    %dma_start3A_237 = arith.constant 0 : i32
    %dma_start3A_238 = tpu.memref_slice %arg2[%dma_start3A_236, %dma_start3A_237] : memref<16384x128xf32, #tpu.memory_space<hbm>> -> memref<16384x128xf32, #tpu.memory_space<hbm>>
    tpu.enqueue_indirect_dma source(%dma_start3A_238 : memref<16384x128xf32, #tpu.memory_space<hbm>>) target(%arg7 : memref<256x128xf32, #tpu.memory_space<vmem>>) offsets(%arg5 : memref<256xi32, #tpu.memory_space<vmem>>) semaphore(%arg9 : memref<!tpu.dma_semaphore, #tpu.memory_space<semaphore_mem>>)
    %dma_wait3A_239 = arith.constant 0 : i32
    %dma_wait3A_240 = arith.constant 0 : i32
    %dma_wait3A_241 = tpu.memref_slice %arg2[%dma_wait3A_239, %dma_wait3A_240] : memref<16384x128xf32, #tpu.memory_space<hbm>> -> memref<16384x128xf32, #tpu.memory_space<hbm>>
    tpu.wait_indirect_dma semaphore(%arg10 : memref<!tpu.dma_semaphore, #tpu.memory_space<semaphore_mem>>) src(%dma_wait3A_241 : memref<16384x128xf32, #tpu.memory_space<hbm>>) dst(%arg8 : memref<256x128xf32, #tpu.memory_space<vmem>>)
    %add3A_242 = arith.constant 5888 : i32
    %add3A_243 = arith.addi %mul3A_2, %add3A_242 : i32
    "tpu.region"() ({
      %run_scoped3A = tpu.sem_alloc : memref<!tpu.dma_semaphore, #tpu.memory_space<semaphore_mem>>
      %dma_start3A_319 = arith.constant 0 : i32
      %dma_start3A_320 = tpu.memref_slice %arg4[%add3A_243, %dma_start3A_319] : memref<262144x128xf32, #tpu.memory_space<hbm>> -> memref<256x128xf32, #tpu.memory_space<hbm>>
      %dma_start3A_321 = arith.constant 0 : i32
      %dma_start3A_322 = tpu.memref_slice %arg4[%add3A_243, %dma_start3A_321] : memref<262144x128xf32, #tpu.memory_space<hbm>> -> memref<256x128xf32, #tpu.memory_space<hbm>>
      tpu.enqueue_dma source(%arg8 : memref<256x128xf32, #tpu.memory_space<vmem>>) target(%dma_start3A_322 : memref<256x128xf32, #tpu.memory_space<hbm>>) target_semaphore(%run_scoped3A : memref<!tpu.dma_semaphore, #tpu.memory_space<semaphore_mem>>)
      %dma_wait3A_323 = arith.constant 0 : i32
      %dma_wait3A_324 = tpu.memref_slice %arg4[%add3A_243, %dma_wait3A_323] : memref<262144x128xf32, #tpu.memory_space<hbm>> -> memref<256x128xf32, #tpu.memory_space<hbm>>
      %dma_wait3A_325 = arith.constant 0 : i32
      %dma_wait3A_326 = tpu.memref_slice %arg4[%add3A_243, %dma_wait3A_325] : memref<262144x128xf32, #tpu.memory_space<hbm>> -> memref<256x128xf32, #tpu.memory_space<hbm>>
      tpu.wait_dma2 semaphore(%run_scoped3A : memref<!tpu.dma_semaphore, #tpu.memory_space<semaphore_mem>>) src(%arg8 : memref<256x128xf32, #tpu.memory_space<vmem>>) dst(%dma_wait3A_326 : memref<256x128xf32, #tpu.memory_space<hbm>>)
      tpu.yield
    }) : () -> ()
    %add3A_244 = arith.constant 6400 : i32
    %add3A_245 = arith.addi %mul3A_2, %add3A_244 : i32
    "tpu.region"() ({
      %run_scoped3A = tpu.sem_alloc : memref<!tpu.dma_semaphore, #tpu.memory_space<semaphore_mem>>
      %dma_start3A_319 = tpu.memref_slice %arg3[%add3A_245] : memref<262144xi32, #tpu.memory_space<hbm>> -> memref<256xi32, #tpu.memory_space<hbm>>
      %dma_start3A_320 = tpu.memref_slice %arg3[%add3A_245] : memref<262144xi32, #tpu.memory_space<hbm>> -> memref<256xi32, #tpu.memory_space<hbm>>
      tpu.enqueue_dma source(%dma_start3A_320 : memref<256xi32, #tpu.memory_space<hbm>>) target(%arg6 : memref<256xi32, #tpu.memory_space<vmem>>) target_semaphore(%run_scoped3A : memref<!tpu.dma_semaphore, #tpu.memory_space<semaphore_mem>>)
      %dma_wait3A_321 = tpu.memref_slice %arg3[%add3A_245] : memref<262144xi32, #tpu.memory_space<hbm>> -> memref<256xi32, #tpu.memory_space<hbm>>
      %dma_wait3A_322 = tpu.memref_slice %arg3[%add3A_245] : memref<262144xi32, #tpu.memory_space<hbm>> -> memref<256xi32, #tpu.memory_space<hbm>>
      tpu.wait_dma2 semaphore(%run_scoped3A : memref<!tpu.dma_semaphore, #tpu.memory_space<semaphore_mem>>) src(%dma_wait3A_322 : memref<256xi32, #tpu.memory_space<hbm>>) dst(%arg6 : memref<256xi32, #tpu.memory_space<vmem>>)
      tpu.yield
    }) : () -> ()
    %dma_start3A_246 = arith.constant 0 : i32
    %dma_start3A_247 = arith.constant 0 : i32
    %dma_start3A_248 = tpu.memref_slice %arg2[%dma_start3A_246, %dma_start3A_247] : memref<16384x128xf32, #tpu.memory_space<hbm>> -> memref<16384x128xf32, #tpu.memory_space<hbm>>
    tpu.enqueue_indirect_dma source(%dma_start3A_248 : memref<16384x128xf32, #tpu.memory_space<hbm>>) target(%arg8 : memref<256x128xf32, #tpu.memory_space<vmem>>) offsets(%arg6 : memref<256xi32, #tpu.memory_space<vmem>>) semaphore(%arg10 : memref<!tpu.dma_semaphore, #tpu.memory_space<semaphore_mem>>)
    %dma_wait3A_249 = arith.constant 0 : i32
    %dma_wait3A_250 = arith.constant 0 : i32
    %dma_wait3A_251 = tpu.memref_slice %arg2[%dma_wait3A_249, %dma_wait3A_250] : memref<16384x128xf32, #tpu.memory_space<hbm>> -> memref<16384x128xf32, #tpu.memory_space<hbm>>
    tpu.wait_indirect_dma semaphore(%arg9 : memref<!tpu.dma_semaphore, #tpu.memory_space<semaphore_mem>>) src(%dma_wait3A_251 : memref<16384x128xf32, #tpu.memory_space<hbm>>) dst(%arg7 : memref<256x128xf32, #tpu.memory_space<vmem>>)
    %add3A_252 = arith.constant 6144 : i32
    %add3A_253 = arith.addi %mul3A_2, %add3A_252 : i32
    "tpu.region"() ({
      %run_scoped3A = tpu.sem_alloc : memref<!tpu.dma_semaphore, #tpu.memory_space<semaphore_mem>>
      %dma_start3A_319 = arith.constant 0 : i32
      %dma_start3A_320 = tpu.memref_slice %arg4[%add3A_253, %dma_start3A_319] : memref<262144x128xf32, #tpu.memory_space<hbm>> -> memref<256x128xf32, #tpu.memory_space<hbm>>
      %dma_start3A_321 = arith.constant 0 : i32
      %dma_start3A_322 = tpu.memref_slice %arg4[%add3A_253, %dma_start3A_321] : memref<262144x128xf32, #tpu.memory_space<hbm>> -> memref<256x128xf32, #tpu.memory_space<hbm>>
      tpu.enqueue_dma source(%arg7 : memref<256x128xf32, #tpu.memory_space<vmem>>) target(%dma_start3A_322 : memref<256x128xf32, #tpu.memory_space<hbm>>) target_semaphore(%run_scoped3A : memref<!tpu.dma_semaphore, #tpu.memory_space<semaphore_mem>>)
      %dma_wait3A_323 = arith.constant 0 : i32
      %dma_wait3A_324 = tpu.memref_slice %arg4[%add3A_253, %dma_wait3A_323] : memref<262144x128xf32, #tpu.memory_space<hbm>> -> memref<256x128xf32, #tpu.memory_space<hbm>>
      %dma_wait3A_325 = arith.constant 0 : i32
      %dma_wait3A_326 = tpu.memref_slice %arg4[%add3A_253, %dma_wait3A_325] : memref<262144x128xf32, #tpu.memory_space<hbm>> -> memref<256x128xf32, #tpu.memory_space<hbm>>
      tpu.wait_dma2 semaphore(%run_scoped3A : memref<!tpu.dma_semaphore, #tpu.memory_space<semaphore_mem>>) src(%arg7 : memref<256x128xf32, #tpu.memory_space<vmem>>) dst(%dma_wait3A_326 : memref<256x128xf32, #tpu.memory_space<hbm>>)
      tpu.yield
    }) : () -> ()
    %add3A_254 = arith.constant 6656 : i32
    %add3A_255 = arith.addi %mul3A_2, %add3A_254 : i32
    "tpu.region"() ({
      %run_scoped3A = tpu.sem_alloc : memref<!tpu.dma_semaphore, #tpu.memory_space<semaphore_mem>>
      %dma_start3A_319 = tpu.memref_slice %arg3[%add3A_255] : memref<262144xi32, #tpu.memory_space<hbm>> -> memref<256xi32, #tpu.memory_space<hbm>>
      %dma_start3A_320 = tpu.memref_slice %arg3[%add3A_255] : memref<262144xi32, #tpu.memory_space<hbm>> -> memref<256xi32, #tpu.memory_space<hbm>>
      tpu.enqueue_dma source(%dma_start3A_320 : memref<256xi32, #tpu.memory_space<hbm>>) target(%arg5 : memref<256xi32, #tpu.memory_space<vmem>>) target_semaphore(%run_scoped3A : memref<!tpu.dma_semaphore, #tpu.memory_space<semaphore_mem>>)
      %dma_wait3A_321 = tpu.memref_slice %arg3[%add3A_255] : memref<262144xi32, #tpu.memory_space<hbm>> -> memref<256xi32, #tpu.memory_space<hbm>>
      %dma_wait3A_322 = tpu.memref_slice %arg3[%add3A_255] : memref<262144xi32, #tpu.memory_space<hbm>> -> memref<256xi32, #tpu.memory_space<hbm>>
      tpu.wait_dma2 semaphore(%run_scoped3A : memref<!tpu.dma_semaphore, #tpu.memory_space<semaphore_mem>>) src(%dma_wait3A_322 : memref<256xi32, #tpu.memory_space<hbm>>) dst(%arg5 : memref<256xi32, #tpu.memory_space<vmem>>)
      tpu.yield
    }) : () -> ()
    %dma_start3A_256 = arith.constant 0 : i32
    %dma_start3A_257 = arith.constant 0 : i32
    %dma_start3A_258 = tpu.memref_slice %arg2[%dma_start3A_256, %dma_start3A_257] : memref<16384x128xf32, #tpu.memory_space<hbm>> -> memref<16384x128xf32, #tpu.memory_space<hbm>>
    tpu.enqueue_indirect_dma source(%dma_start3A_258 : memref<16384x128xf32, #tpu.memory_space<hbm>>) target(%arg7 : memref<256x128xf32, #tpu.memory_space<vmem>>) offsets(%arg5 : memref<256xi32, #tpu.memory_space<vmem>>) semaphore(%arg9 : memref<!tpu.dma_semaphore, #tpu.memory_space<semaphore_mem>>)
    %dma_wait3A_259 = arith.constant 0 : i32
    %dma_wait3A_260 = arith.constant 0 : i32
    %dma_wait3A_261 = tpu.memref_slice %arg2[%dma_wait3A_259, %dma_wait3A_260] : memref<16384x128xf32, #tpu.memory_space<hbm>> -> memref<16384x128xf32, #tpu.memory_space<hbm>>
    tpu.wait_indirect_dma semaphore(%arg10 : memref<!tpu.dma_semaphore, #tpu.memory_space<semaphore_mem>>) src(%dma_wait3A_261 : memref<16384x128xf32, #tpu.memory_space<hbm>>) dst(%arg8 : memref<256x128xf32, #tpu.memory_space<vmem>>)
    %add3A_262 = arith.constant 6400 : i32
    %add3A_263 = arith.addi %mul3A_2, %add3A_262 : i32
    "tpu.region"() ({
      %run_scoped3A = tpu.sem_alloc : memref<!tpu.dma_semaphore, #tpu.memory_space<semaphore_mem>>
      %dma_start3A_319 = arith.constant 0 : i32
      %dma_start3A_320 = tpu.memref_slice %arg4[%add3A_263, %dma_start3A_319] : memref<262144x128xf32, #tpu.memory_space<hbm>> -> memref<256x128xf32, #tpu.memory_space<hbm>>
      %dma_start3A_321 = arith.constant 0 : i32
      %dma_start3A_322 = tpu.memref_slice %arg4[%add3A_263, %dma_start3A_321] : memref<262144x128xf32, #tpu.memory_space<hbm>> -> memref<256x128xf32, #tpu.memory_space<hbm>>
      tpu.enqueue_dma source(%arg8 : memref<256x128xf32, #tpu.memory_space<vmem>>) target(%dma_start3A_322 : memref<256x128xf32, #tpu.memory_space<hbm>>) target_semaphore(%run_scoped3A : memref<!tpu.dma_semaphore, #tpu.memory_space<semaphore_mem>>)
      %dma_wait3A_323 = arith.constant 0 : i32
      %dma_wait3A_324 = tpu.memref_slice %arg4[%add3A_263, %dma_wait3A_323] : memref<262144x128xf32, #tpu.memory_space<hbm>> -> memref<256x128xf32, #tpu.memory_space<hbm>>
      %dma_wait3A_325 = arith.constant 0 : i32
      %dma_wait3A_326 = tpu.memref_slice %arg4[%add3A_263, %dma_wait3A_325] : memref<262144x128xf32, #tpu.memory_space<hbm>> -> memref<256x128xf32, #tpu.memory_space<hbm>>
      tpu.wait_dma2 semaphore(%run_scoped3A : memref<!tpu.dma_semaphore, #tpu.memory_space<semaphore_mem>>) src(%arg8 : memref<256x128xf32, #tpu.memory_space<vmem>>) dst(%dma_wait3A_326 : memref<256x128xf32, #tpu.memory_space<hbm>>)
      tpu.yield
    }) : () -> ()
    %add3A_264 = arith.constant 6912 : i32
    %add3A_265 = arith.addi %mul3A_2, %add3A_264 : i32
    "tpu.region"() ({
      %run_scoped3A = tpu.sem_alloc : memref<!tpu.dma_semaphore, #tpu.memory_space<semaphore_mem>>
      %dma_start3A_319 = tpu.memref_slice %arg3[%add3A_265] : memref<262144xi32, #tpu.memory_space<hbm>> -> memref<256xi32, #tpu.memory_space<hbm>>
      %dma_start3A_320 = tpu.memref_slice %arg3[%add3A_265] : memref<262144xi32, #tpu.memory_space<hbm>> -> memref<256xi32, #tpu.memory_space<hbm>>
      tpu.enqueue_dma source(%dma_start3A_320 : memref<256xi32, #tpu.memory_space<hbm>>) target(%arg6 : memref<256xi32, #tpu.memory_space<vmem>>) target_semaphore(%run_scoped3A : memref<!tpu.dma_semaphore, #tpu.memory_space<semaphore_mem>>)
      %dma_wait3A_321 = tpu.memref_slice %arg3[%add3A_265] : memref<262144xi32, #tpu.memory_space<hbm>> -> memref<256xi32, #tpu.memory_space<hbm>>
      %dma_wait3A_322 = tpu.memref_slice %arg3[%add3A_265] : memref<262144xi32, #tpu.memory_space<hbm>> -> memref<256xi32, #tpu.memory_space<hbm>>
      tpu.wait_dma2 semaphore(%run_scoped3A : memref<!tpu.dma_semaphore, #tpu.memory_space<semaphore_mem>>) src(%dma_wait3A_322 : memref<256xi32, #tpu.memory_space<hbm>>) dst(%arg6 : memref<256xi32, #tpu.memory_space<vmem>>)
      tpu.yield
    }) : () -> ()
    %dma_start3A_266 = arith.constant 0 : i32
    %dma_start3A_267 = arith.constant 0 : i32
    %dma_start3A_268 = tpu.memref_slice %arg2[%dma_start3A_266, %dma_start3A_267] : memref<16384x128xf32, #tpu.memory_space<hbm>> -> memref<16384x128xf32, #tpu.memory_space<hbm>>
    tpu.enqueue_indirect_dma source(%dma_start3A_268 : memref<16384x128xf32, #tpu.memory_space<hbm>>) target(%arg8 : memref<256x128xf32, #tpu.memory_space<vmem>>) offsets(%arg6 : memref<256xi32, #tpu.memory_space<vmem>>) semaphore(%arg10 : memref<!tpu.dma_semaphore, #tpu.memory_space<semaphore_mem>>)
    %dma_wait3A_269 = arith.constant 0 : i32
    %dma_wait3A_270 = arith.constant 0 : i32
    %dma_wait3A_271 = tpu.memref_slice %arg2[%dma_wait3A_269, %dma_wait3A_270] : memref<16384x128xf32, #tpu.memory_space<hbm>> -> memref<16384x128xf32, #tpu.memory_space<hbm>>
    tpu.wait_indirect_dma semaphore(%arg9 : memref<!tpu.dma_semaphore, #tpu.memory_space<semaphore_mem>>) src(%dma_wait3A_271 : memref<16384x128xf32, #tpu.memory_space<hbm>>) dst(%arg7 : memref<256x128xf32, #tpu.memory_space<vmem>>)
    %add3A_272 = arith.constant 6656 : i32
    %add3A_273 = arith.addi %mul3A_2, %add3A_272 : i32
    "tpu.region"() ({
      %run_scoped3A = tpu.sem_alloc : memref<!tpu.dma_semaphore, #tpu.memory_space<semaphore_mem>>
      %dma_start3A_319 = arith.constant 0 : i32
      %dma_start3A_320 = tpu.memref_slice %arg4[%add3A_273, %dma_start3A_319] : memref<262144x128xf32, #tpu.memory_space<hbm>> -> memref<256x128xf32, #tpu.memory_space<hbm>>
      %dma_start3A_321 = arith.constant 0 : i32
      %dma_start3A_322 = tpu.memref_slice %arg4[%add3A_273, %dma_start3A_321] : memref<262144x128xf32, #tpu.memory_space<hbm>> -> memref<256x128xf32, #tpu.memory_space<hbm>>
      tpu.enqueue_dma source(%arg7 : memref<256x128xf32, #tpu.memory_space<vmem>>) target(%dma_start3A_322 : memref<256x128xf32, #tpu.memory_space<hbm>>) target_semaphore(%run_scoped3A : memref<!tpu.dma_semaphore, #tpu.memory_space<semaphore_mem>>)
      %dma_wait3A_323 = arith.constant 0 : i32
      %dma_wait3A_324 = tpu.memref_slice %arg4[%add3A_273, %dma_wait3A_323] : memref<262144x128xf32, #tpu.memory_space<hbm>> -> memref<256x128xf32, #tpu.memory_space<hbm>>
      %dma_wait3A_325 = arith.constant 0 : i32
      %dma_wait3A_326 = tpu.memref_slice %arg4[%add3A_273, %dma_wait3A_325] : memref<262144x128xf32, #tpu.memory_space<hbm>> -> memref<256x128xf32, #tpu.memory_space<hbm>>
      tpu.wait_dma2 semaphore(%run_scoped3A : memref<!tpu.dma_semaphore, #tpu.memory_space<semaphore_mem>>) src(%arg7 : memref<256x128xf32, #tpu.memory_space<vmem>>) dst(%dma_wait3A_326 : memref<256x128xf32, #tpu.memory_space<hbm>>)
      tpu.yield
    }) : () -> ()
    %add3A_274 = arith.constant 7168 : i32
    %add3A_275 = arith.addi %mul3A_2, %add3A_274 : i32
    "tpu.region"() ({
      %run_scoped3A = tpu.sem_alloc : memref<!tpu.dma_semaphore, #tpu.memory_space<semaphore_mem>>
      %dma_start3A_319 = tpu.memref_slice %arg3[%add3A_275] : memref<262144xi32, #tpu.memory_space<hbm>> -> memref<256xi32, #tpu.memory_space<hbm>>
      %dma_start3A_320 = tpu.memref_slice %arg3[%add3A_275] : memref<262144xi32, #tpu.memory_space<hbm>> -> memref<256xi32, #tpu.memory_space<hbm>>
      tpu.enqueue_dma source(%dma_start3A_320 : memref<256xi32, #tpu.memory_space<hbm>>) target(%arg5 : memref<256xi32, #tpu.memory_space<vmem>>) target_semaphore(%run_scoped3A : memref<!tpu.dma_semaphore, #tpu.memory_space<semaphore_mem>>)
      %dma_wait3A_321 = tpu.memref_slice %arg3[%add3A_275] : memref<262144xi32, #tpu.memory_space<hbm>> -> memref<256xi32, #tpu.memory_space<hbm>>
      %dma_wait3A_322 = tpu.memref_slice %arg3[%add3A_275] : memref<262144xi32, #tpu.memory_space<hbm>> -> memref<256xi32, #tpu.memory_space<hbm>>
      tpu.wait_dma2 semaphore(%run_scoped3A : memref<!tpu.dma_semaphore, #tpu.memory_space<semaphore_mem>>) src(%dma_wait3A_322 : memref<256xi32, #tpu.memory_space<hbm>>) dst(%arg5 : memref<256xi32, #tpu.memory_space<vmem>>)
      tpu.yield
    }) : () -> ()
    %dma_start3A_276 = arith.constant 0 : i32
    %dma_start3A_277 = arith.constant 0 : i32
    %dma_start3A_278 = tpu.memref_slice %arg2[%dma_start3A_276, %dma_start3A_277] : memref<16384x128xf32, #tpu.memory_space<hbm>> -> memref<16384x128xf32, #tpu.memory_space<hbm>>
    tpu.enqueue_indirect_dma source(%dma_start3A_278 : memref<16384x128xf32, #tpu.memory_space<hbm>>) target(%arg7 : memref<256x128xf32, #tpu.memory_space<vmem>>) offsets(%arg5 : memref<256xi32, #tpu.memory_space<vmem>>) semaphore(%arg9 : memref<!tpu.dma_semaphore, #tpu.memory_space<semaphore_mem>>)
    %dma_wait3A_279 = arith.constant 0 : i32
    %dma_wait3A_280 = arith.constant 0 : i32
    %dma_wait3A_281 = tpu.memref_slice %arg2[%dma_wait3A_279, %dma_wait3A_280] : memref<16384x128xf32, #tpu.memory_space<hbm>> -> memref<16384x128xf32, #tpu.memory_space<hbm>>
    tpu.wait_indirect_dma semaphore(%arg10 : memref<!tpu.dma_semaphore, #tpu.memory_space<semaphore_mem>>) src(%dma_wait3A_281 : memref<16384x128xf32, #tpu.memory_space<hbm>>) dst(%arg8 : memref<256x128xf32, #tpu.memory_space<vmem>>)
    %add3A_282 = arith.constant 6912 : i32
    %add3A_283 = arith.addi %mul3A_2, %add3A_282 : i32
    "tpu.region"() ({
      %run_scoped3A = tpu.sem_alloc : memref<!tpu.dma_semaphore, #tpu.memory_space<semaphore_mem>>
      %dma_start3A_319 = arith.constant 0 : i32
      %dma_start3A_320 = tpu.memref_slice %arg4[%add3A_283, %dma_start3A_319] : memref<262144x128xf32, #tpu.memory_space<hbm>> -> memref<256x128xf32, #tpu.memory_space<hbm>>
      %dma_start3A_321 = arith.constant 0 : i32
      %dma_start3A_322 = tpu.memref_slice %arg4[%add3A_283, %dma_start3A_321] : memref<262144x128xf32, #tpu.memory_space<hbm>> -> memref<256x128xf32, #tpu.memory_space<hbm>>
      tpu.enqueue_dma source(%arg8 : memref<256x128xf32, #tpu.memory_space<vmem>>) target(%dma_start3A_322 : memref<256x128xf32, #tpu.memory_space<hbm>>) target_semaphore(%run_scoped3A : memref<!tpu.dma_semaphore, #tpu.memory_space<semaphore_mem>>)
      %dma_wait3A_323 = arith.constant 0 : i32
      %dma_wait3A_324 = tpu.memref_slice %arg4[%add3A_283, %dma_wait3A_323] : memref<262144x128xf32, #tpu.memory_space<hbm>> -> memref<256x128xf32, #tpu.memory_space<hbm>>
      %dma_wait3A_325 = arith.constant 0 : i32
      %dma_wait3A_326 = tpu.memref_slice %arg4[%add3A_283, %dma_wait3A_325] : memref<262144x128xf32, #tpu.memory_space<hbm>> -> memref<256x128xf32, #tpu.memory_space<hbm>>
      tpu.wait_dma2 semaphore(%run_scoped3A : memref<!tpu.dma_semaphore, #tpu.memory_space<semaphore_mem>>) src(%arg8 : memref<256x128xf32, #tpu.memory_space<vmem>>) dst(%dma_wait3A_326 : memref<256x128xf32, #tpu.memory_space<hbm>>)
      tpu.yield
    }) : () -> ()
    %add3A_284 = arith.constant 7424 : i32
    %add3A_285 = arith.addi %mul3A_2, %add3A_284 : i32
    "tpu.region"() ({
      %run_scoped3A = tpu.sem_alloc : memref<!tpu.dma_semaphore, #tpu.memory_space<semaphore_mem>>
      %dma_start3A_319 = tpu.memref_slice %arg3[%add3A_285] : memref<262144xi32, #tpu.memory_space<hbm>> -> memref<256xi32, #tpu.memory_space<hbm>>
      %dma_start3A_320 = tpu.memref_slice %arg3[%add3A_285] : memref<262144xi32, #tpu.memory_space<hbm>> -> memref<256xi32, #tpu.memory_space<hbm>>
      tpu.enqueue_dma source(%dma_start3A_320 : memref<256xi32, #tpu.memory_space<hbm>>) target(%arg6 : memref<256xi32, #tpu.memory_space<vmem>>) target_semaphore(%run_scoped3A : memref<!tpu.dma_semaphore, #tpu.memory_space<semaphore_mem>>)
      %dma_wait3A_321 = tpu.memref_slice %arg3[%add3A_285] : memref<262144xi32, #tpu.memory_space<hbm>> -> memref<256xi32, #tpu.memory_space<hbm>>
      %dma_wait3A_322 = tpu.memref_slice %arg3[%add3A_285] : memref<262144xi32, #tpu.memory_space<hbm>> -> memref<256xi32, #tpu.memory_space<hbm>>
      tpu.wait_dma2 semaphore(%run_scoped3A : memref<!tpu.dma_semaphore, #tpu.memory_space<semaphore_mem>>) src(%dma_wait3A_322 : memref<256xi32, #tpu.memory_space<hbm>>) dst(%arg6 : memref<256xi32, #tpu.memory_space<vmem>>)
      tpu.yield
    }) : () -> ()
    %dma_start3A_286 = arith.constant 0 : i32
    %dma_start3A_287 = arith.constant 0 : i32
    %dma_start3A_288 = tpu.memref_slice %arg2[%dma_start3A_286, %dma_start3A_287] : memref<16384x128xf32, #tpu.memory_space<hbm>> -> memref<16384x128xf32, #tpu.memory_space<hbm>>
    tpu.enqueue_indirect_dma source(%dma_start3A_288 : memref<16384x128xf32, #tpu.memory_space<hbm>>) target(%arg8 : memref<256x128xf32, #tpu.memory_space<vmem>>) offsets(%arg6 : memref<256xi32, #tpu.memory_space<vmem>>) semaphore(%arg10 : memref<!tpu.dma_semaphore, #tpu.memory_space<semaphore_mem>>)
    %dma_wait3A_289 = arith.constant 0 : i32
    %dma_wait3A_290 = arith.constant 0 : i32
    %dma_wait3A_291 = tpu.memref_slice %arg2[%dma_wait3A_289, %dma_wait3A_290] : memref<16384x128xf32, #tpu.memory_space<hbm>> -> memref<16384x128xf32, #tpu.memory_space<hbm>>
    tpu.wait_indirect_dma semaphore(%arg9 : memref<!tpu.dma_semaphore, #tpu.memory_space<semaphore_mem>>) src(%dma_wait3A_291 : memref<16384x128xf32, #tpu.memory_space<hbm>>) dst(%arg7 : memref<256x128xf32, #tpu.memory_space<vmem>>)
    %add3A_292 = arith.constant 7168 : i32
    %add3A_293 = arith.addi %mul3A_2, %add3A_292 : i32
    "tpu.region"() ({
      %run_scoped3A = tpu.sem_alloc : memref<!tpu.dma_semaphore, #tpu.memory_space<semaphore_mem>>
      %dma_start3A_319 = arith.constant 0 : i32
      %dma_start3A_320 = tpu.memref_slice %arg4[%add3A_293, %dma_start3A_319] : memref<262144x128xf32, #tpu.memory_space<hbm>> -> memref<256x128xf32, #tpu.memory_space<hbm>>
      %dma_start3A_321 = arith.constant 0 : i32
      %dma_start3A_322 = tpu.memref_slice %arg4[%add3A_293, %dma_start3A_321] : memref<262144x128xf32, #tpu.memory_space<hbm>> -> memref<256x128xf32, #tpu.memory_space<hbm>>
      tpu.enqueue_dma source(%arg7 : memref<256x128xf32, #tpu.memory_space<vmem>>) target(%dma_start3A_322 : memref<256x128xf32, #tpu.memory_space<hbm>>) target_semaphore(%run_scoped3A : memref<!tpu.dma_semaphore, #tpu.memory_space<semaphore_mem>>)
      %dma_wait3A_323 = arith.constant 0 : i32
      %dma_wait3A_324 = tpu.memref_slice %arg4[%add3A_293, %dma_wait3A_323] : memref<262144x128xf32, #tpu.memory_space<hbm>> -> memref<256x128xf32, #tpu.memory_space<hbm>>
      %dma_wait3A_325 = arith.constant 0 : i32
      %dma_wait3A_326 = tpu.memref_slice %arg4[%add3A_293, %dma_wait3A_325] : memref<262144x128xf32, #tpu.memory_space<hbm>> -> memref<256x128xf32, #tpu.memory_space<hbm>>
      tpu.wait_dma2 semaphore(%run_scoped3A : memref<!tpu.dma_semaphore, #tpu.memory_space<semaphore_mem>>) src(%arg7 : memref<256x128xf32, #tpu.memory_space<vmem>>) dst(%dma_wait3A_326 : memref<256x128xf32, #tpu.memory_space<hbm>>)
      tpu.yield
    }) : () -> ()
    %add3A_294 = arith.constant 7680 : i32
    %add3A_295 = arith.addi %mul3A_2, %add3A_294 : i32
    "tpu.region"() ({
      %run_scoped3A = tpu.sem_alloc : memref<!tpu.dma_semaphore, #tpu.memory_space<semaphore_mem>>
      %dma_start3A_319 = tpu.memref_slice %arg3[%add3A_295] : memref<262144xi32, #tpu.memory_space<hbm>> -> memref<256xi32, #tpu.memory_space<hbm>>
      %dma_start3A_320 = tpu.memref_slice %arg3[%add3A_295] : memref<262144xi32, #tpu.memory_space<hbm>> -> memref<256xi32, #tpu.memory_space<hbm>>
      tpu.enqueue_dma source(%dma_start3A_320 : memref<256xi32, #tpu.memory_space<hbm>>) target(%arg5 : memref<256xi32, #tpu.memory_space<vmem>>) target_semaphore(%run_scoped3A : memref<!tpu.dma_semaphore, #tpu.memory_space<semaphore_mem>>)
      %dma_wait3A_321 = tpu.memref_slice %arg3[%add3A_295] : memref<262144xi32, #tpu.memory_space<hbm>> -> memref<256xi32, #tpu.memory_space<hbm>>
      %dma_wait3A_322 = tpu.memref_slice %arg3[%add3A_295] : memref<262144xi32, #tpu.memory_space<hbm>> -> memref<256xi32, #tpu.memory_space<hbm>>
      tpu.wait_dma2 semaphore(%run_scoped3A : memref<!tpu.dma_semaphore, #tpu.memory_space<semaphore_mem>>) src(%dma_wait3A_322 : memref<256xi32, #tpu.memory_space<hbm>>) dst(%arg5 : memref<256xi32, #tpu.memory_space<vmem>>)
      tpu.yield
    }) : () -> ()
    %dma_start3A_296 = arith.constant 0 : i32
    %dma_start3A_297 = arith.constant 0 : i32
    %dma_start3A_298 = tpu.memref_slice %arg2[%dma_start3A_296, %dma_start3A_297] : memref<16384x128xf32, #tpu.memory_space<hbm>> -> memref<16384x128xf32, #tpu.memory_space<hbm>>
    tpu.enqueue_indirect_dma source(%dma_start3A_298 : memref<16384x128xf32, #tpu.memory_space<hbm>>) target(%arg7 : memref<256x128xf32, #tpu.memory_space<vmem>>) offsets(%arg5 : memref<256xi32, #tpu.memory_space<vmem>>) semaphore(%arg9 : memref<!tpu.dma_semaphore, #tpu.memory_space<semaphore_mem>>)
    %dma_wait3A_299 = arith.constant 0 : i32
    %dma_wait3A_300 = arith.constant 0 : i32
    %dma_wait3A_301 = tpu.memref_slice %arg2[%dma_wait3A_299, %dma_wait3A_300] : memref<16384x128xf32, #tpu.memory_space<hbm>> -> memref<16384x128xf32, #tpu.memory_space<hbm>>
    tpu.wait_indirect_dma semaphore(%arg10 : memref<!tpu.dma_semaphore, #tpu.memory_space<semaphore_mem>>) src(%dma_wait3A_301 : memref<16384x128xf32, #tpu.memory_space<hbm>>) dst(%arg8 : memref<256x128xf32, #tpu.memory_space<vmem>>)
    %add3A_302 = arith.constant 7424 : i32
    %add3A_303 = arith.addi %mul3A_2, %add3A_302 : i32
    "tpu.region"() ({
      %run_scoped3A = tpu.sem_alloc : memref<!tpu.dma_semaphore, #tpu.memory_space<semaphore_mem>>
      %dma_start3A_319 = arith.constant 0 : i32
      %dma_start3A_320 = tpu.memref_slice %arg4[%add3A_303, %dma_start3A_319] : memref<262144x128xf32, #tpu.memory_space<hbm>> -> memref<256x128xf32, #tpu.memory_space<hbm>>
      %dma_start3A_321 = arith.constant 0 : i32
      %dma_start3A_322 = tpu.memref_slice %arg4[%add3A_303, %dma_start3A_321] : memref<262144x128xf32, #tpu.memory_space<hbm>> -> memref<256x128xf32, #tpu.memory_space<hbm>>
      tpu.enqueue_dma source(%arg8 : memref<256x128xf32, #tpu.memory_space<vmem>>) target(%dma_start3A_322 : memref<256x128xf32, #tpu.memory_space<hbm>>) target_semaphore(%run_scoped3A : memref<!tpu.dma_semaphore, #tpu.memory_space<semaphore_mem>>)
      %dma_wait3A_323 = arith.constant 0 : i32
      %dma_wait3A_324 = tpu.memref_slice %arg4[%add3A_303, %dma_wait3A_323] : memref<262144x128xf32, #tpu.memory_space<hbm>> -> memref<256x128xf32, #tpu.memory_space<hbm>>
      %dma_wait3A_325 = arith.constant 0 : i32
      %dma_wait3A_326 = tpu.memref_slice %arg4[%add3A_303, %dma_wait3A_325] : memref<262144x128xf32, #tpu.memory_space<hbm>> -> memref<256x128xf32, #tpu.memory_space<hbm>>
      tpu.wait_dma2 semaphore(%run_scoped3A : memref<!tpu.dma_semaphore, #tpu.memory_space<semaphore_mem>>) src(%arg8 : memref<256x128xf32, #tpu.memory_space<vmem>>) dst(%dma_wait3A_326 : memref<256x128xf32, #tpu.memory_space<hbm>>)
      tpu.yield
    }) : () -> ()
    %add3A_304 = arith.constant 7936 : i32
    %add3A_305 = arith.addi %mul3A_2, %add3A_304 : i32
    "tpu.region"() ({
      %run_scoped3A = tpu.sem_alloc : memref<!tpu.dma_semaphore, #tpu.memory_space<semaphore_mem>>
      %dma_start3A_319 = tpu.memref_slice %arg3[%add3A_305] : memref<262144xi32, #tpu.memory_space<hbm>> -> memref<256xi32, #tpu.memory_space<hbm>>
      %dma_start3A_320 = tpu.memref_slice %arg3[%add3A_305] : memref<262144xi32, #tpu.memory_space<hbm>> -> memref<256xi32, #tpu.memory_space<hbm>>
      tpu.enqueue_dma source(%dma_start3A_320 : memref<256xi32, #tpu.memory_space<hbm>>) target(%arg6 : memref<256xi32, #tpu.memory_space<vmem>>) target_semaphore(%run_scoped3A : memref<!tpu.dma_semaphore, #tpu.memory_space<semaphore_mem>>)
      %dma_wait3A_321 = tpu.memref_slice %arg3[%add3A_305] : memref<262144xi32, #tpu.memory_space<hbm>> -> memref<256xi32, #tpu.memory_space<hbm>>
      %dma_wait3A_322 = tpu.memref_slice %arg3[%add3A_305] : memref<262144xi32, #tpu.memory_space<hbm>> -> memref<256xi32, #tpu.memory_space<hbm>>
      tpu.wait_dma2 semaphore(%run_scoped3A : memref<!tpu.dma_semaphore, #tpu.memory_space<semaphore_mem>>) src(%dma_wait3A_322 : memref<256xi32, #tpu.memory_space<hbm>>) dst(%arg6 : memref<256xi32, #tpu.memory_space<vmem>>)
      tpu.yield
    }) : () -> ()
    %dma_start3A_306 = arith.constant 0 : i32
    %dma_start3A_307 = arith.constant 0 : i32
    %dma_start3A_308 = tpu.memref_slice %arg2[%dma_start3A_306, %dma_start3A_307] : memref<16384x128xf32, #tpu.memory_space<hbm>> -> memref<16384x128xf32, #tpu.memory_space<hbm>>
    tpu.enqueue_indirect_dma source(%dma_start3A_308 : memref<16384x128xf32, #tpu.memory_space<hbm>>) target(%arg8 : memref<256x128xf32, #tpu.memory_space<vmem>>) offsets(%arg6 : memref<256xi32, #tpu.memory_space<vmem>>) semaphore(%arg10 : memref<!tpu.dma_semaphore, #tpu.memory_space<semaphore_mem>>)
    %dma_wait3A_309 = arith.constant 0 : i32
    %dma_wait3A_310 = arith.constant 0 : i32
    %dma_wait3A_311 = tpu.memref_slice %arg2[%dma_wait3A_309, %dma_wait3A_310] : memref<16384x128xf32, #tpu.memory_space<hbm>> -> memref<16384x128xf32, #tpu.memory_space<hbm>>
    tpu.wait_indirect_dma semaphore(%arg9 : memref<!tpu.dma_semaphore, #tpu.memory_space<semaphore_mem>>) src(%dma_wait3A_311 : memref<16384x128xf32, #tpu.memory_space<hbm>>) dst(%arg7 : memref<256x128xf32, #tpu.memory_space<vmem>>)
    %add3A_312 = arith.constant 7680 : i32
    %add3A_313 = arith.addi %mul3A_2, %add3A_312 : i32
    "tpu.region"() ({
      %run_scoped3A = tpu.sem_alloc : memref<!tpu.dma_semaphore, #tpu.memory_space<semaphore_mem>>
      %dma_start3A_319 = arith.constant 0 : i32
      %dma_start3A_320 = tpu.memref_slice %arg4[%add3A_313, %dma_start3A_319] : memref<262144x128xf32, #tpu.memory_space<hbm>> -> memref<256x128xf32, #tpu.memory_space<hbm>>
      %dma_start3A_321 = arith.constant 0 : i32
      %dma_start3A_322 = tpu.memref_slice %arg4[%add3A_313, %dma_start3A_321] : memref<262144x128xf32, #tpu.memory_space<hbm>> -> memref<256x128xf32, #tpu.memory_space<hbm>>
      tpu.enqueue_dma source(%arg7 : memref<256x128xf32, #tpu.memory_space<vmem>>) target(%dma_start3A_322 : memref<256x128xf32, #tpu.memory_space<hbm>>) target_semaphore(%run_scoped3A : memref<!tpu.dma_semaphore, #tpu.memory_space<semaphore_mem>>)
      %dma_wait3A_323 = arith.constant 0 : i32
      %dma_wait3A_324 = tpu.memref_slice %arg4[%add3A_313, %dma_wait3A_323] : memref<262144x128xf32, #tpu.memory_space<hbm>> -> memref<256x128xf32, #tpu.memory_space<hbm>>
      %dma_wait3A_325 = arith.constant 0 : i32
      %dma_wait3A_326 = tpu.memref_slice %arg4[%add3A_313, %dma_wait3A_325] : memref<262144x128xf32, #tpu.memory_space<hbm>> -> memref<256x128xf32, #tpu.memory_space<hbm>>
      tpu.wait_dma2 semaphore(%run_scoped3A : memref<!tpu.dma_semaphore, #tpu.memory_space<semaphore_mem>>) src(%arg7 : memref<256x128xf32, #tpu.memory_space<vmem>>) dst(%dma_wait3A_326 : memref<256x128xf32, #tpu.memory_space<hbm>>)
      tpu.yield
    }) : () -> ()
    %dma_wait3A_314 = arith.constant 0 : i32
    %dma_wait3A_315 = arith.constant 0 : i32
    %dma_wait3A_316 = tpu.memref_slice %arg2[%dma_wait3A_314, %dma_wait3A_315] : memref<16384x128xf32, #tpu.memory_space<hbm>> -> memref<16384x128xf32, #tpu.memory_space<hbm>>
    tpu.wait_indirect_dma semaphore(%arg10 : memref<!tpu.dma_semaphore, #tpu.memory_space<semaphore_mem>>) src(%dma_wait3A_316 : memref<16384x128xf32, #tpu.memory_space<hbm>>) dst(%arg8 : memref<256x128xf32, #tpu.memory_space<vmem>>)
    %add3A_317 = arith.constant 7936 : i32
    %add3A_318 = arith.addi %mul3A_2, %add3A_317 : i32
    "tpu.region"() ({
      %run_scoped3A = tpu.sem_alloc : memref<!tpu.dma_semaphore, #tpu.memory_space<semaphore_mem>>
      %dma_start3A_319 = arith.constant 0 : i32
      %dma_start3A_320 = tpu.memref_slice %arg4[%add3A_318, %dma_start3A_319] : memref<262144x128xf32, #tpu.memory_space<hbm>> -> memref<256x128xf32, #tpu.memory_space<hbm>>
      %dma_start3A_321 = arith.constant 0 : i32
      %dma_start3A_322 = tpu.memref_slice %arg4[%add3A_318, %dma_start3A_321] : memref<262144x128xf32, #tpu.memory_space<hbm>> -> memref<256x128xf32, #tpu.memory_space<hbm>>
      tpu.enqueue_dma source(%arg8 : memref<256x128xf32, #tpu.memory_space<vmem>>) target(%dma_start3A_322 : memref<256x128xf32, #tpu.memory_space<hbm>>) target_semaphore(%run_scoped3A : memref<!tpu.dma_semaphore, #tpu.memory_space<semaphore_mem>>)
      %dma_wait3A_323 = arith.constant 0 : i32
      %dma_wait3A_324 = tpu.memref_slice %arg4[%add3A_318, %dma_wait3A_323] : memref<262144x128xf32, #tpu.memory_space<hbm>> -> memref<256x128xf32, #tpu.memory_space<hbm>>
      %dma_wait3A_325 = arith.constant 0 : i32
      %dma_wait3A_326 = tpu.memref_slice %arg4[%add3A_318, %dma_wait3A_325] : memref<262144x128xf32, #tpu.memory_space<hbm>> -> memref<256x128xf32, #tpu.memory_space<hbm>>
      tpu.wait_dma2 semaphore(%run_scoped3A : memref<!tpu.dma_semaphore, #tpu.memory_space<semaphore_mem>>) src(%arg8 : memref<256x128xf32, #tpu.memory_space<vmem>>) dst(%dma_wait3A_326 : memref<256x128xf32, #tpu.memory_space<hbm>>)
      tpu.yield
    }) : () -> ()
    return
  }
}

module attributes {stable_mosaic.version = 14 : i64} {
  func.func @_s2_body(%arg0: i32, %arg1: i32, %arg2: memref<1x16x2048xf32, #tpu.memory_space<vmem>>, %arg3: memref<1024x16xf32, #tpu.memory_space<vmem>>, %arg4: memref<1024x16xi32, #tpu.memory_space<vmem>>) attributes {dimension_semantics = [#tpu.dimension_semantics<arbitrary>, #tpu.dimension_semantics<arbitrary>], iteration_bounds = array<i64: 8, 2>, scalar_prefetch = 0 : i64, scratch_operands = 0 : i64, tpu.core_type = #tpu.core_type<tc>, window_params = [{transform_indices = @transform_0, window_bounds = array<i64: 1, 16, 2048>}, {transform_indices = @transform_1, window_bounds = array<i64: 1024, 16>}, {transform_indices = @transform_2, window_bounds = array<i64: 1024, 16>}]} {
    %get3A = arith.constant 0 : index
    %get3A_0 = arith.constant 0 : index
    %get3A_1 = arith.constant 0 : index
    %get3A_2 = vector.load %arg2[%get3A, %get3A_0, %get3A_1] : memref<1x16x2048xf32, #tpu.memory_space<vmem>>, vector<1x16x2048xf32>
    %get3A_3 = vector.shape_cast %get3A_2 : vector<1x16x2048xf32> to vector<16x2048xf32>
    %get3A_4 = arith.constant 0 : index
    %get3A_5 = arith.constant 0 : index
    %get3A_6 = vector.load %arg3[%get3A_4, %get3A_5] : memref<1024x16xf32, #tpu.memory_space<vmem>>, vector<1024x16xf32>
    %mul3A = arith.mulf %get3A_3, %get3A_3 : vector<16x2048xf32>
    %reduce_sum3A = arith.constant dense<0.000000e+00> : vector<2048xf32>
    %reduce_sum3A_7 = vector.multi_reduction <add>, %mul3A, %reduce_sum3A [0] : vector<16x2048xf32> to vector<2048xf32>
    %broadcast_in_dim3A = vector.shape_cast %reduce_sum3A_7 : vector<2048xf32> to vector<1x2048xf32>
    %mul3A_8 = arith.mulf %get3A_6, %get3A_6 : vector<1024x16xf32>
    %reduce_sum3A_9 = arith.constant dense<0.000000e+00> : vector<1024xf32>
    %reduce_sum3A_10 = vector.multi_reduction <add>, %mul3A_8, %reduce_sum3A_9 [1] : vector<1024x16xf32> to vector<1024xf32>
    %broadcast_in_dim3A_11 = vector.shape_cast %reduce_sum3A_10 : vector<1024xf32> to vector<1024x1xf32>
    %add3A = vector.broadcast %broadcast_in_dim3A_11 : vector<1024x1xf32> to vector<1024x2048xf32>
    %add3A_12 = vector.broadcast %broadcast_in_dim3A : vector<1x2048xf32> to vector<1024x2048xf32>
    %add3A_13 = arith.addf %add3A, %add3A_12 : vector<1024x2048xf32>
    %dot_general3A = arith.constant dense<0.000000e+00> : vector<1024x2048xf32>
    %dot_general3A_14 = tpu.matmul %get3A_6, %get3A_3, %dot_general3A {dimension_numbers = #tpu.dot_dimension_numbers<[1], [0], [0], [1], [0, 0, 1, 1], [], []>, transpose_lhs_hint = false} : vector<1024x16xf32>, vector<16x2048xf32>, vector<1024x2048xf32> -> vector<1024x2048xf32>
    %mul3A_15 = arith.constant 2.000000e+00 : f32
    %mul3A_16 = vector.broadcast %mul3A_15 : f32 to vector<1024x2048xf32>
    %mul3A_17 = arith.mulf %mul3A_16, %dot_general3A_14 : vector<1024x2048xf32>
    %sub3A = arith.subf %add3A_13, %mul3A_17 : vector<1024x2048xf32>
    %mul3A_18 = arith.constant 2048 : i32
    %mul3A_19 = arith.muli %arg0, %mul3A_18 : i32
    %iota3A = tpu.iota {dimensions = array<i32: 1>} : vector<1024x2048xi32>
    %bitcast_convert_type3A = tpu.bitcast %sub3A : vector<1024x2048xf32> -> vector<1024x2048xi32>
    %and3A = arith.constant -2048 : i32
    %and3A_20 = vector.broadcast %and3A : i32 to vector<1024x2048xi32>
    %and3A_21 = arith.andi %bitcast_convert_type3A, %and3A_20 : vector<1024x2048xi32>
    %or3A = arith.ori %and3A_21, %iota3A : vector<1024x2048xi32>
    %bitcast_convert_type3A_22 = tpu.bitcast %or3A : vector<1024x2048xi32> -> vector<1024x2048xf32>
    %iota3A_23 = tpu.iota {dimensions = array<i32: 1>} : vector<1024x16xi32>
    %broadcast_in_dim3A_24 = arith.constant 0 : i32
    %broadcast_in_dim3A_25 = vector.broadcast %broadcast_in_dim3A_24 : i32 to vector<1024x16xi32>
    %reduce_min3A = arith.constant dense<0x7F800000> : vector<1024xf32>
    %reduce_min3A_26 = vector.multi_reduction <minimumf>, %bitcast_convert_type3A_22, %reduce_min3A [1] : vector<1024x2048xf32> to vector<1024xf32>
    %broadcast_in_dim3A_27 = vector.shape_cast %reduce_min3A_26 : vector<1024xf32> to vector<1024x1xf32>
    %bitcast_convert_type3A_28 = tpu.bitcast %broadcast_in_dim3A_27 : vector<1024x1xf32> -> vector<1024x1xi32>
    %and3A_29 = arith.constant 2047 : i32
    %and3A_30 = vector.broadcast %and3A_29 : i32 to vector<1024x1xi32>
    %and3A_31 = arith.andi %bitcast_convert_type3A_28, %and3A_30 : vector<1024x1xi32>
    %eq3A = arith.constant 0 : i32
    %eq3A_32 = vector.broadcast %eq3A : i32 to vector<1024x16xi32>
    %eq3A_33 = arith.cmpi eq, %iota3A_23, %eq3A_32 : vector<1024x16xi32>
    %add3A_34 = vector.broadcast %mul3A_19 : i32 to vector<1024x1xi32>
    %add3A_35 = arith.addi %and3A_31, %add3A_34 : vector<1024x1xi32>
    %broadcast_in_dim3A_36 = vector.shape_cast %add3A_35 : vector<1024x1xi32> to vector<1024x1xi32>
    %broadcast_in_dim3A_37 = vector.broadcast %broadcast_in_dim3A_36 : vector<1024x1xi32> to vector<1024x16xi32>
    %select_n3A = arith.select %eq3A_33, %broadcast_in_dim3A_37, %broadcast_in_dim3A_25 : vector<1024x16xi1>, vector<1024x16xi32>
    %eq3A_38 = vector.broadcast %broadcast_in_dim3A_27 : vector<1024x1xf32> to vector<1024x2048xf32>
    %eq3A_39 = arith.cmpf oeq, %bitcast_convert_type3A_22, %eq3A_38 : vector<1024x2048xf32>
    %jit3A = arith.constant 0x7F800000 : f32
    %broadcast_in_dim3A_40 = vector.broadcast %jit3A : f32 to vector<1024x2048xf32>
    %select_n3A_41 = arith.select %eq3A_39, %broadcast_in_dim3A_40, %bitcast_convert_type3A_22 : vector<1024x2048xi1>, vector<1024x2048xf32>
    %reduce_min3A_42 = arith.constant dense<0x7F800000> : vector<1024xf32>
    %reduce_min3A_43 = vector.multi_reduction <minimumf>, %select_n3A_41, %reduce_min3A_42 [1] : vector<1024x2048xf32> to vector<1024xf32>
    %broadcast_in_dim3A_44 = vector.shape_cast %reduce_min3A_43 : vector<1024xf32> to vector<1024x1xf32>
    %bitcast_convert_type3A_45 = tpu.bitcast %broadcast_in_dim3A_44 : vector<1024x1xf32> -> vector<1024x1xi32>
    %and3A_46 = arith.constant 2047 : i32
    %and3A_47 = vector.broadcast %and3A_46 : i32 to vector<1024x1xi32>
    %and3A_48 = arith.andi %bitcast_convert_type3A_45, %and3A_47 : vector<1024x1xi32>
    %eq3A_49 = arith.constant 1 : i32
    %eq3A_50 = vector.broadcast %eq3A_49 : i32 to vector<1024x16xi32>
    %eq3A_51 = arith.cmpi eq, %iota3A_23, %eq3A_50 : vector<1024x16xi32>
    %add3A_52 = vector.broadcast %mul3A_19 : i32 to vector<1024x1xi32>
    %add3A_53 = arith.addi %and3A_48, %add3A_52 : vector<1024x1xi32>
    %broadcast_in_dim3A_54 = vector.shape_cast %add3A_53 : vector<1024x1xi32> to vector<1024x1xi32>
    %broadcast_in_dim3A_55 = vector.broadcast %broadcast_in_dim3A_54 : vector<1024x1xi32> to vector<1024x16xi32>
    %select_n3A_56 = arith.select %eq3A_51, %broadcast_in_dim3A_55, %select_n3A : vector<1024x16xi1>, vector<1024x16xi32>
    %eq3A_57 = vector.broadcast %broadcast_in_dim3A_44 : vector<1024x1xf32> to vector<1024x2048xf32>
    %eq3A_58 = arith.cmpf oeq, %select_n3A_41, %eq3A_57 : vector<1024x2048xf32>
    %jit3A_59 = arith.constant 0x7F800000 : f32
    %broadcast_in_dim3A_60 = vector.broadcast %jit3A_59 : f32 to vector<1024x2048xf32>
    %select_n3A_61 = arith.select %eq3A_58, %broadcast_in_dim3A_60, %select_n3A_41 : vector<1024x2048xi1>, vector<1024x2048xf32>
    %reduce_min3A_62 = arith.constant dense<0x7F800000> : vector<1024xf32>
    %reduce_min3A_63 = vector.multi_reduction <minimumf>, %select_n3A_61, %reduce_min3A_62 [1] : vector<1024x2048xf32> to vector<1024xf32>
    %broadcast_in_dim3A_64 = vector.shape_cast %reduce_min3A_63 : vector<1024xf32> to vector<1024x1xf32>
    %bitcast_convert_type3A_65 = tpu.bitcast %broadcast_in_dim3A_64 : vector<1024x1xf32> -> vector<1024x1xi32>
    %and3A_66 = arith.constant 2047 : i32
    %and3A_67 = vector.broadcast %and3A_66 : i32 to vector<1024x1xi32>
    %and3A_68 = arith.andi %bitcast_convert_type3A_65, %and3A_67 : vector<1024x1xi32>
    %eq3A_69 = arith.constant 2 : i32
    %eq3A_70 = vector.broadcast %eq3A_69 : i32 to vector<1024x16xi32>
    %eq3A_71 = arith.cmpi eq, %iota3A_23, %eq3A_70 : vector<1024x16xi32>
    %add3A_72 = vector.broadcast %mul3A_19 : i32 to vector<1024x1xi32>
    %add3A_73 = arith.addi %and3A_68, %add3A_72 : vector<1024x1xi32>
    %broadcast_in_dim3A_74 = vector.shape_cast %add3A_73 : vector<1024x1xi32> to vector<1024x1xi32>
    %broadcast_in_dim3A_75 = vector.broadcast %broadcast_in_dim3A_74 : vector<1024x1xi32> to vector<1024x16xi32>
    %select_n3A_76 = arith.select %eq3A_71, %broadcast_in_dim3A_75, %select_n3A_56 : vector<1024x16xi1>, vector<1024x16xi32>
    %eq3A_77 = vector.broadcast %broadcast_in_dim3A_64 : vector<1024x1xf32> to vector<1024x2048xf32>
    %eq3A_78 = arith.cmpf oeq, %select_n3A_61, %eq3A_77 : vector<1024x2048xf32>
    %jit3A_79 = arith.constant 0x7F800000 : f32
    %broadcast_in_dim3A_80 = vector.broadcast %jit3A_79 : f32 to vector<1024x2048xf32>
    %select_n3A_81 = arith.select %eq3A_78, %broadcast_in_dim3A_80, %select_n3A_61 : vector<1024x2048xi1>, vector<1024x2048xf32>
    %reduce_min3A_82 = arith.constant dense<0x7F800000> : vector<1024xf32>
    %reduce_min3A_83 = vector.multi_reduction <minimumf>, %select_n3A_81, %reduce_min3A_82 [1] : vector<1024x2048xf32> to vector<1024xf32>
    %broadcast_in_dim3A_84 = vector.shape_cast %reduce_min3A_83 : vector<1024xf32> to vector<1024x1xf32>
    %bitcast_convert_type3A_85 = tpu.bitcast %broadcast_in_dim3A_84 : vector<1024x1xf32> -> vector<1024x1xi32>
    %and3A_86 = arith.constant 2047 : i32
    %and3A_87 = vector.broadcast %and3A_86 : i32 to vector<1024x1xi32>
    %and3A_88 = arith.andi %bitcast_convert_type3A_85, %and3A_87 : vector<1024x1xi32>
    %eq3A_89 = arith.constant 3 : i32
    %eq3A_90 = vector.broadcast %eq3A_89 : i32 to vector<1024x16xi32>
    %eq3A_91 = arith.cmpi eq, %iota3A_23, %eq3A_90 : vector<1024x16xi32>
    %add3A_92 = vector.broadcast %mul3A_19 : i32 to vector<1024x1xi32>
    %add3A_93 = arith.addi %and3A_88, %add3A_92 : vector<1024x1xi32>
    %broadcast_in_dim3A_94 = vector.shape_cast %add3A_93 : vector<1024x1xi32> to vector<1024x1xi32>
    %broadcast_in_dim3A_95 = vector.broadcast %broadcast_in_dim3A_94 : vector<1024x1xi32> to vector<1024x16xi32>
    %select_n3A_96 = arith.select %eq3A_91, %broadcast_in_dim3A_95, %select_n3A_76 : vector<1024x16xi1>, vector<1024x16xi32>
    %eq3A_97 = vector.broadcast %broadcast_in_dim3A_84 : vector<1024x1xf32> to vector<1024x2048xf32>
    %eq3A_98 = arith.cmpf oeq, %select_n3A_81, %eq3A_97 : vector<1024x2048xf32>
    %jit3A_99 = arith.constant 0x7F800000 : f32
    %broadcast_in_dim3A_100 = vector.broadcast %jit3A_99 : f32 to vector<1024x2048xf32>
    %select_n3A_101 = arith.select %eq3A_98, %broadcast_in_dim3A_100, %select_n3A_81 : vector<1024x2048xi1>, vector<1024x2048xf32>
    %reduce_min3A_102 = arith.constant dense<0x7F800000> : vector<1024xf32>
    %reduce_min3A_103 = vector.multi_reduction <minimumf>, %select_n3A_101, %reduce_min3A_102 [1] : vector<1024x2048xf32> to vector<1024xf32>
    %broadcast_in_dim3A_104 = vector.shape_cast %reduce_min3A_103 : vector<1024xf32> to vector<1024x1xf32>
    %bitcast_convert_type3A_105 = tpu.bitcast %broadcast_in_dim3A_104 : vector<1024x1xf32> -> vector<1024x1xi32>
    %and3A_106 = arith.constant 2047 : i32
    %and3A_107 = vector.broadcast %and3A_106 : i32 to vector<1024x1xi32>
    %and3A_108 = arith.andi %bitcast_convert_type3A_105, %and3A_107 : vector<1024x1xi32>
    %eq3A_109 = arith.constant 4 : i32
    %eq3A_110 = vector.broadcast %eq3A_109 : i32 to vector<1024x16xi32>
    %eq3A_111 = arith.cmpi eq, %iota3A_23, %eq3A_110 : vector<1024x16xi32>
    %add3A_112 = vector.broadcast %mul3A_19 : i32 to vector<1024x1xi32>
    %add3A_113 = arith.addi %and3A_108, %add3A_112 : vector<1024x1xi32>
    %broadcast_in_dim3A_114 = vector.shape_cast %add3A_113 : vector<1024x1xi32> to vector<1024x1xi32>
    %broadcast_in_dim3A_115 = vector.broadcast %broadcast_in_dim3A_114 : vector<1024x1xi32> to vector<1024x16xi32>
    %select_n3A_116 = arith.select %eq3A_111, %broadcast_in_dim3A_115, %select_n3A_96 : vector<1024x16xi1>, vector<1024x16xi32>
    %eq3A_117 = vector.broadcast %broadcast_in_dim3A_104 : vector<1024x1xf32> to vector<1024x2048xf32>
    %eq3A_118 = arith.cmpf oeq, %select_n3A_101, %eq3A_117 : vector<1024x2048xf32>
    %jit3A_119 = arith.constant 0x7F800000 : f32
    %broadcast_in_dim3A_120 = vector.broadcast %jit3A_119 : f32 to vector<1024x2048xf32>
    %select_n3A_121 = arith.select %eq3A_118, %broadcast_in_dim3A_120, %select_n3A_101 : vector<1024x2048xi1>, vector<1024x2048xf32>
    %reduce_min3A_122 = arith.constant dense<0x7F800000> : vector<1024xf32>
    %reduce_min3A_123 = vector.multi_reduction <minimumf>, %select_n3A_121, %reduce_min3A_122 [1] : vector<1024x2048xf32> to vector<1024xf32>
    %broadcast_in_dim3A_124 = vector.shape_cast %reduce_min3A_123 : vector<1024xf32> to vector<1024x1xf32>
    %bitcast_convert_type3A_125 = tpu.bitcast %broadcast_in_dim3A_124 : vector<1024x1xf32> -> vector<1024x1xi32>
    %and3A_126 = arith.constant 2047 : i32
    %and3A_127 = vector.broadcast %and3A_126 : i32 to vector<1024x1xi32>
    %and3A_128 = arith.andi %bitcast_convert_type3A_125, %and3A_127 : vector<1024x1xi32>
    %eq3A_129 = arith.constant 5 : i32
    %eq3A_130 = vector.broadcast %eq3A_129 : i32 to vector<1024x16xi32>
    %eq3A_131 = arith.cmpi eq, %iota3A_23, %eq3A_130 : vector<1024x16xi32>
    %add3A_132 = vector.broadcast %mul3A_19 : i32 to vector<1024x1xi32>
    %add3A_133 = arith.addi %and3A_128, %add3A_132 : vector<1024x1xi32>
    %broadcast_in_dim3A_134 = vector.shape_cast %add3A_133 : vector<1024x1xi32> to vector<1024x1xi32>
    %broadcast_in_dim3A_135 = vector.broadcast %broadcast_in_dim3A_134 : vector<1024x1xi32> to vector<1024x16xi32>
    %select_n3A_136 = arith.select %eq3A_131, %broadcast_in_dim3A_135, %select_n3A_116 : vector<1024x16xi1>, vector<1024x16xi32>
    %eq3A_137 = vector.broadcast %broadcast_in_dim3A_124 : vector<1024x1xf32> to vector<1024x2048xf32>
    %eq3A_138 = arith.cmpf oeq, %select_n3A_121, %eq3A_137 : vector<1024x2048xf32>
    %jit3A_139 = arith.constant 0x7F800000 : f32
    %broadcast_in_dim3A_140 = vector.broadcast %jit3A_139 : f32 to vector<1024x2048xf32>
    %select_n3A_141 = arith.select %eq3A_138, %broadcast_in_dim3A_140, %select_n3A_121 : vector<1024x2048xi1>, vector<1024x2048xf32>
    %reduce_min3A_142 = arith.constant dense<0x7F800000> : vector<1024xf32>
    %reduce_min3A_143 = vector.multi_reduction <minimumf>, %select_n3A_141, %reduce_min3A_142 [1] : vector<1024x2048xf32> to vector<1024xf32>
    %broadcast_in_dim3A_144 = vector.shape_cast %reduce_min3A_143 : vector<1024xf32> to vector<1024x1xf32>
    %bitcast_convert_type3A_145 = tpu.bitcast %broadcast_in_dim3A_144 : vector<1024x1xf32> -> vector<1024x1xi32>
    %and3A_146 = arith.constant 2047 : i32
    %and3A_147 = vector.broadcast %and3A_146 : i32 to vector<1024x1xi32>
    %and3A_148 = arith.andi %bitcast_convert_type3A_145, %and3A_147 : vector<1024x1xi32>
    %eq3A_149 = arith.constant 6 : i32
    %eq3A_150 = vector.broadcast %eq3A_149 : i32 to vector<1024x16xi32>
    %eq3A_151 = arith.cmpi eq, %iota3A_23, %eq3A_150 : vector<1024x16xi32>
    %add3A_152 = vector.broadcast %mul3A_19 : i32 to vector<1024x1xi32>
    %add3A_153 = arith.addi %and3A_148, %add3A_152 : vector<1024x1xi32>
    %broadcast_in_dim3A_154 = vector.shape_cast %add3A_153 : vector<1024x1xi32> to vector<1024x1xi32>
    %broadcast_in_dim3A_155 = vector.broadcast %broadcast_in_dim3A_154 : vector<1024x1xi32> to vector<1024x16xi32>
    %select_n3A_156 = arith.select %eq3A_151, %broadcast_in_dim3A_155, %select_n3A_136 : vector<1024x16xi1>, vector<1024x16xi32>
    %eq3A_157 = vector.broadcast %broadcast_in_dim3A_144 : vector<1024x1xf32> to vector<1024x2048xf32>
    %eq3A_158 = arith.cmpf oeq, %select_n3A_141, %eq3A_157 : vector<1024x2048xf32>
    %jit3A_159 = arith.constant 0x7F800000 : f32
    %broadcast_in_dim3A_160 = vector.broadcast %jit3A_159 : f32 to vector<1024x2048xf32>
    %select_n3A_161 = arith.select %eq3A_158, %broadcast_in_dim3A_160, %select_n3A_141 : vector<1024x2048xi1>, vector<1024x2048xf32>
    %reduce_min3A_162 = arith.constant dense<0x7F800000> : vector<1024xf32>
    %reduce_min3A_163 = vector.multi_reduction <minimumf>, %select_n3A_161, %reduce_min3A_162 [1] : vector<1024x2048xf32> to vector<1024xf32>
    %broadcast_in_dim3A_164 = vector.shape_cast %reduce_min3A_163 : vector<1024xf32> to vector<1024x1xf32>
    %bitcast_convert_type3A_165 = tpu.bitcast %broadcast_in_dim3A_164 : vector<1024x1xf32> -> vector<1024x1xi32>
    %and3A_166 = arith.constant 2047 : i32
    %and3A_167 = vector.broadcast %and3A_166 : i32 to vector<1024x1xi32>
    %and3A_168 = arith.andi %bitcast_convert_type3A_165, %and3A_167 : vector<1024x1xi32>
    %eq3A_169 = arith.constant 7 : i32
    %eq3A_170 = vector.broadcast %eq3A_169 : i32 to vector<1024x16xi32>
    %eq3A_171 = arith.cmpi eq, %iota3A_23, %eq3A_170 : vector<1024x16xi32>
    %add3A_172 = vector.broadcast %mul3A_19 : i32 to vector<1024x1xi32>
    %add3A_173 = arith.addi %and3A_168, %add3A_172 : vector<1024x1xi32>
    %broadcast_in_dim3A_174 = vector.shape_cast %add3A_173 : vector<1024x1xi32> to vector<1024x1xi32>
    %broadcast_in_dim3A_175 = vector.broadcast %broadcast_in_dim3A_174 : vector<1024x1xi32> to vector<1024x16xi32>
    %select_n3A_176 = arith.select %eq3A_171, %broadcast_in_dim3A_175, %select_n3A_156 : vector<1024x16xi1>, vector<1024x16xi32>
    %eq3A_177 = vector.broadcast %broadcast_in_dim3A_164 : vector<1024x1xf32> to vector<1024x2048xf32>
    %eq3A_178 = arith.cmpf oeq, %select_n3A_161, %eq3A_177 : vector<1024x2048xf32>
    %jit3A_179 = arith.constant 0x7F800000 : f32
    %broadcast_in_dim3A_180 = vector.broadcast %jit3A_179 : f32 to vector<1024x2048xf32>
    %select_n3A_181 = arith.select %eq3A_178, %broadcast_in_dim3A_180, %select_n3A_161 : vector<1024x2048xi1>, vector<1024x2048xf32>
    %reduce_min3A_182 = arith.constant dense<0x7F800000> : vector<1024xf32>
    %reduce_min3A_183 = vector.multi_reduction <minimumf>, %select_n3A_181, %reduce_min3A_182 [1] : vector<1024x2048xf32> to vector<1024xf32>
    %broadcast_in_dim3A_184 = vector.shape_cast %reduce_min3A_183 : vector<1024xf32> to vector<1024x1xf32>
    %bitcast_convert_type3A_185 = tpu.bitcast %broadcast_in_dim3A_184 : vector<1024x1xf32> -> vector<1024x1xi32>
    %and3A_186 = arith.constant 2047 : i32
    %and3A_187 = vector.broadcast %and3A_186 : i32 to vector<1024x1xi32>
    %and3A_188 = arith.andi %bitcast_convert_type3A_185, %and3A_187 : vector<1024x1xi32>
    %eq3A_189 = arith.constant 8 : i32
    %eq3A_190 = vector.broadcast %eq3A_189 : i32 to vector<1024x16xi32>
    %eq3A_191 = arith.cmpi eq, %iota3A_23, %eq3A_190 : vector<1024x16xi32>
    %add3A_192 = vector.broadcast %mul3A_19 : i32 to vector<1024x1xi32>
    %add3A_193 = arith.addi %and3A_188, %add3A_192 : vector<1024x1xi32>
    %broadcast_in_dim3A_194 = vector.shape_cast %add3A_193 : vector<1024x1xi32> to vector<1024x1xi32>
    %broadcast_in_dim3A_195 = vector.broadcast %broadcast_in_dim3A_194 : vector<1024x1xi32> to vector<1024x16xi32>
    %select_n3A_196 = arith.select %eq3A_191, %broadcast_in_dim3A_195, %select_n3A_176 : vector<1024x16xi1>, vector<1024x16xi32>
    %eq3A_197 = vector.broadcast %broadcast_in_dim3A_184 : vector<1024x1xf32> to vector<1024x2048xf32>
    %eq3A_198 = arith.cmpf oeq, %select_n3A_181, %eq3A_197 : vector<1024x2048xf32>
    %jit3A_199 = arith.constant 0x7F800000 : f32
    %broadcast_in_dim3A_200 = vector.broadcast %jit3A_199 : f32 to vector<1024x2048xf32>
    %select_n3A_201 = arith.select %eq3A_198, %broadcast_in_dim3A_200, %select_n3A_181 : vector<1024x2048xi1>, vector<1024x2048xf32>
    %reduce_min3A_202 = arith.constant dense<0x7F800000> : vector<1024xf32>
    %reduce_min3A_203 = vector.multi_reduction <minimumf>, %select_n3A_201, %reduce_min3A_202 [1] : vector<1024x2048xf32> to vector<1024xf32>
    %broadcast_in_dim3A_204 = vector.shape_cast %reduce_min3A_203 : vector<1024xf32> to vector<1024x1xf32>
    %bitcast_convert_type3A_205 = tpu.bitcast %broadcast_in_dim3A_204 : vector<1024x1xf32> -> vector<1024x1xi32>
    %and3A_206 = arith.constant 2047 : i32
    %and3A_207 = vector.broadcast %and3A_206 : i32 to vector<1024x1xi32>
    %and3A_208 = arith.andi %bitcast_convert_type3A_205, %and3A_207 : vector<1024x1xi32>
    %eq3A_209 = arith.constant 9 : i32
    %eq3A_210 = vector.broadcast %eq3A_209 : i32 to vector<1024x16xi32>
    %eq3A_211 = arith.cmpi eq, %iota3A_23, %eq3A_210 : vector<1024x16xi32>
    %add3A_212 = vector.broadcast %mul3A_19 : i32 to vector<1024x1xi32>
    %add3A_213 = arith.addi %and3A_208, %add3A_212 : vector<1024x1xi32>
    %broadcast_in_dim3A_214 = vector.shape_cast %add3A_213 : vector<1024x1xi32> to vector<1024x1xi32>
    %broadcast_in_dim3A_215 = vector.broadcast %broadcast_in_dim3A_214 : vector<1024x1xi32> to vector<1024x16xi32>
    %select_n3A_216 = arith.select %eq3A_211, %broadcast_in_dim3A_215, %select_n3A_196 : vector<1024x16xi1>, vector<1024x16xi32>
    %eq3A_217 = vector.broadcast %broadcast_in_dim3A_204 : vector<1024x1xf32> to vector<1024x2048xf32>
    %eq3A_218 = arith.cmpf oeq, %select_n3A_201, %eq3A_217 : vector<1024x2048xf32>
    %jit3A_219 = arith.constant 0x7F800000 : f32
    %broadcast_in_dim3A_220 = vector.broadcast %jit3A_219 : f32 to vector<1024x2048xf32>
    %select_n3A_221 = arith.select %eq3A_218, %broadcast_in_dim3A_220, %select_n3A_201 : vector<1024x2048xi1>, vector<1024x2048xf32>
    %reduce_min3A_222 = arith.constant dense<0x7F800000> : vector<1024xf32>
    %reduce_min3A_223 = vector.multi_reduction <minimumf>, %select_n3A_221, %reduce_min3A_222 [1] : vector<1024x2048xf32> to vector<1024xf32>
    %broadcast_in_dim3A_224 = vector.shape_cast %reduce_min3A_223 : vector<1024xf32> to vector<1024x1xf32>
    %bitcast_convert_type3A_225 = tpu.bitcast %broadcast_in_dim3A_224 : vector<1024x1xf32> -> vector<1024x1xi32>
    %and3A_226 = arith.constant 2047 : i32
    %and3A_227 = vector.broadcast %and3A_226 : i32 to vector<1024x1xi32>
    %and3A_228 = arith.andi %bitcast_convert_type3A_225, %and3A_227 : vector<1024x1xi32>
    %eq3A_229 = arith.constant 10 : i32
    %eq3A_230 = vector.broadcast %eq3A_229 : i32 to vector<1024x16xi32>
    %eq3A_231 = arith.cmpi eq, %iota3A_23, %eq3A_230 : vector<1024x16xi32>
    %add3A_232 = vector.broadcast %mul3A_19 : i32 to vector<1024x1xi32>
    %add3A_233 = arith.addi %and3A_228, %add3A_232 : vector<1024x1xi32>
    %broadcast_in_dim3A_234 = vector.shape_cast %add3A_233 : vector<1024x1xi32> to vector<1024x1xi32>
    %broadcast_in_dim3A_235 = vector.broadcast %broadcast_in_dim3A_234 : vector<1024x1xi32> to vector<1024x16xi32>
    %select_n3A_236 = arith.select %eq3A_231, %broadcast_in_dim3A_235, %select_n3A_216 : vector<1024x16xi1>, vector<1024x16xi32>
    %eq3A_237 = vector.broadcast %broadcast_in_dim3A_224 : vector<1024x1xf32> to vector<1024x2048xf32>
    %eq3A_238 = arith.cmpf oeq, %select_n3A_221, %eq3A_237 : vector<1024x2048xf32>
    %jit3A_239 = arith.constant 0x7F800000 : f32
    %broadcast_in_dim3A_240 = vector.broadcast %jit3A_239 : f32 to vector<1024x2048xf32>
    %select_n3A_241 = arith.select %eq3A_238, %broadcast_in_dim3A_240, %select_n3A_221 : vector<1024x2048xi1>, vector<1024x2048xf32>
    %reduce_min3A_242 = arith.constant dense<0x7F800000> : vector<1024xf32>
    %reduce_min3A_243 = vector.multi_reduction <minimumf>, %select_n3A_241, %reduce_min3A_242 [1] : vector<1024x2048xf32> to vector<1024xf32>
    %broadcast_in_dim3A_244 = vector.shape_cast %reduce_min3A_243 : vector<1024xf32> to vector<1024x1xf32>
    %bitcast_convert_type3A_245 = tpu.bitcast %broadcast_in_dim3A_244 : vector<1024x1xf32> -> vector<1024x1xi32>
    %and3A_246 = arith.constant 2047 : i32
    %and3A_247 = vector.broadcast %and3A_246 : i32 to vector<1024x1xi32>
    %and3A_248 = arith.andi %bitcast_convert_type3A_245, %and3A_247 : vector<1024x1xi32>
    %eq3A_249 = arith.constant 11 : i32
    %eq3A_250 = vector.broadcast %eq3A_249 : i32 to vector<1024x16xi32>
    %eq3A_251 = arith.cmpi eq, %iota3A_23, %eq3A_250 : vector<1024x16xi32>
    %add3A_252 = vector.broadcast %mul3A_19 : i32 to vector<1024x1xi32>
    %add3A_253 = arith.addi %and3A_248, %add3A_252 : vector<1024x1xi32>
    %broadcast_in_dim3A_254 = vector.shape_cast %add3A_253 : vector<1024x1xi32> to vector<1024x1xi32>
    %broadcast_in_dim3A_255 = vector.broadcast %broadcast_in_dim3A_254 : vector<1024x1xi32> to vector<1024x16xi32>
    %select_n3A_256 = arith.select %eq3A_251, %broadcast_in_dim3A_255, %select_n3A_236 : vector<1024x16xi1>, vector<1024x16xi32>
    %eq3A_257 = vector.broadcast %broadcast_in_dim3A_244 : vector<1024x1xf32> to vector<1024x2048xf32>
    %eq3A_258 = arith.cmpf oeq, %select_n3A_241, %eq3A_257 : vector<1024x2048xf32>
    %jit3A_259 = arith.constant 0x7F800000 : f32
    %broadcast_in_dim3A_260 = vector.broadcast %jit3A_259 : f32 to vector<1024x2048xf32>
    %select_n3A_261 = arith.select %eq3A_258, %broadcast_in_dim3A_260, %select_n3A_241 : vector<1024x2048xi1>, vector<1024x2048xf32>
    %reduce_min3A_262 = arith.constant dense<0x7F800000> : vector<1024xf32>
    %reduce_min3A_263 = vector.multi_reduction <minimumf>, %select_n3A_261, %reduce_min3A_262 [1] : vector<1024x2048xf32> to vector<1024xf32>
    %broadcast_in_dim3A_264 = vector.shape_cast %reduce_min3A_263 : vector<1024xf32> to vector<1024x1xf32>
    %bitcast_convert_type3A_265 = tpu.bitcast %broadcast_in_dim3A_264 : vector<1024x1xf32> -> vector<1024x1xi32>
    %and3A_266 = arith.constant 2047 : i32
    %and3A_267 = vector.broadcast %and3A_266 : i32 to vector<1024x1xi32>
    %and3A_268 = arith.andi %bitcast_convert_type3A_265, %and3A_267 : vector<1024x1xi32>
    %eq3A_269 = arith.constant 12 : i32
    %eq3A_270 = vector.broadcast %eq3A_269 : i32 to vector<1024x16xi32>
    %eq3A_271 = arith.cmpi eq, %iota3A_23, %eq3A_270 : vector<1024x16xi32>
    %add3A_272 = vector.broadcast %mul3A_19 : i32 to vector<1024x1xi32>
    %add3A_273 = arith.addi %and3A_268, %add3A_272 : vector<1024x1xi32>
    %broadcast_in_dim3A_274 = vector.shape_cast %add3A_273 : vector<1024x1xi32> to vector<1024x1xi32>
    %broadcast_in_dim3A_275 = vector.broadcast %broadcast_in_dim3A_274 : vector<1024x1xi32> to vector<1024x16xi32>
    %select_n3A_276 = arith.select %eq3A_271, %broadcast_in_dim3A_275, %select_n3A_256 : vector<1024x16xi1>, vector<1024x16xi32>
    %eq3A_277 = vector.broadcast %broadcast_in_dim3A_264 : vector<1024x1xf32> to vector<1024x2048xf32>
    %eq3A_278 = arith.cmpf oeq, %select_n3A_261, %eq3A_277 : vector<1024x2048xf32>
    %jit3A_279 = arith.constant 0x7F800000 : f32
    %broadcast_in_dim3A_280 = vector.broadcast %jit3A_279 : f32 to vector<1024x2048xf32>
    %select_n3A_281 = arith.select %eq3A_278, %broadcast_in_dim3A_280, %select_n3A_261 : vector<1024x2048xi1>, vector<1024x2048xf32>
    %reduce_min3A_282 = arith.constant dense<0x7F800000> : vector<1024xf32>
    %reduce_min3A_283 = vector.multi_reduction <minimumf>, %select_n3A_281, %reduce_min3A_282 [1] : vector<1024x2048xf32> to vector<1024xf32>
    %broadcast_in_dim3A_284 = vector.shape_cast %reduce_min3A_283 : vector<1024xf32> to vector<1024x1xf32>
    %bitcast_convert_type3A_285 = tpu.bitcast %broadcast_in_dim3A_284 : vector<1024x1xf32> -> vector<1024x1xi32>
    %and3A_286 = arith.constant 2047 : i32
    %and3A_287 = vector.broadcast %and3A_286 : i32 to vector<1024x1xi32>
    %and3A_288 = arith.andi %bitcast_convert_type3A_285, %and3A_287 : vector<1024x1xi32>
    %eq3A_289 = arith.constant 13 : i32
    %eq3A_290 = vector.broadcast %eq3A_289 : i32 to vector<1024x16xi32>
    %eq3A_291 = arith.cmpi eq, %iota3A_23, %eq3A_290 : vector<1024x16xi32>
    %add3A_292 = vector.broadcast %mul3A_19 : i32 to vector<1024x1xi32>
    %add3A_293 = arith.addi %and3A_288, %add3A_292 : vector<1024x1xi32>
    %broadcast_in_dim3A_294 = vector.shape_cast %add3A_293 : vector<1024x1xi32> to vector<1024x1xi32>
    %broadcast_in_dim3A_295 = vector.broadcast %broadcast_in_dim3A_294 : vector<1024x1xi32> to vector<1024x16xi32>
    %select_n3A_296 = arith.select %eq3A_291, %broadcast_in_dim3A_295, %select_n3A_276 : vector<1024x16xi1>, vector<1024x16xi32>
    %eq3A_297 = vector.broadcast %broadcast_in_dim3A_284 : vector<1024x1xf32> to vector<1024x2048xf32>
    %eq3A_298 = arith.cmpf oeq, %select_n3A_281, %eq3A_297 : vector<1024x2048xf32>
    %jit3A_299 = arith.constant 0x7F800000 : f32
    %broadcast_in_dim3A_300 = vector.broadcast %jit3A_299 : f32 to vector<1024x2048xf32>
    %select_n3A_301 = arith.select %eq3A_298, %broadcast_in_dim3A_300, %select_n3A_281 : vector<1024x2048xi1>, vector<1024x2048xf32>
    %reduce_min3A_302 = arith.constant dense<0x7F800000> : vector<1024xf32>
    %reduce_min3A_303 = vector.multi_reduction <minimumf>, %select_n3A_301, %reduce_min3A_302 [1] : vector<1024x2048xf32> to vector<1024xf32>
    %broadcast_in_dim3A_304 = vector.shape_cast %reduce_min3A_303 : vector<1024xf32> to vector<1024x1xf32>
    %bitcast_convert_type3A_305 = tpu.bitcast %broadcast_in_dim3A_304 : vector<1024x1xf32> -> vector<1024x1xi32>
    %and3A_306 = arith.constant 2047 : i32
    %and3A_307 = vector.broadcast %and3A_306 : i32 to vector<1024x1xi32>
    %and3A_308 = arith.andi %bitcast_convert_type3A_305, %and3A_307 : vector<1024x1xi32>
    %eq3A_309 = arith.constant 14 : i32
    %eq3A_310 = vector.broadcast %eq3A_309 : i32 to vector<1024x16xi32>
    %eq3A_311 = arith.cmpi eq, %iota3A_23, %eq3A_310 : vector<1024x16xi32>
    %add3A_312 = vector.broadcast %mul3A_19 : i32 to vector<1024x1xi32>
    %add3A_313 = arith.addi %and3A_308, %add3A_312 : vector<1024x1xi32>
    %broadcast_in_dim3A_314 = vector.shape_cast %add3A_313 : vector<1024x1xi32> to vector<1024x1xi32>
    %broadcast_in_dim3A_315 = vector.broadcast %broadcast_in_dim3A_314 : vector<1024x1xi32> to vector<1024x16xi32>
    %select_n3A_316 = arith.select %eq3A_311, %broadcast_in_dim3A_315, %select_n3A_296 : vector<1024x16xi1>, vector<1024x16xi32>
    %eq3A_317 = vector.broadcast %broadcast_in_dim3A_304 : vector<1024x1xf32> to vector<1024x2048xf32>
    %eq3A_318 = arith.cmpf oeq, %select_n3A_301, %eq3A_317 : vector<1024x2048xf32>
    %jit3A_319 = arith.constant 0x7F800000 : f32
    %broadcast_in_dim3A_320 = vector.broadcast %jit3A_319 : f32 to vector<1024x2048xf32>
    %select_n3A_321 = arith.select %eq3A_318, %broadcast_in_dim3A_320, %select_n3A_301 : vector<1024x2048xi1>, vector<1024x2048xf32>
    %reduce_min3A_322 = arith.constant dense<0x7F800000> : vector<1024xf32>
    %reduce_min3A_323 = vector.multi_reduction <minimumf>, %select_n3A_321, %reduce_min3A_322 [1] : vector<1024x2048xf32> to vector<1024xf32>
    %broadcast_in_dim3A_324 = vector.shape_cast %reduce_min3A_323 : vector<1024xf32> to vector<1024x1xf32>
    %bitcast_convert_type3A_325 = tpu.bitcast %broadcast_in_dim3A_324 : vector<1024x1xf32> -> vector<1024x1xi32>
    %and3A_326 = arith.constant 2047 : i32
    %and3A_327 = vector.broadcast %and3A_326 : i32 to vector<1024x1xi32>
    %and3A_328 = arith.andi %bitcast_convert_type3A_325, %and3A_327 : vector<1024x1xi32>
    %eq3A_329 = arith.constant 15 : i32
    %eq3A_330 = vector.broadcast %eq3A_329 : i32 to vector<1024x16xi32>
    %eq3A_331 = arith.cmpi eq, %iota3A_23, %eq3A_330 : vector<1024x16xi32>
    %add3A_332 = vector.broadcast %mul3A_19 : i32 to vector<1024x1xi32>
    %add3A_333 = arith.addi %and3A_328, %add3A_332 : vector<1024x1xi32>
    %broadcast_in_dim3A_334 = vector.shape_cast %add3A_333 : vector<1024x1xi32> to vector<1024x1xi32>
    %broadcast_in_dim3A_335 = vector.broadcast %broadcast_in_dim3A_334 : vector<1024x1xi32> to vector<1024x16xi32>
    %select_n3A_336 = arith.select %eq3A_331, %broadcast_in_dim3A_335, %select_n3A_316 : vector<1024x16xi1>, vector<1024x16xi32>
    %swap3A = arith.constant 0 : index
    %swap3A_337 = arith.constant 0 : index
    %swap3A_338 = vector.load %arg4[%swap3A, %swap3A_337] : memref<1024x16xi32, #tpu.memory_space<vmem>>, vector<1024x16xi32>
    tpu.vector_store %arg4[%swap3A, %swap3A_337], %select_n3A_336 {strides = array<i32>} : memref<1024x16xi32, #tpu.memory_space<vmem>>, vector<1024x16xi32>,
    return
  }
  func.func @transform_0(%arg0: i32, %arg1: i32) -> (i32, i32, i32) {
    %c0_i32 = arith.constant 0 : i32
    %c0_i32_0 = arith.constant 0 : i32
    %c0_i32_1 = arith.constant 0 : i32
    return %arg0, %c0_i32, %c0_i32_0 : i32, i32, i32
  }
  func.func @transform_1(%arg0: i32, %arg1: i32) -> (i32, i32) {
    %mul3A = arith.constant 2 : i32
    %mul3A_0 = arith.muli %arg0, %mul3A : i32
    %add3A = arith.addi %mul3A_0, %arg1 : i32
    %c0_i32 = arith.constant 0 : i32
    %c0_i32_1 = arith.constant 0 : i32
    return %add3A, %c0_i32 : i32, i32
  }
  func.func @transform_2(%arg0: i32, %arg1: i32) -> (i32, i32) {
    %mul3A = arith.constant 2 : i32
    %mul3A_0 = arith.muli %arg0, %mul3A : i32
    %add3A = arith.addi %mul3A_0, %arg1 : i32
    %c0_i32 = arith.constant 0 : i32
    %c0_i32_1 = arith.constant 0 : i32
    return %add3A, %c0_i32 : i32, i32
  }
}

module attributes {stable_mosaic.version = 14 : i64} {
  func.func @_s1_body(%arg0: i32, %arg1: i32, %arg2: memref<1x128x2048xf32, #tpu.memory_space<vmem>>, %arg3: memref<1x128x2048xf32, #tpu.memory_space<vmem>>, %arg4: memref<2048x16xf32, #tpu.memory_space<vmem>>, %arg5: memref<128x256xf32, #tpu.memory_space<vmem>>, %arg6: memref<128x1xf32, #tpu.memory_space<vmem>>, %arg7: memref<128x128xf32, #tpu.memory_space<vmem>>, %arg8: memref<128x1xf32, #tpu.memory_space<vmem>>, %arg9: memref<128x256xf32, #tpu.memory_space<vmem>>, %arg10: memref<128x1xf32, #tpu.memory_space<vmem>>, %arg11: memref<64x128xf32, #tpu.memory_space<vmem>>, %arg12: memref<1x64xf32, #tpu.memory_space<vmem>>, %arg13: memref<64x128xf32, #tpu.memory_space<vmem>>, %arg14: memref<1x64xf32, #tpu.memory_space<vmem>>, %arg15: memref<64x128xf32, #tpu.memory_space<vmem>>, %arg16: memref<1x64xf32, #tpu.memory_space<vmem>>, %arg17: memref<1x128x2048xf32, #tpu.memory_space<vmem>>, %arg18: memref<2048x128xf32, #tpu.memory_space<vmem>>, %arg19: memref<2048x64xf32, #tpu.memory_space<vmem>>, %arg20: memref<2048x64xf32, #tpu.memory_space<vmem>>) attributes {dimension_semantics = [#tpu.dimension_semantics<arbitrary>, #tpu.dimension_semantics<arbitrary>], iteration_bounds = array<i64: 8, 1>, scalar_prefetch = 0 : i64, scratch_operands = 0 : i64, tpu.core_type = #tpu.core_type<tc>, window_params = [{transform_indices = @transform_0, window_bounds = array<i64: 1, 128, 2048>}, {transform_indices = @transform_1, window_bounds = array<i64: 1, 128, 2048>}, {transform_indices = @transform_2, window_bounds = array<i64: 2048, 16>}, {pipeline_mode = #tpu.pipeline_mode<synchronous>, transform_indices = @transform_3, window_bounds = array<i64: 128, 256>}, {pipeline_mode = #tpu.pipeline_mode<synchronous>, transform_indices = @transform_4, window_bounds = array<i64: 128, 1>}, {pipeline_mode = #tpu.pipeline_mode<synchronous>, transform_indices = @transform_5, window_bounds = array<i64: 128, 128>}, {pipeline_mode = #tpu.pipeline_mode<synchronous>, transform_indices = @transform_6, window_bounds = array<i64: 128, 1>}, {pipeline_mode = #tpu.pipeline_mode<synchronous>, transform_indices = @transform_7, window_bounds = array<i64: 128, 256>}, {pipeline_mode = #tpu.pipeline_mode<synchronous>, transform_indices = @transform_8, window_bounds = array<i64: 128, 1>}, {pipeline_mode = #tpu.pipeline_mode<synchronous>, transform_indices = @transform_9, window_bounds = array<i64: 64, 128>}, {pipeline_mode = #tpu.pipeline_mode<synchronous>, transform_indices = @transform_10, window_bounds = array<i64: 1, 64>}, {pipeline_mode = #tpu.pipeline_mode<synchronous>, transform_indices = @transform_11, window_bounds = array<i64: 64, 128>}, {pipeline_mode = #tpu.pipeline_mode<synchronous>, transform_indices = @transform_12, window_bounds = array<i64: 1, 64>}, {pipeline_mode = #tpu.pipeline_mode<synchronous>, transform_indices = @transform_13, window_bounds = array<i64: 64, 128>}, {pipeline_mode = #tpu.pipeline_mode<synchronous>, transform_indices = @transform_14, window_bounds = array<i64: 1, 64>}, {transform_indices = @transform_15, window_bounds = array<i64: 1, 128, 2048>}, {transform_indices = @transform_16, window_bounds = array<i64: 2048, 128>}, {transform_indices = @transform_17, window_bounds = array<i64: 2048, 64>}, {transform_indices = @transform_18, window_bounds = array<i64: 2048, 64>}]} {
    %get3A = arith.constant 0 : index
    %get3A_0 = arith.constant 0 : index
    %get3A_1 = arith.constant 0 : index
    %get3A_2 = vector.load %arg2[%get3A, %get3A_0, %get3A_1] : memref<1x128x2048xf32, #tpu.memory_space<vmem>>, vector<1x128x2048xf32>
    %get3A_3 = vector.shape_cast %get3A_2 : vector<1x128x2048xf32> to vector<128x2048xf32>
    %get3A_4 = arith.constant 0 : index
    %get3A_5 = arith.constant 0 : index
    %get3A_6 = arith.constant 0 : index
    %get3A_7 = vector.load %arg3[%get3A_4, %get3A_5, %get3A_6] : memref<1x128x2048xf32, #tpu.memory_space<vmem>>, vector<1x128x2048xf32>
    %get3A_8 = vector.shape_cast %get3A_7 : vector<1x128x2048xf32> to vector<128x2048xf32>
    %concatenate3A = tpu.concatenate %get3A_3, %get3A_8 in 0 : vector<128x2048xf32>, vector<128x2048xf32> -> vector<256x2048xf32>
    %get3A_9 = arith.constant 0 : index
    %get3A_10 = arith.constant 0 : index
    %get3A_11 = vector.load %arg9[%get3A_9, %get3A_10] : memref<128x256xf32, #tpu.memory_space<vmem>>, vector<128x256xf32>
    %dot_general3A = arith.constant dense<0.000000e+00> : vector<128x2048xf32>
    %dot_general3A_12 = tpu.matmul %get3A_11, %concatenate3A, %dot_general3A {dimension_numbers = #tpu.dot_dimension_numbers<[1], [0], [0], [1], [0, 0, 1, 1], [], []>, transpose_lhs_hint = false} : vector<128x256xf32>, vector<256x2048xf32>, vector<128x2048xf32> -> vector<128x2048xf32>
    %get3A_13 = arith.constant 0 : index
    %get3A_14 = arith.constant 0 : index
    %get3A_15 = vector.load %arg10[%get3A_13, %get3A_14] : memref<128x1xf32, #tpu.memory_space<vmem>>, vector<128x1xf32>
    %add3A = vector.broadcast %get3A_15 : vector<128x1xf32> to vector<128x2048xf32>
    %add3A_16 = arith.addf %dot_general3A_12, %add3A : vector<128x2048xf32>
    %get3A_17 = arith.constant 0 : index
    %get3A_18 = arith.constant 0 : index
    %get3A_19 = vector.load %arg5[%get3A_17, %get3A_18] : memref<128x256xf32, #tpu.memory_space<vmem>>, vector<128x256xf32>
    %dot_general3A_20 = arith.constant dense<0.000000e+00> : vector<128x2048xf32>
    %dot_general3A_21 = tpu.matmul %get3A_19, %concatenate3A, %dot_general3A_20 {dimension_numbers = #tpu.dot_dimension_numbers<[1], [0], [0], [1], [0, 0, 1, 1], [], []>, transpose_lhs_hint = false} : vector<128x256xf32>, vector<256x2048xf32>, vector<128x2048xf32> -> vector<128x2048xf32>
    %get3A_22 = arith.constant 0 : index
    %get3A_23 = arith.constant 0 : index
    %get3A_24 = vector.load %arg6[%get3A_22, %get3A_23] : memref<128x1xf32, #tpu.memory_space<vmem>>, vector<128x1xf32>
    %add3A_25 = vector.broadcast %get3A_24 : vector<128x1xf32> to vector<128x2048xf32>
    %add3A_26 = arith.addf %dot_general3A_21, %add3A_25 : vector<128x2048xf32>
    %max3A = arith.constant 0.000000e+00 : f32
    %max3A_27 = vector.broadcast %max3A : f32 to vector<128x2048xf32>
    %max3A_28 = arith.maximumf %add3A_26, %max3A_27 : vector<128x2048xf32>
    %get3A_29 = arith.constant 0 : index
    %get3A_30 = arith.constant 0 : index
    %get3A_31 = vector.load %arg7[%get3A_29, %get3A_30] : memref<128x128xf32, #tpu.memory_space<vmem>>, vector<128x128xf32>
    %dot_general3A_32 = arith.constant dense<0.000000e+00> : vector<128x2048xf32>
    %dot_general3A_33 = tpu.matmul %get3A_31, %max3A_28, %dot_general3A_32 {dimension_numbers = #tpu.dot_dimension_numbers<[1], [0], [0], [1], [0, 0, 1, 1], [], []>, transpose_lhs_hint = false} : vector<128x128xf32>, vector<128x2048xf32>, vector<128x2048xf32> -> vector<128x2048xf32>
    %get3A_34 = arith.constant 0 : index
    %get3A_35 = arith.constant 0 : index
    %get3A_36 = vector.load %arg8[%get3A_34, %get3A_35] : memref<128x1xf32, #tpu.memory_space<vmem>>, vector<128x1xf32>
    %add3A_37 = vector.broadcast %get3A_36 : vector<128x1xf32> to vector<128x2048xf32>
    %add3A_38 = arith.addf %dot_general3A_33, %add3A_37 : vector<128x2048xf32>
    %add3A_39 = arith.addf %add3A_38, %add3A_16 : vector<128x2048xf32>
    %swap3A = arith.constant 0 : index
    %swap3A_40 = arith.constant 0 : index
    %swap3A_41 = arith.constant 0 : index
    %swap3A_42 = vector.load %arg17[%swap3A, %swap3A_40, %swap3A_41] : memref<1x128x2048xf32, #tpu.memory_space<vmem>>, vector<1x128x2048xf32>
    %swap3A_43 = vector.shape_cast %swap3A_42 : vector<1x128x2048xf32> to vector<128x2048xf32>
    %swap3A_44 = vector.shape_cast %add3A_39 : vector<128x2048xf32> to vector<1x128x2048xf32>
    tpu.vector_store %arg17[%swap3A, %swap3A_40, %swap3A_41], %swap3A_44 {strides = array<i32>} : memref<1x128x2048xf32, #tpu.memory_space<vmem>>, vector<1x128x2048xf32>,
    %get3A_45 = arith.constant 0 : index
    %get3A_46 = arith.constant 0 : index
    %get3A_47 = vector.load %arg11[%get3A_45, %get3A_46] : memref<64x128xf32, #tpu.memory_space<vmem>>, vector<64x128xf32>
    %dot_general3A_48 = arith.constant dense<0.000000e+00> : vector<2048x64xf32>
    %dot_general3A_49 = tpu.matmul %get3A_3, %get3A_47, %dot_general3A_48 {dimension_numbers = #tpu.dot_dimension_numbers<[0], [1], [1], [0], [0, 1, 1, 0], [], []>, transpose_lhs_hint = false} : vector<128x2048xf32>, vector<64x128xf32>, vector<2048x64xf32> -> vector<2048x64xf32>
    %get3A_50 = arith.constant 0 : index
    %get3A_51 = arith.constant 0 : index
    %get3A_52 = vector.load %arg12[%get3A_50, %get3A_51] : memref<1x64xf32, #tpu.memory_space<vmem>>, vector<1x64xf32>
    %add3A_53 = vector.broadcast %get3A_52 : vector<1x64xf32> to vector<2048x64xf32>
    %add3A_54 = arith.addf %dot_general3A_49, %add3A_53 : vector<2048x64xf32>
    %get3A_55 = arith.constant 0 : index
    %get3A_56 = arith.constant 0 : index
    %get3A_57 = vector.load %arg4[%get3A_55, %get3A_56] : memref<2048x16xf32, #tpu.memory_space<vmem>>, vector<2048x16xf32>
    %broadcast_in_dim3A = arith.constant 0.000000e+00 : f32
    %broadcast_in_dim3A_58 = vector.broadcast %broadcast_in_dim3A : f32 to vector<2048x48xf32>
    %concatenate3A_59 = tpu.concatenate %add3A_54, %get3A_57, %broadcast_in_dim3A_58 in 1 : vector<2048x64xf32>, vector<2048x16xf32>, vector<2048x48xf32> -> vector<2048x128xf32>
    %swap3A_60 = arith.constant 0 : index
    %swap3A_61 = arith.constant 0 : index
    %swap3A_62 = vector.load %arg18[%swap3A_60, %swap3A_61] : memref<2048x128xf32, #tpu.memory_space<vmem>>, vector<2048x128xf32>
    tpu.vector_store %arg18[%swap3A_60, %swap3A_61], %concatenate3A_59 {strides = array<i32>} : memref<2048x128xf32, #tpu.memory_space<vmem>>, vector<2048x128xf32>,
    %get3A_63 = arith.constant 0 : index
    %get3A_64 = arith.constant 0 : index
    %get3A_65 = vector.load %arg13[%get3A_63, %get3A_64] : memref<64x128xf32, #tpu.memory_space<vmem>>, vector<64x128xf32>
    %dot_general3A_66 = arith.constant dense<0.000000e+00> : vector<2048x64xf32>
    %dot_general3A_67 = tpu.matmul %get3A_8, %get3A_65, %dot_general3A_66 {dimension_numbers = #tpu.dot_dimension_numbers<[0], [1], [1], [0], [0, 1, 1, 0], [], []>, transpose_lhs_hint = false} : vector<128x2048xf32>, vector<64x128xf32>, vector<2048x64xf32> -> vector<2048x64xf32>
    %get3A_68 = arith.constant 0 : index
    %get3A_69 = arith.constant 0 : index
    %get3A_70 = vector.load %arg14[%get3A_68, %get3A_69] : memref<1x64xf32, #tpu.memory_space<vmem>>, vector<1x64xf32>
    %add3A_71 = vector.broadcast %get3A_70 : vector<1x64xf32> to vector<2048x64xf32>
    %add3A_72 = arith.addf %dot_general3A_67, %add3A_71 : vector<2048x64xf32>
    %swap3A_73 = arith.constant 0 : index
    %swap3A_74 = arith.constant 0 : index
    %swap3A_75 = vector.load %arg19[%swap3A_73, %swap3A_74] : memref<2048x64xf32, #tpu.memory_space<vmem>>, vector<2048x64xf32>
    tpu.vector_store %arg19[%swap3A_73, %swap3A_74], %add3A_72 {strides = array<i32>} : memref<2048x64xf32, #tpu.memory_space<vmem>>, vector<2048x64xf32>,
    %get3A_76 = arith.constant 0 : index
    %get3A_77 = arith.constant 0 : index
    %get3A_78 = vector.load %arg15[%get3A_76, %get3A_77] : memref<64x128xf32, #tpu.memory_space<vmem>>, vector<64x128xf32>
    %dot_general3A_79 = arith.constant dense<0.000000e+00> : vector<2048x64xf32>
    %dot_general3A_80 = tpu.matmul %add3A_39, %get3A_78, %dot_general3A_79 {dimension_numbers = #tpu.dot_dimension_numbers<[0], [1], [1], [0], [0, 1, 1, 0], [], []>, transpose_lhs_hint = false} : vector<128x2048xf32>, vector<64x128xf32>, vector<2048x64xf32> -> vector<2048x64xf32>
    %get3A_81 = arith.constant 0 : index
    %get3A_82 = arith.constant 0 : index
    %get3A_83 = vector.load %arg16[%get3A_81, %get3A_82] : memref<1x64xf32, #tpu.memory_space<vmem>>, vector<1x64xf32>
    %add3A_84 = vector.broadcast %get3A_83 : vector<1x64xf32> to vector<2048x64xf32>
    %add3A_85 = arith.addf %dot_general3A_80, %add3A_84 : vector<2048x64xf32>
    %swap3A_86 = arith.constant 0 : index
    %swap3A_87 = arith.constant 0 : index
    %swap3A_88 = vector.load %arg20[%swap3A_86, %swap3A_87] : memref<2048x64xf32, #tpu.memory_space<vmem>>, vector<2048x64xf32>
    tpu.vector_store %arg20[%swap3A_86, %swap3A_87], %add3A_85 {strides = array<i32>} : memref<2048x64xf32, #tpu.memory_space<vmem>>, vector<2048x64xf32>,
    return
  }
  func.func @transform_0(%arg0: i32, %arg1: i32) -> (i32, i32, i32) {
    %c0_i32 = arith.constant 0 : i32
    %c0_i32_0 = arith.constant 0 : i32
    return %arg0, %c0_i32, %arg1 : i32, i32, i32
  }
  func.func @transform_1(%arg0: i32, %arg1: i32) -> (i32, i32, i32) {
    %c0_i32 = arith.constant 0 : i32
    %c0_i32_0 = arith.constant 0 : i32
    return %arg0, %c0_i32, %arg1 : i32, i32, i32
  }
  func.func @transform_2(%arg0: i32, %arg1: i32) -> (i32, i32) {
    %mul3A = arith.constant 1 : i32
    %mul3A_0 = arith.muli %arg0, %mul3A : i32
    %add3A = arith.addi %mul3A_0, %arg1 : i32
    %c0_i32 = arith.constant 0 : i32
    %c0_i32_1 = arith.constant 0 : i32
    return %add3A, %c0_i32 : i32, i32
  }
  func.func @transform_3(%arg0: i32, %arg1: i32) -> (i32, i32) {
    %c0_i32 = arith.constant 0 : i32
    %c0_i32_0 = arith.constant 0 : i32
    %c0_i32_1 = arith.constant 0 : i32
    return %c0_i32, %c0_i32_0 : i32, i32
  }
  func.func @transform_4(%arg0: i32, %arg1: i32) -> (i32, i32) {
    %c0_i32 = arith.constant 0 : i32
    %c0_i32_0 = arith.constant 0 : i32
    %c0_i32_1 = arith.constant 0 : i32
    return %c0_i32, %c0_i32_0 : i32, i32
  }
  func.func @transform_5(%arg0: i32, %arg1: i32) -> (i32, i32) {
    %c0_i32 = arith.constant 0 : i32
    %c0_i32_0 = arith.constant 0 : i32
    %c0_i32_1 = arith.constant 0 : i32
    return %c0_i32, %c0_i32_0 : i32, i32
  }
  func.func @transform_6(%arg0: i32, %arg1: i32) -> (i32, i32) {
    %c0_i32 = arith.constant 0 : i32
    %c0_i32_0 = arith.constant 0 : i32
    %c0_i32_1 = arith.constant 0 : i32
    return %c0_i32, %c0_i32_0 : i32, i32
  }
  func.func @transform_7(%arg0: i32, %arg1: i32) -> (i32, i32) {
    %c0_i32 = arith.constant 0 : i32
    %c0_i32_0 = arith.constant 0 : i32
    %c0_i32_1 = arith.constant 0 : i32
    return %c0_i32, %c0_i32_0 : i32, i32
  }
  func.func @transform_8(%arg0: i32, %arg1: i32) -> (i32, i32) {
    %c0_i32 = arith.constant 0 : i32
    %c0_i32_0 = arith.constant 0 : i32
    %c0_i32_1 = arith.constant 0 : i32
    return %c0_i32, %c0_i32_0 : i32, i32
  }
  func.func @transform_9(%arg0: i32, %arg1: i32) -> (i32, i32) {
    %c0_i32 = arith.constant 0 : i32
    %c0_i32_0 = arith.constant 0 : i32
    %c0_i32_1 = arith.constant 0 : i32
    return %c0_i32, %c0_i32_0 : i32, i32
  }
  func.func @transform_10(%arg0: i32, %arg1: i32) -> (i32, i32) {
    %c0_i32 = arith.constant 0 : i32
    %c0_i32_0 = arith.constant 0 : i32
    %c0_i32_1 = arith.constant 0 : i32
    return %c0_i32, %c0_i32_0 : i32, i32
  }
  func.func @transform_11(%arg0: i32, %arg1: i32) -> (i32, i32) {
    %c0_i32 = arith.constant 0 : i32
    %c0_i32_0 = arith.constant 0 : i32
    %c0_i32_1 = arith.constant 0 : i32
    return %c0_i32, %c0_i32_0 : i32, i32
  }
  func.func @transform_12(%arg0: i32, %arg1: i32) -> (i32, i32) {
    %c0_i32 = arith.constant 0 : i32
    %c0_i32_0 = arith.constant 0 : i32
    %c0_i32_1 = arith.constant 0 : i32
    return %c0_i32, %c0_i32_0 : i32, i32
  }
  func.func @transform_13(%arg0: i32, %arg1: i32) -> (i32, i32) {
    %c0_i32 = arith.constant 0 : i32
    %c0_i32_0 = arith.constant 0 : i32
    %c0_i32_1 = arith.constant 0 : i32
    return %c0_i32, %c0_i32_0 : i32, i32
  }
  func.func @transform_14(%arg0: i32, %arg1: i32) -> (i32, i32) {
    %c0_i32 = arith.constant 0 : i32
    %c0_i32_0 = arith.constant 0 : i32
    %c0_i32_1 = arith.constant 0 : i32
    return %c0_i32, %c0_i32_0 : i32, i32
  }
  func.func @transform_15(%arg0: i32, %arg1: i32) -> (i32, i32, i32) {
    %c0_i32 = arith.constant 0 : i32
    %c0_i32_0 = arith.constant 0 : i32
    return %arg0, %c0_i32, %arg1 : i32, i32, i32
  }
  func.func @transform_16(%arg0: i32, %arg1: i32) -> (i32, i32) {
    %mul3A = arith.constant 1 : i32
    %mul3A_0 = arith.muli %arg0, %mul3A : i32
    %add3A = arith.addi %mul3A_0, %arg1 : i32
    %c0_i32 = arith.constant 0 : i32
    %c0_i32_1 = arith.constant 0 : i32
    return %add3A, %c0_i32 : i32, i32
  }
  func.func @transform_17(%arg0: i32, %arg1: i32) -> (i32, i32) {
    %mul3A = arith.constant 1 : i32
    %mul3A_0 = arith.muli %arg0, %mul3A : i32
    %add3A = arith.addi %mul3A_0, %arg1 : i32
    %c0_i32 = arith.constant 0 : i32
    %c0_i32_1 = arith.constant 0 : i32
    return %add3A, %c0_i32 : i32, i32
  }
  func.func @transform_18(%arg0: i32, %arg1: i32) -> (i32, i32) {
    %mul3A = arith.constant 1 : i32
    %mul3A_0 = arith.muli %arg0, %mul3A : i32
    %add3A = arith.addi %mul3A_0, %arg1 : i32
    %c0_i32 = arith.constant 0 : i32
    %c0_i32_1 = arith.constant 0 : i32
    return %add3A, %c0_i32 : i32, i32
  }
}

module attributes {stable_mosaic.version = 14 : i64} {
  func.func @_sa_body(%arg0: i32, %arg1: memref<8x2048x128xf32, #tpu.memory_space<vmem>>, %arg2: memref<2048x16xf32, #tpu.memory_space<vmem>>, %arg3: memref<1x16xf32, #tpu.memory_space<vmem>>, %arg4: memref<16x16xf32, #tpu.memory_space<vmem>>, %arg5: memref<1x16xf32, #tpu.memory_space<vmem>>, %arg6: memref<16x16xf32, #tpu.memory_space<vmem>>) attributes {dimension_semantics = [#tpu.dimension_semantics<arbitrary>], iteration_bounds = array<i64: 16>, scalar_prefetch = 0 : i64, scratch_operands = 2 : i64, tpu.core_type = #tpu.core_type<tc>, window_params = [{transform_indices = @transform_0, window_bounds = array<i64: 8, 2048, 128>}, {transform_indices = @transform_1, window_bounds = array<i64: 2048, 16>}, {pipeline_mode = #tpu.pipeline_mode<synchronous>, transform_indices = @transform_2, window_bounds = array<i64: 1, 16>}, {pipeline_mode = #tpu.pipeline_mode<synchronous>, transform_indices = @transform_3, window_bounds = array<i64: 16, 16>}]} {
    %eq3A = arith.constant 0 : i32
    %eq3A_0 = arith.cmpi eq, %arg0, %eq3A : i32
    %convert_element_type3A = arith.extui %eq3A_0 : i1 to i32
    %cond3A = arith.constant 0 : i32
    %cond3A_1 = arith.cmpi ne, %convert_element_type3A, %cond3A : i32
    scf.if %cond3A_1 {
      %broadcast_in_dim3A_31 = arith.constant 0.000000e+00 : f32
      %broadcast_in_dim3A_32 = vector.broadcast %broadcast_in_dim3A_31 : f32 to vector<1x16xf32>
      %swap3A_33 = arith.constant 0 : index
      %swap3A_34 = arith.constant 0 : index
      %swap3A_35 = vector.load %arg5[%swap3A_33, %swap3A_34] : memref<1x16xf32, #tpu.memory_space<vmem>>, vector<1x16xf32>
      tpu.vector_store %arg5[%swap3A_33, %swap3A_34], %broadcast_in_dim3A_32 {strides = array<i32>} : memref<1x16xf32, #tpu.memory_space<vmem>>, vector<1x16xf32>,
      %broadcast_in_dim3A_36 = arith.constant 0.000000e+00 : f32
      %broadcast_in_dim3A_37 = vector.broadcast %broadcast_in_dim3A_36 : f32 to vector<16x16xf32>
      %swap3A_38 = arith.constant 0 : index
      %swap3A_39 = arith.constant 0 : index
      %swap3A_40 = vector.load %arg6[%swap3A_38, %swap3A_39] : memref<16x16xf32, #tpu.memory_space<vmem>>, vector<16x16xf32>
      tpu.vector_store %arg6[%swap3A_38, %swap3A_39], %broadcast_in_dim3A_37 {strides = array<i32>} : memref<16x16xf32, #tpu.memory_space<vmem>>, vector<16x16xf32>,
    } else {
    }
    %get3A = arith.constant 0 : index
    %get3A_2 = arith.constant 0 : index
    %get3A_3 = arith.constant 0 : index
    %get3A_4 = vector.load %arg1[%get3A, %get3A_2, %get3A_3] : memref<8x2048x128xf32, #tpu.memory_space<vmem>>, vector<8x2048x128xf32>
    %slice3A = vector.extract_strided_slice %get3A_4 {offsets = [0, 0, 64], sizes = [8, 2048, 16], strides = [1, 1, 1]} : vector<8x2048x128xf32> to vector<8x2048x16xf32>
    %reshape3A = vector.shape_cast %slice3A : vector<8x2048x16xf32> to vector<16384x16xf32>
    %get3A_5 = arith.constant 0 : index
    %get3A_6 = arith.constant 0 : index
    %get3A_7 = vector.load %arg2[%get3A_5, %get3A_6] : memref<2048x16xf32, #tpu.memory_space<vmem>>, vector<2048x16xf32>
    %broadcast_in_dim3A = vector.shape_cast %get3A_7 : vector<2048x16xf32> to vector<1x2048x16xf32>
    %broadcast_in_dim3A_8 = vector.shape_cast %broadcast_in_dim3A : vector<1x2048x16xf32> to vector<1x2048x16xf32>
    %broadcast_in_dim3A_9 = vector.broadcast %broadcast_in_dim3A_8 : vector<1x2048x16xf32> to vector<8x2048x16xf32>
    %reshape3A_10 = vector.shape_cast %broadcast_in_dim3A_9 : vector<8x2048x16xf32> to vector<16384x16xf32>
    %sub3A = arith.subf %reshape3A_10, %reshape3A : vector<16384x16xf32>
    %get3A_11 = arith.constant 0 : index
    %get3A_12 = arith.constant 0 : index
    %get3A_13 = vector.load %arg5[%get3A_11, %get3A_12] : memref<1x16xf32, #tpu.memory_space<vmem>>, vector<1x16xf32>
    %reduce_sum3A = arith.constant dense<0.000000e+00> : vector<16xf32>
    %reduce_sum3A_14 = vector.multi_reduction <add>, %sub3A, %reduce_sum3A [0] : vector<16384x16xf32> to vector<16xf32>
    %broadcast_in_dim3A_15 = vector.shape_cast %reduce_sum3A_14 : vector<16xf32> to vector<1x16xf32>
    %add3A = arith.addf %get3A_13, %broadcast_in_dim3A_15 : vector<1x16xf32>
    %swap3A = arith.constant 0 : index
    %swap3A_16 = arith.constant 0 : index
    %swap3A_17 = vector.load %arg5[%swap3A, %swap3A_16] : memref<1x16xf32, #tpu.memory_space<vmem>>, vector<1x16xf32>
    tpu.vector_store %arg5[%swap3A, %swap3A_16], %add3A {strides = array<i32>} : memref<1x16xf32, #tpu.memory_space<vmem>>, vector<1x16xf32>,
    %get3A_18 = arith.constant 0 : index
    %get3A_19 = arith.constant 0 : index
    %get3A_20 = vector.load %arg6[%get3A_18, %get3A_19] : memref<16x16xf32, #tpu.memory_space<vmem>>, vector<16x16xf32>
    %dot_general3A = arith.constant dense<0.000000e+00> : vector<16x16xf32>
    %dot_general3A_21 = tpu.matmul %sub3A, %sub3A, %dot_general3A {dimension_numbers = #tpu.dot_dimension_numbers<[0], [0], [1], [1], [0, 1, 1, 1], [], []>, transpose_lhs_hint = false} : vector<16384x16xf32>, vector<16384x16xf32>, vector<16x16xf32> -> vector<16x16xf32>
    %add3A_22 = arith.addf %get3A_20, %dot_general3A_21 : vector<16x16xf32>
    %swap3A_23 = arith.constant 0 : index
    %swap3A_24 = arith.constant 0 : index
    %swap3A_25 = vector.load %arg6[%swap3A_23, %swap3A_24] : memref<16x16xf32, #tpu.memory_space<vmem>>, vector<16x16xf32>
    tpu.vector_store %arg6[%swap3A_23, %swap3A_24], %add3A_22 {strides = array<i32>} : memref<16x16xf32, #tpu.memory_space<vmem>>, vector<16x16xf32>,
    %eq3A_26 = arith.constant 15 : i32
    %eq3A_27 = arith.cmpi eq, %arg0, %eq3A_26 : i32
    %convert_element_type3A_28 = arith.extui %eq3A_27 : i1 to i32
    %cond3A_29 = arith.constant 0 : i32
    %cond3A_30 = arith.cmpi ne, %convert_element_type3A_28, %cond3A_29 : i32
    scf.if %cond3A_30 {
      %get3A_31 = arith.constant 0 : index
      %get3A_32 = arith.constant 0 : index
      %get3A_33 = vector.load %arg5[%get3A_31, %get3A_32] : memref<1x16xf32, #tpu.memory_space<vmem>>, vector<1x16xf32>
      %swap3A_34 = arith.constant 0 : index
      %swap3A_35 = arith.constant 0 : index
      %swap3A_36 = vector.load %arg3[%swap3A_34, %swap3A_35] : memref<1x16xf32, #tpu.memory_space<vmem>>, vector<1x16xf32>
      tpu.vector_store %arg3[%swap3A_34, %swap3A_35], %get3A_33 {strides = array<i32>} : memref<1x16xf32, #tpu.memory_space<vmem>>, vector<1x16xf32>,
      %get3A_37 = arith.constant 0 : index
      %get3A_38 = arith.constant 0 : index
      %get3A_39 = vector.load %arg6[%get3A_37, %get3A_38] : memref<16x16xf32, #tpu.memory_space<vmem>>, vector<16x16xf32>
      %swap3A_40 = arith.constant 0 : index
      %swap3A_41 = arith.constant 0 : index
      %swap3A_42 = vector.load %arg4[%swap3A_40, %swap3A_41] : memref<16x16xf32, #tpu.memory_space<vmem>>, vector<16x16xf32>
      tpu.vector_store %arg4[%swap3A_40, %swap3A_41], %get3A_39 {strides = array<i32>} : memref<16x16xf32, #tpu.memory_space<vmem>>, vector<16x16xf32>,
    } else {
    }
    return
  }
  func.func @transform_0(%arg0: i32) -> (i32, i32, i32) {
    %c0_i32 = arith.constant 0 : i32
    %c0_i32_0 = arith.constant 0 : i32
    %c0_i32_1 = arith.constant 0 : i32
    return %arg0, %c0_i32, %c0_i32_0 : i32, i32, i32
  }
  func.func @transform_1(%arg0: i32) -> (i32, i32) {
    %mul3A = arith.constant 8 : i32
    %mul3A_0 = arith.muli %arg0, %mul3A : i32
    %jit3A = arith.constant 16 : i32
    %div3A = arith.divsi %mul3A_0, %jit3A : i32
    %sign3A = arith.constant 0 : i32
    %sign3A_1 = arith.cmpi sgt, %mul3A_0, %sign3A : i32
    %sign3A_2 = arith.extui %sign3A_1 : i1 to i32
    %sign3A_3 = arith.constant 0 : i32
    %sign3A_4 = arith.cmpi slt, %mul3A_0, %sign3A_3 : i32
    %sign3A_5 = arith.extui %sign3A_4 : i1 to i32
    %sign3A_6 = arith.subi %sign3A_2, %sign3A_5 : i32
    %sign3A_7 = arith.constant 0 : i32
    %sign3A_8 = arith.cmpi sgt, %jit3A, %sign3A_7 : i32
    %sign3A_9 = arith.extui %sign3A_8 : i1 to i32
    %sign3A_10 = arith.constant 0 : i32
    %sign3A_11 = arith.cmpi slt, %jit3A, %sign3A_10 : i32
    %sign3A_12 = arith.extui %sign3A_11 : i1 to i32
    %sign3A_13 = arith.subi %sign3A_9, %sign3A_12 : i32
    %ne3A = arith.cmpi ne, %sign3A_6, %sign3A_13 : i32
    %rem3A = arith.remsi %mul3A_0, %jit3A : i32
    %ne3A_14 = arith.constant 0 : i32
    %ne3A_15 = arith.cmpi ne, %rem3A, %ne3A_14 : i32
    %and3A = arith.andi %ne3A, %ne3A_15 : i1
    %sub3A = arith.constant 1 : i32
    %sub3A_16 = arith.subi %div3A, %sub3A : i32
    %select_n3A = arith.select %and3A, %sub3A_16, %div3A : i32
    %c0_i32 = arith.constant 0 : i32
    %c0_i32_17 = arith.constant 0 : i32
    return %select_n3A, %c0_i32 : i32, i32
  }
  func.func @transform_2(%arg0: i32) -> (i32, i32) {
    %c0_i32 = arith.constant 0 : i32
    %c0_i32_0 = arith.constant 0 : i32
    %c0_i32_1 = arith.constant 0 : i32
    return %c0_i32, %c0_i32_0 : i32, i32
  }
  func.func @transform_3(%arg0: i32) -> (i32, i32) {
    %c0_i32 = arith.constant 0 : i32
    %c0_i32_0 = arith.constant 0 : i32
    %c0_i32_1 = arith.constant 0 : i32
    return %c0_i32, %c0_i32_0 : i32, i32
  }
}

module attributes {stable_mosaic.version = 14 : i64} {
  func.func @_sb_body(%arg0: i32, %arg1: memref<8x2048x128xf32, #tpu.memory_space<vmem>>, %arg2: memref<2048x16xf32, #tpu.memory_space<vmem>>, %arg3: memref<2048x64xf32, #tpu.memory_space<vmem>>, %arg4: memref<1x16xf32, #tpu.memory_space<vmem>>, %arg5: memref<16x16xf32, #tpu.memory_space<vmem>>, %arg6: memref<64x16xf32, #tpu.memory_space<vmem>>, %arg7: memref<16x64xf32, #tpu.memory_space<vmem>>, %arg8: memref<1x64xf32, #tpu.memory_space<vmem>>, %arg9: memref<1x64xf32, #tpu.memory_space<vmem>>, %arg10: memref<1x64xf32, #tpu.memory_space<vmem>>, %arg11: memref<64x64xf32, #tpu.memory_space<vmem>>, %arg12: memref<1x64xf32, #tpu.memory_space<vmem>>, %arg13: memref<256x64xf32, #tpu.memory_space<vmem>>, %arg14: memref<64x256xf32, #tpu.memory_space<vmem>>, %arg15: memref<1x256xf32, #tpu.memory_space<vmem>>, %arg16: memref<1x256xf32, #tpu.memory_space<vmem>>, %arg17: memref<1x256xf32, #tpu.memory_space<vmem>>, %arg18: memref<1x64xf32, #tpu.memory_space<vmem>>, %arg19: memref<1x64xf32, #tpu.memory_space<vmem>>, %arg20: memref<1x256xf32, #tpu.memory_space<vmem>>, %arg21: memref<1x256xf32, #tpu.memory_space<vmem>>, %arg22: memref<1x64xf32, #tpu.memory_space<vmem>>, %arg23: memref<64x64xf32, #tpu.memory_space<vmem>>) attributes {dimension_semantics = [#tpu.dimension_semantics<arbitrary>], iteration_bounds = array<i64: 16>, scalar_prefetch = 0 : i64, scratch_operands = 2 : i64, tpu.core_type = #tpu.core_type<tc>, window_params = [{transform_indices = @transform_0, window_bounds = array<i64: 8, 2048, 128>}, {transform_indices = @transform_1, window_bounds = array<i64: 2048, 16>}, {transform_indices = @transform_2, window_bounds = array<i64: 2048, 64>}, {pipeline_mode = #tpu.pipeline_mode<synchronous>, transform_indices = @transform_3, window_bounds = array<i64: 1, 16>}, {pipeline_mode = #tpu.pipeline_mode<synchronous>, transform_indices = @transform_4, window_bounds = array<i64: 16, 16>}, {pipeline_mode = #tpu.pipeline_mode<synchronous>, transform_indices = @transform_5, window_bounds = array<i64: 64, 16>}, {pipeline_mode = #tpu.pipeline_mode<synchronous>, transform_indices = @transform_6, window_bounds = array<i64: 16, 64>}, {pipeline_mode = #tpu.pipeline_mode<synchronous>, transform_indices = @transform_7, window_bounds = array<i64: 1, 64>}, {pipeline_mode = #tpu.pipeline_mode<synchronous>, transform_indices = @transform_8, window_bounds = array<i64: 1, 64>}, {pipeline_mode = #tpu.pipeline_mode<synchronous>, transform_indices = @transform_9, window_bounds = array<i64: 1, 64>}, {pipeline_mode = #tpu.pipeline_mode<synchronous>, transform_indices = @transform_10, window_bounds = array<i64: 64, 64>}, {pipeline_mode = #tpu.pipeline_mode<synchronous>, transform_indices = @transform_11, window_bounds = array<i64: 1, 64>}, {pipeline_mode = #tpu.pipeline_mode<synchronous>, transform_indices = @transform_12, window_bounds = array<i64: 256, 64>}, {pipeline_mode = #tpu.pipeline_mode<synchronous>, transform_indices = @transform_13, window_bounds = array<i64: 64, 256>}, {pipeline_mode = #tpu.pipeline_mode<synchronous>, transform_indices = @transform_14, window_bounds = array<i64: 1, 256>}, {pipeline_mode = #tpu.pipeline_mode<synchronous>, transform_indices = @transform_15, window_bounds = array<i64: 1, 256>}, {pipeline_mode = #tpu.pipeline_mode<synchronous>, transform_indices = @transform_16, window_bounds = array<i64: 1, 256>}, {pipeline_mode = #tpu.pipeline_mode<synchronous>, transform_indices = @transform_17, window_bounds = array<i64: 1, 64>}, {pipeline_mode = #tpu.pipeline_mode<synchronous>, transform_indices = @transform_18, window_bounds = array<i64: 1, 64>}, {pipeline_mode = #tpu.pipeline_mode<synchronous>, transform_indices = @transform_19, window_bounds = array<i64: 1, 256>}, {pipeline_mode = #tpu.pipeline_mode<synchronous>, transform_indices = @transform_20, window_bounds = array<i64: 1, 256>}]} {
    %eq3A = arith.constant 0 : i32
    %eq3A_0 = arith.cmpi eq, %arg0, %eq3A : i32
    %convert_element_type3A = arith.extui %eq3A_0 : i1 to i32
    %cond3A = arith.constant 0 : i32
    %cond3A_1 = arith.cmpi ne, %convert_element_type3A, %cond3A : i32
    scf.if %cond3A_1 {
      %broadcast_in_dim3A_112 = arith.constant 0.000000e+00 : f32
      %broadcast_in_dim3A_113 = vector.broadcast %broadcast_in_dim3A_112 : f32 to vector<1x64xf32>
      %swap3A_114 = arith.constant 0 : index
      %swap3A_115 = arith.constant 0 : index
      %swap3A_116 = vector.load %arg22[%swap3A_114, %swap3A_115] : memref<1x64xf32, #tpu.memory_space<vmem>>, vector<1x64xf32>
      tpu.vector_store %arg22[%swap3A_114, %swap3A_115], %broadcast_in_dim3A_113 {strides = array<i32>} : memref<1x64xf32, #tpu.memory_space<vmem>>, vector<1x64xf32>,
      %broadcast_in_dim3A_117 = arith.constant 0.000000e+00 : f32
      %broadcast_in_dim3A_118 = vector.broadcast %broadcast_in_dim3A_117 : f32 to vector<64x64xf32>
      %swap3A_119 = arith.constant 0 : index
      %swap3A_120 = arith.constant 0 : index
      %swap3A_121 = vector.load %arg23[%swap3A_119, %swap3A_120] : memref<64x64xf32, #tpu.memory_space<vmem>>, vector<64x64xf32>
      tpu.vector_store %arg23[%swap3A_119, %swap3A_120], %broadcast_in_dim3A_118 {strides = array<i32>} : memref<64x64xf32, #tpu.memory_space<vmem>>, vector<64x64xf32>,
    } else {
    }
    %get3A = arith.constant 0 : index
    %get3A_2 = arith.constant 0 : index
    %get3A_3 = vector.load %arg4[%get3A, %get3A_2] : memref<1x16xf32, #tpu.memory_space<vmem>>, vector<1x16xf32>
    %get3A_4 = arith.constant 0 : index
    %get3A_5 = arith.constant 0 : index
    %get3A_6 = vector.load %arg5[%get3A_4, %get3A_5] : memref<16x16xf32, #tpu.memory_space<vmem>>, vector<16x16xf32>
    %get3A_7 = arith.constant 0 : index
    %get3A_8 = arith.constant 0 : index
    %get3A_9 = vector.load %arg6[%get3A_7, %get3A_8] : memref<64x16xf32, #tpu.memory_space<vmem>>, vector<64x16xf32>
    %get3A_10 = arith.constant 0 : index
    %get3A_11 = arith.constant 0 : index
    %get3A_12 = vector.load %arg7[%get3A_10, %get3A_11] : memref<16x64xf32, #tpu.memory_space<vmem>>, vector<16x64xf32>
    %get3A_13 = arith.constant 0 : index
    %get3A_14 = arith.constant 0 : index
    %get3A_15 = vector.load %arg8[%get3A_13, %get3A_14] : memref<1x64xf32, #tpu.memory_space<vmem>>, vector<1x64xf32>
    %get3A_16 = arith.constant 0 : index
    %get3A_17 = arith.constant 0 : index
    %get3A_18 = vector.load %arg9[%get3A_16, %get3A_17] : memref<1x64xf32, #tpu.memory_space<vmem>>, vector<1x64xf32>
    %mul3A = arith.constant 3.81469727E-6 : f32
    %mul3A_19 = vector.broadcast %mul3A : f32 to vector<1x16xf32>
    %mul3A_20 = arith.mulf %get3A_3, %mul3A_19 : vector<1x16xf32>
    %mul3A_21 = arith.constant 3.81469727E-6 : f32
    %mul3A_22 = vector.broadcast %mul3A_21 : f32 to vector<16x16xf32>
    %mul3A_23 = arith.mulf %get3A_6, %mul3A_22 : vector<16x16xf32>
    %dot_general3A = arith.constant dense<0.000000e+00> : vector<16x16xf32>
    %dot_general3A_24 = tpu.matmul %mul3A_20, %mul3A_20, %dot_general3A {dimension_numbers = #tpu.dot_dimension_numbers<[0], [0], [1], [1], [0, 1, 1, 1], [], []>, transpose_lhs_hint = false} : vector<1x16xf32>, vector<1x16xf32>, vector<16x16xf32> -> vector<16x16xf32>
    %sub3A = arith.subf %mul3A_23, %dot_general3A_24 : vector<16x16xf32>
    %dot_general3A_25 = arith.constant dense<0.000000e+00> : vector<1x64xf32>
    %dot_general3A_26 = tpu.matmul %mul3A_20, %get3A_9, %dot_general3A_25 {dimension_numbers = #tpu.dot_dimension_numbers<[1], [1], [0], [0], [0, 0, 1, 0], [], []>, transpose_lhs_hint = false} : vector<1x16xf32>, vector<64x16xf32>, vector<1x64xf32> -> vector<1x64xf32>
    %add3A = arith.addf %dot_general3A_26, %get3A_15 : vector<1x64xf32>
    %dot_general3A_27 = arith.constant dense<0.000000e+00> : vector<16x64xf32>
    %dot_general3A_28 = tpu.matmul %sub3A, %get3A_9, %dot_general3A_27 {dimension_numbers = #tpu.dot_dimension_numbers<[1], [1], [0], [0], [0, 0, 1, 0], [], []>, transpose_lhs_hint = false} : vector<16x16xf32>, vector<64x16xf32>, vector<16x64xf32> -> vector<16x64xf32>
    %mul3A_29 = arith.mulf %dot_general3A_28, %get3A_12 : vector<16x64xf32>
    %reduce_sum3A = arith.constant dense<0.000000e+00> : vector<64xf32>
    %reduce_sum3A_30 = vector.multi_reduction <add>, %mul3A_29, %reduce_sum3A [0] : vector<16x64xf32> to vector<64xf32>
    %broadcast_in_dim3A = vector.shape_cast %reduce_sum3A_30 : vector<64xf32> to vector<1x64xf32>
    %add3A_31 = arith.constant 9.99999974E-6 : f32
    %add3A_32 = vector.broadcast %add3A_31 : f32 to vector<1x64xf32>
    %add3A_33 = arith.addf %broadcast_in_dim3A, %add3A_32 : vector<1x64xf32>
    %rsqrt3A = math.rsqrt %add3A_33 : vector<1x64xf32>
    %mul3A_34 = arith.mulf %get3A_18, %rsqrt3A : vector<1x64xf32>
    %get3A_35 = arith.constant 0 : index
    %get3A_36 = arith.constant 0 : index
    %get3A_37 = arith.constant 0 : index
    %get3A_38 = vector.load %arg1[%get3A_35, %get3A_36, %get3A_37] : memref<8x2048x128xf32, #tpu.memory_space<vmem>>, vector<8x2048x128xf32>
    %slice3A = vector.extract_strided_slice %get3A_38 {offsets = [0, 0, 64], sizes = [8, 2048, 16], strides = [1, 1, 1]} : vector<8x2048x128xf32> to vector<8x2048x16xf32>
    %reshape3A = vector.shape_cast %slice3A : vector<8x2048x16xf32> to vector<16384x16xf32>
    %slice3A_39 = vector.extract_strided_slice %get3A_38 {offsets = [0, 0, 0], sizes = [8, 2048, 64], strides = [1, 1, 1]} : vector<8x2048x128xf32> to vector<8x2048x64xf32>
    %reshape3A_40 = vector.shape_cast %slice3A_39 : vector<8x2048x64xf32> to vector<16384x64xf32>
    %get3A_41 = arith.constant 0 : index
    %get3A_42 = arith.constant 0 : index
    %get3A_43 = vector.load %arg2[%get3A_41, %get3A_42] : memref<2048x16xf32, #tpu.memory_space<vmem>>, vector<2048x16xf32>
    %broadcast_in_dim3A_44 = vector.shape_cast %get3A_43 : vector<2048x16xf32> to vector<1x2048x16xf32>
    %broadcast_in_dim3A_45 = vector.shape_cast %broadcast_in_dim3A_44 : vector<1x2048x16xf32> to vector<1x2048x16xf32>
    %broadcast_in_dim3A_46 = vector.broadcast %broadcast_in_dim3A_45 : vector<1x2048x16xf32> to vector<8x2048x16xf32>
    %reshape3A_47 = vector.shape_cast %broadcast_in_dim3A_46 : vector<8x2048x16xf32> to vector<16384x16xf32>
    %get3A_48 = arith.constant 0 : index
    %get3A_49 = arith.constant 0 : index
    %get3A_50 = vector.load %arg3[%get3A_48, %get3A_49] : memref<2048x64xf32, #tpu.memory_space<vmem>>, vector<2048x64xf32>
    %broadcast_in_dim3A_51 = vector.shape_cast %get3A_50 : vector<2048x64xf32> to vector<1x2048x64xf32>
    %broadcast_in_dim3A_52 = vector.shape_cast %broadcast_in_dim3A_51 : vector<1x2048x64xf32> to vector<1x2048x64xf32>
    %broadcast_in_dim3A_53 = vector.broadcast %broadcast_in_dim3A_52 : vector<1x2048x64xf32> to vector<8x2048x64xf32>
    %reshape3A_54 = vector.shape_cast %broadcast_in_dim3A_53 : vector<8x2048x64xf32> to vector<16384x64xf32>
    %sub3A_55 = arith.subf %reshape3A_47, %reshape3A : vector<16384x16xf32>
    %get3A_56 = arith.constant 0 : index
    %get3A_57 = arith.constant 0 : index
    %get3A_58 = vector.load %arg10[%get3A_56, %get3A_57] : memref<1x64xf32, #tpu.memory_space<vmem>>, vector<1x64xf32>
    %get3A_59 = arith.constant 0 : index
    %get3A_60 = arith.constant 0 : index
    %get3A_61 = vector.load %arg7[%get3A_59, %get3A_60] : memref<16x64xf32, #tpu.memory_space<vmem>>, vector<16x64xf32>
    %get3A_62 = arith.constant 0 : index
    %get3A_63 = arith.constant 0 : index
    %get3A_64 = vector.load %arg11[%get3A_62, %get3A_63] : memref<64x64xf32, #tpu.memory_space<vmem>>, vector<64x64xf32>
    %get3A_65 = arith.constant 0 : index
    %get3A_66 = arith.constant 0 : index
    %get3A_67 = vector.load %arg12[%get3A_65, %get3A_66] : memref<1x64xf32, #tpu.memory_space<vmem>>, vector<1x64xf32>
    %dot_general3A_68 = arith.constant dense<0.000000e+00> : vector<16384x64xf32>
    %dot_general3A_69 = tpu.matmul %sub3A_55, %get3A_61, %dot_general3A_68 {dimension_numbers = #tpu.dot_dimension_numbers<[1], [0], [0], [1], [0, 0, 1, 1], [], []>, transpose_lhs_hint = false} : vector<16384x16xf32>, vector<16x64xf32>, vector<16384x64xf32> -> vector<16384x64xf32>
    %sub3A_70 = vector.broadcast %add3A : vector<1x64xf32> to vector<16384x64xf32>
    %sub3A_71 = arith.subf %dot_general3A_69, %sub3A_70 : vector<16384x64xf32>
    %mul3A_72 = vector.broadcast %mul3A_34 : vector<1x64xf32> to vector<16384x64xf32>
    %mul3A_73 = arith.mulf %sub3A_71, %mul3A_72 : vector<16384x64xf32>
    %add3A_74 = vector.broadcast %get3A_58 : vector<1x64xf32> to vector<16384x64xf32>
    %add3A_75 = arith.addf %mul3A_73, %add3A_74 : vector<16384x64xf32>
    %max3A = arith.constant 0.000000e+00 : f32
    %max3A_76 = vector.broadcast %max3A : f32 to vector<16384x64xf32>
    %max3A_77 = arith.maximumf %add3A_75, %max3A_76 : vector<16384x64xf32>
    %dot_general3A_78 = arith.constant dense<0.000000e+00> : vector<16384x64xf32>
    %dot_general3A_79 = tpu.matmul %max3A_77, %get3A_64, %dot_general3A_78 {dimension_numbers = #tpu.dot_dimension_numbers<[1], [0], [0], [1], [0, 0, 1, 1], [], []>, transpose_lhs_hint = false} : vector<16384x64xf32>, vector<64x64xf32>, vector<16384x64xf32> -> vector<16384x64xf32>
    %add3A_80 = vector.broadcast %get3A_67 : vector<1x64xf32> to vector<16384x64xf32>
    %add3A_81 = arith.addf %dot_general3A_79, %add3A_80 : vector<16384x64xf32>
    %sub3A_82 = arith.subf %reshape3A_54, %reshape3A_40 : vector<16384x64xf32>
    %add3A_83 = arith.addf %sub3A_82, %add3A_81 : vector<16384x64xf32>
    %get3A_84 = arith.constant 0 : index
    %get3A_85 = arith.constant 0 : index
    %get3A_86 = vector.load %arg22[%get3A_84, %get3A_85] : memref<1x64xf32, #tpu.memory_space<vmem>>, vector<1x64xf32>
    %reduce_sum3A_87 = arith.constant dense<0.000000e+00> : vector<64xf32>
    %reduce_sum3A_88 = vector.multi_reduction <add>, %add3A_83, %reduce_sum3A_87 [0] : vector<16384x64xf32> to vector<64xf32>
    %broadcast_in_dim3A_89 = vector.shape_cast %reduce_sum3A_88 : vector<64xf32> to vector<1x64xf32>
    %add3A_90 = arith.addf %get3A_86, %broadcast_in_dim3A_89 : vector<1x64xf32>
    %swap3A = arith.constant 0 : index
    %swap3A_91 = arith.constant 0 : index
    %swap3A_92 = vector.load %arg22[%swap3A, %swap3A_91] : memref<1x64xf32, #tpu.memory_space<vmem>>, vector<1x64xf32>
    tpu.vector_store %arg22[%swap3A, %swap3A_91], %add3A_90 {strides = array<i32>} : memref<1x64xf32, #tpu.memory_space<vmem>>, vector<1x64xf32>,
    %get3A_93 = arith.constant 0 : index
    %get3A_94 = arith.constant 0 : index
    %get3A_95 = vector.load %arg23[%get3A_93, %get3A_94] : memref<64x64xf32, #tpu.memory_space<vmem>>, vector<64x64xf32>
    %dot_general3A_96 = arith.constant dense<0.000000e+00> : vector<64x64xf32>
    %dot_general3A_97 = tpu.matmul %add3A_83, %add3A_83, %dot_general3A_96 {dimension_numbers = #tpu.dot_dimension_numbers<[0], [0], [1], [1], [0, 1, 1, 1], [], []>, transpose_lhs_hint = false} : vector<16384x64xf32>, vector<16384x64xf32>, vector<64x64xf32> -> vector<64x64xf32>
    %add3A_98 = arith.addf %get3A_95, %dot_general3A_97 : vector<64x64xf32>
    %swap3A_99 = arith.constant 0 : index
    %swap3A_100 = arith.constant 0 : index
    %swap3A_101 = vector.load %arg23[%swap3A_99, %swap3A_100] : memref<64x64xf32, #tpu.memory_space<vmem>>, vector<64x64xf32>
    tpu.vector_store %arg23[%swap3A_99, %swap3A_100], %add3A_98 {strides = array<i32>} : memref<64x64xf32, #tpu.memory_space<vmem>>, vector<64x64xf32>,
    %eq3A_102 = arith.constant 0 : i32
    %eq3A_103 = arith.cmpi eq, %arg0, %eq3A_102 : i32
    %convert_element_type3A_104 = arith.extui %eq3A_103 : i1 to i32
    %cond3A_105 = arith.constant 0 : i32
    %cond3A_106 = arith.cmpi ne, %convert_element_type3A_104, %cond3A_105 : i32
    scf.if %cond3A_106 {
      %swap3A_112 = arith.constant 0 : index
      %swap3A_113 = arith.constant 0 : index
      %swap3A_114 = vector.load %arg18[%swap3A_112, %swap3A_113] : memref<1x64xf32, #tpu.memory_space<vmem>>, vector<1x64xf32>
      tpu.vector_store %arg18[%swap3A_112, %swap3A_113], %add3A {strides = array<i32>} : memref<1x64xf32, #tpu.memory_space<vmem>>, vector<1x64xf32>,
      %swap3A_115 = arith.constant 0 : index
      %swap3A_116 = arith.constant 0 : index
      %swap3A_117 = vector.load %arg19[%swap3A_115, %swap3A_116] : memref<1x64xf32, #tpu.memory_space<vmem>>, vector<1x64xf32>
      tpu.vector_store %arg19[%swap3A_115, %swap3A_116], %mul3A_34 {strides = array<i32>} : memref<1x64xf32, #tpu.memory_space<vmem>>, vector<1x64xf32>,
    } else {
    }
    %eq3A_107 = arith.constant 15 : i32
    %eq3A_108 = arith.cmpi eq, %arg0, %eq3A_107 : i32
    %convert_element_type3A_109 = arith.extui %eq3A_108 : i1 to i32
    %cond3A_110 = arith.constant 0 : i32
    %cond3A_111 = arith.cmpi ne, %convert_element_type3A_109, %cond3A_110 : i32
    scf.if %cond3A_111 {
      %get3A_112 = arith.constant 0 : index
      %get3A_113 = arith.constant 0 : index
      %get3A_114 = vector.load %arg22[%get3A_112, %get3A_113] : memref<1x64xf32, #tpu.memory_space<vmem>>, vector<1x64xf32>
      %mul3A_115 = arith.constant 3.81469727E-6 : f32
      %mul3A_116 = vector.broadcast %mul3A_115 : f32 to vector<1x64xf32>
      %mul3A_117 = arith.mulf %get3A_114, %mul3A_116 : vector<1x64xf32>
      %get3A_118 = arith.constant 0 : index
      %get3A_119 = arith.constant 0 : index
      %get3A_120 = vector.load %arg23[%get3A_118, %get3A_119] : memref<64x64xf32, #tpu.memory_space<vmem>>, vector<64x64xf32>
      %mul3A_121 = arith.constant 3.81469727E-6 : f32
      %mul3A_122 = vector.broadcast %mul3A_121 : f32 to vector<64x64xf32>
      %mul3A_123 = arith.mulf %get3A_120, %mul3A_122 : vector<64x64xf32>
      %dot_general3A_124 = arith.constant dense<0.000000e+00> : vector<64x64xf32>
      %dot_general3A_125 = tpu.matmul %mul3A_117, %mul3A_117, %dot_general3A_124 {dimension_numbers = #tpu.dot_dimension_numbers<[0], [0], [1], [1], [0, 1, 1, 1], [], []>, transpose_lhs_hint = false} : vector<1x64xf32>, vector<1x64xf32>, vector<64x64xf32> -> vector<64x64xf32>
      %sub3A_126 = arith.subf %mul3A_123, %dot_general3A_125 : vector<64x64xf32>
      %get3A_127 = arith.constant 0 : index
      %get3A_128 = arith.constant 0 : index
      %get3A_129 = vector.load %arg13[%get3A_127, %get3A_128] : memref<256x64xf32, #tpu.memory_space<vmem>>, vector<256x64xf32>
      %dot_general3A_130 = arith.constant dense<0.000000e+00> : vector<1x256xf32>
      %dot_general3A_131 = tpu.matmul %mul3A_117, %get3A_129, %dot_general3A_130 {dimension_numbers = #tpu.dot_dimension_numbers<[1], [1], [0], [0], [0, 0, 1, 0], [], []>, transpose_lhs_hint = false} : vector<1x64xf32>, vector<256x64xf32>, vector<1x256xf32> -> vector<1x256xf32>
      %get3A_132 = arith.constant 0 : index
      %get3A_133 = arith.constant 0 : index
      %get3A_134 = vector.load %arg15[%get3A_132, %get3A_133] : memref<1x256xf32, #tpu.memory_space<vmem>>, vector<1x256xf32>
      %add3A_135 = arith.addf %dot_general3A_131, %get3A_134 : vector<1x256xf32>
      %get3A_136 = arith.constant 0 : index
      %get3A_137 = arith.constant 0 : index
      %get3A_138 = vector.load %arg13[%get3A_136, %get3A_137] : memref<256x64xf32, #tpu.memory_space<vmem>>, vector<256x64xf32>
      %dot_general3A_139 = arith.constant dense<0.000000e+00> : vector<64x256xf32>
      %dot_general3A_140 = tpu.matmul %sub3A_126, %get3A_138, %dot_general3A_139 {dimension_numbers = #tpu.dot_dimension_numbers<[1], [1], [0], [0], [0, 0, 1, 0], [], []>, transpose_lhs_hint = false} : vector<64x64xf32>, vector<256x64xf32>, vector<64x256xf32> -> vector<64x256xf32>
      %get3A_141 = arith.constant 0 : index
      %get3A_142 = arith.constant 0 : index
      %get3A_143 = vector.load %arg14[%get3A_141, %get3A_142] : memref<64x256xf32, #tpu.memory_space<vmem>>, vector<64x256xf32>
      %mul3A_144 = arith.mulf %dot_general3A_140, %get3A_143 : vector<64x256xf32>
      %reduce_sum3A_145 = arith.constant dense<0.000000e+00> : vector<256xf32>
      %reduce_sum3A_146 = vector.multi_reduction <add>, %mul3A_144, %reduce_sum3A_145 [0] : vector<64x256xf32> to vector<256xf32>
      %broadcast_in_dim3A_147 = vector.shape_cast %reduce_sum3A_146 : vector<256xf32> to vector<1x256xf32>
      %swap3A_148 = arith.constant 0 : index
      %swap3A_149 = arith.constant 0 : index
      %swap3A_150 = vector.load %arg20[%swap3A_148, %swap3A_149] : memref<1x256xf32, #tpu.memory_space<vmem>>, vector<1x256xf32>
      tpu.vector_store %arg20[%swap3A_148, %swap3A_149], %add3A_135 {strides = array<i32>} : memref<1x256xf32, #tpu.memory_space<vmem>>, vector<1x256xf32>,
      %get3A_151 = arith.constant 0 : index
      %get3A_152 = arith.constant 0 : index
      %get3A_153 = vector.load %arg16[%get3A_151, %get3A_152] : memref<1x256xf32, #tpu.memory_space<vmem>>, vector<1x256xf32>
      %add3A_154 = arith.constant 9.99999974E-6 : f32
      %add3A_155 = vector.broadcast %add3A_154 : f32 to vector<1x256xf32>
      %add3A_156 = arith.addf %broadcast_in_dim3A_147, %add3A_155 : vector<1x256xf32>
      %rsqrt3A_157 = math.rsqrt %add3A_156 : vector<1x256xf32>
      %mul3A_158 = arith.mulf %get3A_153, %rsqrt3A_157 : vector<1x256xf32>
      %swap3A_159 = arith.constant 0 : index
      %swap3A_160 = arith.constant 0 : index
      %swap3A_161 = vector.load %arg21[%swap3A_159, %swap3A_160] : memref<1x256xf32, #tpu.memory_space<vmem>>, vector<1x256xf32>
      tpu.vector_store %arg21[%swap3A_159, %swap3A_160], %mul3A_158 {strides = array<i32>} : memref<1x256xf32, #tpu.memory_space<vmem>>, vector<1x256xf32>,
    } else {
    }
    return
  }
  func.func @transform_0(%arg0: i32) -> (i32, i32, i32) {
    %c0_i32 = arith.constant 0 : i32
    %c0_i32_0 = arith.constant 0 : i32
    %c0_i32_1 = arith.constant 0 : i32
    return %arg0, %c0_i32, %c0_i32_0 : i32, i32, i32
  }
  func.func @transform_1(%arg0: i32) -> (i32, i32) {
    %mul3A = arith.constant 8 : i32
    %mul3A_0 = arith.muli %arg0, %mul3A : i32
    %jit3A = arith.constant 16 : i32
    %div3A = arith.divsi %mul3A_0, %jit3A : i32
    %sign3A = arith.constant 0 : i32
    %sign3A_1 = arith.cmpi sgt, %mul3A_0, %sign3A : i32
    %sign3A_2 = arith.extui %sign3A_1 : i1 to i32
    %sign3A_3 = arith.constant 0 : i32
    %sign3A_4 = arith.cmpi slt, %mul3A_0, %sign3A_3 : i32
    %sign3A_5 = arith.extui %sign3A_4 : i1 to i32
    %sign3A_6 = arith.subi %sign3A_2, %sign3A_5 : i32
    %sign3A_7 = arith.constant 0 : i32
    %sign3A_8 = arith.cmpi sgt, %jit3A, %sign3A_7 : i32
    %sign3A_9 = arith.extui %sign3A_8 : i1 to i32
    %sign3A_10 = arith.constant 0 : i32
    %sign3A_11 = arith.cmpi slt, %jit3A, %sign3A_10 : i32
    %sign3A_12 = arith.extui %sign3A_11 : i1 to i32
    %sign3A_13 = arith.subi %sign3A_9, %sign3A_12 : i32
    %ne3A = arith.cmpi ne, %sign3A_6, %sign3A_13 : i32
    %rem3A = arith.remsi %mul3A_0, %jit3A : i32
    %ne3A_14 = arith.constant 0 : i32
    %ne3A_15 = arith.cmpi ne, %rem3A, %ne3A_14 : i32
    %and3A = arith.andi %ne3A, %ne3A_15 : i1
    %sub3A = arith.constant 1 : i32
    %sub3A_16 = arith.subi %div3A, %sub3A : i32
    %select_n3A = arith.select %and3A, %sub3A_16, %div3A : i32
    %c0_i32 = arith.constant 0 : i32
    %c0_i32_17 = arith.constant 0 : i32
    return %select_n3A, %c0_i32 : i32, i32
  }
  func.func @transform_2(%arg0: i32) -> (i32, i32) {
    %mul3A = arith.constant 8 : i32
    %mul3A_0 = arith.muli %arg0, %mul3A : i32
    %jit3A = arith.constant 16 : i32
    %div3A = arith.divsi %mul3A_0, %jit3A : i32
    %sign3A = arith.constant 0 : i32
    %sign3A_1 = arith.cmpi sgt, %mul3A_0, %sign3A : i32
    %sign3A_2 = arith.extui %sign3A_1 : i1 to i32
    %sign3A_3 = arith.constant 0 : i32
    %sign3A_4 = arith.cmpi slt, %mul3A_0, %sign3A_3 : i32
    %sign3A_5 = arith.extui %sign3A_4 : i1 to i32
    %sign3A_6 = arith.subi %sign3A_2, %sign3A_5 : i32
    %sign3A_7 = arith.constant 0 : i32
    %sign3A_8 = arith.cmpi sgt, %jit3A, %sign3A_7 : i32
    %sign3A_9 = arith.extui %sign3A_8 : i1 to i32
    %sign3A_10 = arith.constant 0 : i32
    %sign3A_11 = arith.cmpi slt, %jit3A, %sign3A_10 : i32
    %sign3A_12 = arith.extui %sign3A_11 : i1 to i32
    %sign3A_13 = arith.subi %sign3A_9, %sign3A_12 : i32
    %ne3A = arith.cmpi ne, %sign3A_6, %sign3A_13 : i32
    %rem3A = arith.remsi %mul3A_0, %jit3A : i32
    %ne3A_14 = arith.constant 0 : i32
    %ne3A_15 = arith.cmpi ne, %rem3A, %ne3A_14 : i32
    %and3A = arith.andi %ne3A, %ne3A_15 : i1
    %sub3A = arith.constant 1 : i32
    %sub3A_16 = arith.subi %div3A, %sub3A : i32
    %select_n3A = arith.select %and3A, %sub3A_16, %div3A : i32
    %c0_i32 = arith.constant 0 : i32
    %c0_i32_17 = arith.constant 0 : i32
    return %select_n3A, %c0_i32 : i32, i32
  }
  func.func @transform_3(%arg0: i32) -> (i32, i32) {
    %c0_i32 = arith.constant 0 : i32
    %c0_i32_0 = arith.constant 0 : i32
    %c0_i32_1 = arith.constant 0 : i32
    return %c0_i32, %c0_i32_0 : i32, i32
  }
  func.func @transform_4(%arg0: i32) -> (i32, i32) {
    %c0_i32 = arith.constant 0 : i32
    %c0_i32_0 = arith.constant 0 : i32
    %c0_i32_1 = arith.constant 0 : i32
    return %c0_i32, %c0_i32_0 : i32, i32
  }
  func.func @transform_5(%arg0: i32) -> (i32, i32) {
    %c0_i32 = arith.constant 0 : i32
    %c0_i32_0 = arith.constant 0 : i32
    %c0_i32_1 = arith.constant 0 : i32
    return %c0_i32, %c0_i32_0 : i32, i32
  }
  func.func @transform_6(%arg0: i32) -> (i32, i32) {
    %c0_i32 = arith.constant 0 : i32
    %c0_i32_0 = arith.constant 0 : i32
    %c0_i32_1 = arith.constant 0 : i32
    return %c0_i32, %c0_i32_0 : i32, i32
  }
  func.func @transform_7(%arg0: i32) -> (i32, i32) {
    %c0_i32 = arith.constant 0 : i32
    %c0_i32_0 = arith.constant 0 : i32
    %c0_i32_1 = arith.constant 0 : i32
    return %c0_i32, %c0_i32_0 : i32, i32
  }
  func.func @transform_8(%arg0: i32) -> (i32, i32) {
    %c0_i32 = arith.constant 0 : i32
    %c0_i32_0 = arith.constant 0 : i32
    %c0_i32_1 = arith.constant 0 : i32
    return %c0_i32, %c0_i32_0 : i32, i32
  }
  func.func @transform_9(%arg0: i32) -> (i32, i32) {
    %c0_i32 = arith.constant 0 : i32
    %c0_i32_0 = arith.constant 0 : i32
    %c0_i32_1 = arith.constant 0 : i32
    return %c0_i32, %c0_i32_0 : i32, i32
  }
  func.func @transform_10(%arg0: i32) -> (i32, i32) {
    %c0_i32 = arith.constant 0 : i32
    %c0_i32_0 = arith.constant 0 : i32
    %c0_i32_1 = arith.constant 0 : i32
    return %c0_i32, %c0_i32_0 : i32, i32
  }
  func.func @transform_11(%arg0: i32) -> (i32, i32) {
    %c0_i32 = arith.constant 0 : i32
    %c0_i32_0 = arith.constant 0 : i32
    %c0_i32_1 = arith.constant 0 : i32
    return %c0_i32, %c0_i32_0 : i32, i32
  }
  func.func @transform_12(%arg0: i32) -> (i32, i32) {
    %c0_i32 = arith.constant 0 : i32
    %c0_i32_0 = arith.constant 0 : i32
    %c0_i32_1 = arith.constant 0 : i32
    return %c0_i32, %c0_i32_0 : i32, i32
  }
  func.func @transform_13(%arg0: i32) -> (i32, i32) {
    %c0_i32 = arith.constant 0 : i32
    %c0_i32_0 = arith.constant 0 : i32
    %c0_i32_1 = arith.constant 0 : i32
    return %c0_i32, %c0_i32_0 : i32, i32
  }
  func.func @transform_14(%arg0: i32) -> (i32, i32) {
    %c0_i32 = arith.constant 0 : i32
    %c0_i32_0 = arith.constant 0 : i32
    %c0_i32_1 = arith.constant 0 : i32
    return %c0_i32, %c0_i32_0 : i32, i32
  }
  func.func @transform_15(%arg0: i32) -> (i32, i32) {
    %c0_i32 = arith.constant 0 : i32
    %c0_i32_0 = arith.constant 0 : i32
    %c0_i32_1 = arith.constant 0 : i32
    return %c0_i32, %c0_i32_0 : i32, i32
  }
  func.func @transform_16(%arg0: i32) -> (i32, i32) {
    %c0_i32 = arith.constant 0 : i32
    %c0_i32_0 = arith.constant 0 : i32
    %c0_i32_1 = arith.constant 0 : i32
    return %c0_i32, %c0_i32_0 : i32, i32
  }
  func.func @transform_17(%arg0: i32) -> (i32, i32) {
    %c0_i32 = arith.constant 0 : i32
    %c0_i32_0 = arith.constant 0 : i32
    %c0_i32_1 = arith.constant 0 : i32
    return %c0_i32, %c0_i32_0 : i32, i32
  }
  func.func @transform_18(%arg0: i32) -> (i32, i32) {
    %c0_i32 = arith.constant 0 : i32
    %c0_i32_0 = arith.constant 0 : i32
    %c0_i32_1 = arith.constant 0 : i32
    return %c0_i32, %c0_i32_0 : i32, i32
  }
  func.func @transform_19(%arg0: i32) -> (i32, i32) {
    %c0_i32 = arith.constant 0 : i32
    %c0_i32_0 = arith.constant 0 : i32
    %c0_i32_1 = arith.constant 0 : i32
    return %c0_i32, %c0_i32_0 : i32, i32
  }
  func.func @transform_20(%arg0: i32) -> (i32, i32) {
    %c0_i32 = arith.constant 0 : i32
    %c0_i32_0 = arith.constant 0 : i32
    %c0_i32_1 = arith.constant 0 : i32
    return %c0_i32, %c0_i32_0 : i32, i32
  }
}

module attributes {stable_mosaic.version = 14 : i64} {
  func.func @_sc_body(%arg0: i32, %arg1: memref<16x512x128xf32, #tpu.memory_space<vmem>>, %arg2: memref<512x16xf32, #tpu.memory_space<vmem>>, %arg3: memref<512x64xf32, #tpu.memory_space<vmem>>, %arg4: memref<512x64xf32, #tpu.memory_space<vmem>>, %arg5: memref<1x128x512xf32, #tpu.memory_space<vmem>>, %arg6: memref<1x64xf32, #tpu.memory_space<vmem>>, %arg7: memref<1x64xf32, #tpu.memory_space<vmem>>, %arg8: memref<1x256xf32, #tpu.memory_space<vmem>>, %arg9: memref<1x256xf32, #tpu.memory_space<vmem>>, %arg10: memref<16x64xf32, #tpu.memory_space<vmem>>, %arg11: memref<1x64xf32, #tpu.memory_space<vmem>>, %arg12: memref<64x64xf32, #tpu.memory_space<vmem>>, %arg13: memref<1x64xf32, #tpu.memory_space<vmem>>, %arg14: memref<64x256xf32, #tpu.memory_space<vmem>>, %arg15: memref<1x256xf32, #tpu.memory_space<vmem>>, %arg16: memref<1x256xf32, #tpu.memory_space<vmem>>, %arg17: memref<256x64xf32, #tpu.memory_space<vmem>>, %arg18: memref<1x64xf32, #tpu.memory_space<vmem>>, %arg19: memref<128x64xf32, #tpu.memory_space<vmem>>, %arg20: memref<128x1xf32, #tpu.memory_space<vmem>>, %arg21: memref<1x128x512xf32, #tpu.memory_space<vmem>>) attributes {dimension_semantics = [#tpu.dimension_semantics<arbitrary>], iteration_bounds = array<i64: 32>, scalar_prefetch = 0 : i64, scratch_operands = 0 : i64, tpu.core_type = #tpu.core_type<tc>, window_params = [{transform_indices = @transform_0, window_bounds = array<i64: 16, 512, 128>}, {transform_indices = @transform_1, window_bounds = array<i64: 512, 16>}, {transform_indices = @transform_2, window_bounds = array<i64: 512, 64>}, {transform_indices = @transform_3, window_bounds = array<i64: 512, 64>}, {transform_indices = @transform_4, window_bounds = array<i64: 1, 128, 512>}, {pipeline_mode = #tpu.pipeline_mode<synchronous>, transform_indices = @transform_5, window_bounds = array<i64: 1, 64>}, {pipeline_mode = #tpu.pipeline_mode<synchronous>, transform_indices = @transform_6, window_bounds = array<i64: 1, 64>}, {pipeline_mode = #tpu.pipeline_mode<synchronous>, transform_indices = @transform_7, window_bounds = array<i64: 1, 256>}, {pipeline_mode = #tpu.pipeline_mode<synchronous>, transform_indices = @transform_8, window_bounds = array<i64: 1, 256>}, {pipeline_mode = #tpu.pipeline_mode<synchronous>, transform_indices = @transform_9, window_bounds = array<i64: 16, 64>}, {pipeline_mode = #tpu.pipeline_mode<synchronous>, transform_indices = @transform_10, window_bounds = array<i64: 1, 64>}, {pipeline_mode = #tpu.pipeline_mode<synchronous>, transform_indices = @transform_11, window_bounds = array<i64: 64, 64>}, {pipeline_mode = #tpu.pipeline_mode<synchronous>, transform_indices = @transform_12, window_bounds = array<i64: 1, 64>}, {pipeline_mode = #tpu.pipeline_mode<synchronous>, transform_indices = @transform_13, window_bounds = array<i64: 64, 256>}, {pipeline_mode = #tpu.pipeline_mode<synchronous>, transform_indices = @transform_14, window_bounds = array<i64: 1, 256>}, {pipeline_mode = #tpu.pipeline_mode<synchronous>, transform_indices = @transform_15, window_bounds = array<i64: 1, 256>}, {pipeline_mode = #tpu.pipeline_mode<synchronous>, transform_indices = @transform_16, window_bounds = array<i64: 256, 64>}, {pipeline_mode = #tpu.pipeline_mode<synchronous>, transform_indices = @transform_17, window_bounds = array<i64: 1, 64>}, {pipeline_mode = #tpu.pipeline_mode<synchronous>, transform_indices = @transform_18, window_bounds = array<i64: 128, 64>}, {pipeline_mode = #tpu.pipeline_mode<synchronous>, transform_indices = @transform_19, window_bounds = array<i64: 128, 1>}, {transform_indices = @transform_20, window_bounds = array<i64: 1, 128, 512>}]} {
    %get3A = arith.constant 0 : index
    %get3A_0 = arith.constant 0 : index
    %get3A_1 = vector.load %arg2[%get3A, %get3A_0] : memref<512x16xf32, #tpu.memory_space<vmem>>, vector<512x16xf32>
    %get3A_2 = arith.constant 0 : index
    %get3A_3 = arith.constant 0 : index
    %get3A_4 = arith.constant 0 : index
    %get3A_5 = vector.load %arg1[%get3A_2, %get3A_3, %get3A_4] : memref<16x512x128xf32, #tpu.memory_space<vmem>>, vector<16x512x128xf32>
    %broadcast_in_dim3A = vector.shape_cast %get3A_1 : vector<512x16xf32> to vector<1x512x16xf32>
    %broadcast_in_dim3A_6 = vector.shape_cast %broadcast_in_dim3A : vector<1x512x16xf32> to vector<1x512x16xf32>
    %broadcast_in_dim3A_7 = vector.broadcast %broadcast_in_dim3A_6 : vector<1x512x16xf32> to vector<16x512x16xf32>
    %slice3A = vector.extract_strided_slice %get3A_5 {offsets = [0, 0, 64], sizes = [16, 512, 16], strides = [1, 1, 1]} : vector<16x512x128xf32> to vector<16x512x16xf32>
    %sub3A = arith.subf %broadcast_in_dim3A_7, %slice3A : vector<16x512x16xf32>
    %reshape3A = vector.shape_cast %sub3A : vector<16x512x16xf32> to vector<8192x16xf32>
    %get3A_8 = arith.constant 0 : index
    %get3A_9 = arith.constant 0 : index
    %get3A_10 = vector.load %arg3[%get3A_8, %get3A_9] : memref<512x64xf32, #tpu.memory_space<vmem>>, vector<512x64xf32>
    %broadcast_in_dim3A_11 = vector.shape_cast %get3A_10 : vector<512x64xf32> to vector<1x512x64xf32>
    %broadcast_in_dim3A_12 = vector.shape_cast %broadcast_in_dim3A_11 : vector<1x512x64xf32> to vector<1x512x64xf32>
    %broadcast_in_dim3A_13 = vector.broadcast %broadcast_in_dim3A_12 : vector<1x512x64xf32> to vector<16x512x64xf32>
    %reshape3A_14 = vector.shape_cast %broadcast_in_dim3A_13 : vector<16x512x64xf32> to vector<8192x64xf32>
    %slice3A_15 = vector.extract_strided_slice %get3A_5 {offsets = [0, 0, 0], sizes = [16, 512, 64], strides = [1, 1, 1]} : vector<16x512x128xf32> to vector<16x512x64xf32>
    %reshape3A_16 = vector.shape_cast %slice3A_15 : vector<16x512x64xf32> to vector<8192x64xf32>
    %get3A_17 = arith.constant 0 : index
    %get3A_18 = arith.constant 0 : index
    %get3A_19 = vector.load %arg6[%get3A_17, %get3A_18] : memref<1x64xf32, #tpu.memory_space<vmem>>, vector<1x64xf32>
    %get3A_20 = arith.constant 0 : index
    %get3A_21 = arith.constant 0 : index
    %get3A_22 = vector.load %arg7[%get3A_20, %get3A_21] : memref<1x64xf32, #tpu.memory_space<vmem>>, vector<1x64xf32>
    %get3A_23 = arith.constant 0 : index
    %get3A_24 = arith.constant 0 : index
    %get3A_25 = vector.load %arg11[%get3A_23, %get3A_24] : memref<1x64xf32, #tpu.memory_space<vmem>>, vector<1x64xf32>
    %get3A_26 = arith.constant 0 : index
    %get3A_27 = arith.constant 0 : index
    %get3A_28 = vector.load %arg10[%get3A_26, %get3A_27] : memref<16x64xf32, #tpu.memory_space<vmem>>, vector<16x64xf32>
    %get3A_29 = arith.constant 0 : index
    %get3A_30 = arith.constant 0 : index
    %get3A_31 = vector.load %arg12[%get3A_29, %get3A_30] : memref<64x64xf32, #tpu.memory_space<vmem>>, vector<64x64xf32>
    %get3A_32 = arith.constant 0 : index
    %get3A_33 = arith.constant 0 : index
    %get3A_34 = vector.load %arg13[%get3A_32, %get3A_33] : memref<1x64xf32, #tpu.memory_space<vmem>>, vector<1x64xf32>
    %dot_general3A = arith.constant dense<0.000000e+00> : vector<8192x64xf32>
    %dot_general3A_35 = tpu.matmul %reshape3A, %get3A_28, %dot_general3A {dimension_numbers = #tpu.dot_dimension_numbers<[1], [0], [0], [1], [0, 0, 1, 1], [], []>, transpose_lhs_hint = false} : vector<8192x16xf32>, vector<16x64xf32>, vector<8192x64xf32> -> vector<8192x64xf32>
    %sub3A_36 = vector.broadcast %get3A_19 : vector<1x64xf32> to vector<8192x64xf32>
    %sub3A_37 = arith.subf %dot_general3A_35, %sub3A_36 : vector<8192x64xf32>
    %mul3A = vector.broadcast %get3A_22 : vector<1x64xf32> to vector<8192x64xf32>
    %mul3A_38 = arith.mulf %sub3A_37, %mul3A : vector<8192x64xf32>
    %add3A = vector.broadcast %get3A_25 : vector<1x64xf32> to vector<8192x64xf32>
    %add3A_39 = arith.addf %mul3A_38, %add3A : vector<8192x64xf32>
    %max3A = arith.constant 0.000000e+00 : f32
    %max3A_40 = vector.broadcast %max3A : f32 to vector<8192x64xf32>
    %max3A_41 = arith.maximumf %add3A_39, %max3A_40 : vector<8192x64xf32>
    %dot_general3A_42 = arith.constant dense<0.000000e+00> : vector<8192x64xf32>
    %dot_general3A_43 = tpu.matmul %max3A_41, %get3A_31, %dot_general3A_42 {dimension_numbers = #tpu.dot_dimension_numbers<[1], [0], [0], [1], [0, 0, 1, 1], [], []>, transpose_lhs_hint = false} : vector<8192x64xf32>, vector<64x64xf32>, vector<8192x64xf32> -> vector<8192x64xf32>
    %add3A_44 = vector.broadcast %get3A_34 : vector<1x64xf32> to vector<8192x64xf32>
    %add3A_45 = arith.addf %dot_general3A_43, %add3A_44 : vector<8192x64xf32>
    %sub3A_46 = arith.subf %reshape3A_14, %reshape3A_16 : vector<8192x64xf32>
    %add3A_47 = arith.addf %sub3A_46, %add3A_45 : vector<8192x64xf32>
    %convert_element_type3A = arith.truncf %add3A_47 : vector<8192x64xf32> to vector<8192x64xbf16>
    %get3A_48 = arith.constant 0 : index
    %get3A_49 = arith.constant 0 : index
    %get3A_50 = vector.load %arg14[%get3A_48, %get3A_49] : memref<64x256xf32, #tpu.memory_space<vmem>>, vector<64x256xf32>
    %convert_element_type3A_51 = arith.truncf %get3A_50 : vector<64x256xf32> to vector<64x256xbf16>
    %dot_general3A_52 = arith.constant dense<0.000000e+00> : vector<8192x256xf32>
    %dot_general3A_53 = tpu.matmul %convert_element_type3A, %convert_element_type3A_51, %dot_general3A_52 {dimension_numbers = #tpu.dot_dimension_numbers<[1], [0], [0], [1], [0, 0, 1, 1], [], []>, transpose_lhs_hint = false} : vector<8192x64xbf16>, vector<64x256xbf16>, vector<8192x256xf32> -> vector<8192x256xf32>
    %get3A_54 = arith.constant 0 : index
    %get3A_55 = arith.constant 0 : index
    %get3A_56 = vector.load %arg15[%get3A_54, %get3A_55] : memref<1x256xf32, #tpu.memory_space<vmem>>, vector<1x256xf32>
    %add3A_57 = vector.broadcast %get3A_56 : vector<1x256xf32> to vector<8192x256xf32>
    %add3A_58 = arith.addf %dot_general3A_53, %add3A_57 : vector<8192x256xf32>
    %get3A_59 = arith.constant 0 : index
    %get3A_60 = arith.constant 0 : index
    %get3A_61 = vector.load %arg8[%get3A_59, %get3A_60] : memref<1x256xf32, #tpu.memory_space<vmem>>, vector<1x256xf32>
    %sub3A_62 = vector.broadcast %get3A_61 : vector<1x256xf32> to vector<8192x256xf32>
    %sub3A_63 = arith.subf %add3A_58, %sub3A_62 : vector<8192x256xf32>
    %get3A_64 = arith.constant 0 : index
    %get3A_65 = arith.constant 0 : index
    %get3A_66 = vector.load %arg9[%get3A_64, %get3A_65] : memref<1x256xf32, #tpu.memory_space<vmem>>, vector<1x256xf32>
    %mul3A_67 = vector.broadcast %get3A_66 : vector<1x256xf32> to vector<8192x256xf32>
    %mul3A_68 = arith.mulf %sub3A_63, %mul3A_67 : vector<8192x256xf32>
    %get3A_69 = arith.constant 0 : index
    %get3A_70 = arith.constant 0 : index
    %get3A_71 = vector.load %arg16[%get3A_69, %get3A_70] : memref<1x256xf32, #tpu.memory_space<vmem>>, vector<1x256xf32>
    %add3A_72 = vector.broadcast %get3A_71 : vector<1x256xf32> to vector<8192x256xf32>
    %add3A_73 = arith.addf %mul3A_68, %add3A_72 : vector<8192x256xf32>
    %max3A_74 = arith.constant 0.000000e+00 : f32
    %max3A_75 = vector.broadcast %max3A_74 : f32 to vector<8192x256xf32>
    %max3A_76 = arith.maximumf %add3A_73, %max3A_75 : vector<8192x256xf32>
    %convert_element_type3A_77 = arith.truncf %max3A_76 : vector<8192x256xf32> to vector<8192x256xbf16>
    %get3A_78 = arith.constant 0 : index
    %get3A_79 = arith.constant 0 : index
    %get3A_80 = vector.load %arg17[%get3A_78, %get3A_79] : memref<256x64xf32, #tpu.memory_space<vmem>>, vector<256x64xf32>
    %convert_element_type3A_81 = arith.truncf %get3A_80 : vector<256x64xf32> to vector<256x64xbf16>
    %dot_general3A_82 = arith.constant dense<0.000000e+00> : vector<8192x64xf32>
    %dot_general3A_83 = tpu.matmul %convert_element_type3A_77, %convert_element_type3A_81, %dot_general3A_82 {dimension_numbers = #tpu.dot_dimension_numbers<[1], [0], [0], [1], [0, 0, 1, 1], [], []>, transpose_lhs_hint = false} : vector<8192x256xbf16>, vector<256x64xbf16>, vector<8192x64xf32> -> vector<8192x64xf32>
    %get3A_84 = arith.constant 0 : index
    %get3A_85 = arith.constant 0 : index
    %get3A_86 = vector.load %arg18[%get3A_84, %get3A_85] : memref<1x64xf32, #tpu.memory_space<vmem>>, vector<1x64xf32>
    %add3A_87 = vector.broadcast %get3A_86 : vector<1x64xf32> to vector<8192x64xf32>
    %add3A_88 = arith.addf %dot_general3A_83, %add3A_87 : vector<8192x64xf32>
    %reshape3A_89 = vector.shape_cast %add3A_88 : vector<8192x64xf32> to vector<16x512x64xf32>
    %reduce_max3A = arith.constant dense<0xFF800000> : vector<512x64xf32>
    %reduce_max3A_90 = vector.multi_reduction <maximumf>, %reshape3A_89, %reduce_max3A [0] : vector<16x512x64xf32> to vector<512x64xf32>
    %broadcast_in_dim3A_91 = vector.shape_cast %reduce_max3A_90 : vector<512x64xf32> to vector<1x512x64xf32>
    %sub3A_92 = vector.broadcast %broadcast_in_dim3A_91 : vector<1x512x64xf32> to vector<16x512x64xf32>
    %sub3A_93 = arith.subf %reshape3A_89, %sub3A_92 : vector<16x512x64xf32>
    %exp3A = math.exp %sub3A_93 : vector<16x512x64xf32>
    %reduce_sum3A = arith.constant dense<0.000000e+00> : vector<512x64xf32>
    %reduce_sum3A_94 = vector.multi_reduction <add>, %exp3A, %reduce_sum3A [0] : vector<16x512x64xf32> to vector<512x64xf32>
    %broadcast_in_dim3A_95 = vector.shape_cast %reduce_sum3A_94 : vector<512x64xf32> to vector<1x512x64xf32>
    %div3A = vector.broadcast %broadcast_in_dim3A_95 : vector<1x512x64xf32> to vector<16x512x64xf32>
    %div3A_96 = arith.divf %exp3A, %div3A : vector<16x512x64xf32>
    %get3A_97 = arith.constant 0 : index
    %get3A_98 = arith.constant 0 : index
    %get3A_99 = vector.load %arg4[%get3A_97, %get3A_98] : memref<512x64xf32, #tpu.memory_space<vmem>>, vector<512x64xf32>
    %broadcast_in_dim3A_100 = vector.shape_cast %get3A_99 : vector<512x64xf32> to vector<1x512x64xf32>
    %broadcast_in_dim3A_101 = vector.shape_cast %broadcast_in_dim3A_100 : vector<1x512x64xf32> to vector<1x512x64xf32>
    %broadcast_in_dim3A_102 = vector.broadcast %broadcast_in_dim3A_101 : vector<1x512x64xf32> to vector<16x512x64xf32>
    %reshape3A_103 = vector.shape_cast %add3A_45 : vector<8192x64xf32> to vector<16x512x64xf32>
    %add3A_104 = arith.addf %broadcast_in_dim3A_102, %reshape3A_103 : vector<16x512x64xf32>
    %mul3A_105 = arith.mulf %div3A_96, %add3A_104 : vector<16x512x64xf32>
    %reduce_sum3A_106 = arith.constant dense<0.000000e+00> : vector<512x64xf32>
    %reduce_sum3A_107 = vector.multi_reduction <add>, %mul3A_105, %reduce_sum3A_106 [0] : vector<16x512x64xf32> to vector<512x64xf32>
    %get3A_108 = arith.constant 0 : index
    %get3A_109 = arith.constant 0 : index
    %get3A_110 = vector.load %arg19[%get3A_108, %get3A_109] : memref<128x64xf32, #tpu.memory_space<vmem>>, vector<128x64xf32>
    %dot_general3A_111 = arith.constant dense<0.000000e+00> : vector<128x512xf32>
    %dot_general3A_112 = tpu.matmul %get3A_110, %reduce_sum3A_107, %dot_general3A_111 {dimension_numbers = #tpu.dot_dimension_numbers<[1], [1], [0], [0], [0, 0, 1, 0], [], []>, transpose_lhs_hint = false} : vector<128x64xf32>, vector<512x64xf32>, vector<128x512xf32> -> vector<128x512xf32>
    %get3A_113 = arith.constant 0 : index
    %get3A_114 = arith.constant 0 : index
    %get3A_115 = vector.load %arg20[%get3A_113, %get3A_114] : memref<128x1xf32, #tpu.memory_space<vmem>>, vector<128x1xf32>
    %add3A_116 = vector.broadcast %get3A_115 : vector<128x1xf32> to vector<128x512xf32>
    %add3A_117 = arith.addf %dot_general3A_112, %add3A_116 : vector<128x512xf32>
    %get3A_118 = arith.constant 0 : index
    %get3A_119 = arith.constant 0 : index
    %get3A_120 = arith.constant 0 : index
    %get3A_121 = vector.load %arg5[%get3A_118, %get3A_119, %get3A_120] : memref<1x128x512xf32, #tpu.memory_space<vmem>>, vector<1x128x512xf32>
    %get3A_122 = vector.shape_cast %get3A_121 : vector<1x128x512xf32> to vector<128x512xf32>
    %add3A_123 = arith.addf %add3A_117, %get3A_122 : vector<128x512xf32>
    %swap3A = arith.constant 0 : index
    %swap3A_124 = arith.constant 0 : index
    %swap3A_125 = arith.constant 0 : index
    %swap3A_126 = vector.load %arg21[%swap3A, %swap3A_124, %swap3A_125] : memref<1x128x512xf32, #tpu.memory_space<vmem>>, vector<1x128x512xf32>
    %swap3A_127 = vector.shape_cast %swap3A_126 : vector<1x128x512xf32> to vector<128x512xf32>
    %swap3A_128 = vector.shape_cast %add3A_123 : vector<128x512xf32> to vector<1x128x512xf32>
    tpu.vector_store %arg21[%swap3A, %swap3A_124, %swap3A_125], %swap3A_128 {strides = array<i32>} : memref<1x128x512xf32, #tpu.memory_space<vmem>>, vector<1x128x512xf32>,
    return
  }
  func.func @transform_0(%arg0: i32) -> (i32, i32, i32) {
    %jit3A = arith.constant 4 : i32
    %div3A = arith.divsi %arg0, %jit3A : i32
    %sign3A = arith.constant 0 : i32
    %sign3A_0 = arith.cmpi sgt, %arg0, %sign3A : i32
    %sign3A_1 = arith.extui %sign3A_0 : i1 to i32
    %sign3A_2 = arith.constant 0 : i32
    %sign3A_3 = arith.cmpi slt, %arg0, %sign3A_2 : i32
    %sign3A_4 = arith.extui %sign3A_3 : i1 to i32
    %sign3A_5 = arith.subi %sign3A_1, %sign3A_4 : i32
    %sign3A_6 = arith.constant 0 : i32
    %sign3A_7 = arith.cmpi sgt, %jit3A, %sign3A_6 : i32
    %sign3A_8 = arith.extui %sign3A_7 : i1 to i32
    %sign3A_9 = arith.constant 0 : i32
    %sign3A_10 = arith.cmpi slt, %jit3A, %sign3A_9 : i32
    %sign3A_11 = arith.extui %sign3A_10 : i1 to i32
    %sign3A_12 = arith.subi %sign3A_8, %sign3A_11 : i32
    %ne3A = arith.cmpi ne, %sign3A_5, %sign3A_12 : i32
    %rem3A = arith.remsi %arg0, %jit3A : i32
    %ne3A_13 = arith.constant 0 : i32
    %ne3A_14 = arith.cmpi ne, %rem3A, %ne3A_13 : i32
    %and3A = arith.andi %ne3A, %ne3A_14 : i1
    %sub3A = arith.constant 1 : i32
    %sub3A_15 = arith.subi %div3A, %sub3A : i32
    %select_n3A = arith.select %and3A, %sub3A_15, %div3A : i32
    %jit3A_16 = arith.constant 4 : i32
    %eq3A = arith.constant 0 : i32
    %eq3A_17 = arith.cmpi eq, %jit3A_16, %eq3A : i32
    %jit3A_18 = arith.constant 1 : i32
    %select_n3A_19 = arith.select %eq3A_17, %jit3A_18, %jit3A_16 : i32
    %rem3A_20 = arith.remsi %arg0, %select_n3A_19 : i32
    %ne3A_21 = arith.constant 0 : i32
    %ne3A_22 = arith.cmpi ne, %rem3A_20, %ne3A_21 : i32
    %lt3A = arith.constant 0 : i32
    %lt3A_23 = arith.cmpi slt, %rem3A_20, %lt3A : i32
    %lt3A_24 = arith.constant 0 : i32
    %lt3A_25 = arith.cmpi slt, %select_n3A_19, %lt3A_24 : i32
    %ne3A_26 = arith.xori %lt3A_23, %lt3A_25 : i1
    %and3A_27 = arith.andi %ne3A_26, %ne3A_22 : i1
    %add3A = arith.addi %rem3A_20, %select_n3A_19 : i32
    %select_n3A_28 = arith.select %and3A_27, %add3A, %rem3A_20 : i32
    %c0_i32 = arith.constant 0 : i32
    %c0_i32_29 = arith.constant 0 : i32
    return %select_n3A, %select_n3A_28, %c0_i32 : i32, i32, i32
  }
  func.func @transform_1(%arg0: i32) -> (i32, i32) {
    %c0_i32 = arith.constant 0 : i32
    %c0_i32_0 = arith.constant 0 : i32
    return %arg0, %c0_i32 : i32, i32
  }
  func.func @transform_2(%arg0: i32) -> (i32, i32) {
    %c0_i32 = arith.constant 0 : i32
    %c0_i32_0 = arith.constant 0 : i32
    return %arg0, %c0_i32 : i32, i32
  }
  func.func @transform_3(%arg0: i32) -> (i32, i32) {
    %c0_i32 = arith.constant 0 : i32
    %c0_i32_0 = arith.constant 0 : i32
    return %arg0, %c0_i32 : i32, i32
  }
  func.func @transform_4(%arg0: i32) -> (i32, i32, i32) {
    %jit3A = arith.constant 4 : i32
    %div3A = arith.divsi %arg0, %jit3A : i32
    %sign3A = arith.constant 0 : i32
    %sign3A_0 = arith.cmpi sgt, %arg0, %sign3A : i32
    %sign3A_1 = arith.extui %sign3A_0 : i1 to i32
    %sign3A_2 = arith.constant 0 : i32
    %sign3A_3 = arith.cmpi slt, %arg0, %sign3A_2 : i32
    %sign3A_4 = arith.extui %sign3A_3 : i1 to i32
    %sign3A_5 = arith.subi %sign3A_1, %sign3A_4 : i32
    %sign3A_6 = arith.constant 0 : i32
    %sign3A_7 = arith.cmpi sgt, %jit3A, %sign3A_6 : i32
    %sign3A_8 = arith.extui %sign3A_7 : i1 to i32
    %sign3A_9 = arith.constant 0 : i32
    %sign3A_10 = arith.cmpi slt, %jit3A, %sign3A_9 : i32
    %sign3A_11 = arith.extui %sign3A_10 : i1 to i32
    %sign3A_12 = arith.subi %sign3A_8, %sign3A_11 : i32
    %ne3A = arith.cmpi ne, %sign3A_5, %sign3A_12 : i32
    %rem3A = arith.remsi %arg0, %jit3A : i32
    %ne3A_13 = arith.constant 0 : i32
    %ne3A_14 = arith.cmpi ne, %rem3A, %ne3A_13 : i32
    %and3A = arith.andi %ne3A, %ne3A_14 : i1
    %sub3A = arith.constant 1 : i32
    %sub3A_15 = arith.subi %div3A, %sub3A : i32
    %select_n3A = arith.select %and3A, %sub3A_15, %div3A : i32
    %jit3A_16 = arith.constant 4 : i32
    %eq3A = arith.constant 0 : i32
    %eq3A_17 = arith.cmpi eq, %jit3A_16, %eq3A : i32
    %jit3A_18 = arith.constant 1 : i32
    %select_n3A_19 = arith.select %eq3A_17, %jit3A_18, %jit3A_16 : i32
    %rem3A_20 = arith.remsi %arg0, %select_n3A_19 : i32
    %ne3A_21 = arith.constant 0 : i32
    %ne3A_22 = arith.cmpi ne, %rem3A_20, %ne3A_21 : i32
    %lt3A = arith.constant 0 : i32
    %lt3A_23 = arith.cmpi slt, %rem3A_20, %lt3A : i32
    %lt3A_24 = arith.constant 0 : i32
    %lt3A_25 = arith.cmpi slt, %select_n3A_19, %lt3A_24 : i32
    %ne3A_26 = arith.xori %lt3A_23, %lt3A_25 : i1
    %and3A_27 = arith.andi %ne3A_26, %ne3A_22 : i1
    %add3A = arith.addi %rem3A_20, %select_n3A_19 : i32
    %select_n3A_28 = arith.select %and3A_27, %add3A, %rem3A_20 : i32
    %c0_i32 = arith.constant 0 : i32
    %c0_i32_29 = arith.constant 0 : i32
    return %select_n3A, %c0_i32, %select_n3A_28 : i32, i32, i32
  }
  func.func @transform_5(%arg0: i32) -> (i32, i32) {
    %c0_i32 = arith.constant 0 : i32
    %c0_i32_0 = arith.constant 0 : i32
    %c0_i32_1 = arith.constant 0 : i32
    return %c0_i32, %c0_i32_0 : i32, i32
  }
  func.func @transform_6(%arg0: i32) -> (i32, i32) {
    %c0_i32 = arith.constant 0 : i32
    %c0_i32_0 = arith.constant 0 : i32
    %c0_i32_1 = arith.constant 0 : i32
    return %c0_i32, %c0_i32_0 : i32, i32
  }
  func.func @transform_7(%arg0: i32) -> (i32, i32) {
    %c0_i32 = arith.constant 0 : i32
    %c0_i32_0 = arith.constant 0 : i32
    %c0_i32_1 = arith.constant 0 : i32
    return %c0_i32, %c0_i32_0 : i32, i32
  }
  func.func @transform_8(%arg0: i32) -> (i32, i32) {
    %c0_i32 = arith.constant 0 : i32
    %c0_i32_0 = arith.constant 0 : i32
    %c0_i32_1 = arith.constant 0 : i32
    return %c0_i32, %c0_i32_0 : i32, i32
  }
  func.func @transform_9(%arg0: i32) -> (i32, i32) {
    %c0_i32 = arith.constant 0 : i32
    %c0_i32_0 = arith.constant 0 : i32
    %c0_i32_1 = arith.constant 0 : i32
    return %c0_i32, %c0_i32_0 : i32, i32
  }
  func.func @transform_10(%arg0: i32) -> (i32, i32) {
    %c0_i32 = arith.constant 0 : i32
    %c0_i32_0 = arith.constant 0 : i32
    %c0_i32_1 = arith.constant 0 : i32
    return %c0_i32, %c0_i32_0 : i32, i32
  }
  func.func @transform_11(%arg0: i32) -> (i32, i32) {
    %c0_i32 = arith.constant 0 : i32
    %c0_i32_0 = arith.constant 0 : i32
    %c0_i32_1 = arith.constant 0 : i32
    return %c0_i32, %c0_i32_0 : i32, i32
  }
  func.func @transform_12(%arg0: i32) -> (i32, i32) {
    %c0_i32 = arith.constant 0 : i32
    %c0_i32_0 = arith.constant 0 : i32
    %c0_i32_1 = arith.constant 0 : i32
    return %c0_i32, %c0_i32_0 : i32, i32
  }
  func.func @transform_13(%arg0: i32) -> (i32, i32) {
    %c0_i32 = arith.constant 0 : i32
    %c0_i32_0 = arith.constant 0 : i32
    %c0_i32_1 = arith.constant 0 : i32
    return %c0_i32, %c0_i32_0 : i32, i32
  }
  func.func @transform_14(%arg0: i32) -> (i32, i32) {
    %c0_i32 = arith.constant 0 : i32
    %c0_i32_0 = arith.constant 0 : i32
    %c0_i32_1 = arith.constant 0 : i32
    return %c0_i32, %c0_i32_0 : i32, i32
  }
  func.func @transform_15(%arg0: i32) -> (i32, i32) {
    %c0_i32 = arith.constant 0 : i32
    %c0_i32_0 = arith.constant 0 : i32
    %c0_i32_1 = arith.constant 0 : i32
    return %c0_i32, %c0_i32_0 : i32, i32
  }
  func.func @transform_16(%arg0: i32) -> (i32, i32) {
    %c0_i32 = arith.constant 0 : i32
    %c0_i32_0 = arith.constant 0 : i32
    %c0_i32_1 = arith.constant 0 : i32
    return %c0_i32, %c0_i32_0 : i32, i32
  }
  func.func @transform_17(%arg0: i32) -> (i32, i32) {
    %c0_i32 = arith.constant 0 : i32
    %c0_i32_0 = arith.constant 0 : i32
    %c0_i32_1 = arith.constant 0 : i32
    return %c0_i32, %c0_i32_0 : i32, i32
  }
  func.func @transform_18(%arg0: i32) -> (i32, i32) {
    %c0_i32 = arith.constant 0 : i32
    %c0_i32_0 = arith.constant 0 : i32
    %c0_i32_1 = arith.constant 0 : i32
    return %c0_i32, %c0_i32_0 : i32, i32
  }
  func.func @transform_19(%arg0: i32) -> (i32, i32) {
    %c0_i32 = arith.constant 0 : i32
    %c0_i32_0 = arith.constant 0 : i32
    %c0_i32_1 = arith.constant 0 : i32
    return %c0_i32, %c0_i32_0 : i32, i32
  }
  func.func @transform_20(%arg0: i32) -> (i32, i32, i32) {
    %jit3A = arith.constant 4 : i32
    %div3A = arith.divsi %arg0, %jit3A : i32
    %sign3A = arith.constant 0 : i32
    %sign3A_0 = arith.cmpi sgt, %arg0, %sign3A : i32
    %sign3A_1 = arith.extui %sign3A_0 : i1 to i32
    %sign3A_2 = arith.constant 0 : i32
    %sign3A_3 = arith.cmpi slt, %arg0, %sign3A_2 : i32
    %sign3A_4 = arith.extui %sign3A_3 : i1 to i32
    %sign3A_5 = arith.subi %sign3A_1, %sign3A_4 : i32
    %sign3A_6 = arith.constant 0 : i32
    %sign3A_7 = arith.cmpi sgt, %jit3A, %sign3A_6 : i32
    %sign3A_8 = arith.extui %sign3A_7 : i1 to i32
    %sign3A_9 = arith.constant 0 : i32
    %sign3A_10 = arith.cmpi slt, %jit3A, %sign3A_9 : i32
    %sign3A_11 = arith.extui %sign3A_10 : i1 to i32
    %sign3A_12 = arith.subi %sign3A_8, %sign3A_11 : i32
    %ne3A = arith.cmpi ne, %sign3A_5, %sign3A_12 : i32
    %rem3A = arith.remsi %arg0, %jit3A : i32
    %ne3A_13 = arith.constant 0 : i32
    %ne3A_14 = arith.cmpi ne, %rem3A, %ne3A_13 : i32
    %and3A = arith.andi %ne3A, %ne3A_14 : i1
    %sub3A = arith.constant 1 : i32
    %sub3A_15 = arith.subi %div3A, %sub3A : i32
    %select_n3A = arith.select %and3A, %sub3A_15, %div3A : i32
    %jit3A_16 = arith.constant 4 : i32
    %eq3A = arith.constant 0 : i32
    %eq3A_17 = arith.cmpi eq, %jit3A_16, %eq3A : i32
    %jit3A_18 = arith.constant 1 : i32
    %select_n3A_19 = arith.select %eq3A_17, %jit3A_18, %jit3A_16 : i32
    %rem3A_20 = arith.remsi %arg0, %select_n3A_19 : i32
    %ne3A_21 = arith.constant 0 : i32
    %ne3A_22 = arith.cmpi ne, %rem3A_20, %ne3A_21 : i32
    %lt3A = arith.constant 0 : i32
    %lt3A_23 = arith.cmpi slt, %rem3A_20, %lt3A : i32
    %lt3A_24 = arith.constant 0 : i32
    %lt3A_25 = arith.cmpi slt, %select_n3A_19, %lt3A_24 : i32
    %ne3A_26 = arith.xori %lt3A_23, %lt3A_25 : i1
    %and3A_27 = arith.andi %ne3A_26, %ne3A_22 : i1
    %add3A = arith.addi %rem3A_20, %select_n3A_19 : i32
    %select_n3A_28 = arith.select %and3A_27, %add3A, %rem3A_20 : i32
    %c0_i32 = arith.constant 0 : i32
    %c0_i32_29 = arith.constant 0 : i32
    return %select_n3A, %c0_i32, %select_n3A_28 : i32, i32, i32
  }
}

</mosaic_0001>

<sc_bundles>
// kernel: kernel.8.cloned.1.call-start
scs
__scs_entry_jumppad:
0x0: {  	(pc) =	sbr.rel $0x88, $3  }
0x1: {  	(tag) =	ssettag $0x0;
	lr =	simm.s32 $0x1  }
0x2: {  	[smem:$0x3F84] =	sst lr;
	_ =	strace $0xD0000000  }
0x3: {  	_ = 	snop  }
0x4: {  	_ = 	snop  }
0x5: {  	_ = 	snop  }
0x6: {  	_ = 	snop  }
0x7: {  	_ = 	snop  }
__scs_overlays_trampoline_lowered:
0x8: {  	[smem:$0x3F93] =	sst s0  }
0x9: {  	[smem:$0x3F94] =	sst s1  }
0xa: {  	[smem:$0x3F95] =	sst s2  }
0xb: {  	[smem:$0x3F96] =	sst s3  }
0xc: {  	[smem:$0x3F97] =	sst s4  }
0xd: {  	[smem:$0x3F98] =	sst s5  }
0xe: {  	[smem:$0x3F99] =	sst s6  }
0xf: {  	[smem:$0x3F9A] =	sst s7  }
0x10: {  	[smem:$0x3F9B] =	sst s8  }
0x11: {  	[smem:$0x3F9C] =	sst s9;
	s0 =	simm.s32 @!p0 $0x0  }
0x12: {  	s1 =	sld [smem:$0x3F82];
	s0 =	simm.s32 @p0 $0x1  }
0x13: {  	[smem:$0x3F9D] =	sst s0;
	s0 =	simm.s32 @!p1 $0x0  }
0x14: {  	s2 =	sld [smem:$0x3F81];
	s0 =	simm.s32 @p1 $0x1  }
0x15: {  	[smem:$0x3F9E] =	sst s0;
	s0 =	simm.s32 @!p2 $0x0  }
0x16: {  	s3 =	sld [smem:$0x3FDB];
	s0 =	simm.s32 @p2 $0x1  }
0x17: {  	s4 =	simm.s32 $0x1BF5;
	[smem:$0x3FA0] =	sst s0  }
0x18: {  	s0 =	sld [smem:$0x3F83];
	_ =	swait.ge [sflag:s4], $0x0  }
0x19: {  	s7 =	sld [smem:$0x3F84]  }
0x1a: {  	s8 =	sadd.s32 $0xFFFFE003, lr  }
0x1b: {  	s9 =	sadd.s32 $0xFFFFFEF7, lr;
	s5 =	simm.s32 $0xFFFFFFFF;
	p2 =	slt.u32 s8, $0xFFFFF086  }
0x1c: {  	p1 =	slt.u32 s9, $0xF7A;
	s5 =	simm.s32 @!p2 $0x0  }
0x1d: {  	s5 =	simm.s32 @p1 $0x1;
	p0 =	seq.s32 s7, s2  }
0x1e: {  	s7 =	smul.u32 @!p0 $0xF7A, s2;
	p2 =	seq.s32 @!p0 s5, $0x0  }
0x1f: {  	s9 =	smul.u32 $0xF7A, s1;
	s8 =	simm.s32 @!p0 $0x1BF5;
	p2 =	por !p2, p0  }
0x20: {  	[sflag:s8] =	ssyncset.s32 @!p0 $0xFFFFF086;
	s6 =	sadd.s32 @!p0 s3, s7;
	s7 =	simm.s32 @!p0 $0x108  }
0x21: {  	s3 =	sadd.s32 s3, s9;
	s6 =	sadd.s32 @!p0 $0x88, s6;
	s7 =	simm.s32 @p2 $0x1082  }
0x22: {  	[simem:s7], [sflag:s8] =	dma.local @!p0 [hbm:s6], $0xF7A  }
0x23: {  	s9 =	sor.u32 $0xD0000000, s2;
	s6 =	simm.s32 $0x108;
	_ =	swait.ge @!p0 [sflag:s8], $0x0  }
0x24: {  	s3 =	sadd.s32 $0x88, s3;
	s6 =	simm.s32 @!p1 $0x1082;
	[sflag:s4] =	ssyncset.s32 $0xFFFFF086  }
0x25: {  	[simem:s6], [sflag:s4] =	dma.local [hbm:s3], $0xF7A  }
0x26: {  	[smem:$0x3F84] =	sst s1;
	(tag) =	ssettag s2;
	_ =	strace s9  }
0x27: {  	s1 =	sld [smem:$0x3F94]  }
0x28: {  	s2 =	sld [smem:$0x3F95]  }
0x29: {  	s4 =	sld [smem:$0x3F97]  }
0x2a: {  	p0 =	seq.s32 s5, $0x0;
	s5 =	sld [smem:$0x3F98]  }
0x2b: {  	s6 =	sld [smem:$0x3F99]  }
0x2c: {  	s7 =	sld [smem:$0x3F9A]  }
0x2d: {  	s3 =	simm.s32 $0x108;
	s8 =	sld [smem:$0x3F9B]  }
0x2e: {  	s3 =	simm.s32 @!p0 $0x1082;
	s9 =	sld [smem:$0x3F9C]  }
0x2f: {  	lr =	sadd.s32 s0, s3;
	s0 =	sld [smem:$0x3F93]  }
0x30: {  	s3 =	sld [smem:$0x3F96]  }
0x31: {  	[smem:$0x3F9F] =	sst s10  }
0x32: {  	s10 =	sld [smem:$0x3F9D];
	_ =	sdelay $0x3  }
0x33: {  	p0 =	seq.s32 s10, $0x1;
	s10 =	sld [smem:$0x3F9F];
	_ =	sdelay $0x3  }
0x34: {  	[smem:$0x3F9F] =	sst s10  }
0x35: {  	s10 =	sld [smem:$0x3F9E];
	_ =	sdelay $0x3  }
0x36: {  	p1 =	seq.s32 s10, $0x1;
	s10 =	sld [smem:$0x3F9F];
	_ =	sdelay $0x3  }
0x37: {  	[smem:$0x3F9F] =	sst s10  }
0x38: {  	s10 =	sld [smem:$0x3FA0]  }
0x39: {  	_ = 	snop;
	(pc) =	sbr.ind lr, $3  }
0x3a: {  	_ = 	snop  }
0x3b: {  	_ = 	snop  }
0x3c: {  	p2 =	seq.s32 s10, $0x1;
	s10 =	sld [smem:$0x3F9F]  }
0x3d: {  	_ =	shalt  }
0x3e: {  	_ =	shalt  }
0x3f: {  	_ =	shalt  }
0x40: {  	_ =	shalt  }
0x41: {  	_ =	shalt  }
0x42: {  	_ =	shalt  }
0x43: {  	_ =	shalt  }
0x44: {  	_ =	shalt  }
0x45: {  	_ =	shalt  }
0x46: {  	_ =	shalt  }
0x47: {  	_ =	shalt  }
0x48: {  	_ =	shalt  }
0x49: {  	_ =	shalt  }
0x4a: {  	_ =	shalt  }
0x4b: {  	_ =	shalt  }
0x4c: {  	_ =	shalt  }
0x4d: {  	_ =	shalt  }
0x4e: {  	_ =	shalt  }
0x4f: {  	_ =	shalt  }
0x50: {  	_ =	shalt  }
0x51: {  	_ =	shalt  }
0x52: {  	_ =	shalt  }
0x53: {  	_ =	shalt  }
0x54: {  	_ =	shalt  }
0x55: {  	_ =	shalt  }
0x56: {  	_ =	shalt  }
0x57: {  	_ =	shalt  }
0x58: {  	_ =	shalt  }
0x59: {  	_ =	shalt  }
0x5a: {  	_ =	shalt  }
0x5b: {  	_ =	shalt  }
0x5c: {  	_ =	shalt  }
0x5d: {  	_ =	shalt  }
0x5e: {  	_ =	shalt  }
0x5f: {  	_ =	shalt  }
0x60: {  	_ =	shalt  }
0x61: {  	_ =	shalt  }
0x62: {  	_ =	shalt  }
0x63: {  	_ =	shalt  }
0x64: {  	_ =	shalt  }
0x65: {  	_ =	shalt  }
0x66: {  	_ =	shalt  }
0x67: {  	_ =	shalt  }
0x68: {  	_ =	shalt  }
0x69: {  	_ =	shalt  }
0x6a: {  	_ =	shalt  }
0x6b: {  	_ =	shalt  }
0x6c: {  	_ =	shalt  }
0x6d: {  	_ =	shalt  }
0x6e: {  	_ =	shalt  }
0x6f: {  	_ =	shalt  }
0x70: {  	_ =	shalt  }
0x71: {  	_ =	shalt  }
0x72: {  	_ =	shalt  }
0x73: {  	_ =	shalt  }
0x74: {  	_ =	shalt  }
0x75: {  	_ =	shalt  }
0x76: {  	_ =	shalt  }
0x77: {  	_ =	shalt  }
0x78: {  	_ =	shalt  }
0x79: {  	_ =	shalt  }
0x7a: {  	_ =	shalt  }
0x7b: {  	_ =	shalt  }
0x7c: {  	_ =	shalt  }
0x7d: {  	_ =	shalt  }
0x7e: {  	_ =	shalt  }
0x7f: {  	_ =	shalt  }
0x80: {  	_ =	shalt  }
0x81: {  	_ =	shalt  }
0x82: {  	_ =	shalt  }
0x83: {  	_ =	shalt  }
0x84: {  	_ =	shalt  }
0x85: {  	_ =	shalt  }
0x86: {  	_ =	shalt  }
0x87: {  	_ =	shalt  }
.Lfunc_end0:
.L_simem_size_0:
called_computation_lowered:
.L_overlay_start_0:
0x88: {  	s2 =	sld [smem:$0x3FD9]  }
0x89: {  	s3 =	sld [smem:$0x3FFE];
	_ =	sdelay $0x1  }
0x8a: {  	s1 =	srdreg.scid  }
0x8b: {  	s0 =	sand.u32 $0x1, s1  }
0x8c: {  	s16 =	sshll.u32 s0, $0xA;
	s2 =	sadd.s32 s3, s2  }
0x8d: {  	s2 =	sadd.s32 s2, s16  }
0x8e: {  	[smem:$0x3FAB] =	sst s2  }
0x8f: {  	_ = 	snop  }
0x90: {  	(tm) =	ssettm $0x1  }
0x91: {  	s17 =	sld [smem:$0x3FFB];
	_ =	sdelay $0x3  }
0x92: {  	_ =	strace s17  }
0x93: {  	s2 =	sld [smem:$0x3FFC];
	_ =	sdelay $0x3  }
0x94: {  	_ =	strace s2  }
0x95: {  	s2 =	sld [smem:$0x3FFD];
	_ =	sdelay $0x3  }
0x96: {  	_ =	strace s2  }
0x97: {  	_ =	strace $0x8FFFFFFF  }
0x98: {  	s18 =	sld [smem:$0x3FDB];
	_ =	sdelay $0x1  }
0x99: {  	s19 =	simm.s32 $_scs_section_size  }
0x9a: {  	s4 =	simm.s32 $_size__tile_overlayer_lowered;
	s5 =	simm.s32 $_tile_overlayer_lowered  }
0x9b: {  	s22 =	simm.s32 $0x1BFF;
	s21 =	sshll.u32 s5, $0x1;
	s2 =	sadd.s32 s19, s18  }
0x9c: {  	s6 =	simm.s32 $0x0;
	s20 =	sshll.u32 s4, $0x1;
	s4 =	sadd.s32 s21, s2  }
0x9d: {  	[timem:s6], [sflag:s22] =	dma.local [hbm:s4], s20  }
0x9e: {  	_ =	swait.ge [sflag:s22], s20  }
0x9f: {  	s3 =	ssub.s32 $0x0, s20;
	[sflag:s22] =	ssyncset.done $0x0  }
0xa0: {  	[sflag:s22] =	ssyncadd.s32 s3;
	_ =	sdelay $0x1  }
0xa1: {  	s23 =	simm.s32 $0x1B8B  }
0xa2: {  	_ =	swait.ge [sflag:s23], $0x1  }
0xa3: {  	[sflag:s23] =	ssyncset.done $0x0  }
0xa4: {  	s25 =	simm.s32 $0x1B8E;
	s24 =	sld [smem:$0x3FFE];
	[sflag:s23] =	ssyncadd.s32 $0xFFFFFFFF  }
0xa5: {  	s26 =	simm.s32 $execute0_lowered;
	[smem:$0x3FD2] =	sst s25  }
0xa6: {  	s4 =	sshll.u32 s26, $0x1;
	_ =	strace $0x80000046;
	[dreg:$0x1] =	wrdreg $0xFFFFFFFF  }
0xa7: {  	s28 =	simm.s32 $_size_execute0_lowered;
	s2 =	sadd.s32 s2, s4;
	[dreg:$0x0] =	wrdreg $0x0  }
0xa8: {  	s4 =	sshll.u32 s28, $0x1;
	[dreg:$0x2] =	wrdreg s2  }
0xa9: {  	[dreg:$0x3] =	wrdreg s4  }
0xaa: {  	[dreg:$0x4] =	wrdreg $0xC0  }
0xab: {  	_ =	task [dreg:s6], $0x5FFFF  }
0xac: {  	[dreg:$0x1] =	wrdreg $0xFFFFFFFF  }
0xad: {  	[dreg:$0x0] =	wrdreg $0x60  }
0xae: {  	[dreg:$0x2] =	wrdreg s24  }
0xaf: {  	[dreg:$0x3] =	wrdreg $0x9  }
0xb0: {  	_ =	task.clear_ibuf [dreg:s6], $0x4FFFF;
	_ =	strace $0x90000046  }
0xb1: {  	s29 =	simm.s32 $0x9;
	_ =	strace $0x80000048  }
0xb2: {  	_ =	swait.ge [sflag:s29], $0x1  }
0xb3: {  	[sflag:s29] =	ssyncadd.s32 $0xFFFFFFFF  }
0xb4: {  	_ =	strace $0x90000048  }
0xb5: {  	_ =	sfence  }
0xb6: {  	s30 =	sld [smem:$0x0];
	_ =	sdelay $0x2  }
0xb7: {  	s31 =	sshll.u32 s1, $0xD;
	s1 =	sshrl.u32 s1, $0x2  }
0xb8: {  	s3 =	sand.u32 $0x4000, s31;
	s1 =	sadd.s32 s1, s30  }
0xb9: {  	s0 =	sor.u32 s3, s0;
	s1 =	sshll.u32 s1, $0x11  }
0xba: {  	s0 =	sor.u32 s1, s0  }
0xbb: {  	s0 =	sadd.s32 $0x8F2B, s0  }
0xbc: {  	[sflag:s0] =	ssyncadd.remote.s32 $0x1  }
0xbd: {  	_ =	sfence.sel $0xFFFF  }
0xbe: {  	[dreg:$0x0] =	wrdreg $0xFFFFFFFF;
	(pc) =	sbr.abs _section_cstart, $3  }
0xbf: {  	[dreg:$0x1] =	wrdreg $0xFFFFFFFF  }
0xc0: {  	_ =	task.clear_ibuf [dreg:s6], $0x2FFFF;
	_ =	strace $0x9FFFFFFF  }
0xc1: {  	(tm) =	ssettm $0x7FFFFFFF  }
tec
execute0_lowered:
.L_overlay_start_1:
0x0: {  	(tag) =	ssettag $0x1  }
0x1: {  	s0 =	srdreg.scid;
	s2 =	stileid.u32  }
0x2: {  	s1 =	rddreg [dreg:$0x0];
	p0 =	por $0x0, $0x0;
	s6 =	sand.u32 $0x1, s0  }
0x3: {  	s23 =	sshll.u32 s2, $0xE;
	s2 =	simm.s32 $0x0;
	s4 =	sadd.s32 $0x10C800, s1  }
0x4: {  	s3 =	sshll.u32 s6, $0xD;
	[smem:$0x7FF] =	sst s2;
	s6 =	ssub.s32 $0x2, s6  }
0x5: {  	s5 =	sor.u32 s3, s23;
	s3 =	sadd.s32 $0x4800, s1;
	_ =	strace $0x80000047  }
0x6: {  	s0 =	sshrl.u32 s5, $0x3;
	s7 =	sor.u32 $0x100, s5;
	s8 =	sshll.u32 s5, $0x4  }
0x7: {  	s9 =	sor.u32 $0x200, s5;
	s12 =	sor.u32 $0x300, s5;
	s15 =	sor.u32 $0x400, s5  }
0x8: {  	s20 =	sor.u32 $0x500, s5;
	s23 =	sor.u32 $0x600, s5;
	s0 =	sadd.s32 s3, s0  }
0x9: {  	s24 =	sshrl.u32 s7, $0x3;
	s25 =	sadd.s32 s4, s8;
	s26 =	sshrl.u32 s9, $0x3  }
0xa: {  	s7 =	sshll.u32 s7, $0x4;
	s13 =	sshrl.u32 s12, $0x3;
	s14 =	sshll.u32 s9, $0x4  }
0xb: {  	s17 =	sshrl.u32 s15, $0x3;
	s21 =	sshrl.u32 s20, $0x3;
	[dreg:$0x2] =	wrdreg s0  }
0xc: {  	s22 =	sshll.u32 s15, $0x4;
	s0 =	sadd.s32 s3, s24;
	[dreg:$0x4] =	wrdreg s25  }
0xd: {  	s10 =	sadd.s32 s3, s26;
	s11 =	sadd.s32 s4, s7;
	[dreg:$0x3] =	wrdreg s0  }
0xe: {  	s16 =	sadd.s32 s4, s14;
	s18 =	sadd.s32 s3, s17;
	[dreg:$0x5] =	wrdreg s10  }
0xf: {  	s7 =	sshll.u32 s12, $0x4;
	s24 =	sadd.s32 s4, s22;
	[dreg:$0x6] =	wrdreg s11  }
0x10: {  	s25 =	sshrl.u32 s23, $0x3;
	s12 =	sshll.u32 s23, $0x4;
	[dreg:$0x8] =	wrdreg s16  }
0x11: {  	s0 =	sadd.s32 s3, s13;
	[dreg:$0x9] =	wrdreg s18;
	s19 =	sadd.s32 s4, s7  }
0x12: {  	[dreg:$0xc] =	wrdreg s24;
	s26 =	sadd.s32 s3, s25;
	s7 =	sshll.u32 s20, $0x4  }
0x13: {  	s10 =	sor.u32 $0x700, s5;
	s13 =	sor.u32 $0x800, s5;
	[dreg:$0x7] =	wrdreg s0  }
0x14: {  	s14 =	sadd.s32 s4, s12;
	s18 =	sor.u32 $0x900, s5;
	[dreg:$0xa] =	wrdreg s19  }
0x15: {  	s0 =	sadd.s32 s3, s21;
	[dreg:$0xd] =	wrdreg s26;
	s8 =	sadd.s32 s4, s7  }
0x16: {  	s11 =	sshrl.u32 s10, $0x3;
	s15 =	sshrl.u32 s13, $0x3;
	[dreg:$0x10] =	wrdreg s14  }
0x17: {  	s7 =	sshll.u32 s10, $0x4;
	s19 =	sshrl.u32 s18, $0x3;
	s20 =	sshll.u32 s13, $0x4  }
0x18: {  	s21 =	sor.u32 $0xA00, s5;
	s26 =	sor.u32 $0xB00, s5;
	[dreg:$0xb] =	wrdreg s0  }
0x19: {  	s10 =	sor.u32 $0xC00, s5;
	[dreg:$0xe] =	wrdreg s8;
	s0 =	sadd.s32 s3, s11  }
0x1a: {  	s16 =	sadd.s32 s3, s15;
	s17 =	sadd.s32 s4, s7;
	s22 =	sadd.s32 s4, s20  }
0x1b: {  	s23 =	sshrl.u32 s21, $0x3;
	s7 =	sshll.u32 s18, $0x4;
	[dreg:$0xf] =	wrdreg s0  }
0x1c: {  	s8 =	sshrl.u32 s26, $0x3;
	s9 =	sshll.u32 s21, $0x4;
	[dreg:$0x11] =	wrdreg s16  }
0x1d: {  	s12 =	sshrl.u32 s10, $0x3;
	s15 =	sor.u32 $0xD00, s5;
	[dreg:$0x12] =	wrdreg s17  }
0x1e: {  	s18 =	sor.u32 $0xE00, s5;
	s0 =	sadd.s32 s3, s19;
	[dreg:$0x14] =	wrdreg s22  }
0x1f: {  	s24 =	sadd.s32 s3, s23;
	s25 =	sadd.s32 s4, s7;
	s11 =	sadd.s32 s4, s9  }
0x20: {  	s13 =	sadd.s32 s3, s12;
	s7 =	sshll.u32 s26, $0x4;
	[dreg:$0x13] =	wrdreg s0  }
0x21: {  	s16 =	sshrl.u32 s15, $0x3;
	s17 =	sshll.u32 s10, $0x4;
	[dreg:$0x15] =	wrdreg s24  }
0x22: {  	s20 =	sshrl.u32 s18, $0x3;
	s23 =	sor.u32 $0xF00, s5;
	[dreg:$0x16] =	wrdreg s25  }
0x23: {  	s26 =	sor.u32 $0x1000, s5;
	s0 =	sadd.s32 s3, s8;
	[dreg:$0x18] =	wrdreg s11  }
0x24: {  	[dreg:$0x19] =	wrdreg s13;
	s14 =	sadd.s32 s4, s7;
	s19 =	sadd.s32 s4, s17  }
0x25: {  	s21 =	sadd.s32 s3, s20;
	s7 =	sshll.u32 s15, $0x4;
	[dreg:$0x17] =	wrdreg s0  }
0x26: {  	s24 =	sshrl.u32 s23, $0x3;
	s25 =	sshll.u32 s18, $0x4;
	[dreg:$0x1a] =	wrdreg s14  }
0x27: {  	s10 =	sshrl.u32 s26, $0x3;
	s13 =	sor.u32 $0x1100, s5;
	[dreg:$0x1c] =	wrdreg s19  }
0x28: {  	s15 =	sshll.u32 s26, $0x4;
	s0 =	sadd.s32 s3, s16;
	[dreg:$0x1d] =	wrdreg s21  }
0x29: {  	s22 =	sadd.s32 s4, s7;
	s8 =	sadd.s32 s4, s25;
	s11 =	sadd.s32 s3, s10  }
0x2a: {  	s7 =	sshll.u32 s23, $0x4;
	s14 =	sshrl.u32 s13, $0x3;
	[dreg:$0x1b] =	wrdreg s0  }
0x2b: {  	s16 =	sor.u32 $0x1200, s5;
	s17 =	sadd.s32 s4, s15;
	[dreg:$0x1e] =	wrdreg s22  }
0x2c: {  	s21 =	sor.u32 $0x1300, s5;
	s10 =	sor.u32 $0x1400, s5;
	[smem:$0x7F1] =	sst s8  }
0x2d: {  	s0 =	sadd.s32 s3, s24;
	[smem:$0x7F2] =	sst s11;
	s12 =	sadd.s32 s4, s7  }
0x2e: {  	s18 =	sshrl.u32 s16, $0x3;
	[smem:$0x7F5] =	sst s17;
	s7 =	sshll.u32 s13, $0x4  }
0x2f: {  	s22 =	sshrl.u32 s6, $0x1;
	s23 =	sshrl.u32 s21, $0x3;
	[dreg:$0x1f] =	wrdreg s0  }
0x30: {  	s9 =	sshll.u32 s16, $0x4;
	[smem:$0x7F3] =	sst s12;
	s0 =	sadd.s32 s3, s14  }
0x31: {  	s25 =	sshrl.u32 s10, $0x3;
	s19 =	sadd.s32 s3, s18;
	[smem:$0x7F4] =	sst s0  }
0x32: {  	s20 =	sadd.s32 s4, s7;
	s24 =	sadd.s32 s4, s9;
	[smem:$0x7F6] =	sst s19  }
0x33: {  	s26 =	sadd.s32 s3, s25;
	s7 =	sshll.u32 s21, $0x4;
	[smem:$0x7F7] =	sst s20  }
0x34: {  	s8 =	ssub.s32 s6, s22;
	s12 =	sshll.u32 s10, $0x4;
	[smem:$0x7F9] =	sst s24  }
0x35: {  	s10 =	sor.u32 $0x1800, s5;
	s0 =	sadd.s32 s3, s23;
	[smem:$0x7FA] =	sst s26  }
0x36: {  	s9 =	sadd.s32 s4, s7;
	s19 =	sor.u32 $0x1500, s5;
	s13 =	sadd.s32 s4, s12  }
0x37: {  	s12 =	sor.u32 $0x1900, s5;
	s16 =	sshrl.u32 s10, $0x3;
	[smem:$0x7F8] =	sst s0  }
0x38: {  	s7 =	sor.u32 $0x1E00, s5;
	s10 =	sshll.u32 s10, $0x4;
	[smem:$0x7FB] =	sst s9  }
0x39: {  	s11 =	sshrl.u32 s19, $0x3;
	s9 =	sor.u32 $0x1600, s5;
	[smem:$0x7FD] =	sst s13  }
0x3a: {  	s24 =	sadd.s32 s3, s16;
	s13 =	sor.u32 $0x1A00, s5;
	s25 =	sshrl.u32 s7, $0x3  }
0x3b: {  	s19 =	sshll.u32 s19, $0x4;
	s0 =	sadd.s32 s3, s11;
	s14 =	sshrl.u32 s9, $0x3  }
0x3c: {  	s11 =	sshrl.u32 s12, $0x3;
	s17 =	sshrl.u32 s13, $0x3;
	s6 =	sadd.s32 s3, s25  }
0x3d: {  	s31 =	sadd.s32 s4, s19;
	s9 =	sshll.u32 s9, $0x4;
	s25 =	sadd.s32 s4, s10  }
0x3e: {  	s19 =	sshll.u32 s12, $0x4;
	[smem:$0x7FC] =	sst s0;
	s28 =	sadd.s32 s3, s14  }
0x3f: {  	s0 =	sor.u32 $0x1700, s5;
	s22 =	sadd.s32 s3, s11;
	s14 =	sor.u32 $0x1B00, s5  }
0x40: {  	s20 =	sadd.s32 s3, s17;
	s17 =	sor.u32 $0x1D00, s5;
	s30 =	sadd.s32 s4, s9  }
0x41: {  	s15 =	sshrl.u32 s0, $0x3;
	s18 =	sshrl.u32 s14, $0x3;
	s23 =	sshrl.u32 s17, $0x3  }
0x42: {  	s0 =	sshll.u32 s0, $0x4;
	s9 =	sshll.u32 s14, $0x4;
	s12 =	sshll.u32 s17, $0x4  }
0x43: {  	s26 =	sadd.s32 s3, s15;
	s15 =	sor.u32 $0x1C00, s5;
	s18 =	sadd.s32 s3, s18  }
0x44: {  	s5 =	sor.u32 $0x1F00, s5;
	s11 =	sadd.s32 s3, s23;
	s29 =	sadd.s32 s4, s0  }
0x45: {  	s23 =	sadd.s32 s4, s19;
	s19 =	sadd.s32 s4, s9;
	s12 =	sadd.s32 s4, s12  }
0x46: {  	s9 =	simm.s32 $0x2;
	s0 =	rddreg [dreg:$0x2];
	s21 =	sshrl.u32 s15, $0x3  }
0x47: {  	s10 =	sshll.u32 s15, $0x4;
	s14 =	sshll.u32 s5, $0x4;
	s15 =	smax.u32 s8, $0x1  }
0x48: {  	s8 =	simm.s32 $0x8200;
	s16 =	sadd.s32 s3, s21;
	p1 =	sne.s32 s15, $0x1  }
.Ltmp0:
0x49: {  	s21 =	sshrl.u32 s5, $0x3;
	s17 =	sadd.s32 s4, s10;
	(pc) =	sbr.rel @!p1 .LBB2_3-.Ltmp0, $4  }
0x4a: {  	s10 =	sadd.s32 $0x8C800, s1;
	s1 =	sadd.s32 $0xFFFFFFFF, s15;
	s5 =	simm.s32 $0x3  }
0x4b: {  	s3 =	sadd.s32 s3, s21;
	s21 =	sshll.u32 s13, $0x4;
	s13 =	sshll.u32 s7, $0x4  }
0x4c: {  	s15 =	simm.s32 $0x1;
	s21 =	sadd.s32 s4, s21;
	s7 =	sadd.s32 s4, s13  }
0x4d: {  	s4 =	sadd.s32 s4, s14;
	s14 =	simm.s32 $0x100;
	s13 =	simm.s32 $0x200  }
0x4e: {  	[tilespmem:s2], [sflag:$0x3] =	stream.linear.gather [hbm4b:s0+s2], $0x100, $0x38;
	[tilespmem:$0x10200] =	vst v63  }
0x4f: {  	_ =	swait.ge [sflag:s5], $0x100  }
0x50: {  	[sflag:s5] =	ssyncset.done $0x0  }
0x51: {  	[sflag:s5] =	ssyncadd.s32 $0xFFFFFF00  }
0x52: {  	[tilespmem:s13], [sflag:$0x1] =	stream.indirect.gather [hbm4b:s10+s14], $0x80, s2, s14, $0xb8;
	[tilespmem:$0x10200] =	vst v63  }
0x53: {  	s0 =	rddreg [dreg:$0x3]  }
0x54: {  	[tilespmem:s14], [sflag:$0x3] =	stream.linear.gather [hbm4b:s0+s2], $0x100, $0x38;
	[tilespmem:$0x10200] =	vst v63  }
0x55: {  	_ =	swait.ge [sflag:s5], $0x100  }
0x56: {  	[sflag:s5] =	ssyncset.done $0x0  }
0x57: {  	[sflag:s5] =	ssyncadd.s32 $0xFFFFFF00  }
0x58: {  	[tilespmem:s8], [sflag:$0x2] =	stream.indirect.gather [hbm4b:s10+s14], $0x80, s14, s14, $0xb8;
	[tilespmem:$0x10200] =	vst v63  }
0x59: {  	_ =	swait.ge [sflag:s15], $0x8000  }
0x5a: {  	[sflag:s15] =	ssyncset.done $0x0  }
0x5b: {  	s0 =	rddreg [dreg:$0x4];
	[sflag:s15] =	ssyncadd.s32 $0xFFFF8000  }
0x5c: {  	[hbm4b:s0+s2] =	stream.linear.scatter [tilespmem:s13], [sflag:$0x3], $0x8000, $0x38;
	[tilespmem:$0x10200] =	vst v63  }
0x5d: {  	_ =	swait.ge [sflag:s5], $0x8000  }
0x5e: {  	[sflag:s5] =	ssyncset.done $0x0  }
0x5f: {  	s0 =	rddreg [dreg:$0x5];
	[sflag:s5] =	ssyncadd.s32 $0xFFFF8000  }
0x60: {  	[tilespmem:s2], [sflag:$0x3] =	stream.linear.gather [hbm4b:s0+s2], $0x100, $0x38;
	[tilespmem:$0x10200] =	vst v63  }
0x61: {  	_ =	swait.ge [sflag:s5], $0x100  }
0x62: {  	[sflag:s5] =	ssyncset.done $0x0  }
0x63: {  	[sflag:s5] =	ssyncadd.s32 $0xFFFFFF00  }
0x64: {  	[tilespmem:s13], [sflag:$0x1] =	stream.indirect.gather [hbm4b:s10+s14], $0x80, s2, s14, $0xb8;
	[tilespmem:$0x10200] =	vst v63  }
0x65: {  	_ =	swait.ge [sflag:s9], $0x8000  }
0x66: {  	[sflag:s9] =	ssyncset.done $0x0  }
0x67: {  	s0 =	rddreg [dreg:$0x6];
	[sflag:s9] =	ssyncadd.s32 $0xFFFF8000  }
0x68: {  	[hbm4b:s0+s2] =	stream.linear.scatter [tilespmem:s8], [sflag:$0x3], $0x8000, $0x38;
	[tilespmem:$0x10200] =	vst v63  }
0x69: {  	_ =	swait.ge [sflag:s5], $0x8000  }
0x6a: {  	[sflag:s5] =	ssyncset.done $0x0  }
0x6b: {  	s0 =	rddreg [dreg:$0x7];
	[sflag:s5] =	ssyncadd.s32 $0xFFFF8000  }
0x6c: {  	[tilespmem:s14], [sflag:$0x3] =	stream.linear.gather [hbm4b:s0+s2], $0x100, $0x38;
	[tilespmem:$0x10200] =	vst v63  }
0x6d: {  	_ =	swait.ge [sflag:s5], $0x100  }
0x6e: {  	[sflag:s5] =	ssyncset.done $0x0  }
0x6f: {  	[sflag:s5] =	ssyncadd.s32 $0xFFFFFF00  }
0x70: {  	[tilespmem:s8], [sflag:$0x2] =	stream.indirect.gather [hbm4b:s10+s14], $0x80, s14, s14, $0xb8;
	[tilespmem:$0x10200] =	vst v63  }
0x71: {  	_ =	swait.ge [sflag:s15], $0x8000  }
0x72: {  	[sflag:s15] =	ssyncset.done $0x0  }
0x73: {  	s0 =	rddreg [dreg:$0x8];
	[sflag:s15] =	ssyncadd.s32 $0xFFFF8000  }
0x74: {  	[hbm4b:s0+s2] =	stream.linear.scatter [tilespmem:s13], [sflag:$0x3], $0x8000, $0x38;
	[tilespmem:$0x10200] =	vst v63  }
0x75: {  	_ =	swait.ge [sflag:s5], $0x8000  }
0x76: {  	[sflag:s5] =	ssyncset.done $0x0  }
0x77: {  	s0 =	rddreg [dreg:$0x9];
	[sflag:s5] =	ssyncadd.s32 $0xFFFF8000  }
0x78: {  	[tilespmem:s2], [sflag:$0x3] =	stream.linear.gather [hbm4b:s0+s2], $0x100, $0x38;
	[tilespmem:$0x10200] =	vst v63  }
0x79: {  	_ =	swait.ge [sflag:s5], $0x100  }
0x7a: {  	[sflag:s5] =	ssyncset.done $0x0  }
0x7b: {  	[sflag:s5] =	ssyncadd.s32 $0xFFFFFF00  }
0x7c: {  	[tilespmem:s13], [sflag:$0x1] =	stream.indirect.gather [hbm4b:s10+s14], $0x80, s2, s14, $0xb8;
	[tilespmem:$0x10200] =	vst v63  }
0x7d: {  	_ =	swait.ge [sflag:s9], $0x8000  }
0x7e: {  	[sflag:s9] =	ssyncset.done $0x0  }
0x7f: {  	s0 =	rddreg [dreg:$0xa];
	[sflag:s9] =	ssyncadd.s32 $0xFFFF8000  }
0x80: {  	[hbm4b:s0+s2] =	stream.linear.scatter [tilespmem:s8], [sflag:$0x3], $0x8000, $0x38;
	[tilespmem:$0x10200] =	vst v63  }
0x81: {  	_ =	swait.ge [sflag:s5], $0x8000  }
0x82: {  	[sflag:s5] =	ssyncset.done $0x0  }
0x83: {  	s0 =	rddreg [dreg:$0xb];
	[sflag:s5] =	ssyncadd.s32 $0xFFFF8000  }
0x84: {  	[tilespmem:s14], [sflag:$0x3] =	stream.linear.gather [hbm4b:s0+s2], $0x100, $0x38;
	[tilespmem:$0x10200] =	vst v63  }
0x85: {  	_ =	swait.ge [sflag:s5], $0x100  }
0x86: {  	[sflag:s5] =	ssyncset.done $0x0  }
0x87: {  	[sflag:s5] =	ssyncadd.s32 $0xFFFFFF00  }
0x88: {  	[tilespmem:s8], [sflag:$0x2] =	stream.indirect.gather [hbm4b:s10+s14], $0x80, s14, s14, $0xb8;
	[tilespmem:$0x10200] =	vst v63  }
0x89: {  	_ =	swait.ge [sflag:s15], $0x8000  }
0x8a: {  	[sflag:s15] =	ssyncset.done $0x0  }
0x8b: {  	s0 =	rddreg [dreg:$0xc];
	[sflag:s15] =	ssyncadd.s32 $0xFFFF8000  }
0x8c: {  	[hbm4b:s0+s2] =	stream.linear.scatter [tilespmem:s13], [sflag:$0x3], $0x8000, $0x38;
	[tilespmem:$0x10200] =	vst v63  }
0x8d: {  	_ =	swait.ge [sflag:s5], $0x8000  }
0x8e: {  	[sflag:s5] =	ssyncset.done $0x0  }
0x8f: {  	s0 =	rddreg [dreg:$0xd];
	[sflag:s5] =	ssyncadd.s32 $0xFFFF8000  }
0x90: {  	[tilespmem:s2], [sflag:$0x3] =	stream.linear.gather [hbm4b:s0+s2], $0x100, $0x38;
	[tilespmem:$0x10200] =	vst v63  }
0x91: {  	_ =	swait.ge [sflag:s5], $0x100  }
0x92: {  	[sflag:s5] =	ssyncset.done $0x0  }
0x93: {  	[sflag:s5] =	ssyncadd.s32 $0xFFFFFF00  }
0x94: {  	[tilespmem:s13], [sflag:$0x1] =	stream.indirect.gather [hbm4b:s10+s14], $0x80, s2, s14, $0xb8;
	[tilespmem:$0x10200] =	vst v63  }
0x95: {  	_ =	swait.ge [sflag:s9], $0x8000  }
0x96: {  	[sflag:s9] =	ssyncset.done $0x0  }
0x97: {  	s0 =	rddreg [dreg:$0xe];
	[sflag:s9] =	ssyncadd.s32 $0xFFFF8000  }
0x98: {  	[hbm4b:s0+s2] =	stream.linear.scatter [tilespmem:s8], [sflag:$0x3], $0x8000, $0x38;
	[tilespmem:$0x10200] =	vst v63  }
0x99: {  	_ =	swait.ge [sflag:s5], $0x8000  }
0x9a: {  	[sflag:s5] =	ssyncset.done $0x0  }
0x9b: {  	s0 =	rddreg [dreg:$0xf];
	[sflag:s5] =	ssyncadd.s32 $0xFFFF8000  }
0x9c: {  	[tilespmem:s14], [sflag:$0x3] =	stream.linear.gather [hbm4b:s0+s2], $0x100, $0x38;
	[tilespmem:$0x10200] =	vst v63  }
0x9d: {  	_ =	swait.ge [sflag:s5], $0x100  }
0x9e: {  	[sflag:s5] =	ssyncset.done $0x0  }
0x9f: {  	[sflag:s5] =	ssyncadd.s32 $0xFFFFFF00  }
0xa0: {  	[tilespmem:s8], [sflag:$0x2] =	stream.indirect.gather [hbm4b:s10+s14], $0x80, s14, s14, $0xb8;
	[tilespmem:$0x10200] =	vst v63  }
0xa1: {  	_ =	swait.ge [sflag:s15], $0x8000  }
0xa2: {  	[sflag:s15] =	ssyncset.done $0x0  }
0xa3: {  	s0 =	rddreg [dreg:$0x10];
	[sflag:s15] =	ssyncadd.s32 $0xFFFF8000  }
0xa4: {  	[hbm4b:s0+s2] =	stream.linear.scatter [tilespmem:s13], [sflag:$0x3], $0x8000, $0x38;
	[tilespmem:$0x10200] =	vst v63  }
0xa5: {  	_ =	swait.ge [sflag:s5], $0x8000  }
0xa6: {  	[sflag:s5] =	ssyncset.done $0x0  }
0xa7: {  	s0 =	rddreg [dreg:$0x11];
	[sflag:s5] =	ssyncadd.s32 $0xFFFF8000  }
0xa8: {  	[tilespmem:s2], [sflag:$0x3] =	stream.linear.gather [hbm4b:s0+s2], $0x100, $0x38;
	[tilespmem:$0x10200] =	vst v63  }
0xa9: {  	_ =	swait.ge [sflag:s5], $0x100  }
0xaa: {  	[sflag:s5] =	ssyncset.done $0x0  }
0xab: {  	[sflag:s5] =	ssyncadd.s32 $0xFFFFFF00  }
0xac: {  	[tilespmem:s13], [sflag:$0x1] =	stream.indirect.gather [hbm4b:s10+s14], $0x80, s2, s14, $0xb8;
	[tilespmem:$0x10200] =	vst v63  }
0xad: {  	_ =	swait.ge [sflag:s9], $0x8000  }
0xae: {  	[sflag:s9] =	ssyncset.done $0x0  }
0xaf: {  	s0 =	rddreg [dreg:$0x12];
	[sflag:s9] =	ssyncadd.s32 $0xFFFF8000  }
0xb0: {  	[hbm4b:s0+s2] =	stream.linear.scatter [tilespmem:s8], [sflag:$0x3], $0x8000, $0x38;
	[tilespmem:$0x10200] =	vst v63  }
0xb1: {  	_ =	swait.ge [sflag:s5], $0x8000  }
0xb2: {  	[sflag:s5] =	ssyncset.done $0x0  }
0xb3: {  	s0 =	rddreg [dreg:$0x13];
	[sflag:s5] =	ssyncadd.s32 $0xFFFF8000  }
0xb4: {  	[tilespmem:s14], [sflag:$0x3] =	stream.linear.gather [hbm4b:s0+s2], $0x100, $0x38;
	[tilespmem:$0x10200] =	vst v63  }
0xb5: {  	_ =	swait.ge [sflag:s5], $0x100  }
0xb6: {  	[sflag:s5] =	ssyncset.done $0x0  }
0xb7: {  	[sflag:s5] =	ssyncadd.s32 $0xFFFFFF00  }
0xb8: {  	[tilespmem:s8], [sflag:$0x2] =	stream.indirect.gather [hbm4b:s10+s14], $0x80, s14, s14, $0xb8;
	[tilespmem:$0x10200] =	vst v63  }
0xb9: {  	_ =	swait.ge [sflag:s15], $0x8000  }
0xba: {  	[sflag:s15] =	ssyncset.done $0x0  }
0xbb: {  	s0 =	rddreg [dreg:$0x14];
	[sflag:s15] =	ssyncadd.s32 $0xFFFF8000  }
0xbc: {  	[hbm4b:s0+s2] =	stream.linear.scatter [tilespmem:s13], [sflag:$0x3], $0x8000, $0x38;
	[tilespmem:$0x10200] =	vst v63  }
0xbd: {  	_ =	swait.ge [sflag:s5], $0x8000  }
0xbe: {  	[sflag:s5] =	ssyncset.done $0x0  }
0xbf: {  	s0 =	rddreg [dreg:$0x15];
	[sflag:s5] =	ssyncadd.s32 $0xFFFF8000  }
0xc0: {  	[tilespmem:s2], [sflag:$0x3] =	stream.linear.gather [hbm4b:s0+s2], $0x100, $0x38;
	[tilespmem:$0x10200] =	vst v63  }
0xc1: {  	_ =	swait.ge [sflag:s5], $0x100  }
0xc2: {  	[sflag:s5] =	ssyncset.done $0x0  }
0xc3: {  	[sflag:s5] =	ssyncadd.s32 $0xFFFFFF00  }
0xc4: {  	[tilespmem:s13], [sflag:$0x1] =	stream.indirect.gather [hbm4b:s10+s14], $0x80, s2, s14, $0xb8;
	[tilespmem:$0x10200] =	vst v63  }
0xc5: {  	_ =	swait.ge [sflag:s9], $0x8000  }
0xc6: {  	[sflag:s9] =	ssyncset.done $0x0  }
0xc7: {  	s0 =	rddreg [dreg:$0x16];
	[sflag:s9] =	ssyncadd.s32 $0xFFFF8000  }
0xc8: {  	[hbm4b:s0+s2] =	stream.linear.scatter [tilespmem:s8], [sflag:$0x3], $0x8000, $0x38;
	[tilespmem:$0x10200] =	vst v63  }
0xc9: {  	_ =	swait.ge [sflag:s5], $0x8000  }
0xca: {  	[sflag:s5] =	ssyncset.done $0x0  }
0xcb: {  	s0 =	rddreg [dreg:$0x17];
	[sflag:s5] =	ssyncadd.s32 $0xFFFF8000  }
0xcc: {  	[tilespmem:s14], [sflag:$0x3] =	stream.linear.gather [hbm4b:s0+s2], $0x100, $0x38;
	[tilespmem:$0x10200] =	vst v63  }
0xcd: {  	_ =	swait.ge [sflag:s5], $0x100  }
0xce: {  	[sflag:s5] =	ssyncset.done $0x0  }
0xcf: {  	[sflag:s5] =	ssyncadd.s32 $0xFFFFFF00  }
0xd0: {  	[tilespmem:s8], [sflag:$0x2] =	stream.indirect.gather [hbm4b:s10+s14], $0x80, s14, s14, $0xb8;
	[tilespmem:$0x10200] =	vst v63  }
0xd1: {  	_ =	swait.ge [sflag:s15], $0x8000  }
0xd2: {  	[sflag:s15] =	ssyncset.done $0x0  }
0xd3: {  	s0 =	rddreg [dreg:$0x18];
	[sflag:s15] =	ssyncadd.s32 $0xFFFF8000  }
0xd4: {  	[hbm4b:s0+s2] =	stream.linear.scatter [tilespmem:s13], [sflag:$0x3], $0x8000, $0x38;
	[tilespmem:$0x10200] =	vst v63  }
0xd5: {  	_ =	swait.ge [sflag:s5], $0x8000  }
0xd6: {  	[sflag:s5] =	ssyncset.done $0x0  }
0xd7: {  	s0 =	rddreg [dreg:$0x19];
	[sflag:s5] =	ssyncadd.s32 $0xFFFF8000  }
0xd8: {  	[tilespmem:s2], [sflag:$0x3] =	stream.linear.gather [hbm4b:s0+s2], $0x100, $0x38;
	[tilespmem:$0x10200] =	vst v63  }
0xd9: {  	_ =	swait.ge [sflag:s5], $0x100  }
0xda: {  	[sflag:s5] =	ssyncset.done $0x0  }
0xdb: {  	[sflag:s5] =	ssyncadd.s32 $0xFFFFFF00  }
0xdc: {  	[tilespmem:s13], [sflag:$0x1] =	stream.indirect.gather [hbm4b:s10+s14], $0x80, s2, s14, $0xb8;
	[tilespmem:$0x10200] =	vst v63  }
0xdd: {  	_ =	swait.ge [sflag:s9], $0x8000  }
0xde: {  	[sflag:s9] =	ssyncset.done $0x0  }
0xdf: {  	s0 =	rddreg [dreg:$0x1a];
	[sflag:s9] =	ssyncadd.s32 $0xFFFF8000  }
0xe0: {  	[hbm4b:s0+s2] =	stream.linear.scatter [tilespmem:s8], [sflag:$0x3], $0x8000, $0x38;
	[tilespmem:$0x10200] =	vst v63  }
0xe1: {  	_ =	swait.ge [sflag:s5], $0x8000  }
0xe2: {  	[sflag:s5] =	ssyncset.done $0x0  }
0xe3: {  	s0 =	rddreg [dreg:$0x1b];
	[sflag:s5] =	ssyncadd.s32 $0xFFFF8000  }
0xe4: {  	[tilespmem:s14], [sflag:$0x3] =	stream.linear.gather [hbm4b:s0+s2], $0x100, $0x38;
	[tilespmem:$0x10200] =	vst v63  }
0xe5: {  	_ =	swait.ge [sflag:s5], $0x100  }
0xe6: {  	[sflag:s5] =	ssyncset.done $0x0  }
0xe7: {  	[sflag:s5] =	ssyncadd.s32 $0xFFFFFF00  }
0xe8: {  	[tilespmem:s8], [sflag:$0x2] =	stream.indirect.gather [hbm4b:s10+s14], $0x80, s14, s14, $0xb8;
	[tilespmem:$0x10200] =	vst v63  }
0xe9: {  	_ =	swait.ge [sflag:s15], $0x8000  }
0xea: {  	[sflag:s15] =	ssyncset.done $0x0  }
0xeb: {  	s0 =	rddreg [dreg:$0x1c];
	[sflag:s15] =	ssyncadd.s32 $0xFFFF8000  }
0xec: {  	[hbm4b:s0+s2] =	stream.linear.scatter [tilespmem:s13], [sflag:$0x3], $0x8000, $0x38;
	[tilespmem:$0x10200] =	vst v63  }
0xed: {  	_ =	swait.ge [sflag:s5], $0x8000  }
0xee: {  	[sflag:s5] =	ssyncset.done $0x0  }
0xef: {  	s0 =	rddreg [dreg:$0x1d];
	[sflag:s5] =	ssyncadd.s32 $0xFFFF8000  }
0xf0: {  	[tilespmem:s2], [sflag:$0x3] =	stream.linear.gather [hbm4b:s0+s2], $0x100, $0x38;
	[tilespmem:$0x10200] =	vst v63  }
0xf1: {  	_ =	swait.ge [sflag:s5], $0x100  }
0xf2: {  	[sflag:s5] =	ssyncset.done $0x0  }
0xf3: {  	[sflag:s5] =	ssyncadd.s32 $0xFFFFFF00  }
0xf4: {  	[tilespmem:s13], [sflag:$0x1] =	stream.indirect.gather [hbm4b:s10+s14], $0x80, s2, s14, $0xb8;
	[tilespmem:$0x10200] =	vst v63  }
0xf5: {  	_ =	swait.ge [sflag:s9], $0x8000  }
0xf6: {  	[sflag:s9] =	ssyncset.done $0x0  }
0xf7: {  	s0 =	rddreg [dreg:$0x1e];
	[sflag:s9] =	ssyncadd.s32 $0xFFFF8000  }
0xf8: {  	[hbm4b:s0+s2] =	stream.linear.scatter [tilespmem:s8], [sflag:$0x3], $0x8000, $0x38;
	[tilespmem:$0x10200] =	vst v63  }
0xf9: {  	_ =	swait.ge [sflag:s5], $0x8000  }
0xfa: {  	[sflag:s5] =	ssyncset.done $0x0  }
0xfb: {  	s0 =	rddreg [dreg:$0x1f];
	[sflag:s5] =	ssyncadd.s32 $0xFFFF8000  }
0xfc: {  	[tilespmem:s14], [sflag:$0x3] =	stream.linear.gather [hbm4b:s0+s2], $0x100, $0x38;
	[tilespmem:$0x10200] =	vst v63  }
0xfd: {  	_ =	swait.ge [sflag:s5], $0x100  }
0xfe: {  	[sflag:s5] =	ssyncset.done $0x0  }
0xff: {  	[sflag:s5] =	ssyncadd.s32 $0xFFFFFF00  }
0x100: {  	[tilespmem:s8], [sflag:$0x2] =	stream.indirect.gather [hbm4b:s10+s14], $0x80, s14, s14, $0xb8;
	[tilespmem:$0x10200] =	vst v63  }
0x101: {  	_ =	swait.ge [sflag:s15], $0x8000  }
0x102: {  	s0 =	sld [smem:$0x7F1]  }
0x103: {  	[sflag:s15] =	ssyncset.done $0x0  }
0x104: {  	[sflag:s15] =	ssyncadd.s32 $0xFFFF8000  }
0x105: {  	[hbm4b:s0+s2] =	stream.linear.scatter [tilespmem:s13], [sflag:$0x3], $0x8000, $0x38;
	[tilespmem:$0x10200] =	vst v63  }
0x106: {  	_ =	swait.ge [sflag:s5], $0x8000  }
0x107: {  	s0 =	sld [smem:$0x7F2]  }
0x108: {  	[sflag:s5] =	ssyncset.done $0x0  }
0x109: {  	[sflag:s5] =	ssyncadd.s32 $0xFFFF8000  }
0x10a: {  	[tilespmem:s2], [sflag:$0x3] =	stream.linear.gather [hbm4b:s0+s2], $0x100, $0x38;
	[tilespmem:$0x10200] =	vst v63  }
0x10b: {  	_ =	swait.ge [sflag:s5], $0x100  }
0x10c: {  	[sflag:s5] =	ssyncset.done $0x0  }
0x10d: {  	[sflag:s5] =	ssyncadd.s32 $0xFFFFFF00  }
0x10e: {  	[tilespmem:s13], [sflag:$0x1] =	stream.indirect.gather [hbm4b:s10+s14], $0x80, s2, s14, $0xb8;
	[tilespmem:$0x10200] =	vst v63  }
0x10f: {  	_ =	swait.ge [sflag:s9], $0x8000  }
0x110: {  	s0 =	sld [smem:$0x7F3]  }
0x111: {  	[sflag:s9] =	ssyncset.done $0x0  }
0x112: {  	[sflag:s9] =	ssyncadd.s32 $0xFFFF8000  }
0x113: {  	[hbm4b:s0+s2] =	stream.linear.scatter [tilespmem:s8], [sflag:$0x3], $0x8000, $0x38;
	[tilespmem:$0x10200] =	vst v63  }
0x114: {  	_ =	swait.ge [sflag:s5], $0x8000  }
0x115: {  	s0 =	sld [smem:$0x7F4]  }
0x116: {  	[sflag:s5] =	ssyncset.done $0x0  }
0x117: {  	[sflag:s5] =	ssyncadd.s32 $0xFFFF8000  }
0x118: {  	[tilespmem:s14], [sflag:$0x3] =	stream.linear.gather [hbm4b:s0+s2], $0x100, $0x38;
	[tilespmem:$0x10200] =	vst v63  }
0x119: {  	_ =	swait.ge [sflag:s5], $0x100  }
0x11a: {  	[sflag:s5] =	ssyncset.done $0x0  }
0x11b: {  	[sflag:s5] =	ssyncadd.s32 $0xFFFFFF00  }
0x11c: {  	[tilespmem:s8], [sflag:$0x2] =	stream.indirect.gather [hbm4b:s10+s14], $0x80, s14, s14, $0xb8;
	[tilespmem:$0x10200] =	vst v63  }
0x11d: {  	_ =	swait.ge [sflag:s15], $0x8000  }
0x11e: {  	s0 =	sld [smem:$0x7F5]  }
0x11f: {  	[sflag:s15] =	ssyncset.done $0x0  }
0x120: {  	[sflag:s15] =	ssyncadd.s32 $0xFFFF8000  }
0x121: {  	[hbm4b:s0+s2] =	stream.linear.scatter [tilespmem:s13], [sflag:$0x3], $0x8000, $0x38;
	[tilespmem:$0x10200] =	vst v63  }
0x122: {  	_ =	swait.ge [sflag:s5], $0x8000  }
0x123: {  	s0 =	sld [smem:$0x7F6]  }
0x124: {  	[sflag:s5] =	ssyncset.done $0x0  }
0x125: {  	[sflag:s5] =	ssyncadd.s32 $0xFFFF8000  }
0x126: {  	[tilespmem:s2], [sflag:$0x3] =	stream.linear.gather [hbm4b:s0+s2], $0x100, $0x38;
	[tilespmem:$0x10200] =	vst v63  }
0x127: {  	_ =	swait.ge [sflag:s5], $0x100  }
0x128: {  	[sflag:s5] =	ssyncset.done $0x0  }
0x129: {  	[sflag:s5] =	ssyncadd.s32 $0xFFFFFF00  }
0x12a: {  	[tilespmem:s13], [sflag:$0x1] =	stream.indirect.gather [hbm4b:s10+s14], $0x80, s2, s14, $0xb8;
	[tilespmem:$0x10200] =	vst v63  }
0x12b: {  	_ =	swait.ge [sflag:s9], $0x8000  }
0x12c: {  	s0 =	sld [smem:$0x7F7]  }
0x12d: {  	[sflag:s9] =	ssyncset.done $0x0  }
0x12e: {  	[sflag:s9] =	ssyncadd.s32 $0xFFFF8000  }
0x12f: {  	[hbm4b:s0+s2] =	stream.linear.scatter [tilespmem:s8], [sflag:$0x3], $0x8000, $0x38;
	[tilespmem:$0x10200] =	vst v63  }
0x130: {  	_ =	swait.ge [sflag:s5], $0x8000  }
0x131: {  	s0 =	sld [smem:$0x7F8]  }
0x132: {  	[sflag:s5] =	ssyncset.done $0x0  }
0x133: {  	[sflag:s5] =	ssyncadd.s32 $0xFFFF8000  }
0x134: {  	[tilespmem:s14], [sflag:$0x3] =	stream.linear.gather [hbm4b:s0+s2], $0x100, $0x38;
	[tilespmem:$0x10200] =	vst v63  }
0x135: {  	_ =	swait.ge [sflag:s5], $0x100  }
0x136: {  	[sflag:s5] =	ssyncset.done $0x0  }
0x137: {  	[sflag:s5] =	ssyncadd.s32 $0xFFFFFF00  }
0x138: {  	[tilespmem:s8], [sflag:$0x2] =	stream.indirect.gather [hbm4b:s10+s14], $0x80, s14, s14, $0xb8;
	[tilespmem:$0x10200] =	vst v63  }
0x139: {  	_ =	swait.ge [sflag:s15], $0x8000  }
0x13a: {  	s0 =	sld [smem:$0x7F9]  }
0x13b: {  	[sflag:s15] =	ssyncset.done $0x0  }
0x13c: {  	[sflag:s15] =	ssyncadd.s32 $0xFFFF8000  }
0x13d: {  	[hbm4b:s0+s2] =	stream.linear.scatter [tilespmem:s13], [sflag:$0x3], $0x8000, $0x38;
	[tilespmem:$0x10200] =	vst v63  }
0x13e: {  	_ =	swait.ge [sflag:s5], $0x8000  }
0x13f: {  	s0 =	sld [smem:$0x7FA]  }
0x140: {  	[sflag:s5] =	ssyncset.done $0x0  }
0x141: {  	[sflag:s5] =	ssyncadd.s32 $0xFFFF8000  }
0x142: {  	[tilespmem:s2], [sflag:$0x3] =	stream.linear.gather [hbm4b:s0+s2], $0x100, $0x38;
	[tilespmem:$0x10200] =	vst v63  }
0x143: {  	_ =	swait.ge [sflag:s5], $0x100  }
0x144: {  	[sflag:s5] =	ssyncset.done $0x0  }
0x145: {  	[sflag:s5] =	ssyncadd.s32 $0xFFFFFF00  }
0x146: {  	[tilespmem:s13], [sflag:$0x1] =	stream.indirect.gather [hbm4b:s10+s14], $0x80, s2, s14, $0xb8;
	[tilespmem:$0x10200] =	vst v63  }
0x147: {  	_ =	swait.ge [sflag:s9], $0x8000  }
0x148: {  	s0 =	sld [smem:$0x7FB]  }
0x149: {  	[sflag:s9] =	ssyncset.done $0x0  }
0x14a: {  	[sflag:s9] =	ssyncadd.s32 $0xFFFF8000  }
0x14b: {  	[hbm4b:s0+s2] =	stream.linear.scatter [tilespmem:s8], [sflag:$0x3], $0x8000, $0x38;
	[tilespmem:$0x10200] =	vst v63  }
0x14c: {  	_ =	swait.ge [sflag:s5], $0x8000  }
0x14d: {  	s0 =	sld [smem:$0x7FC]  }
0x14e: {  	[sflag:s5] =	ssyncset.done $0x0  }
0x14f: {  	[sflag:s5] =	ssyncadd.s32 $0xFFFF8000  }
0x150: {  	[tilespmem:s14], [sflag:$0x3] =	stream.linear.gather [hbm4b:s0+s2], $0x100, $0x38;
	[tilespmem:$0x10200] =	vst v63  }
0x151: {  	_ =	swait.ge [sflag:s5], $0x100  }
0x152: {  	[sflag:s5] =	ssyncset.done $0x0  }
0x153: {  	[sflag:s5] =	ssyncadd.s32 $0xFFFFFF00  }
0x154: {  	[tilespmem:s8], [sflag:$0x2] =	stream.indirect.gather [hbm4b:s10+s14], $0x80, s14, s14, $0xb8;
	[tilespmem:$0x10200] =	vst v63  }
0x155: {  	_ =	swait.ge [sflag:s15], $0x8000  }
0x156: {  	s0 =	sld [smem:$0x7FD]  }
0x157: {  	[sflag:s15] =	ssyncset.done $0x0  }
0x158: {  	[sflag:s15] =	ssyncadd.s32 $0xFFFF8000  }
0x159: {  	[hbm4b:s0+s2] =	stream.linear.scatter [tilespmem:s13], [sflag:$0x3], $0x8000, $0x38;
	[tilespmem:$0x10200] =	vst v63  }
0x15a: {  	_ =	swait.ge [sflag:s5], $0x8000  }
0x15b: {  	[sflag:s5] =	ssyncset.done $0x0  }
0x15c: {  	[sflag:s5] =	ssyncadd.s32 $0xFFFF8000  }
0x15d: {  	[tilespmem:s2], [sflag:$0x3] =	stream.linear.gather [hbm4b:s28+s2], $0x100, $0x38;
	[tilespmem:$0x10200] =	vst v63  }
0x15e: {  	_ =	swait.ge [sflag:s5], $0x100  }
0x15f: {  	[sflag:s5] =	ssyncset.done $0x0  }
0x160: {  	[sflag:s5] =	ssyncadd.s32 $0xFFFFFF00  }
0x161: {  	[tilespmem:s13], [sflag:$0x1] =	stream.indirect.gather [hbm4b:s10+s14], $0x80, s2, s14, $0xb8;
	[tilespmem:$0x10200] =	vst v63  }
0x162: {  	_ =	swait.ge [sflag:s9], $0x8000  }
0x163: {  	[sflag:s9] =	ssyncset.done $0x0  }
0x164: {  	[sflag:s9] =	ssyncadd.s32 $0xFFFF8000  }
0x165: {  	[hbm4b:s31+s2] =	stream.linear.scatter [tilespmem:s8], [sflag:$0x3], $0x8000, $0x38;
	[tilespmem:$0x10200] =	vst v63  }
0x166: {  	_ =	swait.ge [sflag:s5], $0x8000  }
0x167: {  	[sflag:s5] =	ssyncset.done $0x0  }
0x168: {  	[sflag:s5] =	ssyncadd.s32 $0xFFFF8000  }
0x169: {  	[tilespmem:s14], [sflag:$0x3] =	stream.linear.gather [hbm4b:s26+s2], $0x100, $0x38;
	[tilespmem:$0x10200] =	vst v63  }
0x16a: {  	_ =	swait.ge [sflag:s5], $0x100  }
0x16b: {  	[sflag:s5] =	ssyncset.done $0x0  }
0x16c: {  	[sflag:s5] =	ssyncadd.s32 $0xFFFFFF00  }
0x16d: {  	[tilespmem:s8], [sflag:$0x2] =	stream.indirect.gather [hbm4b:s10+s14], $0x80, s14, s14, $0xb8;
	[tilespmem:$0x10200] =	vst v63  }
0x16e: {  	_ =	swait.ge [sflag:s15], $0x8000  }
0x16f: {  	[sflag:s15] =	ssyncset.done $0x0  }
0x170: {  	[sflag:s15] =	ssyncadd.s32 $0xFFFF8000  }
0x171: {  	[hbm4b:s30+s2] =	stream.linear.scatter [tilespmem:s13], [sflag:$0x3], $0x8000, $0x38;
	[tilespmem:$0x10200] =	vst v63  }
0x172: {  	_ =	swait.ge [sflag:s5], $0x8000  }
0x173: {  	[sflag:s5] =	ssyncset.done $0x0  }
0x174: {  	[sflag:s5] =	ssyncadd.s32 $0xFFFF8000  }
0x175: {  	[tilespmem:s2], [sflag:$0x3] =	stream.linear.gather [hbm4b:s24+s2], $0x100, $0x38;
	[tilespmem:$0x10200] =	vst v63  }
0x176: {  	_ =	swait.ge [sflag:s5], $0x100  }
0x177: {  	[sflag:s5] =	ssyncset.done $0x0  }
0x178: {  	[sflag:s5] =	ssyncadd.s32 $0xFFFFFF00  }
0x179: {  	[tilespmem:s13], [sflag:$0x1] =	stream.indirect.gather [hbm4b:s10+s14], $0x80, s2, s14, $0xb8;
	[tilespmem:$0x10200] =	vst v63  }
0x17a: {  	_ =	swait.ge [sflag:s9], $0x8000  }
0x17b: {  	[sflag:s9] =	ssyncset.done $0x0  }
0x17c: {  	[sflag:s9] =	ssyncadd.s32 $0xFFFF8000  }
0x17d: {  	[hbm4b:s29+s2] =	stream.linear.scatter [tilespmem:s8], [sflag:$0x3], $0x8000, $0x38;
	[tilespmem:$0x10200] =	vst v63  }
0x17e: {  	_ =	swait.ge [sflag:s5], $0x8000  }
0x17f: {  	[sflag:s5] =	ssyncset.done $0x0  }
0x180: {  	[sflag:s5] =	ssyncadd.s32 $0xFFFF8000  }
0x181: {  	[tilespmem:s14], [sflag:$0x3] =	stream.linear.gather [hbm4b:s22+s2], $0x100, $0x38;
	[tilespmem:$0x10200] =	vst v63  }
0x182: {  	_ =	swait.ge [sflag:s5], $0x100  }
0x183: {  	[sflag:s5] =	ssyncset.done $0x0  }
0x184: {  	[sflag:s5] =	ssyncadd.s32 $0xFFFFFF00  }
0x185: {  	[tilespmem:s8], [sflag:$0x2] =	stream.indirect.gather [hbm4b:s10+s14], $0x80, s14, s14, $0xb8;
	[tilespmem:$0x10200] =	vst v63  }
0x186: {  	_ =	swait.ge [sflag:s15], $0x8000  }
0x187: {  	[sflag:s15] =	ssyncset.done $0x0  }
0x188: {  	[sflag:s15] =	ssyncadd.s32 $0xFFFF8000  }
0x189: {  	[hbm4b:s25+s2] =	stream.linear.scatter [tilespmem:s13], [sflag:$0x3], $0x8000, $0x38;
	[tilespmem:$0x10200] =	vst v63  }
0x18a: {  	_ =	swait.ge [sflag:s5], $0x8000  }
0x18b: {  	[sflag:s5] =	ssyncset.done $0x0  }
0x18c: {  	[sflag:s5] =	ssyncadd.s32 $0xFFFF8000  }
0x18d: {  	[tilespmem:s2], [sflag:$0x3] =	stream.linear.gather [hbm4b:s20+s2], $0x100, $0x38;
	[tilespmem:$0x10200] =	vst v63  }
0x18e: {  	_ =	swait.ge [sflag:s5], $0x100  }
0x18f: {  	[sflag:s5] =	ssyncset.done $0x0  }
0x190: {  	[sflag:s5] =	ssyncadd.s32 $0xFFFFFF00  }
0x191: {  	[tilespmem:s13], [sflag:$0x1] =	stream.indirect.gather [hbm4b:s10+s14], $0x80, s2, s14, $0xb8;
	[tilespmem:$0x10200] =	vst v63  }
0x192: {  	_ =	swait.ge [sflag:s9], $0x8000  }
0x193: {  	[sflag:s9] =	ssyncset.done $0x0  }
0x194: {  	[sflag:s9] =	ssyncadd.s32 $0xFFFF8000  }
0x195: {  	[hbm4b:s23+s2] =	stream.linear.scatter [tilespmem:s8], [sflag:$0x3], $0x8000, $0x38;
	[tilespmem:$0x10200] =	vst v63  }
0x196: {  	_ =	swait.ge [sflag:s5], $0x8000  }
0x197: {  	[sflag:s5] =	ssyncset.done $0x0  }
0x198: {  	[sflag:s5] =	ssyncadd.s32 $0xFFFF8000  }
0x199: {  	[tilespmem:s14], [sflag:$0x3] =	stream.linear.gather [hbm4b:s18+s2], $0x100, $0x38;
	[tilespmem:$0x10200] =	vst v63  }
0x19a: {  	_ =	swait.ge [sflag:s5], $0x100  }
0x19b: {  	[sflag:s5] =	ssyncset.done $0x0  }
0x19c: {  	[sflag:s5] =	ssyncadd.s32 $0xFFFFFF00  }
0x19d: {  	[tilespmem:s8], [sflag:$0x2] =	stream.indirect.gather [hbm4b:s10+s14], $0x80, s14, s14, $0xb8;
	[tilespmem:$0x10200] =	vst v63  }
0x19e: {  	_ =	swait.ge [sflag:s15], $0x8000  }
0x19f: {  	[sflag:s15] =	ssyncset.done $0x0  }
0x1a0: {  	[sflag:s15] =	ssyncadd.s32 $0xFFFF8000  }
0x1a1: {  	[hbm4b:s21+s2] =	stream.linear.scatter [tilespmem:s13], [sflag:$0x3], $0x8000, $0x38;
	[tilespmem:$0x10200] =	vst v63  }
0x1a2: {  	_ =	swait.ge [sflag:s5], $0x8000  }
0x1a3: {  	[sflag:s5] =	ssyncset.done $0x0  }
0x1a4: {  	[sflag:s5] =	ssyncadd.s32 $0xFFFF8000  }
0x1a5: {  	[tilespmem:s2], [sflag:$0x3] =	stream.linear.gather [hbm4b:s16+s2], $0x100, $0x38;
	[tilespmem:$0x10200] =	vst v63  }
0x1a6: {  	_ =	swait.ge [sflag:s5], $0x100  }
0x1a7: {  	[sflag:s5] =	ssyncset.done $0x0  }
0x1a8: {  	[sflag:s5] =	ssyncadd.s32 $0xFFFFFF00  }
0x1a9: {  	[tilespmem:s13], [sflag:$0x1] =	stream.indirect.gather [hbm4b:s10+s14], $0x80, s2, s14, $0xb8;
	[tilespmem:$0x10200] =	vst v63  }
0x1aa: {  	_ =	swait.ge [sflag:s9], $0x8000  }
0x1ab: {  	[sflag:s9] =	ssyncset.done $0x0  }
0x1ac: {  	[sflag:s9] =	ssyncadd.s32 $0xFFFF8000  }
0x1ad: {  	[hbm4b:s19+s2] =	stream.linear.scatter [tilespmem:s8], [sflag:$0x3], $0x8000, $0x38;
	[tilespmem:$0x10200] =	vst v63  }
0x1ae: {  	_ =	swait.ge [sflag:s5], $0x8000  }
0x1af: {  	[sflag:s5] =	ssyncset.done $0x0  }
0x1b0: {  	[sflag:s5] =	ssyncadd.s32 $0xFFFF8000  }
0x1b1: {  	[tilespmem:s14], [sflag:$0x3] =	stream.linear.gather [hbm4b:s11+s2], $0x100, $0x38;
	[tilespmem:$0x10200] =	vst v63  }
0x1b2: {  	_ =	swait.ge [sflag:s5], $0x100  }
0x1b3: {  	[sflag:s5] =	ssyncset.done $0x0  }
0x1b4: {  	[sflag:s5] =	ssyncadd.s32 $0xFFFFFF00  }
0x1b5: {  	[tilespmem:s8], [sflag:$0x2] =	stream.indirect.gather [hbm4b:s10+s14], $0x80, s14, s14, $0xb8;
	[tilespmem:$0x10200] =	vst v63  }
0x1b6: {  	_ =	swait.ge [sflag:s15], $0x8000  }
0x1b7: {  	[sflag:s15] =	ssyncset.done $0x0  }
0x1b8: {  	[sflag:s15] =	ssyncadd.s32 $0xFFFF8000  }
0x1b9: {  	[hbm4b:s17+s2] =	stream.linear.scatter [tilespmem:s13], [sflag:$0x3], $0x8000, $0x38;
	[tilespmem:$0x10200] =	vst v63  }
0x1ba: {  	_ =	swait.ge [sflag:s5], $0x8000  }
0x1bb: {  	[sflag:s5] =	ssyncset.done $0x0  }
0x1bc: {  	[sflag:s5] =	ssyncadd.s32 $0xFFFF8000  }
0x1bd: {  	[tilespmem:s2], [sflag:$0x3] =	stream.linear.gather [hbm4b:s6+s2], $0x100, $0x38;
	[tilespmem:$0x10200] =	vst v63  }
0x1be: {  	_ =	swait.ge [sflag:s5], $0x100  }
0x1bf: {  	[sflag:s5] =	ssyncset.done $0x0  }
0x1c0: {  	[sflag:s5] =	ssyncadd.s32 $0xFFFFFF00  }
0x1c1: {  	[tilespmem:s13], [sflag:$0x1] =	stream.indirect.gather [hbm4b:s10+s14], $0x80, s2, s14, $0xb8;
	[tilespmem:$0x10200] =	vst v63  }
0x1c2: {  	_ =	swait.ge [sflag:s9], $0x8000  }
0x1c3: {  	[sflag:s9] =	ssyncset.done $0x0  }
0x1c4: {  	[sflag:s9] =	ssyncadd.s32 $0xFFFF8000  }
0x1c5: {  	[hbm4b:s12+s2] =	stream.linear.scatter [tilespmem:s8], [sflag:$0x3], $0x8000, $0x38;
	[tilespmem:$0x10200] =	vst v63  }
0x1c6: {  	_ =	swait.ge [sflag:s5], $0x8000  }
0x1c7: {  	[sflag:s5] =	ssyncset.done $0x0  }
0x1c8: {  	[sflag:s5] =	ssyncadd.s32 $0xFFFF8000  }
0x1c9: {  	[tilespmem:s14], [sflag:$0x3] =	stream.linear.gather [hbm4b:s3+s2], $0x100, $0x38;
	[tilespmem:$0x10200] =	vst v63  }
0x1ca: {  	_ =	swait.ge [sflag:s5], $0x100  }
0x1cb: {  	[sflag:s5] =	ssyncset.done $0x0  }
0x1cc: {  	[sflag:s5] =	ssyncadd.s32 $0xFFFFFF00  }
0x1cd: {  	[tilespmem:s8], [sflag:$0x2] =	stream.indirect.gather [hbm4b:s10+s14], $0x80, s14, s14, $0xb8;
	[tilespmem:$0x10200] =	vst v63  }
0x1ce: {  	_ =	swait.ge [sflag:s15], $0x8000  }
0x1cf: {  	[sflag:s15] =	ssyncset.done $0x0  }
0x1d0: {  	[sflag:s15] =	ssyncadd.s32 $0xFFFF8000  }
0x1d1: {  	[hbm4b:s7+s2] =	stream.linear.scatter [tilespmem:s13], [sflag:$0x3], $0x8000, $0x38;
	[tilespmem:$0x10200] =	vst v63  }
0x1d2: {  	_ =	swait.ge [sflag:s5], $0x8000  }
0x1d3: {  	[sflag:s5] =	ssyncset.done $0x0  }
0x1d4: {  	[sflag:s5] =	ssyncadd.s32 $0xFFFF8000  }
0x1d5: {  	p1 =	sne.s32 s1, $0x1;
	_ =	swait.ge [sflag:s9], $0x8000  }
.Ltmp1:
0x1d6: {  	[sflag:s9] =	ssyncset.done $0x0;
	(pc) =	sbr.rel @!p1 .LBB2_3-.Ltmp1, $4  }
0x1d7: {  	[sflag:s9] =	ssyncadd.s32 $0xFFFF8000  }
0x1d8: {  	[hbm4b:s4+s2] =	stream.linear.scatter [tilespmem:s8], [sflag:$0x3], $0x8000, $0x38;
	[tilespmem:$0x10200] =	vst v63  }
0x1d9: {  	s1 =	sadd.s32 $0xFFFFFFFF, s1;
	_ =	swait.ge [sflag:s5], $0x8000  }
0x1da: {  	p0 =	por $0x1, $0x1;
	s0 =	rddreg [dreg:$0x2];
	[sflag:s5] =	ssyncset.done $0x0  }
.LBB2_2:
0x1db: {  	[sflag:s5] =	ssyncadd.s32 $0xFFFF8000  }
0x1dc: {  	[tilespmem:s2], [sflag:$0x3] =	stream.linear.gather [hbm4b:s0+s2], $0x100, $0x38;
	[tilespmem:$0x10200] =	vst v63  }
0x1dd: {  	_ =	swait.ge [sflag:s5], $0x100  }
0x1de: {  	[sflag:s5] =	ssyncset.done $0x0  }
0x1df: {  	[sflag:s5] =	ssyncadd.s32 $0xFFFFFF00  }
0x1e0: {  	[tilespmem:s13], [sflag:$0x1] =	stream.indirect.gather [hbm4b:s10+s14], $0x80, s2, s14, $0xb8;
	[tilespmem:$0x10200] =	vst v63  }
0x1e1: {  	s0 =	rddreg [dreg:$0x3]  }
0x1e2: {  	[tilespmem:s14], [sflag:$0x3] =	stream.linear.gather [hbm4b:s0+s2], $0x100, $0x38;
	[tilespmem:$0x10200] =	vst v63  }
0x1e3: {  	_ =	swait.ge [sflag:s5], $0x100  }
0x1e4: {  	[sflag:s5] =	ssyncset.done $0x0  }
0x1e5: {  	[sflag:s5] =	ssyncadd.s32 $0xFFFFFF00  }
0x1e6: {  	[tilespmem:s8], [sflag:$0x2] =	stream.indirect.gather [hbm4b:s10+s14], $0x80, s14, s14, $0xb8;
	[tilespmem:$0x10200] =	vst v63  }
0x1e7: {  	_ =	swait.ge [sflag:s15], $0x8000  }
0x1e8: {  	[sflag:s15] =	ssyncset.done $0x0  }
0x1e9: {  	s0 =	rddreg [dreg:$0x4];
	[sflag:s15] =	ssyncadd.s32 $0xFFFF8000  }
0x1ea: {  	[hbm4b:s0+s2] =	stream.linear.scatter [tilespmem:s13], [sflag:$0x3], $0x8000, $0x38;
	[tilespmem:$0x10200] =	vst v63  }
0x1eb: {  	_ =	swait.ge [sflag:s5], $0x8000  }
0x1ec: {  	[sflag:s5] =	ssyncset.done $0x0  }
0x1ed: {  	s0 =	rddreg [dreg:$0x5];
	[sflag:s5] =	ssyncadd.s32 $0xFFFF8000  }
0x1ee: {  	[tilespmem:s2], [sflag:$0x3] =	stream.linear.gather [hbm4b:s0+s2], $0x100, $0x38;
	[tilespmem:$0x10200] =	vst v63  }
0x1ef: {  	_ =	swait.ge [sflag:s5], $0x100  }
0x1f0: {  	[sflag:s5] =	ssyncset.done $0x0  }
0x1f1: {  	[sflag:s5] =	ssyncadd.s32 $0xFFFFFF00  }
0x1f2: {  	[tilespmem:s13], [sflag:$0x1] =	stream.indirect.gather [hbm4b:s10+s14], $0x80, s2, s14, $0xb8;
	[tilespmem:$0x10200] =	vst v63  }
0x1f3: {  	_ =	swait.ge [sflag:s9], $0x8000  }
0x1f4: {  	[sflag:s9] =	ssyncset.done $0x0  }
0x1f5: {  	s0 =	rddreg [dreg:$0x6];
	[sflag:s9] =	ssyncadd.s32 $0xFFFF8000  }
0x1f6: {  	[hbm4b:s0+s2] =	stream.linear.scatter [tilespmem:s8], [sflag:$0x3], $0x8000, $0x38;
	[tilespmem:$0x10200] =	vst v63  }
0x1f7: {  	_ =	swait.ge [sflag:s5], $0x8000  }
0x1f8: {  	[sflag:s5] =	ssyncset.done $0x0  }
0x1f9: {  	s0 =	rddreg [dreg:$0x7];
	[sflag:s5] =	ssyncadd.s32 $0xFFFF8000  }
0x1fa: {  	[tilespmem:s14], [sflag:$0x3] =	stream.linear.gather [hbm4b:s0+s2], $0x100, $0x38;
	[tilespmem:$0x10200] =	vst v63  }
0x1fb: {  	_ =	swait.ge [sflag:s5], $0x100  }
0x1fc: {  	[sflag:s5] =	ssyncset.done $0x0  }
0x1fd: {  	[sflag:s5] =	ssyncadd.s32 $0xFFFFFF00  }
0x1fe: {  	[tilespmem:s8], [sflag:$0x2] =	stream.indirect.gather [hbm4b:s10+s14], $0x80, s14, s14, $0xb8;
	[tilespmem:$0x10200] =	vst v63  }
0x1ff: {  	_ =	swait.ge [sflag:s15], $0x8000  }
0x200: {  	[sflag:s15] =	ssyncset.done $0x0  }
0x201: {  	s0 =	rddreg [dreg:$0x8];
	[sflag:s15] =	ssyncadd.s32 $0xFFFF8000  }
0x202: {  	[hbm4b:s0+s2] =	stream.linear.scatter [tilespmem:s13], [sflag:$0x3], $0x8000, $0x38;
	[tilespmem:$0x10200] =	vst v63  }
0x203: {  	_ =	swait.ge [sflag:s5], $0x8000  }
0x204: {  	[sflag:s5] =	ssyncset.done $0x0  }
0x205: {  	s0 =	rddreg [dreg:$0x9];
	[sflag:s5] =	ssyncadd.s32 $0xFFFF8000  }
0x206: {  	[tilespmem:s2], [sflag:$0x3] =	stream.linear.gather [hbm4b:s0+s2], $0x100, $0x38;
	[tilespmem:$0x10200] =	vst v63  }
0x207: {  	_ =	swait.ge [sflag:s5], $0x100  }
0x208: {  	[sflag:s5] =	ssyncset.done $0x0  }
0x209: {  	[sflag:s5] =	ssyncadd.s32 $0xFFFFFF00  }
0x20a: {  	[tilespmem:s13], [sflag:$0x1] =	stream.indirect.gather [hbm4b:s10+s14], $0x80, s2, s14, $0xb8;
	[tilespmem:$0x10200] =	vst v63  }
0x20b: {  	_ =	swait.ge [sflag:s9], $0x8000  }
0x20c: {  	[sflag:s9] =	ssyncset.done $0x0  }
0x20d: {  	s0 =	rddreg [dreg:$0xa];
	[sflag:s9] =	ssyncadd.s32 $0xFFFF8000  }
0x20e: {  	[hbm4b:s0+s2] =	stream.linear.scatter [tilespmem:s8], [sflag:$0x3], $0x8000, $0x38;
	[tilespmem:$0x10200] =	vst v63  }
0x20f: {  	_ =	swait.ge [sflag:s5], $0x8000  }
0x210: {  	[sflag:s5] =	ssyncset.done $0x0  }
0x211: {  	s0 =	rddreg [dreg:$0xb];
	[sflag:s5] =	ssyncadd.s32 $0xFFFF8000  }
0x212: {  	[tilespmem:s14], [sflag:$0x3] =	stream.linear.gather [hbm4b:s0+s2], $0x100, $0x38;
	[tilespmem:$0x10200] =	vst v63  }
0x213: {  	_ =	swait.ge [sflag:s5], $0x100  }
0x214: {  	[sflag:s5] =	ssyncset.done $0x0  }
0x215: {  	[sflag:s5] =	ssyncadd.s32 $0xFFFFFF00  }
0x216: {  	[tilespmem:s8], [sflag:$0x2] =	stream.indirect.gather [hbm4b:s10+s14], $0x80, s14, s14, $0xb8;
	[tilespmem:$0x10200] =	vst v63  }
0x217: {  	_ =	swait.ge [sflag:s15], $0x8000  }
0x218: {  	[sflag:s15] =	ssyncset.done $0x0  }
0x219: {  	s0 =	rddreg [dreg:$0xc];
	[sflag:s15] =	ssyncadd.s32 $0xFFFF8000  }
0x21a: {  	[hbm4b:s0+s2] =	stream.linear.scatter [tilespmem:s13], [sflag:$0x3], $0x8000, $0x38;
	[tilespmem:$0x10200] =	vst v63  }
0x21b: {  	_ =	swait.ge [sflag:s5], $0x8000  }
0x21c: {  	[sflag:s5] =	ssyncset.done $0x0  }
0x21d: {  	s0 =	rddreg [dreg:$0xd];
	[sflag:s5] =	ssyncadd.s32 $0xFFFF8000  }
0x21e: {  	[tilespmem:s2], [sflag:$0x3] =	stream.linear.gather [hbm4b:s0+s2], $0x100, $0x38;
	[tilespmem:$0x10200] =	vst v63  }
0x21f: {  	_ =	swait.ge [sflag:s5], $0x100  }
0x220: {  	[sflag:s5] =	ssyncset.done $0x0  }
0x221: {  	[sflag:s5] =	ssyncadd.s32 $0xFFFFFF00  }
0x222: {  	[tilespmem:s13], [sflag:$0x1] =	stream.indirect.gather [hbm4b:s10+s14], $0x80, s2, s14, $0xb8;
	[tilespmem:$0x10200] =	vst v63  }
0x223: {  	_ =	swait.ge [sflag:s9], $0x8000  }
0x224: {  	[sflag:s9] =	ssyncset.done $0x0  }
0x225: {  	s0 =	rddreg [dreg:$0xe];
	[sflag:s9] =	ssyncadd.s32 $0xFFFF8000  }
0x226: {  	[hbm4b:s0+s2] =	stream.linear.scatter [tilespmem:s8], [sflag:$0x3], $0x8000, $0x38;
	[tilespmem:$0x10200] =	vst v63  }
0x227: {  	_ =	swait.ge [sflag:s5], $0x8000  }
0x228: {  	[sflag:s5] =	ssyncset.done $0x0  }
0x229: {  	s0 =	rddreg [dreg:$0xf];
	[sflag:s5] =	ssyncadd.s32 $0xFFFF8000  }
0x22a: {  	[tilespmem:s14], [sflag:$0x3] =	stream.linear.gather [hbm4b:s0+s2], $0x100, $0x38;
	[tilespmem:$0x10200] =	vst v63  }
0x22b: {  	_ =	swait.ge [sflag:s5], $0x100  }
0x22c: {  	[sflag:s5] =	ssyncset.done $0x0  }
0x22d: {  	[sflag:s5] =	ssyncadd.s32 $0xFFFFFF00  }
0x22e: {  	[tilespmem:s8], [sflag:$0x2] =	stream.indirect.gather [hbm4b:s10+s14], $0x80, s14, s14, $0xb8;
	[tilespmem:$0x10200] =	vst v63  }
0x22f: {  	_ =	swait.ge [sflag:s15], $0x8000  }
0x230: {  	[sflag:s15] =	ssyncset.done $0x0  }
0x231: {  	s0 =	rddreg [dreg:$0x10];
	[sflag:s15] =	ssyncadd.s32 $0xFFFF8000  }
0x232: {  	[hbm4b:s0+s2] =	stream.linear.scatter [tilespmem:s13], [sflag:$0x3], $0x8000, $0x38;
	[tilespmem:$0x10200] =	vst v63  }
0x233: {  	_ =	swait.ge [sflag:s5], $0x8000  }
0x234: {  	[sflag:s5] =	ssyncset.done $0x0  }
0x235: {  	s0 =	rddreg [dreg:$0x11];
	[sflag:s5] =	ssyncadd.s32 $0xFFFF8000  }
0x236: {  	[tilespmem:s2], [sflag:$0x3] =	stream.linear.gather [hbm4b:s0+s2], $0x100, $0x38;
	[tilespmem:$0x10200] =	vst v63  }
0x237: {  	_ =	swait.ge [sflag:s5], $0x100  }
0x238: {  	[sflag:s5] =	ssyncset.done $0x0  }
0x239: {  	[sflag:s5] =	ssyncadd.s32 $0xFFFFFF00  }
0x23a: {  	[tilespmem:s13], [sflag:$0x1] =	stream.indirect.gather [hbm4b:s10+s14], $0x80, s2, s14, $0xb8;
	[tilespmem:$0x10200] =	vst v63  }
0x23b: {  	_ =	swait.ge [sflag:s9], $0x8000  }
0x23c: {  	[sflag:s9] =	ssyncset.done $0x0  }
0x23d: {  	s0 =	rddreg [dreg:$0x12];
	[sflag:s9] =	ssyncadd.s32 $0xFFFF8000  }
0x23e: {  	[hbm4b:s0+s2] =	stream.linear.scatter [tilespmem:s8], [sflag:$0x3], $0x8000, $0x38;
	[tilespmem:$0x10200] =	vst v63  }
0x23f: {  	_ =	swait.ge [sflag:s5], $0x8000  }
0x240: {  	[sflag:s5] =	ssyncset.done $0x0  }
0x241: {  	s0 =	rddreg [dreg:$0x13];
	[sflag:s5] =	ssyncadd.s32 $0xFFFF8000  }
0x242: {  	[tilespmem:s14], [sflag:$0x3] =	stream.linear.gather [hbm4b:s0+s2], $0x100, $0x38;
	[tilespmem:$0x10200] =	vst v63  }
0x243: {  	_ =	swait.ge [sflag:s5], $0x100  }
0x244: {  	[sflag:s5] =	ssyncset.done $0x0  }
0x245: {  	[sflag:s5] =	ssyncadd.s32 $0xFFFFFF00  }
0x246: {  	[tilespmem:s8], [sflag:$0x2] =	stream.indirect.gather [hbm4b:s10+s14], $0x80, s14, s14, $0xb8;
	[tilespmem:$0x10200] =	vst v63  }
0x247: {  	_ =	swait.ge [sflag:s15], $0x8000  }
0x248: {  	[sflag:s15] =	ssyncset.done $0x0  }
0x249: {  	s0 =	rddreg [dreg:$0x14];
	[sflag:s15] =	ssyncadd.s32 $0xFFFF8000  }
0x24a: {  	[hbm4b:s0+s2] =	stream.linear.scatter [tilespmem:s13], [sflag:$0x3], $0x8000, $0x38;
	[tilespmem:$0x10200] =	vst v63  }
0x24b: {  	_ =	swait.ge [sflag:s5], $0x8000  }
0x24c: {  	[sflag:s5] =	ssyncset.done $0x0  }
0x24d: {  	s0 =	rddreg [dreg:$0x15];
	[sflag:s5] =	ssyncadd.s32 $0xFFFF8000  }
0x24e: {  	[tilespmem:s2], [sflag:$0x3] =	stream.linear.gather [hbm4b:s0+s2], $0x100, $0x38;
	[tilespmem:$0x10200] =	vst v63  }
0x24f: {  	_ =	swait.ge [sflag:s5], $0x100  }
0x250: {  	[sflag:s5] =	ssyncset.done $0x0  }
0x251: {  	[sflag:s5] =	ssyncadd.s32 $0xFFFFFF00  }
0x252: {  	[tilespmem:s13], [sflag:$0x1] =	stream.indirect.gather [hbm4b:s10+s14], $0x80, s2, s14, $0xb8;
	[tilespmem:$0x10200] =	vst v63  }
0x253: {  	_ =	swait.ge [sflag:s9], $0x8000  }
0x254: {  	[sflag:s9] =	ssyncset.done $0x0  }
0x255: {  	s0 =	rddreg [dreg:$0x16];
	[sflag:s9] =	ssyncadd.s32 $0xFFFF8000  }
0x256: {  	[hbm4b:s0+s2] =	stream.linear.scatter [tilespmem:s8], [sflag:$0x3], $0x8000, $0x38;
	[tilespmem:$0x10200] =	vst v63  }
0x257: {  	_ =	swait.ge [sflag:s5], $0x8000  }
0x258: {  	[sflag:s5] =	ssyncset.done $0x0  }
0x259: {  	s0 =	rddreg [dreg:$0x17];
	[sflag:s5] =	ssyncadd.s32 $0xFFFF8000  }
0x25a: {  	[tilespmem:s14], [sflag:$0x3] =	stream.linear.gather [hbm4b:s0+s2], $0x100, $0x38;
	[tilespmem:$0x10200] =	vst v63  }
0x25b: {  	_ =	swait.ge [sflag:s5], $0x100  }
0x25c: {  	[sflag:s5] =	ssyncset.done $0x0  }
0x25d: {  	[sflag:s5] =	ssyncadd.s32 $0xFFFFFF00  }
0x25e: {  	[tilespmem:s8], [sflag:$0x2] =	stream.indirect.gather [hbm4b:s10+s14], $0x80, s14, s14, $0xb8;
	[tilespmem:$0x10200] =	vst v63  }
0x25f: {  	_ =	swait.ge [sflag:s15], $0x8000  }
0x260: {  	[sflag:s15] =	ssyncset.done $0x0  }
0x261: {  	s0 =	rddreg [dreg:$0x18];
	[sflag:s15] =	ssyncadd.s32 $0xFFFF8000  }
0x262: {  	[hbm4b:s0+s2] =	stream.linear.scatter [tilespmem:s13], [sflag:$0x3], $0x8000, $0x38;
	[tilespmem:$0x10200] =	vst v63  }
0x263: {  	_ =	swait.ge [sflag:s5], $0x8000  }
0x264: {  	[sflag:s5] =	ssyncset.done $0x0  }
0x265: {  	s0 =	rddreg [dreg:$0x19];
	[sflag:s5] =	ssyncadd.s32 $0xFFFF8000  }
0x266: {  	[tilespmem:s2], [sflag:$0x3] =	stream.linear.gather [hbm4b:s0+s2], $0x100, $0x38;
	[tilespmem:$0x10200] =	vst v63  }
0x267: {  	_ =	swait.ge [sflag:s5], $0x100  }
0x268: {  	[sflag:s5] =	ssyncset.done $0x0  }
0x269: {  	[sflag:s5] =	ssyncadd.s32 $0xFFFFFF00  }
0x26a: {  	[tilespmem:s13], [sflag:$0x1] =	stream.indirect.gather [hbm4b:s10+s14], $0x80, s2, s14, $0xb8;
	[tilespmem:$0x10200] =	vst v63  }
0x26b: {  	_ =	swait.ge [sflag:s9], $0x8000  }
0x26c: {  	[sflag:s9] =	ssyncset.done $0x0  }
0x26d: {  	s0 =	rddreg [dreg:$0x1a];
	[sflag:s9] =	ssyncadd.s32 $0xFFFF8000  }
0x26e: {  	[hbm4b:s0+s2] =	stream.linear.scatter [tilespmem:s8], [sflag:$0x3], $0x8000, $0x38;
	[tilespmem:$0x10200] =	vst v63  }
0x26f: {  	_ =	swait.ge [sflag:s5], $0x8000  }
0x270: {  	[sflag:s5] =	ssyncset.done $0x0  }
0x271: {  	s0 =	rddreg [dreg:$0x1b];
	[sflag:s5] =	ssyncadd.s32 $0xFFFF8000  }
0x272: {  	[tilespmem:s14], [sflag:$0x3] =	stream.linear.gather [hbm4b:s0+s2], $0x100, $0x38;
	[tilespmem:$0x10200] =	vst v63  }
0x273: {  	_ =	swait.ge [sflag:s5], $0x100  }
0x274: {  	[sflag:s5] =	ssyncset.done $0x0  }
0x275: {  	[sflag:s5] =	ssyncadd.s32 $0xFFFFFF00  }
0x276: {  	[tilespmem:s8], [sflag:$0x2] =	stream.indirect.gather [hbm4b:s10+s14], $0x80, s14, s14, $0xb8;
	[tilespmem:$0x10200] =	vst v63  }
0x277: {  	_ =	swait.ge [sflag:s15], $0x8000  }
0x278: {  	[sflag:s15] =	ssyncset.done $0x0  }
0x279: {  	s0 =	rddreg [dreg:$0x1c];
	[sflag:s15] =	ssyncadd.s32 $0xFFFF8000  }
0x27a: {  	[hbm4b:s0+s2] =	stream.linear.scatter [tilespmem:s13], [sflag:$0x3], $0x8000, $0x38;
	[tilespmem:$0x10200] =	vst v63  }
0x27b: {  	_ =	swait.ge [sflag:s5], $0x8000  }
0x27c: {  	[sflag:s5] =	ssyncset.done $0x0  }
0x27d: {  	s0 =	rddreg [dreg:$0x1d];
	[sflag:s5] =	ssyncadd.s32 $0xFFFF8000  }
0x27e: {  	[tilespmem:s2], [sflag:$0x3] =	stream.linear.gather [hbm4b:s0+s2], $0x100, $0x38;
	[tilespmem:$0x10200] =	vst v63  }
0x27f: {  	_ =	swait.ge [sflag:s5], $0x100  }
0x280: {  	[sflag:s5] =	ssyncset.done $0x0  }
0x281: {  	[sflag:s5] =	ssyncadd.s32 $0xFFFFFF00  }
0x282: {  	[tilespmem:s13], [sflag:$0x1] =	stream.indirect.gather [hbm4b:s10+s14], $0x80, s2, s14, $0xb8;
	[tilespmem:$0x10200] =	vst v63  }
0x283: {  	_ =	swait.ge [sflag:s9], $0x8000  }
0x284: {  	[sflag:s9] =	ssyncset.done $0x0  }
0x285: {  	s0 =	rddreg [dreg:$0x1e];
	[sflag:s9] =	ssyncadd.s32 $0xFFFF8000  }
0x286: {  	[hbm4b:s0+s2] =	stream.linear.scatter [tilespmem:s8], [sflag:$0x3], $0x8000, $0x38;
	[tilespmem:$0x10200] =	vst v63  }
0x287: {  	_ =	swait.ge [sflag:s5], $0x8000  }
0x288: {  	[sflag:s5] =	ssyncset.done $0x0  }
0x289: {  	s0 =	rddreg [dreg:$0x1f];
	[sflag:s5] =	ssyncadd.s32 $0xFFFF8000  }
0x28a: {  	[tilespmem:s14], [sflag:$0x3] =	stream.linear.gather [hbm4b:s0+s2], $0x100, $0x38;
	[tilespmem:$0x10200] =	vst v63  }
0x28b: {  	_ =	swait.ge [sflag:s5], $0x100  }
0x28c: {  	[sflag:s5] =	ssyncset.done $0x0  }
0x28d: {  	[sflag:s5] =	ssyncadd.s32 $0xFFFFFF00  }
0x28e: {  	[tilespmem:s8], [sflag:$0x2] =	stream.indirect.gather [hbm4b:s10+s14], $0x80, s14, s14, $0xb8;
	[tilespmem:$0x10200] =	vst v63  }
0x28f: {  	_ =	swait.ge [sflag:s15], $0x8000  }
0x290: {  	s0 =	sld [smem:$0x7F1]  }
0x291: {  	[sflag:s15] =	ssyncset.done $0x0  }
0x292: {  	[sflag:s15] =	ssyncadd.s32 $0xFFFF8000  }
0x293: {  	[hbm4b:s0+s2] =	stream.linear.scatter [tilespmem:s13], [sflag:$0x3], $0x8000, $0x38;
	[tilespmem:$0x10200] =	vst v63  }
0x294: {  	_ =	swait.ge [sflag:s5], $0x8000  }
0x295: {  	s0 =	sld [smem:$0x7F2]  }
0x296: {  	[sflag:s5] =	ssyncset.done $0x0  }
0x297: {  	[sflag:s5] =	ssyncadd.s32 $0xFFFF8000  }
0x298: {  	[tilespmem:s2], [sflag:$0x3] =	stream.linear.gather [hbm4b:s0+s2], $0x100, $0x38;
	[tilespmem:$0x10200] =	vst v63  }
0x299: {  	_ =	swait.ge [sflag:s5], $0x100  }
0x29a: {  	[sflag:s5] =	ssyncset.done $0x0  }
0x29b: {  	[sflag:s5] =	ssyncadd.s32 $0xFFFFFF00  }
0x29c: {  	[tilespmem:s13], [sflag:$0x1] =	stream.indirect.gather [hbm4b:s10+s14], $0x80, s2, s14, $0xb8;
	[tilespmem:$0x10200] =	vst v63  }
0x29d: {  	_ =	swait.ge [sflag:s9], $0x8000  }
0x29e: {  	s0 =	sld [smem:$0x7F3]  }
0x29f: {  	[sflag:s9] =	ssyncset.done $0x0  }
0x2a0: {  	[sflag:s9] =	ssyncadd.s32 $0xFFFF8000  }
0x2a1: {  	[hbm4b:s0+s2] =	stream.linear.scatter [tilespmem:s8], [sflag:$0x3], $0x8000, $0x38;
	[tilespmem:$0x10200] =	vst v63  }
0x2a2: {  	_ =	swait.ge [sflag:s5], $0x8000  }
0x2a3: {  	s0 =	sld [smem:$0x7F4]  }
0x2a4: {  	[sflag:s5] =	ssyncset.done $0x0  }
0x2a5: {  	[sflag:s5] =	ssyncadd.s32 $0xFFFF8000  }
0x2a6: {  	[tilespmem:s14], [sflag:$0x3] =	stream.linear.gather [hbm4b:s0+s2], $0x100, $0x38;
	[tilespmem:$0x10200] =	vst v63  }
0x2a7: {  	_ =	swait.ge [sflag:s5], $0x100  }
0x2a8: {  	[sflag:s5] =	ssyncset.done $0x0  }
0x2a9: {  	[sflag:s5] =	ssyncadd.s32 $0xFFFFFF00  }
0x2aa: {  	[tilespmem:s8], [sflag:$0x2] =	stream.indirect.gather [hbm4b:s10+s14], $0x80, s14, s14, $0xb8;
	[tilespmem:$0x10200] =	vst v63  }
0x2ab: {  	_ =	swait.ge [sflag:s15], $0x8000  }
0x2ac: {  	s0 =	sld [smem:$0x7F5]  }
0x2ad: {  	[sflag:s15] =	ssyncset.done $0x0  }
0x2ae: {  	[sflag:s15] =	ssyncadd.s32 $0xFFFF8000  }
0x2af: {  	[hbm4b:s0+s2] =	stream.linear.scatter [tilespmem:s13], [sflag:$0x3], $0x8000, $0x38;
	[tilespmem:$0x10200] =	vst v63  }
0x2b0: {  	_ =	swait.ge [sflag:s5], $0x8000  }
0x2b1: {  	s0 =	sld [smem:$0x7F6]  }
0x2b2: {  	[sflag:s5] =	ssyncset.done $0x0  }
0x2b3: {  	[sflag:s5] =	ssyncadd.s32 $0xFFFF8000  }
0x2b4: {  	[tilespmem:s2], [sflag:$0x3] =	stream.linear.gather [hbm4b:s0+s2], $0x100, $0x38;
	[tilespmem:$0x10200] =	vst v63  }
0x2b5: {  	_ =	swait.ge [sflag:s5], $0x100  }
0x2b6: {  	[sflag:s5] =	ssyncset.done $0x0  }
0x2b7: {  	[sflag:s5] =	ssyncadd.s32 $0xFFFFFF00  }
0x2b8: {  	[tilespmem:s13], [sflag:$0x1] =	stream.indirect.gather [hbm4b:s10+s14], $0x80, s2, s14, $0xb8;
	[tilespmem:$0x10200] =	vst v63  }
0x2b9: {  	_ =	swait.ge [sflag:s9], $0x8000  }
0x2ba: {  	s0 =	sld [smem:$0x7F7]  }
0x2bb: {  	[sflag:s9] =	ssyncset.done $0x0  }
0x2bc: {  	[sflag:s9] =	ssyncadd.s32 $0xFFFF8000  }
0x2bd: {  	[hbm4b:s0+s2] =	stream.linear.scatter [tilespmem:s8], [sflag:$0x3], $0x8000, $0x38;
	[tilespmem:$0x10200] =	vst v63  }
0x2be: {  	_ =	swait.ge [sflag:s5], $0x8000  }
0x2bf: {  	s0 =	sld [smem:$0x7F8]  }
0x2c0: {  	[sflag:s5] =	ssyncset.done $0x0  }
0x2c1: {  	[sflag:s5] =	ssyncadd.s32 $0xFFFF8000  }
0x2c2: {  	[tilespmem:s14], [sflag:$0x3] =	stream.linear.gather [hbm4b:s0+s2], $0x100, $0x38;
	[tilespmem:$0x10200] =	vst v63  }
0x2c3: {  	_ =	swait.ge [sflag:s5], $0x100  }
0x2c4: {  	[sflag:s5] =	ssyncset.done $0x0  }
0x2c5: {  	[sflag:s5] =	ssyncadd.s32 $0xFFFFFF00  }
0x2c6: {  	[tilespmem:s8], [sflag:$0x2] =	stream.indirect.gather [hbm4b:s10+s14], $0x80, s14, s14, $0xb8;
	[tilespmem:$0x10200] =	vst v63  }
0x2c7: {  	_ =	swait.ge [sflag:s15], $0x8000  }
0x2c8: {  	s0 =	sld [smem:$0x7F9]  }
0x2c9: {  	[sflag:s15] =	ssyncset.done $0x0  }
0x2ca: {  	[sflag:s15] =	ssyncadd.s32 $0xFFFF8000  }
0x2cb: {  	[hbm4b:s0+s2] =	stream.linear.scatter [tilespmem:s13], [sflag:$0x3], $0x8000, $0x38;
	[tilespmem:$0x10200] =	vst v63  }
0x2cc: {  	_ =	swait.ge [sflag:s5], $0x8000  }
0x2cd: {  	s0 =	sld [smem:$0x7FA]  }
0x2ce: {  	[sflag:s5] =	ssyncset.done $0x0  }
0x2cf: {  	[sflag:s5] =	ssyncadd.s32 $0xFFFF8000  }
0x2d0: {  	[tilespmem:s2], [sflag:$0x3] =	stream.linear.gather [hbm4b:s0+s2], $0x100, $0x38;
	[tilespmem:$0x10200] =	vst v63  }
0x2d1: {  	_ =	swait.ge [sflag:s5], $0x100  }
0x2d2: {  	[sflag:s5] =	ssyncset.done $0x0  }
0x2d3: {  	[sflag:s5] =	ssyncadd.s32 $0xFFFFFF00  }
0x2d4: {  	[tilespmem:s13], [sflag:$0x1] =	stream.indirect.gather [hbm4b:s10+s14], $0x80, s2, s14, $0xb8;
	[tilespmem:$0x10200] =	vst v63  }
0x2d5: {  	_ =	swait.ge [sflag:s9], $0x8000  }
0x2d6: {  	s0 =	sld [smem:$0x7FB]  }
0x2d7: {  	[sflag:s9] =	ssyncset.done $0x0  }
0x2d8: {  	[sflag:s9] =	ssyncadd.s32 $0xFFFF8000  }
0x2d9: {  	[hbm4b:s0+s2] =	stream.linear.scatter [tilespmem:s8], [sflag:$0x3], $0x8000, $0x38;
	[tilespmem:$0x10200] =	vst v63  }
0x2da: {  	_ =	swait.ge [sflag:s5], $0x8000  }
0x2db: {  	s0 =	sld [smem:$0x7FC]  }
0x2dc: {  	[sflag:s5] =	ssyncset.done $0x0  }
0x2dd: {  	[sflag:s5] =	ssyncadd.s32 $0xFFFF8000  }
0x2de: {  	[tilespmem:s14], [sflag:$0x3] =	stream.linear.gather [hbm4b:s0+s2], $0x100, $0x38;
	[tilespmem:$0x10200] =	vst v63  }
0x2df: {  	_ =	swait.ge [sflag:s5], $0x100  }
0x2e0: {  	[sflag:s5] =	ssyncset.done $0x0  }
0x2e1: {  	[sflag:s5] =	ssyncadd.s32 $0xFFFFFF00  }
0x2e2: {  	[tilespmem:s8], [sflag:$0x2] =	stream.indirect.gather [hbm4b:s10+s14], $0x80, s14, s14, $0xb8;
	[tilespmem:$0x10200] =	vst v63  }
0x2e3: {  	_ =	swait.ge [sflag:s15], $0x8000  }
0x2e4: {  	s0 =	sld [smem:$0x7FD]  }
0x2e5: {  	[sflag:s15] =	ssyncset.done $0x0  }
0x2e6: {  	[sflag:s15] =	ssyncadd.s32 $0xFFFF8000  }
0x2e7: {  	[hbm4b:s0+s2] =	stream.linear.scatter [tilespmem:s13], [sflag:$0x3], $0x8000, $0x38;
	[tilespmem:$0x10200] =	vst v63  }
0x2e8: {  	_ =	swait.ge [sflag:s5], $0x8000  }
0x2e9: {  	[sflag:s5] =	ssyncset.done $0x0  }
0x2ea: {  	[sflag:s5] =	ssyncadd.s32 $0xFFFF8000  }
0x2eb: {  	[tilespmem:s2], [sflag:$0x3] =	stream.linear.gather [hbm4b:s28+s2], $0x100, $0x38;
	[tilespmem:$0x10200] =	vst v63  }
0x2ec: {  	_ =	swait.ge [sflag:s5], $0x100  }
0x2ed: {  	[sflag:s5] =	ssyncset.done $0x0  }
0x2ee: {  	[sflag:s5] =	ssyncadd.s32 $0xFFFFFF00  }
0x2ef: {  	[tilespmem:s13], [sflag:$0x1] =	stream.indirect.gather [hbm4b:s10+s14], $0x80, s2, s14, $0xb8;
	[tilespmem:$0x10200] =	vst v63  }
0x2f0: {  	_ =	swait.ge [sflag:s9], $0x8000  }
0x2f1: {  	[sflag:s9] =	ssyncset.done $0x0  }
0x2f2: {  	[sflag:s9] =	ssyncadd.s32 $0xFFFF8000  }
0x2f3: {  	[hbm4b:s31+s2] =	stream.linear.scatter [tilespmem:s8], [sflag:$0x3], $0x8000, $0x38;
	[tilespmem:$0x10200] =	vst v63  }
0x2f4: {  	_ =	swait.ge [sflag:s5], $0x8000  }
0x2f5: {  	[sflag:s5] =	ssyncset.done $0x0  }
0x2f6: {  	[sflag:s5] =	ssyncadd.s32 $0xFFFF8000  }
0x2f7: {  	[tilespmem:s14], [sflag:$0x3] =	stream.linear.gather [hbm4b:s26+s2], $0x100, $0x38;
	[tilespmem:$0x10200] =	vst v63  }
0x2f8: {  	_ =	swait.ge [sflag:s5], $0x100  }
0x2f9: {  	[sflag:s5] =	ssyncset.done $0x0  }
0x2fa: {  	[sflag:s5] =	ssyncadd.s32 $0xFFFFFF00  }
0x2fb: {  	[tilespmem:s8], [sflag:$0x2] =	stream.indirect.gather [hbm4b:s10+s14], $0x80, s14, s14, $0xb8;
	[tilespmem:$0x10200] =	vst v63  }
0x2fc: {  	_ =	swait.ge [sflag:s15], $0x8000  }
0x2fd: {  	[sflag:s15] =	ssyncset.done $0x0  }
0x2fe: {  	[sflag:s15] =	ssyncadd.s32 $0xFFFF8000  }
0x2ff: {  	[hbm4b:s30+s2] =	stream.linear.scatter [tilespmem:s13], [sflag:$0x3], $0x8000, $0x38;
	[tilespmem:$0x10200] =	vst v63  }
0x300: {  	_ =	swait.ge [sflag:s5], $0x8000  }
0x301: {  	[sflag:s5] =	ssyncset.done $0x0  }
0x302: {  	[sflag:s5] =	ssyncadd.s32 $0xFFFF8000  }
0x303: {  	[tilespmem:s2], [sflag:$0x3] =	stream.linear.gather [hbm4b:s24+s2], $0x100, $0x38;
	[tilespmem:$0x10200] =	vst v63  }
0x304: {  	_ =	swait.ge [sflag:s5], $0x100  }
0x305: {  	[sflag:s5] =	ssyncset.done $0x0  }
0x306: {  	[sflag:s5] =	ssyncadd.s32 $0xFFFFFF00  }
0x307: {  	[tilespmem:s13], [sflag:$0x1] =	stream.indirect.gather [hbm4b:s10+s14], $0x80, s2, s14, $0xb8;
	[tilespmem:$0x10200] =	vst v63  }
0x308: {  	_ =	swait.ge [sflag:s9], $0x8000  }
0x309: {  	[sflag:s9] =	ssyncset.done $0x0  }
0x30a: {  	[sflag:s9] =	ssyncadd.s32 $0xFFFF8000  }
0x30b: {  	[hbm4b:s29+s2] =	stream.linear.scatter [tilespmem:s8], [sflag:$0x3], $0x8000, $0x38;
	[tilespmem:$0x10200] =	vst v63  }
0x30c: {  	_ =	swait.ge [sflag:s5], $0x8000  }
0x30d: {  	[sflag:s5] =	ssyncset.done $0x0  }
0x30e: {  	[sflag:s5] =	ssyncadd.s32 $0xFFFF8000  }
0x30f: {  	[tilespmem:s14], [sflag:$0x3] =	stream.linear.gather [hbm4b:s22+s2], $0x100, $0x38;
	[tilespmem:$0x10200] =	vst v63  }
0x310: {  	_ =	swait.ge [sflag:s5], $0x100  }
0x311: {  	[sflag:s5] =	ssyncset.done $0x0  }
0x312: {  	[sflag:s5] =	ssyncadd.s32 $0xFFFFFF00  }
0x313: {  	[tilespmem:s8], [sflag:$0x2] =	stream.indirect.gather [hbm4b:s10+s14], $0x80, s14, s14, $0xb8;
	[tilespmem:$0x10200] =	vst v63  }
0x314: {  	_ =	swait.ge [sflag:s15], $0x8000  }
0x315: {  	[sflag:s15] =	ssyncset.done $0x0  }
0x316: {  	[sflag:s15] =	ssyncadd.s32 $0xFFFF8000  }
0x317: {  	[hbm4b:s25+s2] =	stream.linear.scatter [tilespmem:s13], [sflag:$0x3], $0x8000, $0x38;
	[tilespmem:$0x10200] =	vst v63  }
0x318: {  	_ =	swait.ge [sflag:s5], $0x8000  }
0x319: {  	[sflag:s5] =	ssyncset.done $0x0  }
0x31a: {  	[sflag:s5] =	ssyncadd.s32 $0xFFFF8000  }
0x31b: {  	[tilespmem:s2], [sflag:$0x3] =	stream.linear.gather [hbm4b:s20+s2], $0x100, $0x38;
	[tilespmem:$0x10200] =	vst v63  }
0x31c: {  	_ =	swait.ge [sflag:s5], $0x100  }
0x31d: {  	[sflag:s5] =	ssyncset.done $0x0  }
0x31e: {  	[sflag:s5] =	ssyncadd.s32 $0xFFFFFF00  }
0x31f: {  	[tilespmem:s13], [sflag:$0x1] =	stream.indirect.gather [hbm4b:s10+s14], $0x80, s2, s14, $0xb8;
	[tilespmem:$0x10200] =	vst v63  }
0x320: {  	_ =	swait.ge [sflag:s9], $0x8000  }
0x321: {  	[sflag:s9] =	ssyncset.done $0x0  }
0x322: {  	[sflag:s9] =	ssyncadd.s32 $0xFFFF8000  }
0x323: {  	[hbm4b:s23+s2] =	stream.linear.scatter [tilespmem:s8], [sflag:$0x3], $0x8000, $0x38;
	[tilespmem:$0x10200] =	vst v63  }
0x324: {  	_ =	swait.ge [sflag:s5], $0x8000  }
0x325: {  	[sflag:s5] =	ssyncset.done $0x0  }
0x326: {  	[sflag:s5] =	ssyncadd.s32 $0xFFFF8000  }
0x327: {  	[tilespmem:s14], [sflag:$0x3] =	stream.linear.gather [hbm4b:s18+s2], $0x100, $0x38;
	[tilespmem:$0x10200] =	vst v63  }
0x328: {  	_ =	swait.ge [sflag:s5], $0x100  }
0x329: {  	[sflag:s5] =	ssyncset.done $0x0  }
0x32a: {  	[sflag:s5] =	ssyncadd.s32 $0xFFFFFF00  }
0x32b: {  	[tilespmem:s8], [sflag:$0x2] =	stream.indirect.gather [hbm4b:s10+s14], $0x80, s14, s14, $0xb8;
	[tilespmem:$0x10200] =	vst v63  }
0x32c: {  	_ =	swait.ge [sflag:s15], $0x8000  }
0x32d: {  	[sflag:s15] =	ssyncset.done $0x0  }
0x32e: {  	[sflag:s15] =	ssyncadd.s32 $0xFFFF8000  }
0x32f: {  	[hbm4b:s21+s2] =	stream.linear.scatter [tilespmem:s13], [sflag:$0x3], $0x8000, $0x38;
	[tilespmem:$0x10200] =	vst v63  }
0x330: {  	_ =	swait.ge [sflag:s5], $0x8000  }
0x331: {  	[sflag:s5] =	ssyncset.done $0x0  }
0x332: {  	[sflag:s5] =	ssyncadd.s32 $0xFFFF8000  }
0x333: {  	[tilespmem:s2], [sflag:$0x3] =	stream.linear.gather [hbm4b:s16+s2], $0x100, $0x38;
	[tilespmem:$0x10200] =	vst v63  }
0x334: {  	_ =	swait.ge [sflag:s5], $0x100  }
0x335: {  	[sflag:s5] =	ssyncset.done $0x0  }
0x336: {  	[sflag:s5] =	ssyncadd.s32 $0xFFFFFF00  }
0x337: {  	[tilespmem:s13], [sflag:$0x1] =	stream.indirect.gather [hbm4b:s10+s14], $0x80, s2, s14, $0xb8;
	[tilespmem:$0x10200] =	vst v63  }
0x338: {  	_ =	swait.ge [sflag:s9], $0x8000  }
0x339: {  	[sflag:s9] =	ssyncset.done $0x0  }
0x33a: {  	[sflag:s9] =	ssyncadd.s32 $0xFFFF8000  }
0x33b: {  	[hbm4b:s19+s2] =	stream.linear.scatter [tilespmem:s8], [sflag:$0x3], $0x8000, $0x38;
	[tilespmem:$0x10200] =	vst v63  }
0x33c: {  	_ =	swait.ge [sflag:s5], $0x8000  }
0x33d: {  	[sflag:s5] =	ssyncset.done $0x0  }
0x33e: {  	[sflag:s5] =	ssyncadd.s32 $0xFFFF8000  }
0x33f: {  	[tilespmem:s14], [sflag:$0x3] =	stream.linear.gather [hbm4b:s11+s2], $0x100, $0x38;
	[tilespmem:$0x10200] =	vst v63  }
0x340: {  	_ =	swait.ge [sflag:s5], $0x100  }
0x341: {  	[sflag:s5] =	ssyncset.done $0x0  }
0x342: {  	[sflag:s5] =	ssyncadd.s32 $0xFFFFFF00  }
0x343: {  	[tilespmem:s8], [sflag:$0x2] =	stream.indirect.gather [hbm4b:s10+s14], $0x80, s14, s14, $0xb8;
	[tilespmem:$0x10200] =	vst v63  }
0x344: {  	_ =	swait.ge [sflag:s15], $0x8000  }
0x345: {  	[sflag:s15] =	ssyncset.done $0x0  }
0x346: {  	[sflag:s15] =	ssyncadd.s32 $0xFFFF8000  }
0x347: {  	[hbm4b:s17+s2] =	stream.linear.scatter [tilespmem:s13], [sflag:$0x3], $0x8000, $0x38;
	[tilespmem:$0x10200] =	vst v63  }
0x348: {  	_ =	swait.ge [sflag:s5], $0x8000  }
0x349: {  	[sflag:s5] =	ssyncset.done $0x0  }
0x34a: {  	[sflag:s5] =	ssyncadd.s32 $0xFFFF8000  }
0x34b: {  	[tilespmem:s2], [sflag:$0x3] =	stream.linear.gather [hbm4b:s6+s2], $0x100, $0x38;
	[tilespmem:$0x10200] =	vst v63  }
0x34c: {  	_ =	swait.ge [sflag:s5], $0x100  }
0x34d: {  	[sflag:s5] =	ssyncset.done $0x0  }
0x34e: {  	[sflag:s5] =	ssyncadd.s32 $0xFFFFFF00  }
0x34f: {  	[tilespmem:s13], [sflag:$0x1] =	stream.indirect.gather [hbm4b:s10+s14], $0x80, s2, s14, $0xb8;
	[tilespmem:$0x10200] =	vst v63  }
0x350: {  	_ =	swait.ge [sflag:s9], $0x8000  }
0x351: {  	[sflag:s9] =	ssyncset.done $0x0  }
0x352: {  	[sflag:s9] =	ssyncadd.s32 $0xFFFF8000  }
0x353: {  	[hbm4b:s12+s2] =	stream.linear.scatter [tilespmem:s8], [sflag:$0x3], $0x8000, $0x38;
	[tilespmem:$0x10200] =	vst v63  }
0x354: {  	_ =	swait.ge [sflag:s5], $0x8000  }
0x355: {  	[sflag:s5] =	ssyncset.done $0x0  }
0x356: {  	[sflag:s5] =	ssyncadd.s32 $0xFFFF8000  }
0x357: {  	[tilespmem:s14], [sflag:$0x3] =	stream.linear.gather [hbm4b:s3+s2], $0x100, $0x38;
	[tilespmem:$0x10200] =	vst v63  }
0x358: {  	_ =	swait.ge [sflag:s5], $0x100  }
0x359: {  	[sflag:s5] =	ssyncset.done $0x0  }
0x35a: {  	[sflag:s5] =	ssyncadd.s32 $0xFFFFFF00  }
0x35b: {  	[tilespmem:s8], [sflag:$0x2] =	stream.indirect.gather [hbm4b:s10+s14], $0x80, s14, s14, $0xb8;
	[tilespmem:$0x10200] =	vst v63  }
0x35c: {  	_ =	swait.ge [sflag:s15], $0x8000  }
0x35d: {  	[sflag:s15] =	ssyncset.done $0x0  }
0x35e: {  	[sflag:s15] =	ssyncadd.s32 $0xFFFF8000  }
0x35f: {  	[hbm4b:s7+s2] =	stream.linear.scatter [tilespmem:s13], [sflag:$0x3], $0x8000, $0x38;
	[tilespmem:$0x10200] =	vst v63  }
0x360: {  	_ =	swait.ge [sflag:s5], $0x8000  }
0x361: {  	[sflag:s5] =	ssyncset.done $0x0  }
0x362: {  	[sflag:s5] =	ssyncadd.s32 $0xFFFF8000  }
0x363: {  	p1 =	sne.s32 s1, $0x1;
	_ =	swait.ge [sflag:s9], $0x8000  }
.Ltmp2:
0x364: {  	[sflag:s9] =	ssyncset.done $0x0;
	(pc) =	sbr.rel @p1 .LBB2_2-.Ltmp2, $4  }
0x365: {  	[sflag:s9] =	ssyncadd.s32 $0xFFFF8000  }
0x366: {  	[hbm4b:s4+s2] =	stream.linear.scatter [tilespmem:s8], [sflag:$0x3], $0x8000, $0x38;
	[tilespmem:$0x10200] =	vst v63  }
0x367: {  	_ =	swait.ge [sflag:s5], $0x8000  }
0x368: {  	s1 =	sadd.s32 $0xFFFFFFFF, s1;
	s0 =	rddreg [dreg:$0x2];
	[sflag:s5] =	ssyncset.done $0x0  }
.LBB2_3:
0x369: {  	[sflag:s5] =	ssyncadd.s32 @p0 $0xFFFF8000  }
0x36a: {  	[tilespmem:s2], [sflag:$0x3] =	stream.linear.gather [hbm4b:s0+s2], $0x100, $0x38;
	[tilespmem:$0x10200] =	vst v63  }
0x36b: {  	_ =	swait.ge [sflag:s5], $0x100  }
0x36c: {  	[sflag:s5] =	ssyncset.done $0x0  }
0x36d: {  	[sflag:s5] =	ssyncadd.s32 $0xFFFFFF00  }
0x36e: {  	[tilespmem:s13], [sflag:$0x1] =	stream.indirect.gather [hbm4b:s10+s14], $0x80, s2, s14, $0xb8;
	[tilespmem:$0x10200] =	vst v63  }
0x36f: {  	s1 =	rddreg [dreg:$0x3]  }
0x370: {  	[tilespmem:s14], [sflag:$0x3] =	stream.linear.gather [hbm4b:s1+s2], $0x100, $0x38;
	[tilespmem:$0x10200] =	vst v63  }
0x371: {  	_ =	swait.ge [sflag:s5], $0x100  }
0x372: {  	[sflag:s5] =	ssyncset.done $0x0  }
0x373: {  	[sflag:s5] =	ssyncadd.s32 $0xFFFFFF00  }
0x374: {  	[tilespmem:s8], [sflag:$0x2] =	stream.indirect.gather [hbm4b:s10+s14], $0x80, s14, s14, $0xb8;
	[tilespmem:$0x10200] =	vst v63  }
0x375: {  	_ =	swait.ge [sflag:s15], $0x8000  }
0x376: {  	[sflag:s15] =	ssyncset.done $0x0  }
0x377: {  	s1 =	rddreg [dreg:$0x4];
	[sflag:s15] =	ssyncadd.s32 $0xFFFF8000  }
0x378: {  	[hbm4b:s1+s2] =	stream.linear.scatter [tilespmem:s13], [sflag:$0x3], $0x8000, $0x38;
	[tilespmem:$0x10200] =	vst v63  }
0x379: {  	_ =	swait.ge [sflag:s5], $0x8000  }
0x37a: {  	[sflag:s5] =	ssyncset.done $0x0  }
0x37b: {  	s1 =	rddreg [dreg:$0x5];
	[sflag:s5] =	ssyncadd.s32 $0xFFFF8000  }
0x37c: {  	[tilespmem:s2], [sflag:$0x3] =	stream.linear.gather [hbm4b:s1+s2], $0x100, $0x38;
	[tilespmem:$0x10200] =	vst v63  }
0x37d: {  	_ =	swait.ge [sflag:s5], $0x100  }
0x37e: {  	[sflag:s5] =	ssyncset.done $0x0  }
0x37f: {  	[sflag:s5] =	ssyncadd.s32 $0xFFFFFF00  }
0x380: {  	[tilespmem:s13], [sflag:$0x1] =	stream.indirect.gather [hbm4b:s10+s14], $0x80, s2, s14, $0xb8;
	[tilespmem:$0x10200] =	vst v63  }
0x381: {  	_ =	swait.ge [sflag:s9], $0x8000  }
0x382: {  	[sflag:s9] =	ssyncset.done $0x0  }
0x383: {  	s1 =	rddreg [dreg:$0x6];
	[sflag:s9] =	ssyncadd.s32 $0xFFFF8000  }
0x384: {  	[hbm4b:s1+s2] =	stream.linear.scatter [tilespmem:s8], [sflag:$0x3], $0x8000, $0x38;
	[tilespmem:$0x10200] =	vst v63  }
0x385: {  	_ =	swait.ge [sflag:s5], $0x8000  }
0x386: {  	[sflag:s5] =	ssyncset.done $0x0  }
0x387: {  	s1 =	rddreg [dreg:$0x7];
	[sflag:s5] =	ssyncadd.s32 $0xFFFF8000  }
0x388: {  	[tilespmem:s14], [sflag:$0x3] =	stream.linear.gather [hbm4b:s1+s2], $0x100, $0x38;
	[tilespmem:$0x10200] =	vst v63  }
0x389: {  	_ =	swait.ge [sflag:s5], $0x100  }
0x38a: {  	[sflag:s5] =	ssyncset.done $0x0  }
0x38b: {  	[sflag:s5] =	ssyncadd.s32 $0xFFFFFF00  }
0x38c: {  	[tilespmem:s8], [sflag:$0x2] =	stream.indirect.gather [hbm4b:s10+s14], $0x80, s14, s14, $0xb8;
	[tilespmem:$0x10200] =	vst v63  }
0x38d: {  	_ =	swait.ge [sflag:s15], $0x8000  }
0x38e: {  	[sflag:s15] =	ssyncset.done $0x0  }
0x38f: {  	s1 =	rddreg [dreg:$0x8];
	[sflag:s15] =	ssyncadd.s32 $0xFFFF8000  }
0x390: {  	[hbm4b:s1+s2] =	stream.linear.scatter [tilespmem:s13], [sflag:$0x3], $0x8000, $0x38;
	[tilespmem:$0x10200] =	vst v63  }
0x391: {  	_ =	swait.ge [sflag:s5], $0x8000  }
0x392: {  	[sflag:s5] =	ssyncset.done $0x0  }
0x393: {  	s1 =	rddreg [dreg:$0x9];
	[sflag:s5] =	ssyncadd.s32 $0xFFFF8000  }
0x394: {  	[tilespmem:s2], [sflag:$0x3] =	stream.linear.gather [hbm4b:s1+s2], $0x100, $0x38;
	[tilespmem:$0x10200] =	vst v63  }
0x395: {  	_ =	swait.ge [sflag:s5], $0x100  }
0x396: {  	[sflag:s5] =	ssyncset.done $0x0  }
0x397: {  	[sflag:s5] =	ssyncadd.s32 $0xFFFFFF00  }
0x398: {  	[tilespmem:s13], [sflag:$0x1] =	stream.indirect.gather [hbm4b:s10+s14], $0x80, s2, s14, $0xb8;
	[tilespmem:$0x10200] =	vst v63  }
0x399: {  	_ =	swait.ge [sflag:s9], $0x8000  }
0x39a: {  	[sflag:s9] =	ssyncset.done $0x0  }
0x39b: {  	s1 =	rddreg [dreg:$0xa];
	[sflag:s9] =	ssyncadd.s32 $0xFFFF8000  }
0x39c: {  	[hbm4b:s1+s2] =	stream.linear.scatter [tilespmem:s8], [sflag:$0x3], $0x8000, $0x38;
	[tilespmem:$0x10200] =	vst v63  }
0x39d: {  	_ =	swait.ge [sflag:s5], $0x8000  }
0x39e: {  	[sflag:s5] =	ssyncset.done $0x0  }
0x39f: {  	s1 =	rddreg [dreg:$0xb];
	[sflag:s5] =	ssyncadd.s32 $0xFFFF8000  }
0x3a0: {  	[tilespmem:s14], [sflag:$0x3] =	stream.linear.gather [hbm4b:s1+s2], $0x100, $0x38;
	[tilespmem:$0x10200] =	vst v63  }
0x3a1: {  	_ =	swait.ge [sflag:s5], $0x100  }
0x3a2: {  	[sflag:s5] =	ssyncset.done $0x0  }
0x3a3: {  	[sflag:s5] =	ssyncadd.s32 $0xFFFFFF00  }
0x3a4: {  	[tilespmem:s8], [sflag:$0x2] =	stream.indirect.gather [hbm4b:s10+s14], $0x80, s14, s14, $0xb8;
	[tilespmem:$0x10200] =	vst v63  }
0x3a5: {  	_ =	swait.ge [sflag:s15], $0x8000  }
0x3a6: {  	[sflag:s15] =	ssyncset.done $0x0  }
0x3a7: {  	s1 =	rddreg [dreg:$0xc];
	[sflag:s15] =	ssyncadd.s32 $0xFFFF8000  }
0x3a8: {  	[hbm4b:s1+s2] =	stream.linear.scatter [tilespmem:s13], [sflag:$0x3], $0x8000, $0x38;
	[tilespmem:$0x10200] =	vst v63  }
0x3a9: {  	_ =	swait.ge [sflag:s5], $0x8000  }
0x3aa: {  	[sflag:s5] =	ssyncset.done $0x0  }
0x3ab: {  	s1 =	rddreg [dreg:$0xd];
	[sflag:s5] =	ssyncadd.s32 $0xFFFF8000  }
0x3ac: {  	[tilespmem:s2], [sflag:$0x3] =	stream.linear.gather [hbm4b:s1+s2], $0x100, $0x38;
	[tilespmem:$0x10200] =	vst v63  }
0x3ad: {  	_ =	swait.ge [sflag:s5], $0x100  }
0x3ae: {  	[sflag:s5] =	ssyncset.done $0x0  }
0x3af: {  	[sflag:s5] =	ssyncadd.s32 $0xFFFFFF00  }
0x3b0: {  	[tilespmem:s13], [sflag:$0x1] =	stream.indirect.gather [hbm4b:s10+s14], $0x80, s2, s14, $0xb8;
	[tilespmem:$0x10200] =	vst v63  }
0x3b1: {  	_ =	swait.ge [sflag:s9], $0x8000  }
0x3b2: {  	[sflag:s9] =	ssyncset.done $0x0  }
0x3b3: {  	s1 =	rddreg [dreg:$0xe];
	[sflag:s9] =	ssyncadd.s32 $0xFFFF8000  }
0x3b4: {  	[hbm4b:s1+s2] =	stream.linear.scatter [tilespmem:s8], [sflag:$0x3], $0x8000, $0x38;
	[tilespmem:$0x10200] =	vst v63  }
0x3b5: {  	_ =	swait.ge [sflag:s5], $0x8000  }
0x3b6: {  	[sflag:s5] =	ssyncset.done $0x0  }
0x3b7: {  	s1 =	rddreg [dreg:$0xf];
	[sflag:s5] =	ssyncadd.s32 $0xFFFF8000  }
0x3b8: {  	[tilespmem:s14], [sflag:$0x3] =	stream.linear.gather [hbm4b:s1+s2], $0x100, $0x38;
	[tilespmem:$0x10200] =	vst v63  }
0x3b9: {  	_ =	swait.ge [sflag:s5], $0x100  }
0x3ba: {  	[sflag:s5] =	ssyncset.done $0x0  }
0x3bb: {  	[sflag:s5] =	ssyncadd.s32 $0xFFFFFF00  }
0x3bc: {  	[tilespmem:s8], [sflag:$0x2] =	stream.indirect.gather [hbm4b:s10+s14], $0x80, s14, s14, $0xb8;
	[tilespmem:$0x10200] =	vst v63  }
0x3bd: {  	_ =	swait.ge [sflag:s15], $0x8000  }
0x3be: {  	[sflag:s15] =	ssyncset.done $0x0  }
0x3bf: {  	s1 =	rddreg [dreg:$0x10];
	[sflag:s15] =	ssyncadd.s32 $0xFFFF8000  }
0x3c0: {  	[hbm4b:s1+s2] =	stream.linear.scatter [tilespmem:s13], [sflag:$0x3], $0x8000, $0x38;
	[tilespmem:$0x10200] =	vst v63  }
0x3c1: {  	_ =	swait.ge [sflag:s5], $0x8000  }
0x3c2: {  	[sflag:s5] =	ssyncset.done $0x0  }
0x3c3: {  	s1 =	rddreg [dreg:$0x11];
	[sflag:s5] =	ssyncadd.s32 $0xFFFF8000  }
0x3c4: {  	[tilespmem:s2], [sflag:$0x3] =	stream.linear.gather [hbm4b:s1+s2], $0x100, $0x38;
	[tilespmem:$0x10200] =	vst v63  }
0x3c5: {  	_ =	swait.ge [sflag:s5], $0x100  }
0x3c6: {  	[sflag:s5] =	ssyncset.done $0x0  }
0x3c7: {  	[sflag:s5] =	ssyncadd.s32 $0xFFFFFF00  }
0x3c8: {  	[tilespmem:s13], [sflag:$0x1] =	stream.indirect.gather [hbm4b:s10+s14], $0x80, s2, s14, $0xb8;
	[tilespmem:$0x10200] =	vst v63  }
0x3c9: {  	_ =	swait.ge [sflag:s9], $0x8000  }
0x3ca: {  	[sflag:s9] =	ssyncset.done $0x0  }
0x3cb: {  	s1 =	rddreg [dreg:$0x12];
	[sflag:s9] =	ssyncadd.s32 $0xFFFF8000  }
0x3cc: {  	[hbm4b:s1+s2] =	stream.linear.scatter [tilespmem:s8], [sflag:$0x3], $0x8000, $0x38;
	[tilespmem:$0x10200] =	vst v63  }
0x3cd: {  	_ =	swait.ge [sflag:s5], $0x8000  }
0x3ce: {  	[sflag:s5] =	ssyncset.done $0x0  }
0x3cf: {  	s1 =	rddreg [dreg:$0x13];
	[sflag:s5] =	ssyncadd.s32 $0xFFFF8000  }
0x3d0: {  	[tilespmem:s14], [sflag:$0x3] =	stream.linear.gather [hbm4b:s1+s2], $0x100, $0x38;
	[tilespmem:$0x10200] =	vst v63  }
0x3d1: {  	_ =	swait.ge [sflag:s5], $0x100  }
0x3d2: {  	[sflag:s5] =	ssyncset.done $0x0  }
0x3d3: {  	[sflag:s5] =	ssyncadd.s32 $0xFFFFFF00  }
0x3d4: {  	[tilespmem:s8], [sflag:$0x2] =	stream.indirect.gather [hbm4b:s10+s14], $0x80, s14, s14, $0xb8;
	[tilespmem:$0x10200] =	vst v63  }
0x3d5: {  	_ =	swait.ge [sflag:s15], $0x8000  }
0x3d6: {  	[sflag:s15] =	ssyncset.done $0x0  }
0x3d7: {  	s1 =	rddreg [dreg:$0x14];
	[sflag:s15] =	ssyncadd.s32 $0xFFFF8000  }
0x3d8: {  	[hbm4b:s1+s2] =	stream.linear.scatter [tilespmem:s13], [sflag:$0x3], $0x8000, $0x38;
	[tilespmem:$0x10200] =	vst v63  }
0x3d9: {  	_ =	swait.ge [sflag:s5], $0x8000  }
0x3da: {  	[sflag:s5] =	ssyncset.done $0x0  }
0x3db: {  	s1 =	rddreg [dreg:$0x15];
	[sflag:s5] =	ssyncadd.s32 $0xFFFF8000  }
0x3dc: {  	[tilespmem:s2], [sflag:$0x3] =	stream.linear.gather [hbm4b:s1+s2], $0x100, $0x38;
	[tilespmem:$0x10200] =	vst v63  }
0x3dd: {  	_ =	swait.ge [sflag:s5], $0x100  }
0x3de: {  	[sflag:s5] =	ssyncset.done $0x0  }
0x3df: {  	[sflag:s5] =	ssyncadd.s32 $0xFFFFFF00  }
0x3e0: {  	[tilespmem:s13], [sflag:$0x1] =	stream.indirect.gather [hbm4b:s10+s14], $0x80, s2, s14, $0xb8;
	[tilespmem:$0x10200] =	vst v63  }
0x3e1: {  	_ =	swait.ge [sflag:s9], $0x8000  }
0x3e2: {  	[sflag:s9] =	ssyncset.done $0x0  }
0x3e3: {  	s1 =	rddreg [dreg:$0x16];
	[sflag:s9] =	ssyncadd.s32 $0xFFFF8000  }
0x3e4: {  	[hbm4b:s1+s2] =	stream.linear.scatter [tilespmem:s8], [sflag:$0x3], $0x8000, $0x38;
	[tilespmem:$0x10200] =	vst v63  }
0x3e5: {  	_ =	swait.ge [sflag:s5], $0x8000  }
0x3e6: {  	[sflag:s5] =	ssyncset.done $0x0  }
0x3e7: {  	s1 =	rddreg [dreg:$0x17];
	[sflag:s5] =	ssyncadd.s32 $0xFFFF8000  }
0x3e8: {  	[tilespmem:s14], [sflag:$0x3] =	stream.linear.gather [hbm4b:s1+s2], $0x100, $0x38;
	[tilespmem:$0x10200] =	vst v63  }
0x3e9: {  	_ =	swait.ge [sflag:s5], $0x100  }
0x3ea: {  	[sflag:s5] =	ssyncset.done $0x0  }
0x3eb: {  	[sflag:s5] =	ssyncadd.s32 $0xFFFFFF00  }
0x3ec: {  	[tilespmem:s8], [sflag:$0x2] =	stream.indirect.gather [hbm4b:s10+s14], $0x80, s14, s14, $0xb8;
	[tilespmem:$0x10200] =	vst v63  }
0x3ed: {  	_ =	swait.ge [sflag:s15], $0x8000  }
0x3ee: {  	[sflag:s15] =	ssyncset.done $0x0  }
0x3ef: {  	s1 =	rddreg [dreg:$0x18];
	[sflag:s15] =	ssyncadd.s32 $0xFFFF8000  }
0x3f0: {  	[hbm4b:s1+s2] =	stream.linear.scatter [tilespmem:s13], [sflag:$0x3], $0x8000, $0x38;
	[tilespmem:$0x10200] =	vst v63  }
0x3f1: {  	_ =	swait.ge [sflag:s5], $0x8000  }
0x3f2: {  	[sflag:s5] =	ssyncset.done $0x0  }
0x3f3: {  	s1 =	rddreg [dreg:$0x19];
	[sflag:s5] =	ssyncadd.s32 $0xFFFF8000  }
0x3f4: {  	[tilespmem:s2], [sflag:$0x3] =	stream.linear.gather [hbm4b:s1+s2], $0x100, $0x38;
	[tilespmem:$0x10200] =	vst v63  }
0x3f5: {  	_ =	swait.ge [sflag:s5], $0x100  }
0x3f6: {  	[sflag:s5] =	ssyncset.done $0x0  }
0x3f7: {  	[sflag:s5] =	ssyncadd.s32 $0xFFFFFF00  }
0x3f8: {  	[tilespmem:s13], [sflag:$0x1] =	stream.indirect.gather [hbm4b:s10+s14], $0x80, s2, s14, $0xb8;
	[tilespmem:$0x10200] =	vst v63  }
0x3f9: {  	_ =	swait.ge [sflag:s9], $0x8000  }
0x3fa: {  	[sflag:s9] =	ssyncset.done $0x0  }
0x3fb: {  	s1 =	rddreg [dreg:$0x1a];
	[sflag:s9] =	ssyncadd.s32 $0xFFFF8000  }
0x3fc: {  	[hbm4b:s1+s2] =	stream.linear.scatter [tilespmem:s8], [sflag:$0x3], $0x8000, $0x38;
	[tilespmem:$0x10200] =	vst v63  }
0x3fd: {  	_ =	swait.ge [sflag:s5], $0x8000  }
0x3fe: {  	[sflag:s5] =	ssyncset.done $0x0  }
0x3ff: {  	s1 =	rddreg [dreg:$0x1b];
	[sflag:s5] =	ssyncadd.s32 $0xFFFF8000  }
0x400: {  	[tilespmem:s14], [sflag:$0x3] =	stream.linear.gather [hbm4b:s1+s2], $0x100, $0x38;
	[tilespmem:$0x10200] =	vst v63  }
0x401: {  	_ =	swait.ge [sflag:s5], $0x100  }
0x402: {  	[sflag:s5] =	ssyncset.done $0x0  }
0x403: {  	[sflag:s5] =	ssyncadd.s32 $0xFFFFFF00  }
0x404: {  	[tilespmem:s8], [sflag:$0x2] =	stream.indirect.gather [hbm4b:s10+s14], $0x80, s14, s14, $0xb8;
	[tilespmem:$0x10200] =	vst v63  }
0x405: {  	_ =	swait.ge [sflag:s15], $0x8000  }
0x406: {  	[sflag:s15] =	ssyncset.done $0x0  }
0x407: {  	s1 =	rddreg [dreg:$0x1c];
	[sflag:s15] =	ssyncadd.s32 $0xFFFF8000  }
0x408: {  	[hbm4b:s1+s2] =	stream.linear.scatter [tilespmem:s13], [sflag:$0x3], $0x8000, $0x38;
	[tilespmem:$0x10200] =	vst v63  }
0x409: {  	_ =	swait.ge [sflag:s5], $0x8000  }
0x40a: {  	[sflag:s5] =	ssyncset.done $0x0  }
0x40b: {  	s1 =	rddreg [dreg:$0x1d];
	[sflag:s5] =	ssyncadd.s32 $0xFFFF8000  }
0x40c: {  	[tilespmem:s2], [sflag:$0x3] =	stream.linear.gather [hbm4b:s1+s2], $0x100, $0x38;
	[tilespmem:$0x10200] =	vst v63  }
0x40d: {  	_ =	swait.ge [sflag:s5], $0x100  }
0x40e: {  	[sflag:s5] =	ssyncset.done $0x0  }
0x40f: {  	[sflag:s5] =	ssyncadd.s32 $0xFFFFFF00  }
0x410: {  	[tilespmem:s13], [sflag:$0x1] =	stream.indirect.gather [hbm4b:s10+s14], $0x80, s2, s14, $0xb8;
	[tilespmem:$0x10200] =	vst v63  }
0x411: {  	_ =	swait.ge [sflag:s9], $0x8000  }
0x412: {  	[sflag:s9] =	ssyncset.done $0x0  }
0x413: {  	s1 =	rddreg [dreg:$0x1e];
	[sflag:s9] =	ssyncadd.s32 $0xFFFF8000  }
0x414: {  	[hbm4b:s1+s2] =	stream.linear.scatter [tilespmem:s8], [sflag:$0x3], $0x8000, $0x38;
	[tilespmem:$0x10200] =	vst v63  }
0x415: {  	_ =	swait.ge [sflag:s5], $0x8000  }
0x416: {  	[sflag:s5] =	ssyncset.done $0x0  }
0x417: {  	s1 =	rddreg [dreg:$0x1f];
	[sflag:s5] =	ssyncadd.s32 $0xFFFF8000  }
0x418: {  	[tilespmem:s14], [sflag:$0x3] =	stream.linear.gather [hbm4b:s1+s2], $0x100, $0x38;
	[tilespmem:$0x10200] =	vst v63  }
0x419: {  	_ =	swait.ge [sflag:s5], $0x100  }
0x41a: {  	[sflag:s5] =	ssyncset.done $0x0  }
0x41b: {  	[sflag:s5] =	ssyncadd.s32 $0xFFFFFF00  }
0x41c: {  	[tilespmem:s8], [sflag:$0x2] =	stream.indirect.gather [hbm4b:s10+s14], $0x80, s14, s14, $0xb8;
	[tilespmem:$0x10200] =	vst v63  }
0x41d: {  	_ =	swait.ge [sflag:s15], $0x8000  }
0x41e: {  	s1 =	sld [smem:$0x7F1]  }
0x41f: {  	[sflag:s15] =	ssyncset.done $0x0  }
0x420: {  	[sflag:s15] =	ssyncadd.s32 $0xFFFF8000  }
0x421: {  	[hbm4b:s1+s2] =	stream.linear.scatter [tilespmem:s13], [sflag:$0x3], $0x8000, $0x38;
	[tilespmem:$0x10200] =	vst v63  }
0x422: {  	_ =	swait.ge [sflag:s5], $0x8000  }
0x423: {  	s1 =	sld [smem:$0x7F2]  }
0x424: {  	[sflag:s5] =	ssyncset.done $0x0  }
0x425: {  	[sflag:s5] =	ssyncadd.s32 $0xFFFF8000  }
0x426: {  	[tilespmem:s2], [sflag:$0x3] =	stream.linear.gather [hbm4b:s1+s2], $0x100, $0x38;
	[tilespmem:$0x10200] =	vst v63  }
0x427: {  	_ =	swait.ge [sflag:s5], $0x100  }
0x428: {  	[sflag:s5] =	ssyncset.done $0x0  }
0x429: {  	[sflag:s5] =	ssyncadd.s32 $0xFFFFFF00  }
0x42a: {  	[tilespmem:s13], [sflag:$0x1] =	stream.indirect.gather [hbm4b:s10+s14], $0x80, s2, s14, $0xb8;
	[tilespmem:$0x10200] =	vst v63  }
0x42b: {  	_ =	swait.ge [sflag:s9], $0x8000  }
0x42c: {  	s1 =	sld [smem:$0x7F3]  }
0x42d: {  	[sflag:s9] =	ssyncset.done $0x0  }
0x42e: {  	[sflag:s9] =	ssyncadd.s32 $0xFFFF8000  }
0x42f: {  	[hbm4b:s1+s2] =	stream.linear.scatter [tilespmem:s8], [sflag:$0x3], $0x8000, $0x38;
	[tilespmem:$0x10200] =	vst v63  }
0x430: {  	_ =	swait.ge [sflag:s5], $0x8000  }
0x431: {  	s1 =	sld [smem:$0x7F4]  }
0x432: {  	[sflag:s5] =	ssyncset.done $0x0  }
0x433: {  	[sflag:s5] =	ssyncadd.s32 $0xFFFF8000  }
0x434: {  	[tilespmem:s14], [sflag:$0x3] =	stream.linear.gather [hbm4b:s1+s2], $0x100, $0x38;
	[tilespmem:$0x10200] =	vst v63  }
0x435: {  	_ =	swait.ge [sflag:s5], $0x100  }
0x436: {  	[sflag:s5] =	ssyncset.done $0x0  }
0x437: {  	[sflag:s5] =	ssyncadd.s32 $0xFFFFFF00  }
0x438: {  	[tilespmem:s8], [sflag:$0x2] =	stream.indirect.gather [hbm4b:s10+s14], $0x80, s14, s14, $0xb8;
	[tilespmem:$0x10200] =	vst v63  }
0x439: {  	_ =	swait.ge [sflag:s15], $0x8000  }
0x43a: {  	s1 =	sld [smem:$0x7F5]  }
0x43b: {  	[sflag:s15] =	ssyncset.done $0x0  }
0x43c: {  	[sflag:s15] =	ssyncadd.s32 $0xFFFF8000  }
0x43d: {  	[hbm4b:s1+s2] =	stream.linear.scatter [tilespmem:s13], [sflag:$0x3], $0x8000, $0x38;
	[tilespmem:$0x10200] =	vst v63  }
0x43e: {  	_ =	swait.ge [sflag:s5], $0x8000  }
0x43f: {  	s1 =	sld [smem:$0x7F6]  }
0x440: {  	[sflag:s5] =	ssyncset.done $0x0  }
0x441: {  	[sflag:s5] =	ssyncadd.s32 $0xFFFF8000  }
0x442: {  	[tilespmem:s2], [sflag:$0x3] =	stream.linear.gather [hbm4b:s1+s2], $0x100, $0x38;
	[tilespmem:$0x10200] =	vst v63  }
0x443: {  	_ =	swait.ge [sflag:s5], $0x100  }
0x444: {  	[sflag:s5] =	ssyncset.done $0x0  }
0x445: {  	[sflag:s5] =	ssyncadd.s32 $0xFFFFFF00  }
0x446: {  	[tilespmem:s13], [sflag:$0x1] =	stream.indirect.gather [hbm4b:s10+s14], $0x80, s2, s14, $0xb8;
	[tilespmem:$0x10200] =	vst v63  }
0x447: {  	_ =	swait.ge [sflag:s9], $0x8000  }
0x448: {  	s1 =	sld [smem:$0x7F7]  }
0x449: {  	[sflag:s9] =	ssyncset.done $0x0  }
0x44a: {  	[sflag:s9] =	ssyncadd.s32 $0xFFFF8000  }
0x44b: {  	[hbm4b:s1+s2] =	stream.linear.scatter [tilespmem:s8], [sflag:$0x3], $0x8000, $0x38;
	[tilespmem:$0x10200] =	vst v63  }
0x44c: {  	_ =	swait.ge [sflag:s5], $0x8000  }
0x44d: {  	s1 =	sld [smem:$0x7F8]  }
0x44e: {  	[sflag:s5] =	ssyncset.done $0x0  }
0x44f: {  	[sflag:s5] =	ssyncadd.s32 $0xFFFF8000  }
0x450: {  	[tilespmem:s14], [sflag:$0x3] =	stream.linear.gather [hbm4b:s1+s2], $0x100, $0x38;
	[tilespmem:$0x10200] =	vst v63  }
0x451: {  	_ =	swait.ge [sflag:s5], $0x100  }
0x452: {  	[sflag:s5] =	ssyncset.done $0x0  }
0x453: {  	[sflag:s5] =	ssyncadd.s32 $0xFFFFFF00  }
0x454: {  	[tilespmem:s8], [sflag:$0x2] =	stream.indirect.gather [hbm4b:s10+s14], $0x80, s14, s14, $0xb8;
	[tilespmem:$0x10200] =	vst v63  }
0x455: {  	_ =	swait.ge [sflag:s15], $0x8000  }
0x456: {  	s1 =	sld [smem:$0x7F9]  }
0x457: {  	[sflag:s15] =	ssyncset.done $0x0  }
0x458: {  	[sflag:s15] =	ssyncadd.s32 $0xFFFF8000  }
0x459: {  	[hbm4b:s1+s2] =	stream.linear.scatter [tilespmem:s13], [sflag:$0x3], $0x8000, $0x38;
	[tilespmem:$0x10200] =	vst v63  }
0x45a: {  	_ =	swait.ge [sflag:s5], $0x8000  }
0x45b: {  	s1 =	sld [smem:$0x7FA]  }
0x45c: {  	[sflag:s5] =	ssyncset.done $0x0  }
0x45d: {  	[sflag:s5] =	ssyncadd.s32 $0xFFFF8000  }
0x45e: {  	[tilespmem:s2], [sflag:$0x3] =	stream.linear.gather [hbm4b:s1+s2], $0x100, $0x38;
	[tilespmem:$0x10200] =	vst v63  }
0x45f: {  	_ =	swait.ge [sflag:s5], $0x100  }
0x460: {  	[sflag:s5] =	ssyncset.done $0x0  }
0x461: {  	[sflag:s5] =	ssyncadd.s32 $0xFFFFFF00  }
0x462: {  	[tilespmem:s13], [sflag:$0x1] =	stream.indirect.gather [hbm4b:s10+s14], $0x80, s2, s14, $0xb8;
	[tilespmem:$0x10200] =	vst v63  }
0x463: {  	_ =	swait.ge [sflag:s9], $0x8000  }
0x464: {  	s1 =	sld [smem:$0x7FB]  }
0x465: {  	[sflag:s9] =	ssyncset.done $0x0  }
0x466: {  	[sflag:s9] =	ssyncadd.s32 $0xFFFF8000  }
0x467: {  	[hbm4b:s1+s2] =	stream.linear.scatter [tilespmem:s8], [sflag:$0x3], $0x8000, $0x38;
	[tilespmem:$0x10200] =	vst v63  }
0x468: {  	_ =	swait.ge [sflag:s5], $0x8000  }
0x469: {  	s1 =	sld [smem:$0x7FC]  }
0x46a: {  	[sflag:s5] =	ssyncset.done $0x0  }
0x46b: {  	[sflag:s5] =	ssyncadd.s32 $0xFFFF8000  }
0x46c: {  	[tilespmem:s14], [sflag:$0x3] =	stream.linear.gather [hbm4b:s1+s2], $0x100, $0x38;
	[tilespmem:$0x10200] =	vst v63  }
0x46d: {  	_ =	swait.ge [sflag:s5], $0x100  }
0x46e: {  	[sflag:s5] =	ssyncset.done $0x0  }
0x46f: {  	[sflag:s5] =	ssyncadd.s32 $0xFFFFFF00  }
0x470: {  	[tilespmem:s8], [sflag:$0x2] =	stream.indirect.gather [hbm4b:s10+s14], $0x80, s14, s14, $0xb8;
	[tilespmem:$0x10200] =	vst v63  }
0x471: {  	_ =	swait.ge [sflag:s15], $0x8000  }
0x472: {  	s1 =	sld [smem:$0x7FD]  }
0x473: {  	[sflag:s15] =	ssyncset.done $0x0  }
0x474: {  	[sflag:s15] =	ssyncadd.s32 $0xFFFF8000  }
0x475: {  	[hbm4b:s1+s2] =	stream.linear.scatter [tilespmem:s13], [sflag:$0x3], $0x8000, $0x38;
	[tilespmem:$0x10200] =	vst v63  }
0x476: {  	_ =	swait.ge [sflag:s5], $0x8000  }
0x477: {  	[sflag:s5] =	ssyncset.done $0x0  }
0x478: {  	[sflag:s5] =	ssyncadd.s32 $0xFFFF8000  }
0x479: {  	[tilespmem:s2], [sflag:$0x3] =	stream.linear.gather [hbm4b:s28+s2], $0x100, $0x38;
	[tilespmem:$0x10200] =	vst v63  }
0x47a: {  	_ =	swait.ge [sflag:s5], $0x100  }
0x47b: {  	[sflag:s5] =	ssyncset.done $0x0  }
0x47c: {  	[sflag:s5] =	ssyncadd.s32 $0xFFFFFF00  }
0x47d: {  	[tilespmem:s13], [sflag:$0x1] =	stream.indirect.gather [hbm4b:s10+s14], $0x80, s2, s14, $0xb8;
	[tilespmem:$0x10200] =	vst v63  }
0x47e: {  	_ =	swait.ge [sflag:s9], $0x8000  }
0x47f: {  	[sflag:s9] =	ssyncset.done $0x0  }
0x480: {  	[sflag:s9] =	ssyncadd.s32 $0xFFFF8000  }
0x481: {  	[hbm4b:s31+s2] =	stream.linear.scatter [tilespmem:s8], [sflag:$0x3], $0x8000, $0x38;
	[tilespmem:$0x10200] =	vst v63  }
0x482: {  	_ =	swait.ge [sflag:s5], $0x8000  }
0x483: {  	[sflag:s5] =	ssyncset.done $0x0  }
0x484: {  	[sflag:s5] =	ssyncadd.s32 $0xFFFF8000  }
0x485: {  	[tilespmem:s14], [sflag:$0x3] =	stream.linear.gather [hbm4b:s26+s2], $0x100, $0x38;
	[tilespmem:$0x10200] =	vst v63  }
0x486: {  	_ =	swait.ge [sflag:s5], $0x100  }
0x487: {  	[sflag:s5] =	ssyncset.done $0x0  }
0x488: {  	[sflag:s5] =	ssyncadd.s32 $0xFFFFFF00  }
0x489: {  	[tilespmem:s8], [sflag:$0x2] =	stream.indirect.gather [hbm4b:s10+s14], $0x80, s14, s14, $0xb8;
	[tilespmem:$0x10200] =	vst v63  }
0x48a: {  	_ =	swait.ge [sflag:s15], $0x8000  }
0x48b: {  	[sflag:s15] =	ssyncset.done $0x0  }
0x48c: {  	[sflag:s15] =	ssyncadd.s32 $0xFFFF8000  }
0x48d: {  	[hbm4b:s30+s2] =	stream.linear.scatter [tilespmem:s13], [sflag:$0x3], $0x8000, $0x38;
	[tilespmem:$0x10200] =	vst v63  }
0x48e: {  	_ =	swait.ge [sflag:s5], $0x8000  }
0x48f: {  	[sflag:s5] =	ssyncset.done $0x0  }
0x490: {  	[sflag:s5] =	ssyncadd.s32 $0xFFFF8000  }
0x491: {  	[tilespmem:s2], [sflag:$0x3] =	stream.linear.gather [hbm4b:s24+s2], $0x100, $0x38;
	[tilespmem:$0x10200] =	vst v63  }
0x492: {  	_ =	swait.ge [sflag:s5], $0x100  }
0x493: {  	[sflag:s5] =	ssyncset.done $0x0  }
0x494: {  	[sflag:s5] =	ssyncadd.s32 $0xFFFFFF00  }
0x495: {  	[tilespmem:s13], [sflag:$0x1] =	stream.indirect.gather [hbm4b:s10+s14], $0x80, s2, s14, $0xb8;
	[tilespmem:$0x10200] =	vst v63  }
0x496: {  	_ =	swait.ge [sflag:s9], $0x8000  }
0x497: {  	[sflag:s9] =	ssyncset.done $0x0  }
0x498: {  	[sflag:s9] =	ssyncadd.s32 $0xFFFF8000  }
0x499: {  	[hbm4b:s29+s2] =	stream.linear.scatter [tilespmem:s8], [sflag:$0x3], $0x8000, $0x38;
	[tilespmem:$0x10200] =	vst v63  }
0x49a: {  	_ =	swait.ge [sflag:s5], $0x8000  }
0x49b: {  	[sflag:s5] =	ssyncset.done $0x0  }
0x49c: {  	[sflag:s5] =	ssyncadd.s32 $0xFFFF8000  }
0x49d: {  	[tilespmem:s14], [sflag:$0x3] =	stream.linear.gather [hbm4b:s22+s2], $0x100, $0x38;
	[tilespmem:$0x10200] =	vst v63  }
0x49e: {  	_ =	swait.ge [sflag:s5], $0x100  }
0x49f: {  	[sflag:s5] =	ssyncset.done $0x0  }
0x4a0: {  	[sflag:s5] =	ssyncadd.s32 $0xFFFFFF00  }
0x4a1: {  	[tilespmem:s8], [sflag:$0x2] =	stream.indirect.gather [hbm4b:s10+s14], $0x80, s14, s14, $0xb8;
	[tilespmem:$0x10200] =	vst v63  }
0x4a2: {  	_ =	swait.ge [sflag:s15], $0x8000  }
0x4a3: {  	[sflag:s15] =	ssyncset.done $0x0  }
0x4a4: {  	[sflag:s15] =	ssyncadd.s32 $0xFFFF8000  }
0x4a5: {  	[hbm4b:s25+s2] =	stream.linear.scatter [tilespmem:s13], [sflag:$0x3], $0x8000, $0x38;
	[tilespmem:$0x10200] =	vst v63  }
0x4a6: {  	_ =	swait.ge [sflag:s5], $0x8000  }
0x4a7: {  	[sflag:s5] =	ssyncset.done $0x0  }
0x4a8: {  	[sflag:s5] =	ssyncadd.s32 $0xFFFF8000  }
0x4a9: {  	[tilespmem:s2], [sflag:$0x3] =	stream.linear.gather [hbm4b:s20+s2], $0x100, $0x38;
	[tilespmem:$0x10200] =	vst v63  }
0x4aa: {  	_ =	swait.ge [sflag:s5], $0x100  }
0x4ab: {  	[sflag:s5] =	ssyncset.done $0x0  }
0x4ac: {  	[sflag:s5] =	ssyncadd.s32 $0xFFFFFF00  }
0x4ad: {  	[tilespmem:s13], [sflag:$0x1] =	stream.indirect.gather [hbm4b:s10+s14], $0x80, s2, s14, $0xb8;
	[tilespmem:$0x10200] =	vst v63  }
0x4ae: {  	_ =	swait.ge [sflag:s9], $0x8000  }
0x4af: {  	[sflag:s9] =	ssyncset.done $0x0  }
0x4b0: {  	[sflag:s9] =	ssyncadd.s32 $0xFFFF8000  }
0x4b1: {  	[hbm4b:s23+s2] =	stream.linear.scatter [tilespmem:s8], [sflag:$0x3], $0x8000, $0x38;
	[tilespmem:$0x10200] =	vst v63  }
0x4b2: {  	_ =	swait.ge [sflag:s5], $0x8000  }
0x4b3: {  	[sflag:s5] =	ssyncset.done $0x0  }
0x4b4: {  	[sflag:s5] =	ssyncadd.s32 $0xFFFF8000  }
0x4b5: {  	[tilespmem:s14], [sflag:$0x3] =	stream.linear.gather [hbm4b:s18+s2], $0x100, $0x38;
	[tilespmem:$0x10200] =	vst v63  }
0x4b6: {  	_ =	swait.ge [sflag:s5], $0x100  }
0x4b7: {  	[sflag:s5] =	ssyncset.done $0x0  }
0x4b8: {  	[sflag:s5] =	ssyncadd.s32 $0xFFFFFF00  }
0x4b9: {  	[tilespmem:s8], [sflag:$0x2] =	stream.indirect.gather [hbm4b:s10+s14], $0x80, s14, s14, $0xb8;
	[tilespmem:$0x10200] =	vst v63  }
0x4ba: {  	_ =	swait.ge [sflag:s15], $0x8000  }
0x4bb: {  	[sflag:s15] =	ssyncset.done $0x0  }
0x4bc: {  	[sflag:s15] =	ssyncadd.s32 $0xFFFF8000  }
0x4bd: {  	[hbm4b:s21+s2] =	stream.linear.scatter [tilespmem:s13], [sflag:$0x3], $0x8000, $0x38;
	[tilespmem:$0x10200] =	vst v63  }
0x4be: {  	_ =	swait.ge [sflag:s5], $0x8000  }
0x4bf: {  	[sflag:s5] =	ssyncset.done $0x0  }
0x4c0: {  	[sflag:s5] =	ssyncadd.s32 $0xFFFF8000  }
0x4c1: {  	[tilespmem:s2], [sflag:$0x3] =	stream.linear.gather [hbm4b:s16+s2], $0x100, $0x38;
	[tilespmem:$0x10200] =	vst v63  }
0x4c2: {  	_ =	swait.ge [sflag:s5], $0x100  }
0x4c3: {  	[sflag:s5] =	ssyncset.done $0x0  }
0x4c4: {  	[sflag:s5] =	ssyncadd.s32 $0xFFFFFF00  }
0x4c5: {  	[tilespmem:s13], [sflag:$0x1] =	stream.indirect.gather [hbm4b:s10+s14], $0x80, s2, s14, $0xb8;
	[tilespmem:$0x10200] =	vst v63  }
0x4c6: {  	_ =	swait.ge [sflag:s9], $0x8000  }
0x4c7: {  	[sflag:s9] =	ssyncset.done $0x0  }
0x4c8: {  	[sflag:s9] =	ssyncadd.s32 $0xFFFF8000  }
0x4c9: {  	[hbm4b:s19+s2] =	stream.linear.scatter [tilespmem:s8], [sflag:$0x3], $0x8000, $0x38;
	[tilespmem:$0x10200] =	vst v63  }
0x4ca: {  	_ =	swait.ge [sflag:s5], $0x8000  }
0x4cb: {  	[sflag:s5] =	ssyncset.done $0x0  }
0x4cc: {  	[sflag:s5] =	ssyncadd.s32 $0xFFFF8000  }
0x4cd: {  	[tilespmem:s14], [sflag:$0x3] =	stream.linear.gather [hbm4b:s11+s2], $0x100, $0x38;
	[tilespmem:$0x10200] =	vst v63  }
0x4ce: {  	_ =	swait.ge [sflag:s5], $0x100  }
0x4cf: {  	[sflag:s5] =	ssyncset.done $0x0  }
0x4d0: {  	[sflag:s5] =	ssyncadd.s32 $0xFFFFFF00  }
0x4d1: {  	[tilespmem:s8], [sflag:$0x2] =	stream.indirect.gather [hbm4b:s10+s14], $0x80, s14, s14, $0xb8;
	[tilespmem:$0x10200] =	vst v63  }
0x4d2: {  	_ =	swait.ge [sflag:s15], $0x8000  }
0x4d3: {  	[sflag:s15] =	ssyncset.done $0x0  }
0x4d4: {  	[sflag:s15] =	ssyncadd.s32 $0xFFFF8000  }
0x4d5: {  	[hbm4b:s17+s2] =	stream.linear.scatter [tilespmem:s13], [sflag:$0x3], $0x8000, $0x38;
	[tilespmem:$0x10200] =	vst v63  }
0x4d6: {  	_ =	swait.ge [sflag:s5], $0x8000  }
0x4d7: {  	[sflag:s5] =	ssyncset.done $0x0  }
0x4d8: {  	[sflag:s5] =	ssyncadd.s32 $0xFFFF8000  }
0x4d9: {  	[tilespmem:s2], [sflag:$0x3] =	stream.linear.gather [hbm4b:s6+s2], $0x100, $0x38;
	[tilespmem:$0x10200] =	vst v63  }
0x4da: {  	_ =	swait.ge [sflag:s5], $0x100  }
0x4db: {  	[sflag:s5] =	ssyncset.done $0x0  }
0x4dc: {  	[sflag:s5] =	ssyncadd.s32 $0xFFFFFF00  }
0x4dd: {  	[tilespmem:s13], [sflag:$0x1] =	stream.indirect.gather [hbm4b:s10+s14], $0x80, s2, s14, $0xb8;
	[tilespmem:$0x10200] =	vst v63  }
0x4de: {  	_ =	swait.ge [sflag:s9], $0x8000  }
0x4df: {  	[sflag:s9] =	ssyncset.done $0x0  }
0x4e0: {  	[sflag:s9] =	ssyncadd.s32 $0xFFFF8000  }
0x4e1: {  	[hbm4b:s12+s2] =	stream.linear.scatter [tilespmem:s8], [sflag:$0x3], $0x8000, $0x38;
	[tilespmem:$0x10200] =	vst v63  }
0x4e2: {  	_ =	swait.ge [sflag:s5], $0x8000  }
0x4e3: {  	[sflag:s5] =	ssyncset.done $0x0  }
0x4e4: {  	[sflag:s5] =	ssyncadd.s32 $0xFFFF8000  }
0x4e5: {  	[tilespmem:s14], [sflag:$0x3] =	stream.linear.gather [hbm4b:s3+s2], $0x100, $0x38;
	[tilespmem:$0x10200] =	vst v63  }
0x4e6: {  	_ =	swait.ge [sflag:s5], $0x100  }
0x4e7: {  	[sflag:s5] =	ssyncset.done $0x0  }
0x4e8: {  	[sflag:s5] =	ssyncadd.s32 $0xFFFFFF00  }
0x4e9: {  	[tilespmem:s8], [sflag:$0x2] =	stream.indirect.gather [hbm4b:s10+s14], $0x80, s14, s14, $0xb8;
	[tilespmem:$0x10200] =	vst v63  }
0x4ea: {  	_ =	swait.ge [sflag:s15], $0x8000  }
0x4eb: {  	[sflag:s15] =	ssyncset.done $0x0  }
0x4ec: {  	[sflag:s15] =	ssyncadd.s32 $0xFFFF8000  }
0x4ed: {  	[hbm4b:s7+s2] =	stream.linear.scatter [tilespmem:s13], [sflag:$0x3], $0x8000, $0x38;
	[tilespmem:$0x10200] =	vst v63  }
0x4ee: {  	_ =	swait.ge [sflag:s5], $0x8000  }
0x4ef: {  	[sflag:s5] =	ssyncset.done $0x0  }
0x4f0: {  	[sflag:s5] =	ssyncadd.s32 $0xFFFF8000  }
0x4f1: {  	_ =	swait.ge [sflag:s9], $0x8000  }
0x4f2: {  	[sflag:s9] =	ssyncset.done $0x0  }
0x4f3: {  	[sflag:s9] =	ssyncadd.s32 $0xFFFF8000  }
0x4f4: {  	[hbm4b:s4+s2] =	stream.linear.scatter [tilespmem:s8], [sflag:$0x3], $0x8000, $0x38;
	[tilespmem:$0x10200] =	vst v63  }
0x4f5: {  	_ =	swait.ge [sflag:s5], $0x8000  }
0x4f6: {  	[sflag:s5] =	ssyncset.done $0x0  }
0x4f7: {  	[sflag:s5] =	ssyncadd.s32 $0xFFFF8000  }
0x4f8: {  	_ =	sfence.sel $0x180000  }
0x4f9: {  	[bflag:$0x0] =	sbarrier.arrive $0xFFFF  }
0x4fa: {  	_ =	strace $0x90000047  }
0x4fb: {  	s31 =	stileid.u32;
	[bflag:$0x2] =	sbarrier.arrive $0xFFFF  }
0x4fc: {  	p0 =	sne.s32 s31, $0x0;
	s0 =	rddreg [dreg:$0x1]  }
0x4fd: {  	s0 =	sadd.s32 @!p0 $0x100000, s0  }
0x4fe: {  	[sflag:s0] =	ssyncadd.tile.s32 @!p0 $0x1;
	_ =	shalt  }
.Lfunc_end2:
_tile_overlayer_lowered:
.L_overlay_start_2:
0x4ff: {  	(tag) =	ssettag $0x2  }
0x500: {  	s0 =	rddreg [dreg:$0x0];
	s2 =	stileid.u32  }
0x501: {  	s1 =	rddreg [dreg:$0x1];
	p0 =	sne.s32 s2, $0x0  }
0x502: {  	s3 =	rddreg [dreg:$0x2];
	[bflag:$0x3] =	sbarrier.arrive $0xFFFF;
	s2 =	simm.s32 @!p0 $0x1C03  }
0x503: {  	[timem:s3], [sflag:s2] =	dma.local @!p0 [hbm:s0], s1  }
0x504: {  	s0 =	simm.s32 @!p0 $0x3  }
0x505: {  	_ =	swait.ge @!p0 [sflag:s0], s1  }
0x506: {  	s1 =	ssub.s32 @!p0 $0x0, s1;
	[sflag:s0] =	ssyncset.done @!p0 $0x0  }
0x507: {  	[sflag:s0] =	ssyncadd.s32 @!p0 s1  }
0x508: {  	[bflag:$0x3] =	sbarrier.arrive $0xFFFF  }
0x509: {  	_ =	shalt  }

</sc_bundles>
